<compile_context>
chip_gen: v7x
topology: tpu7x:2x2x1
jax: 0.10.2.dev20260603
libtpu: 0.0.44.dev20260713+nightly
codegen_flags: <defaults>
</compile_context>

<pallas_src>
import functools

import jax
import jax.numpy as jnp
import numpy as np
from jax import lax
from jax.experimental import pallas as pl
from jax.experimental.pallas import tpu as pltpu
from jax.experimental.pallas import tpu_sc as plsc

_B = 1024
_NN = 8
_PS = 50
_NI = 100000
_D = 128
_NC = 2
_NS = 16
_NW = _NC * _NS
_TASKS = _B * _NN
_TPW = _TASKS // _NW
_UPW = _TPW // _NN
_CT = 2
_CR = _CT * _PS
_NCHUNK = _TPW // _CT
_NBUF = 4

def _threefry2x32(k0, k1, x0, x1):
    rot = (13, 15, 26, 6, 17, 29, 16, 24)

    def rotl(x, d):
        return (x << np.uint32(d)) | (x >> np.uint32(32 - d))

    ks = (k0, k1, k0 ^ k1 ^ np.uint32(0x1BD11BDA))
    x0 = x0 + ks[0]
    x1 = x1 + ks[1]
    sched = [(0, ks[1], ks[2], 1), (1, ks[2], ks[0], 2), (0, ks[0], ks[1], 3),
             (1, ks[1], ks[2], 4), (0, ks[2], ks[0], 5)]
    for grp, ka, kb, i in sched:
        for r in rot[4 * grp:4 * grp + 4]:
            x0 = x0 + x1
            x1 = rotl(x1, r)
            x1 = x0 ^ x1
        x0 = x0 + ka
        x1 = x1 + kb + np.uint32(i)
    return x0, x1


@functools.cache
def _pool_w() -> np.ndarray:
    with np.errstate(over="ignore"):
        b1, b2 = _threefry2x32(np.uint32(0), np.uint32(42),
                               np.zeros(2, np.uint32),
                               np.arange(2, dtype=np.uint32))
        size = _B * _NN * _PS
        c1 = np.zeros(size, np.uint32)
        c2 = np.arange(size, dtype=np.uint32)
        h1, h2 = _threefry2x32(b1[0], b2[0], c1, c2)
        l1, l2 = _threefry2x32(b1[1], b2[1], c1, c2)
        higher, lower = h1 ^ h2, l1 ^ l2
        span = np.uint32(_NI)
        mult = np.uint32(2 ** 16) % span
        mult = (mult * mult) % span
        off = ((higher % span) * mult + (lower % span)) % span
    return off.astype(np.int32).reshape(_NW, _NCHUNK, _CR)

_NEG_INF = float("-inf")


def _round_bf16(x):
    b = plsc.bitcast(x, jnp.int32)
    lsb = lax.shift_right_logical(b, 16) & 1
    b = (b + 0x7FFF + lsb) & jnp.int32(-65536)
    return plsc.bitcast(b, jnp.float32)


def _sc_body(uid_hbm, uemb_hbm, iemb_hbm, pool_hbm, out_hbm,
             idx_v, uidx_v, u_v, rows_v, out_v,
             usem, *gsems):
    c = lax.axis_index("c")
    s = lax.axis_index("s")
    w = s * _NC + c

    pltpu.sync_copy(pool_hbm.at[w], idx_v)
    for b in range(_NBUF):
        pltpu.async_copy(iemb_hbm.at[idx_v.at[b]], rows_v.at[b], gsems[b])
    uoff = pl.multiple_of(w * _UPW, 8)
    pltpu.sync_copy(uid_hbm.at[pl.ds(uoff, _UPW)], uidx_v)
    pltpu.async_copy(uemb_hbm.at[uidx_v], u_v, usem).wait()

    def round_user(i, carry):
        for cc in range(8):
            u_v[i, pl.ds(cc * 16, 16)] = _round_bf16(
                u_v[i, pl.ds(cc * 16, 16)])
        return carry

    lax.fori_loop(0, _UPW, round_user, 0)

    lane = lax.iota(jnp.int32, 16)
    store_mask = lane == 0

    def chunk_group(jj, carry):
        for b in range(_NBUF):
            j = jj * _NBUF + b
            pltpu.make_async_copy(iemb_hbm.at[idx_v.at[j]], rows_v.at[b],
                                  gsems[b]).wait()
            ur = (j * _CT) // _NN
            u_regs = [u_v[ur, pl.ds(cc * 16, 16)] for cc in range(8)]
            for lt in range(_CT):
                tl = j * _CT + lt

                def cand(p, carry, lt=lt, b=b, u_regs=u_regs):
                    best_s, best_p = carry
                    r = lt * _PS + p
                    prods = [u_regs[cc] * rows_v[b, r, pl.ds(cc * 16, 16)]
                             for cc in range(8)]
                    t0 = (prods[0] + prods[1]) + (prods[2] + prods[3])
                    t1 = (prods[4] + prods[5]) + (prods[6] + prods[7])
                    sc = jnp.sum(t0 + t1)
                    better = sc > best_s
                    return (jnp.where(better, sc, best_s),
                            jnp.where(better, p, best_p))

                _, best_p = lax.fori_loop(
                    0, _PS, cand,
                    (jnp.float32(_NEG_INF), jnp.int32(0)), unroll=5)

                e = jnp.broadcast_to(best_p, (16,)) + lt * _PS
                j_splat = jnp.broadcast_to(j, (16,)).astype(jnp.int32)
                ids = plsc.load_gather(idx_v, [j_splat, e])
                t_splat = jnp.broadcast_to(tl, (16,)).astype(jnp.int32)
                plsc.store_scatter(out_v, [t_splat], ids, mask=store_mask)
            @pl.when(j + _NBUF < _NCHUNK)
            def _refill(j=j, b=b):
                pltpu.async_copy(iemb_hbm.at[idx_v.at[j + _NBUF]],
                                 rows_v.at[b], gsems[b])
        return carry

    lax.fori_loop(0, _NCHUNK // _NBUF, chunk_group, 0)

    ooff = pl.multiple_of(w * _TPW, 8)
    pltpu.sync_copy(out_v, out_hbm.at[pl.ds(ooff, _TPW)])


@jax.jit
def _run(user_id, user_emb, item_emb, pool):
    mesh = plsc.VectorSubcoreMesh(core_axis_name="c", subcore_axis_name="s",
                                  num_cores=_NC, num_subcores=_NS)
    f = pl.kernel(
        _sc_body,
        out_type=jax.ShapeDtypeStruct((_TASKS,), jnp.int32),
        mesh=mesh,
        compiler_params=pltpu.CompilerParams(needs_layout_passes=False,
                                             use_tc_tiling_on_sc=False),
        scratch_types=[
            pltpu.VMEM((_NCHUNK, _CR), jnp.int32),
            pltpu.VMEM((_UPW,), jnp.int32),
            pltpu.VMEM((_UPW, _D), jnp.float32),
            pltpu.VMEM((_NBUF, _CR, _D), jnp.float32),
            pltpu.VMEM((_TPW,), jnp.int32),
            pltpu.SemaphoreType.DMA,
        ] + [pltpu.SemaphoreType.DMA] * _NBUF,
    )
    return f(user_id, user_emb, item_emb, pool)


def kernel(user_id, user_emb, item_emb):
    pool = jnp.asarray(_pool_w())
    ib = lax.bitcast_convert_type(item_emb, jnp.int32)
    ib = (ib + 0x7FFF + (lax.shift_right_logical(ib, 16) & 1)) & jnp.int32(-65536)
    ie = lax.bitcast_convert_type(ib, jnp.float32)
    out = _run(user_id.astype(jnp.int32), user_emb, ie, pool)
    return out.reshape(_B, _NN)

# --- scband reference (transcript-rebuilt; emitter-appended) ---
"""Pipeline reference for scband-tapast-52381421142461 (READ-ONLY COPY).

The authoritative reference and input builder live on the scoring server;
editing this copy changes nothing except your own understanding.
"""

import jax, jax.numpy as jnp
import numpy as np

BATCH = 1024
NUM_USERS = 100000
NUM_ITEMS = 100000
POOL_SIZE = 50
NUM_NEG = 8
EMBED_DIM = 128


def setup_inputs(seed: int = 0) -> dict:
    key = jax.random.key(seed)
    k1, k2, k3 = jax.random.split(key, 3)
    user_id = jax.random.randint(k1, (BATCH,), 0, NUM_USERS)
    user_emb = jax.random.normal(k2, (NUM_USERS, EMBED_DIM), dtype=jnp.float32)
    item_emb = jax.random.normal(k3, (NUM_ITEMS, EMBED_DIM), dtype=jnp.float32)
    return {"user_id": user_id, "user_emb": user_emb, "item_emb": item_emb}


def reference(user_id, user_emb, item_emb):
    # tapast.forward: draw a random candidate pool per (user, neg slot),
    # score every candidate with the model (dot-product MF inference),
    # and pick the argmax-scoring item from each pool.
    batch_size = user_id.shape[0]
    pool_key = jax.random.key(42)
    pool = jax.random.randint(pool_key, (batch_size, NUM_NEG, POOL_SIZE), 0, NUM_ITEMS)
    # model.inference(user_id.repeat(1,1,1).T, pool):
    # user embeddings broadcast against gathered item embeddings of the pool
    u = jnp.take(user_emb, user_id, axis=0)               # [B, d]
    it = jnp.take(item_emb, pool.reshape(-1), axis=0)      # [B*nn*ps, d]
    it = it.reshape(batch_size, NUM_NEG, POOL_SIZE, EMBED_DIM)
    rats = jnp.einsum('bd,bnpd->bnp', u, it)               # [B, nn, ps]
    r_idx = jnp.argmax(rats, axis=-1)                      # [B, nn]
    selected = jnp.take_along_axis(pool, r_idx[..., None], axis=2)
    selected = jnp.squeeze(selected, axis=-1)              # [B, nn]
    return selected

if __name__ == "__main__":
    import jax
    _d = setup_inputs()
    print(jax.jit(kernel)(*tuple(_d.values())))

</pallas_src>

<mosaic_0001>
#map = affine_map<(d0, d1) -> (0)>
#map1 = affine_map<(d0, d1) -> (0, 0)>
#map2 = affine_map<(d0, d1) -> (0, 0, 0)>
module attributes {stable_mosaic.version = 14 : i64} {
  func.func @_sc_body(%arg0: i32, %arg1: i32, %arg2: memref<1024xi32, #tpu.memory_space<hbm>>, %arg3: memref<100000x128xf32, #tpu.memory_space<hbm>>, %arg4: memref<100000x128xf32, #tpu.memory_space<hbm>>, %arg5: memref<32x128x100xi32, #tpu.memory_space<hbm>>, %arg6: memref<8192xi32, #tpu.memory_space<hbm>>, %arg7: memref<128x100xi32, #tpu.memory_space<vmem>>, %arg8: memref<32xi32, #tpu.memory_space<vmem>>, %arg9: memref<32x128xf32, #tpu.memory_space<vmem>>, %arg10: memref<4x100x128xf32, #tpu.memory_space<vmem>>, %arg11: memref<256xi32, #tpu.memory_space<vmem>>, %arg12: memref<!tpu.dma_semaphore, #tpu.memory_space<semaphore_mem>>, %arg13: memref<!tpu.dma_semaphore, #tpu.memory_space<semaphore_mem>>, %arg14: memref<!tpu.dma_semaphore, #tpu.memory_space<semaphore_mem>>, %arg15: memref<!tpu.dma_semaphore, #tpu.memory_space<semaphore_mem>>, %arg16: memref<!tpu.dma_semaphore, #tpu.memory_space<semaphore_mem>>) attributes {dimension_semantics = [#tpu.dimension_semantics<core_parallel>, #tpu.dimension_semantics<subcore_parallel>], iteration_bounds = array<i64: 2, 16>, scalar_prefetch = 0 : i64, scratch_operands = 10 : i64, tpu.core_type = #tpu.core_type<sc_vector_subcore>, window_params = [{transform_indices = #map}, {transform_indices = #map1}, {transform_indices = #map1}, {transform_indices = #map2}, {transform_indices = #map}]} {
    %mul3A = arith.constant 2 : i32
    %mul3A_0 = arith.muli %arg1, %mul3A : i32
    %add3A = arith.addi %mul3A_0, %arg0 : i32
    "tpu.region"() ({
      %run_scoped3A = tpu.sem_alloc : memref<!tpu.dma_semaphore, #tpu.memory_space<semaphore_mem>>
      %dma_start3A_71 = arith.constant 0 : i32
      %dma_start3A_72 = arith.constant 0 : i32
      %dma_start3A_73 = tpu.memref_slice %arg5[%add3A, %dma_start3A_71, %dma_start3A_72] : memref<32x128x100xi32, #tpu.memory_space<hbm>> -> memref<1x128x100xi32, #tpu.memory_space<hbm>>
      %dma_start3A_74 = tpu.memref_squeeze %dma_start3A_73 : memref<1x128x100xi32, #tpu.memory_space<hbm>> -> memref<128x100xi32, #tpu.memory_space<hbm>>
      %dma_start3A_75 = arith.constant 0 : i32
      %dma_start3A_76 = arith.constant 0 : i32
      %dma_start3A_77 = tpu.memref_slice %arg5[%add3A, %dma_start3A_75, %dma_start3A_76] : memref<32x128x100xi32, #tpu.memory_space<hbm>> -> memref<1x128x100xi32, #tpu.memory_space<hbm>>
      %dma_start3A_78 = tpu.memref_squeeze %dma_start3A_77 : memref<1x128x100xi32, #tpu.memory_space<hbm>> -> memref<128x100xi32, #tpu.memory_space<hbm>>
      tpu.enqueue_dma source(%dma_start3A_78 : memref<128x100xi32, #tpu.memory_space<hbm>>) target(%arg7 : memref<128x100xi32, #tpu.memory_space<vmem>>) target_semaphore(%run_scoped3A : memref<!tpu.dma_semaphore, #tpu.memory_space<semaphore_mem>>)
      %dma_wait3A_79 = arith.constant 0 : i32
      %dma_wait3A_80 = arith.constant 0 : i32
      %dma_wait3A_81 = tpu.memref_slice %arg5[%add3A, %dma_wait3A_79, %dma_wait3A_80] : memref<32x128x100xi32, #tpu.memory_space<hbm>> -> memref<1x128x100xi32, #tpu.memory_space<hbm>>
      %dma_wait3A_82 = tpu.memref_squeeze %dma_wait3A_81 : memref<1x128x100xi32, #tpu.memory_space<hbm>> -> memref<128x100xi32, #tpu.memory_space<hbm>>
      %dma_wait3A_83 = arith.constant 0 : i32
      %dma_wait3A_84 = arith.constant 0 : i32
      %dma_wait3A_85 = tpu.memref_slice %arg5[%add3A, %dma_wait3A_83, %dma_wait3A_84] : memref<32x128x100xi32, #tpu.memory_space<hbm>> -> memref<1x128x100xi32, #tpu.memory_space<hbm>>
      %dma_wait3A_86 = tpu.memref_squeeze %dma_wait3A_85 : memref<1x128x100xi32, #tpu.memory_space<hbm>> -> memref<128x100xi32, #tpu.memory_space<hbm>>
      tpu.wait_dma2 semaphore(%run_scoped3A : memref<!tpu.dma_semaphore, #tpu.memory_space<semaphore_mem>>) src(%dma_wait3A_86 : memref<128x100xi32, #tpu.memory_space<hbm>>) dst(%arg7 : memref<128x100xi32, #tpu.memory_space<vmem>>)
      tpu.yield
    }) : () -> ()
    %dma_start3A = arith.constant 0 : i32
    %dma_start3A_1 = arith.constant 0 : i32
    %dma_start3A_2 = arith.constant 0 : i32
    %dma_start3A_3 = arith.constant 0 : i32
    %dma_start3A_4 = tpu.memref_slice %arg10[%dma_start3A_1, %dma_start3A_2, %dma_start3A_3] : memref<4x100x128xf32, #tpu.memory_space<vmem>> -> memref<1x100x128xf32, #tpu.memory_space<vmem>>
    %dma_start3A_5 = tpu.memref_squeeze %dma_start3A_4 : memref<1x100x128xf32, #tpu.memory_space<vmem>> -> memref<100x128xf32, #tpu.memory_space<vmem>>
    %dma_start3A_6 = arith.constant 0 : i32
    %dma_start3A_7 = tpu.memref_slice %arg7[%dma_start3A, %dma_start3A_6] : memref<128x100xi32, #tpu.memory_space<vmem>> -> memref<1x100xi32, #tpu.memory_space<vmem>>
    %dma_start3A_8 = tpu.memref_squeeze %dma_start3A_7 : memref<1x100xi32, #tpu.memory_space<vmem>> -> memref<100xi32, #tpu.memory_space<vmem>>
    %dma_start3A_9 = arith.constant 0 : i32
    %dma_start3A_10 = arith.constant 0 : i32
    %dma_start3A_11 = tpu.memref_slice %arg4[%dma_start3A_9, %dma_start3A_10] : memref<100000x128xf32, #tpu.memory_space<hbm>> -> memref<100000x128xf32, #tpu.memory_space<hbm>>
    tpu.enqueue_indirect_dma source(%dma_start3A_11 : memref<100000x128xf32, #tpu.memory_space<hbm>>) target(%dma_start3A_5 : memref<100x128xf32, #tpu.memory_space<vmem>>) offsets(%dma_start3A_8 : memref<100xi32, #tpu.memory_space<vmem>>) semaphore(%arg13 : memref<!tpu.dma_semaphore, #tpu.memory_space<semaphore_mem>>)
    %dma_start3A_12 = arith.constant 1 : i32
    %dma_start3A_13 = arith.constant 1 : i32
    %dma_start3A_14 = arith.constant 0 : i32
    %dma_start3A_15 = arith.constant 0 : i32
    %dma_start3A_16 = tpu.memref_slice %arg10[%dma_start3A_13, %dma_start3A_14, %dma_start3A_15] : memref<4x100x128xf32, #tpu.memory_space<vmem>> -> memref<1x100x128xf32, #tpu.memory_space<vmem>>
    %dma_start3A_17 = tpu.memref_squeeze %dma_start3A_16 : memref<1x100x128xf32, #tpu.memory_space<vmem>> -> memref<100x128xf32, #tpu.memory_space<vmem>>
    %dma_start3A_18 = arith.constant 0 : i32
    %dma_start3A_19 = tpu.memref_slice %arg7[%dma_start3A_12, %dma_start3A_18] : memref<128x100xi32, #tpu.memory_space<vmem>> -> memref<1x100xi32, #tpu.memory_space<vmem>>
    %dma_start3A_20 = tpu.memref_squeeze %dma_start3A_19 : memref<1x100xi32, #tpu.memory_space<vmem>> -> memref<100xi32, #tpu.memory_space<vmem>>
    %dma_start3A_21 = arith.constant 0 : i32
    %dma_start3A_22 = arith.constant 0 : i32
    %dma_start3A_23 = tpu.memref_slice %arg4[%dma_start3A_21, %dma_start3A_22] : memref<100000x128xf32, #tpu.memory_space<hbm>> -> memref<100000x128xf32, #tpu.memory_space<hbm>>
    tpu.enqueue_indirect_dma source(%dma_start3A_23 : memref<100000x128xf32, #tpu.memory_space<hbm>>) target(%dma_start3A_17 : memref<100x128xf32, #tpu.memory_space<vmem>>) offsets(%dma_start3A_20 : memref<100xi32, #tpu.memory_space<vmem>>) semaphore(%arg14 : memref<!tpu.dma_semaphore, #tpu.memory_space<semaphore_mem>>)
    %dma_start3A_24 = arith.constant 2 : i32
    %dma_start3A_25 = arith.constant 2 : i32
    %dma_start3A_26 = arith.constant 0 : i32
    %dma_start3A_27 = arith.constant 0 : i32
    %dma_start3A_28 = tpu.memref_slice %arg10[%dma_start3A_25, %dma_start3A_26, %dma_start3A_27] : memref<4x100x128xf32, #tpu.memory_space<vmem>> -> memref<1x100x128xf32, #tpu.memory_space<vmem>>
    %dma_start3A_29 = tpu.memref_squeeze %dma_start3A_28 : memref<1x100x128xf32, #tpu.memory_space<vmem>> -> memref<100x128xf32, #tpu.memory_space<vmem>>
    %dma_start3A_30 = arith.constant 0 : i32
    %dma_start3A_31 = tpu.memref_slice %arg7[%dma_start3A_24, %dma_start3A_30] : memref<128x100xi32, #tpu.memory_space<vmem>> -> memref<1x100xi32, #tpu.memory_space<vmem>>
    %dma_start3A_32 = tpu.memref_squeeze %dma_start3A_31 : memref<1x100xi32, #tpu.memory_space<vmem>> -> memref<100xi32, #tpu.memory_space<vmem>>
    %dma_start3A_33 = arith.constant 0 : i32
    %dma_start3A_34 = arith.constant 0 : i32
    %dma_start3A_35 = tpu.memref_slice %arg4[%dma_start3A_33, %dma_start3A_34] : memref<100000x128xf32, #tpu.memory_space<hbm>> -> memref<100000x128xf32, #tpu.memory_space<hbm>>
    tpu.enqueue_indirect_dma source(%dma_start3A_35 : memref<100000x128xf32, #tpu.memory_space<hbm>>) target(%dma_start3A_29 : memref<100x128xf32, #tpu.memory_space<vmem>>) offsets(%dma_start3A_32 : memref<100xi32, #tpu.memory_space<vmem>>) semaphore(%arg15 : memref<!tpu.dma_semaphore, #tpu.memory_space<semaphore_mem>>)
    %dma_start3A_36 = arith.constant 3 : i32
    %dma_start3A_37 = arith.constant 3 : i32
    %dma_start3A_38 = arith.constant 0 : i32
    %dma_start3A_39 = arith.constant 0 : i32
    %dma_start3A_40 = tpu.memref_slice %arg10[%dma_start3A_37, %dma_start3A_38, %dma_start3A_39] : memref<4x100x128xf32, #tpu.memory_space<vmem>> -> memref<1x100x128xf32, #tpu.memory_space<vmem>>
    %dma_start3A_41 = tpu.memref_squeeze %dma_start3A_40 : memref<1x100x128xf32, #tpu.memory_space<vmem>> -> memref<100x128xf32, #tpu.memory_space<vmem>>
    %dma_start3A_42 = arith.constant 0 : i32
    %dma_start3A_43 = tpu.memref_slice %arg7[%dma_start3A_36, %dma_start3A_42] : memref<128x100xi32, #tpu.memory_space<vmem>> -> memref<1x100xi32, #tpu.memory_space<vmem>>
    %dma_start3A_44 = tpu.memref_squeeze %dma_start3A_43 : memref<1x100xi32, #tpu.memory_space<vmem>> -> memref<100xi32, #tpu.memory_space<vmem>>
    %dma_start3A_45 = arith.constant 0 : i32
    %dma_start3A_46 = arith.constant 0 : i32
    %dma_start3A_47 = tpu.memref_slice %arg4[%dma_start3A_45, %dma_start3A_46] : memref<100000x128xf32, #tpu.memory_space<hbm>> -> memref<100000x128xf32, #tpu.memory_space<hbm>>
    tpu.enqueue_indirect_dma source(%dma_start3A_47 : memref<100000x128xf32, #tpu.memory_space<hbm>>) target(%dma_start3A_41 : memref<100x128xf32, #tpu.memory_space<vmem>>) offsets(%dma_start3A_44 : memref<100xi32, #tpu.memory_space<vmem>>) semaphore(%arg16 : memref<!tpu.dma_semaphore, #tpu.memory_space<semaphore_mem>>)
    %mul3A_48 = arith.constant 32 : i32
    %mul3A_49 = arith.muli %add3A, %mul3A_48 : i32
    %multiple_of3A = tpu.assume_multiple %mul3A_49, 8 : i32
    "tpu.region"() ({
      %run_scoped3A = tpu.sem_alloc : memref<!tpu.dma_semaphore, #tpu.memory_space<semaphore_mem>>
      %dma_start3A_71 = tpu.memref_slice %arg2[%multiple_of3A] : memref<1024xi32, #tpu.memory_space<hbm>> -> memref<32xi32, #tpu.memory_space<hbm>>
      %dma_start3A_72 = tpu.memref_slice %arg2[%multiple_of3A] : memref<1024xi32, #tpu.memory_space<hbm>> -> memref<32xi32, #tpu.memory_space<hbm>>
      tpu.enqueue_dma source(%dma_start3A_72 : memref<32xi32, #tpu.memory_space<hbm>>) target(%arg8 : memref<32xi32, #tpu.memory_space<vmem>>) target_semaphore(%run_scoped3A : memref<!tpu.dma_semaphore, #tpu.memory_space<semaphore_mem>>)
      %dma_wait3A_73 = tpu.memref_slice %arg2[%multiple_of3A] : memref<1024xi32, #tpu.memory_space<hbm>> -> memref<32xi32, #tpu.memory_space<hbm>>
      %dma_wait3A_74 = tpu.memref_slice %arg2[%multiple_of3A] : memref<1024xi32, #tpu.memory_space<hbm>> -> memref<32xi32, #tpu.memory_space<hbm>>
      tpu.wait_dma2 semaphore(%run_scoped3A : memref<!tpu.dma_semaphore, #tpu.memory_space<semaphore_mem>>) src(%dma_wait3A_74 : memref<32xi32, #tpu.memory_space<hbm>>) dst(%arg8 : memref<32xi32, #tpu.memory_space<vmem>>)
      tpu.yield
    }) : () -> ()
    %dma_start3A_50 = arith.constant 0 : i32
    %dma_start3A_51 = arith.constant 0 : i32
    %dma_start3A_52 = tpu.memref_slice %arg3[%dma_start3A_50, %dma_start3A_51] : memref<100000x128xf32, #tpu.memory_space<hbm>> -> memref<100000x128xf32, #tpu.memory_space<hbm>>
    tpu.enqueue_indirect_dma source(%dma_start3A_52 : memref<100000x128xf32, #tpu.memory_space<hbm>>) target(%arg9 : memref<32x128xf32, #tpu.memory_space<vmem>>) offsets(%arg8 : memref<32xi32, #tpu.memory_space<vmem>>) semaphore(%arg12 : memref<!tpu.dma_semaphore, #tpu.memory_space<semaphore_mem>>)
    %dma_wait3A = arith.constant 0 : i32
    %dma_wait3A_53 = arith.constant 0 : i32
    %dma_wait3A_54 = tpu.memref_slice %arg3[%dma_wait3A, %dma_wait3A_53] : memref<100000x128xf32, #tpu.memory_space<hbm>> -> memref<100000x128xf32, #tpu.memory_space<hbm>>
    tpu.wait_indirect_dma semaphore(%arg12 : memref<!tpu.dma_semaphore, #tpu.memory_space<semaphore_mem>>) src(%dma_wait3A_54 : memref<100000x128xf32, #tpu.memory_space<hbm>>) dst(%arg9 : memref<32x128xf32, #tpu.memory_space<vmem>>)
    %scan3A = arith.constant 0 : i32
    %scan3A_55 = arith.constant 0 : i32
    %scan3A_56 = arith.constant 32 : i32
    %scan3A_57 = arith.addi %scan3A_55, %scan3A_56 : i32
    %scan3A_58 = arith.constant 1 : i32
    scf.for %scan3A_71 = %scan3A_55 to %scan3A_57 step %scan3A_58  : i32 {
      %get3A = arith.index_cast %scan3A_71 : i32 to index
      %get3A_72 = arith.constant 0 : index
      %get3A_73 = tpu.vector_load %arg9[%get3A, %get3A_72] {strides = array<i32>} : memref<32x128xf32, #tpu.memory_space<vmem>>, vector<16xf32>,
      %bitcast3A = vector.bitcast %get3A_73 : vector<16xf32> to vector<16xi32>
      %shift_right_logical3A = arith.constant 16 : i32
      %shift_right_logical3A_74 = vector.broadcast %shift_right_logical3A : i32 to vector<16xi32>
      %shift_right_logical3A_75 = arith.shrui %bitcast3A, %shift_right_logical3A_74 : vector<16xi32>
      %and3A = arith.constant 1 : i32
      %and3A_76 = vector.broadcast %and3A : i32 to vector<16xi32>
      %and3A_77 = arith.andi %shift_right_logical3A_75, %and3A_76 : vector<16xi32>
      %add3A_78 = arith.constant 32767 : i32
      %add3A_79 = vector.broadcast %add3A_78 : i32 to vector<16xi32>
      %add3A_80 = arith.addi %bitcast3A, %add3A_79 : vector<16xi32>
      %add3A_81 = arith.addi %add3A_80, %and3A_77 : vector<16xi32>
      %and3A_82 = arith.constant -65536 : i32
      %and3A_83 = vector.broadcast %and3A_82 : i32 to vector<16xi32>
      %and3A_84 = arith.andi %add3A_81, %and3A_83 : vector<16xi32>
      %bitcast3A_85 = vector.bitcast %and3A_84 : vector<16xi32> to vector<16xf32>
      %swap3A = arith.index_cast %scan3A_71 : i32 to index
      %swap3A_86 = arith.constant 0 : index
      %swap3A_87 = tpu.vector_load %arg9[%swap3A, %swap3A_86] {strides = array<i32>} : memref<32x128xf32, #tpu.memory_space<vmem>>, vector<16xf32>,
      tpu.vector_store %arg9[%swap3A, %swap3A_86], %bitcast3A_85 {strides = array<i32>} : memref<32x128xf32, #tpu.memory_space<vmem>>, vector<16xf32>,
      %get3A_88 = arith.index_cast %scan3A_71 : i32 to index
      %get3A_89 = arith.constant 16 : index
      %get3A_90 = tpu.vector_load %arg9[%get3A_88, %get3A_89] {strides = array<i32>} : memref<32x128xf32, #tpu.memory_space<vmem>>, vector<16xf32>,
      %bitcast3A_91 = vector.bitcast %get3A_90 : vector<16xf32> to vector<16xi32>
      %shift_right_logical3A_92 = arith.constant 16 : i32
      %shift_right_logical3A_93 = vector.broadcast %shift_right_logical3A_92 : i32 to vector<16xi32>
      %shift_right_logical3A_94 = arith.shrui %bitcast3A_91, %shift_right_logical3A_93 : vector<16xi32>
      %and3A_95 = arith.constant 1 : i32
      %and3A_96 = vector.broadcast %and3A_95 : i32 to vector<16xi32>
      %and3A_97 = arith.andi %shift_right_logical3A_94, %and3A_96 : vector<16xi32>
      %add3A_98 = arith.constant 32767 : i32
      %add3A_99 = vector.broadcast %add3A_98 : i32 to vector<16xi32>
      %add3A_100 = arith.addi %bitcast3A_91, %add3A_99 : vector<16xi32>
      %add3A_101 = arith.addi %add3A_100, %and3A_97 : vector<16xi32>
      %and3A_102 = arith.constant -65536 : i32
      %and3A_103 = vector.broadcast %and3A_102 : i32 to vector<16xi32>
      %and3A_104 = arith.andi %add3A_101, %and3A_103 : vector<16xi32>
      %bitcast3A_105 = vector.bitcast %and3A_104 : vector<16xi32> to vector<16xf32>
      %swap3A_106 = arith.index_cast %scan3A_71 : i32 to index
      %swap3A_107 = arith.constant 16 : index
      %swap3A_108 = tpu.vector_load %arg9[%swap3A_106, %swap3A_107] {strides = array<i32>} : memref<32x128xf32, #tpu.memory_space<vmem>>, vector<16xf32>,
      tpu.vector_store %arg9[%swap3A_106, %swap3A_107], %bitcast3A_105 {strides = array<i32>} : memref<32x128xf32, #tpu.memory_space<vmem>>, vector<16xf32>,
      %get3A_109 = arith.index_cast %scan3A_71 : i32 to index
      %get3A_110 = arith.constant 32 : index
      %get3A_111 = tpu.vector_load %arg9[%get3A_109, %get3A_110] {strides = array<i32>} : memref<32x128xf32, #tpu.memory_space<vmem>>, vector<16xf32>,
      %bitcast3A_112 = vector.bitcast %get3A_111 : vector<16xf32> to vector<16xi32>
      %shift_right_logical3A_113 = arith.constant 16 : i32
      %shift_right_logical3A_114 = vector.broadcast %shift_right_logical3A_113 : i32 to vector<16xi32>
      %shift_right_logical3A_115 = arith.shrui %bitcast3A_112, %shift_right_logical3A_114 : vector<16xi32>
      %and3A_116 = arith.constant 1 : i32
      %and3A_117 = vector.broadcast %and3A_116 : i32 to vector<16xi32>
      %and3A_118 = arith.andi %shift_right_logical3A_115, %and3A_117 : vector<16xi32>
      %add3A_119 = arith.constant 32767 : i32
      %add3A_120 = vector.broadcast %add3A_119 : i32 to vector<16xi32>
      %add3A_121 = arith.addi %bitcast3A_112, %add3A_120 : vector<16xi32>
      %add3A_122 = arith.addi %add3A_121, %and3A_118 : vector<16xi32>
      %and3A_123 = arith.constant -65536 : i32
      %and3A_124 = vector.broadcast %and3A_123 : i32 to vector<16xi32>
      %and3A_125 = arith.andi %add3A_122, %and3A_124 : vector<16xi32>
      %bitcast3A_126 = vector.bitcast %and3A_125 : vector<16xi32> to vector<16xf32>
      %swap3A_127 = arith.index_cast %scan3A_71 : i32 to index
      %swap3A_128 = arith.constant 32 : index
      %swap3A_129 = tpu.vector_load %arg9[%swap3A_127, %swap3A_128] {strides = array<i32>} : memref<32x128xf32, #tpu.memory_space<vmem>>, vector<16xf32>,
      tpu.vector_store %arg9[%swap3A_127, %swap3A_128], %bitcast3A_126 {strides = array<i32>} : memref<32x128xf32, #tpu.memory_space<vmem>>, vector<16xf32>,
      %get3A_130 = arith.index_cast %scan3A_71 : i32 to index
      %get3A_131 = arith.constant 48 : index
      %get3A_132 = tpu.vector_load %arg9[%get3A_130, %get3A_131] {strides = array<i32>} : memref<32x128xf32, #tpu.memory_space<vmem>>, vector<16xf32>,
      %bitcast3A_133 = vector.bitcast %get3A_132 : vector<16xf32> to vector<16xi32>
      %shift_right_logical3A_134 = arith.constant 16 : i32
      %shift_right_logical3A_135 = vector.broadcast %shift_right_logical3A_134 : i32 to vector<16xi32>
      %shift_right_logical3A_136 = arith.shrui %bitcast3A_133, %shift_right_logical3A_135 : vector<16xi32>
      %and3A_137 = arith.constant 1 : i32
      %and3A_138 = vector.broadcast %and3A_137 : i32 to vector<16xi32>
      %and3A_139 = arith.andi %shift_right_logical3A_136, %and3A_138 : vector<16xi32>
      %add3A_140 = arith.constant 32767 : i32
      %add3A_141 = vector.broadcast %add3A_140 : i32 to vector<16xi32>
      %add3A_142 = arith.addi %bitcast3A_133, %add3A_141 : vector<16xi32>
      %add3A_143 = arith.addi %add3A_142, %and3A_139 : vector<16xi32>
      %and3A_144 = arith.constant -65536 : i32
      %and3A_145 = vector.broadcast %and3A_144 : i32 to vector<16xi32>
      %and3A_146 = arith.andi %add3A_143, %and3A_145 : vector<16xi32>
      %bitcast3A_147 = vector.bitcast %and3A_146 : vector<16xi32> to vector<16xf32>
      %swap3A_148 = arith.index_cast %scan3A_71 : i32 to index
      %swap3A_149 = arith.constant 48 : index
      %swap3A_150 = tpu.vector_load %arg9[%swap3A_148, %swap3A_149] {strides = array<i32>} : memref<32x128xf32, #tpu.memory_space<vmem>>, vector<16xf32>,
      tpu.vector_store %arg9[%swap3A_148, %swap3A_149], %bitcast3A_147 {strides = array<i32>} : memref<32x128xf32, #tpu.memory_space<vmem>>, vector<16xf32>,
      %get3A_151 = arith.index_cast %scan3A_71 : i32 to index
      %get3A_152 = arith.constant 64 : index
      %get3A_153 = tpu.vector_load %arg9[%get3A_151, %get3A_152] {strides = array<i32>} : memref<32x128xf32, #tpu.memory_space<vmem>>, vector<16xf32>,
      %bitcast3A_154 = vector.bitcast %get3A_153 : vector<16xf32> to vector<16xi32>
      %shift_right_logical3A_155 = arith.constant 16 : i32
      %shift_right_logical3A_156 = vector.broadcast %shift_right_logical3A_155 : i32 to vector<16xi32>
      %shift_right_logical3A_157 = arith.shrui %bitcast3A_154, %shift_right_logical3A_156 : vector<16xi32>
      %and3A_158 = arith.constant 1 : i32
      %and3A_159 = vector.broadcast %and3A_158 : i32 to vector<16xi32>
      %and3A_160 = arith.andi %shift_right_logical3A_157, %and3A_159 : vector<16xi32>
      %add3A_161 = arith.constant 32767 : i32
      %add3A_162 = vector.broadcast %add3A_161 : i32 to vector<16xi32>
      %add3A_163 = arith.addi %bitcast3A_154, %add3A_162 : vector<16xi32>
      %add3A_164 = arith.addi %add3A_163, %and3A_160 : vector<16xi32>
      %and3A_165 = arith.constant -65536 : i32
      %and3A_166 = vector.broadcast %and3A_165 : i32 to vector<16xi32>
      %and3A_167 = arith.andi %add3A_164, %and3A_166 : vector<16xi32>
      %bitcast3A_168 = vector.bitcast %and3A_167 : vector<16xi32> to vector<16xf32>
      %swap3A_169 = arith.index_cast %scan3A_71 : i32 to index
      %swap3A_170 = arith.constant 64 : index
      %swap3A_171 = tpu.vector_load %arg9[%swap3A_169, %swap3A_170] {strides = array<i32>} : memref<32x128xf32, #tpu.memory_space<vmem>>, vector<16xf32>,
      tpu.vector_store %arg9[%swap3A_169, %swap3A_170], %bitcast3A_168 {strides = array<i32>} : memref<32x128xf32, #tpu.memory_space<vmem>>, vector<16xf32>,
      %get3A_172 = arith.index_cast %scan3A_71 : i32 to index
      %get3A_173 = arith.constant 80 : index
      %get3A_174 = tpu.vector_load %arg9[%get3A_172, %get3A_173] {strides = array<i32>} : memref<32x128xf32, #tpu.memory_space<vmem>>, vector<16xf32>,
      %bitcast3A_175 = vector.bitcast %get3A_174 : vector<16xf32> to vector<16xi32>
      %shift_right_logical3A_176 = arith.constant 16 : i32
      %shift_right_logical3A_177 = vector.broadcast %shift_right_logical3A_176 : i32 to vector<16xi32>
      %shift_right_logical3A_178 = arith.shrui %bitcast3A_175, %shift_right_logical3A_177 : vector<16xi32>
      %and3A_179 = arith.constant 1 : i32
      %and3A_180 = vector.broadcast %and3A_179 : i32 to vector<16xi32>
      %and3A_181 = arith.andi %shift_right_logical3A_178, %and3A_180 : vector<16xi32>
      %add3A_182 = arith.constant 32767 : i32
      %add3A_183 = vector.broadcast %add3A_182 : i32 to vector<16xi32>
      %add3A_184 = arith.addi %bitcast3A_175, %add3A_183 : vector<16xi32>
      %add3A_185 = arith.addi %add3A_184, %and3A_181 : vector<16xi32>
      %and3A_186 = arith.constant -65536 : i32
      %and3A_187 = vector.broadcast %and3A_186 : i32 to vector<16xi32>
      %and3A_188 = arith.andi %add3A_185, %and3A_187 : vector<16xi32>
      %bitcast3A_189 = vector.bitcast %and3A_188 : vector<16xi32> to vector<16xf32>
      %swap3A_190 = arith.index_cast %scan3A_71 : i32 to index
      %swap3A_191 = arith.constant 80 : index
      %swap3A_192 = tpu.vector_load %arg9[%swap3A_190, %swap3A_191] {strides = array<i32>} : memref<32x128xf32, #tpu.memory_space<vmem>>, vector<16xf32>,
      tpu.vector_store %arg9[%swap3A_190, %swap3A_191], %bitcast3A_189 {strides = array<i32>} : memref<32x128xf32, #tpu.memory_space<vmem>>, vector<16xf32>,
      %get3A_193 = arith.index_cast %scan3A_71 : i32 to index
      %get3A_194 = arith.constant 96 : index
      %get3A_195 = tpu.vector_load %arg9[%get3A_193, %get3A_194] {strides = array<i32>} : memref<32x128xf32, #tpu.memory_space<vmem>>, vector<16xf32>,
      %bitcast3A_196 = vector.bitcast %get3A_195 : vector<16xf32> to vector<16xi32>
      %shift_right_logical3A_197 = arith.constant 16 : i32
      %shift_right_logical3A_198 = vector.broadcast %shift_right_logical3A_197 : i32 to vector<16xi32>
      %shift_right_logical3A_199 = arith.shrui %bitcast3A_196, %shift_right_logical3A_198 : vector<16xi32>
      %and3A_200 = arith.constant 1 : i32
      %and3A_201 = vector.broadcast %and3A_200 : i32 to vector<16xi32>
      %and3A_202 = arith.andi %shift_right_logical3A_199, %and3A_201 : vector<16xi32>
      %add3A_203 = arith.constant 32767 : i32
      %add3A_204 = vector.broadcast %add3A_203 : i32 to vector<16xi32>
      %add3A_205 = arith.addi %bitcast3A_196, %add3A_204 : vector<16xi32>
      %add3A_206 = arith.addi %add3A_205, %and3A_202 : vector<16xi32>
      %and3A_207 = arith.constant -65536 : i32
      %and3A_208 = vector.broadcast %and3A_207 : i32 to vector<16xi32>
      %and3A_209 = arith.andi %add3A_206, %and3A_208 : vector<16xi32>
      %bitcast3A_210 = vector.bitcast %and3A_209 : vector<16xi32> to vector<16xf32>
      %swap3A_211 = arith.index_cast %scan3A_71 : i32 to index
      %swap3A_212 = arith.constant 96 : index
      %swap3A_213 = tpu.vector_load %arg9[%swap3A_211, %swap3A_212] {strides = array<i32>} : memref<32x128xf32, #tpu.memory_space<vmem>>, vector<16xf32>,
      tpu.vector_store %arg9[%swap3A_211, %swap3A_212], %bitcast3A_210 {strides = array<i32>} : memref<32x128xf32, #tpu.memory_space<vmem>>, vector<16xf32>,
      %get3A_214 = arith.index_cast %scan3A_71 : i32 to index
      %get3A_215 = arith.constant 112 : index
      %get3A_216 = tpu.vector_load %arg9[%get3A_214, %get3A_215] {strides = array<i32>} : memref<32x128xf32, #tpu.memory_space<vmem>>, vector<16xf32>,
      %bitcast3A_217 = vector.bitcast %get3A_216 : vector<16xf32> to vector<16xi32>
      %shift_right_logical3A_218 = arith.constant 16 : i32
      %shift_right_logical3A_219 = vector.broadcast %shift_right_logical3A_218 : i32 to vector<16xi32>
      %shift_right_logical3A_220 = arith.shrui %bitcast3A_217, %shift_right_logical3A_219 : vector<16xi32>
      %and3A_221 = arith.constant 1 : i32
      %and3A_222 = vector.broadcast %and3A_221 : i32 to vector<16xi32>
      %and3A_223 = arith.andi %shift_right_logical3A_220, %and3A_222 : vector<16xi32>
      %add3A_224 = arith.constant 32767 : i32
      %add3A_225 = vector.broadcast %add3A_224 : i32 to vector<16xi32>
      %add3A_226 = arith.addi %bitcast3A_217, %add3A_225 : vector<16xi32>
      %add3A_227 = arith.addi %add3A_226, %and3A_223 : vector<16xi32>
      %and3A_228 = arith.constant -65536 : i32
      %and3A_229 = vector.broadcast %and3A_228 : i32 to vector<16xi32>
      %and3A_230 = arith.andi %add3A_227, %and3A_229 : vector<16xi32>
      %bitcast3A_231 = vector.bitcast %and3A_230 : vector<16xi32> to vector<16xf32>
      %swap3A_232 = arith.index_cast %scan3A_71 : i32 to index
      %swap3A_233 = arith.constant 112 : index
      %swap3A_234 = tpu.vector_load %arg9[%swap3A_232, %swap3A_233] {strides = array<i32>} : memref<32x128xf32, #tpu.memory_space<vmem>>, vector<16xf32>,
      tpu.vector_store %arg9[%swap3A_232, %swap3A_233], %bitcast3A_231 {strides = array<i32>} : memref<32x128xf32, #tpu.memory_space<vmem>>, vector<16xf32>,
    }
    %scan3A_59 = arith.constant 32 : i32
    %iota3A = tpu.iota {dimensions = array<i32: 0>} : vector<16xi32>
    %eq3A = arith.constant 0 : i32
    %eq3A_60 = vector.broadcast %eq3A : i32 to vector<16xi32>
    %eq3A_61 = arith.cmpi eq, %iota3A, %eq3A_60 : vector<16xi32>
    %scan3A_62 = arith.constant 0 : i32
    %scan3A_63 = arith.constant 0 : i32
    %scan3A_64 = arith.constant 32 : i32
    %scan3A_65 = arith.addi %scan3A_63, %scan3A_64 : i32
    %scan3A_66 = arith.constant 1 : i32
    scf.for %scan3A_71 = %scan3A_63 to %scan3A_65 step %scan3A_66  : i32 {
      %mul3A_72 = arith.constant 4 : i32
      %mul3A_73 = arith.muli %scan3A_71, %mul3A_72 : i32
      %add3A_74 = arith.constant 0 : i32
      %add3A_75 = arith.addi %mul3A_73, %add3A_74 : i32
      %dma_wait3A_76 = arith.constant 0 : i32
      %dma_wait3A_77 = arith.constant 0 : i32
      %dma_wait3A_78 = arith.constant 0 : i32
      %dma_wait3A_79 = tpu.memref_slice %arg10[%dma_wait3A_76, %dma_wait3A_77, %dma_wait3A_78] : memref<4x100x128xf32, #tpu.memory_space<vmem>> -> memref<1x100x128xf32, #tpu.memory_space<vmem>>
      %dma_wait3A_80 = tpu.memref_squeeze %dma_wait3A_79 : memref<1x100x128xf32, #tpu.memory_space<vmem>> -> memref<100x128xf32, #tpu.memory_space<vmem>>
      %dma_wait3A_81 = arith.constant 0 : i32
      %dma_wait3A_82 = tpu.memref_slice %arg7[%add3A_75, %dma_wait3A_81] : memref<128x100xi32, #tpu.memory_space<vmem>> -> memref<1x100xi32, #tpu.memory_space<vmem>>
      %dma_wait3A_83 = tpu.memref_squeeze %dma_wait3A_82 : memref<1x100xi32, #tpu.memory_space<vmem>> -> memref<100xi32, #tpu.memory_space<vmem>>
      %dma_wait3A_84 = arith.constant 0 : i32
      %dma_wait3A_85 = arith.constant 0 : i32
      %dma_wait3A_86 = tpu.memref_slice %arg4[%dma_wait3A_84, %dma_wait3A_85] : memref<100000x128xf32, #tpu.memory_space<hbm>> -> memref<100000x128xf32, #tpu.memory_space<hbm>>
      tpu.wait_indirect_dma semaphore(%arg13 : memref<!tpu.dma_semaphore, #tpu.memory_space<semaphore_mem>>) src(%dma_wait3A_86 : memref<100000x128xf32, #tpu.memory_space<hbm>>) dst(%dma_wait3A_80 : memref<100x128xf32, #tpu.memory_space<vmem>>)
      %mul3A_87 = arith.constant 2 : i32
      %mul3A_88 = arith.muli %add3A_75, %mul3A_87 : i32
      %jit3A = arith.constant 8 : i32
      %div3A = arith.divsi %mul3A_88, %jit3A : i32
      %sign3A = arith.constant 0 : i32
      %sign3A_89 = arith.cmpi sgt, %mul3A_88, %sign3A : i32
      %sign3A_90 = arith.extui %sign3A_89 : i1 to i32
      %sign3A_91 = arith.constant 0 : i32
      %sign3A_92 = arith.cmpi slt, %mul3A_88, %sign3A_91 : i32
      %sign3A_93 = arith.extui %sign3A_92 : i1 to i32
      %sign3A_94 = arith.subi %sign3A_90, %sign3A_93 : i32
      %sign3A_95 = arith.constant 0 : i32
      %sign3A_96 = arith.cmpi sgt, %jit3A, %sign3A_95 : i32
      %sign3A_97 = arith.extui %sign3A_96 : i1 to i32
      %sign3A_98 = arith.constant 0 : i32
      %sign3A_99 = arith.cmpi slt, %jit3A, %sign3A_98 : i32
      %sign3A_100 = arith.extui %sign3A_99 : i1 to i32
      %sign3A_101 = arith.subi %sign3A_97, %sign3A_100 : i32
      %ne3A = arith.cmpi ne, %sign3A_94, %sign3A_101 : i32
      %rem3A = arith.remsi %mul3A_88, %jit3A : i32
      %ne3A_102 = arith.constant 0 : i32
      %ne3A_103 = arith.cmpi ne, %rem3A, %ne3A_102 : i32
      %and3A = arith.andi %ne3A, %ne3A_103 : i1
      %sub3A = arith.constant 1 : i32
      %sub3A_104 = arith.subi %div3A, %sub3A : i32
      %select_n3A = arith.select %and3A, %sub3A_104, %div3A : i32
      %get3A = arith.index_cast %select_n3A : i32 to index
      %get3A_105 = arith.constant 0 : index
      %get3A_106 = tpu.vector_load %arg9[%get3A, %get3A_105] {strides = array<i32>} : memref<32x128xf32, #tpu.memory_space<vmem>>, vector<16xf32>,
      %get3A_107 = arith.index_cast %select_n3A : i32 to index
      %get3A_108 = arith.constant 16 : index
      %get3A_109 = tpu.vector_load %arg9[%get3A_107, %get3A_108] {strides = array<i32>} : memref<32x128xf32, #tpu.memory_space<vmem>>, vector<16xf32>,
      %get3A_110 = arith.index_cast %select_n3A : i32 to index
      %get3A_111 = arith.constant 32 : index
      %get3A_112 = tpu.vector_load %arg9[%get3A_110, %get3A_111] {strides = array<i32>} : memref<32x128xf32, #tpu.memory_space<vmem>>, vector<16xf32>,
      %get3A_113 = arith.index_cast %select_n3A : i32 to index
      %get3A_114 = arith.constant 48 : index
      %get3A_115 = tpu.vector_load %arg9[%get3A_113, %get3A_114] {strides = array<i32>} : memref<32x128xf32, #tpu.memory_space<vmem>>, vector<16xf32>,
      %get3A_116 = arith.index_cast %select_n3A : i32 to index
      %get3A_117 = arith.constant 64 : index
      %get3A_118 = tpu.vector_load %arg9[%get3A_116, %get3A_117] {strides = array<i32>} : memref<32x128xf32, #tpu.memory_space<vmem>>, vector<16xf32>,
      %get3A_119 = arith.index_cast %select_n3A : i32 to index
      %get3A_120 = arith.constant 80 : index
      %get3A_121 = tpu.vector_load %arg9[%get3A_119, %get3A_120] {strides = array<i32>} : memref<32x128xf32, #tpu.memory_space<vmem>>, vector<16xf32>,
      %get3A_122 = arith.index_cast %select_n3A : i32 to index
      %get3A_123 = arith.constant 96 : index
      %get3A_124 = tpu.vector_load %arg9[%get3A_122, %get3A_123] {strides = array<i32>} : memref<32x128xf32, #tpu.memory_space<vmem>>, vector<16xf32>,
      %get3A_125 = arith.index_cast %select_n3A : i32 to index
      %get3A_126 = arith.constant 112 : index
      %get3A_127 = tpu.vector_load %arg9[%get3A_125, %get3A_126] {strides = array<i32>} : memref<32x128xf32, #tpu.memory_space<vmem>>, vector<16xf32>,
      %mul3A_128 = arith.constant 2 : i32
      %mul3A_129 = arith.muli %add3A_75, %mul3A_128 : i32
      %add3A_130 = arith.constant 0 : i32
      %add3A_131 = arith.addi %mul3A_129, %add3A_130 : i32
      %scan3A_132 = arith.constant 0xFF800000 : f32
      %scan3A_133 = arith.constant 0 : i32
      %scan3A_134 = arith.constant 0 : i32
      %scan3A_135 = arith.constant 50 : i32
      %scan3A_136 = arith.addi %scan3A_134, %scan3A_135 : i32
      %scan3A_137 = arith.constant 5 : i32
      %scan3A_138:2 = scf.for %scan3A_498 = %scan3A_134 to %scan3A_136 step %scan3A_137 iter_args(%scan3A_499 = %scan3A_132, %scan3A_500 = %scan3A_133) -> (f32, i32)  : i32 {
        %add3A_501 = arith.constant 0 : i32
        %add3A_502 = arith.addi %add3A_501, %scan3A_498 : i32
        %get3A_503 = arith.constant 0 : i32
        %get3A_504 = arith.index_cast %get3A_503 : i32 to index
        %get3A_505 = arith.index_cast %add3A_502 : i32 to index
        %get3A_506 = arith.constant 0 : index
        %get3A_507 = tpu.vector_load %arg10[%get3A_504, %get3A_505, %get3A_506] {strides = array<i32>} : memref<4x100x128xf32, #tpu.memory_space<vmem>>, vector<16xf32>,
        %mul3A_508 = arith.mulf %get3A_106, %get3A_507 : vector<16xf32>
        %get3A_509 = arith.constant 0 : i32
        %get3A_510 = arith.index_cast %get3A_509 : i32 to index
        %get3A_511 = arith.index_cast %add3A_502 : i32 to index
        %get3A_512 = arith.constant 16 : index
        %get3A_513 = tpu.vector_load %arg10[%get3A_510, %get3A_511, %get3A_512] {strides = array<i32>} : memref<4x100x128xf32, #tpu.memory_space<vmem>>, vector<16xf32>,
        %mul3A_514 = arith.mulf %get3A_109, %get3A_513 : vector<16xf32>
        %get3A_515 = arith.constant 0 : i32
        %get3A_516 = arith.index_cast %get3A_515 : i32 to index
        %get3A_517 = arith.index_cast %add3A_502 : i32 to index
        %get3A_518 = arith.constant 32 : index
        %get3A_519 = tpu.vector_load %arg10[%get3A_516, %get3A_517, %get3A_518] {strides = array<i32>} : memref<4x100x128xf32, #tpu.memory_space<vmem>>, vector<16xf32>,
        %mul3A_520 = arith.mulf %get3A_112, %get3A_519 : vector<16xf32>
        %get3A_521 = arith.constant 0 : i32
        %get3A_522 = arith.index_cast %get3A_521 : i32 to index
        %get3A_523 = arith.index_cast %add3A_502 : i32 to index
        %get3A_524 = arith.constant 48 : index
        %get3A_525 = tpu.vector_load %arg10[%get3A_522, %get3A_523, %get3A_524] {strides = array<i32>} : memref<4x100x128xf32, #tpu.memory_space<vmem>>, vector<16xf32>,
        %mul3A_526 = arith.mulf %get3A_115, %get3A_525 : vector<16xf32>
        %get3A_527 = arith.constant 0 : i32
        %get3A_528 = arith.index_cast %get3A_527 : i32 to index
        %get3A_529 = arith.index_cast %add3A_502 : i32 to index
        %get3A_530 = arith.constant 64 : index
        %get3A_531 = tpu.vector_load %arg10[%get3A_528, %get3A_529, %get3A_530] {strides = array<i32>} : memref<4x100x128xf32, #tpu.memory_space<vmem>>, vector<16xf32>,
        %mul3A_532 = arith.mulf %get3A_118, %get3A_531 : vector<16xf32>
        %get3A_533 = arith.constant 0 : i32
        %get3A_534 = arith.index_cast %get3A_533 : i32 to index
        %get3A_535 = arith.index_cast %add3A_502 : i32 to index
        %get3A_536 = arith.constant 80 : index
        %get3A_537 = tpu.vector_load %arg10[%get3A_534, %get3A_535, %get3A_536] {strides = array<i32>} : memref<4x100x128xf32, #tpu.memory_space<vmem>>, vector<16xf32>,
        %mul3A_538 = arith.mulf %get3A_121, %get3A_537 : vector<16xf32>
        %get3A_539 = arith.constant 0 : i32
        %get3A_540 = arith.index_cast %get3A_539 : i32 to index
        %get3A_541 = arith.index_cast %add3A_502 : i32 to index
        %get3A_542 = arith.constant 96 : index
        %get3A_543 = tpu.vector_load %arg10[%get3A_540, %get3A_541, %get3A_542] {strides = array<i32>} : memref<4x100x128xf32, #tpu.memory_space<vmem>>, vector<16xf32>,
        %mul3A_544 = arith.mulf %get3A_124, %get3A_543 : vector<16xf32>
        %get3A_545 = arith.constant 0 : i32
        %get3A_546 = arith.index_cast %get3A_545 : i32 to index
        %get3A_547 = arith.index_cast %add3A_502 : i32 to index
        %get3A_548 = arith.constant 112 : index
        %get3A_549 = tpu.vector_load %arg10[%get3A_546, %get3A_547, %get3A_548] {strides = array<i32>} : memref<4x100x128xf32, #tpu.memory_space<vmem>>, vector<16xf32>,
        %mul3A_550 = arith.mulf %get3A_127, %get3A_549 : vector<16xf32>
        %add3A_551 = arith.addf %mul3A_508, %mul3A_514 : vector<16xf32>
        %add3A_552 = arith.addf %mul3A_520, %mul3A_526 : vector<16xf32>
        %add3A_553 = arith.addf %add3A_551, %add3A_552 : vector<16xf32>
        %add3A_554 = arith.addf %mul3A_532, %mul3A_538 : vector<16xf32>
        %add3A_555 = arith.addf %mul3A_544, %mul3A_550 : vector<16xf32>
        %add3A_556 = arith.addf %add3A_554, %add3A_555 : vector<16xf32>
        %add3A_557 = arith.addf %add3A_553, %add3A_556 : vector<16xf32>
        %reduce_sum3A = arith.constant true
        %reduce_sum3A_558 = vector.broadcast %reduce_sum3A : i1 to vector<16xi1>
        %reduce_sum3A_559 = tpu.scan <sum>, %add3A_557 masked %reduce_sum3A_558 : vector<16xf32>, vector<16xi1> -> vector<16xf32>
        %reduce_sum3A_560 = vector.extract %reduce_sum3A_559[15] : f32 from vector<16xf32>
        %gt3A = arith.cmpf ogt, %reduce_sum3A_560, %scan3A_499 : f32
        %select_n3A_561 = arith.select %gt3A, %reduce_sum3A_560, %scan3A_499 : f32
        %select_n3A_562 = arith.select %gt3A, %scan3A_498, %scan3A_500 : i32
        %scan3A_563 = arith.constant 1 : i32
        %scan3A_564 = arith.addi %scan3A_498, %scan3A_563 : i32
        %add3A_565 = arith.constant 0 : i32
        %add3A_566 = arith.addi %add3A_565, %scan3A_564 : i32
        %get3A_567 = arith.constant 0 : i32
        %get3A_568 = arith.index_cast %get3A_567 : i32 to index
        %get3A_569 = arith.index_cast %add3A_566 : i32 to index
        %get3A_570 = arith.constant 0 : index
        %get3A_571 = tpu.vector_load %arg10[%get3A_568, %get3A_569, %get3A_570] {strides = array<i32>} : memref<4x100x128xf32, #tpu.memory_space<vmem>>, vector<16xf32>,
        %mul3A_572 = arith.mulf %get3A_106, %get3A_571 : vector<16xf32>
        %get3A_573 = arith.constant 0 : i32
        %get3A_574 = arith.index_cast %get3A_573 : i32 to index
        %get3A_575 = arith.index_cast %add3A_566 : i32 to index
        %get3A_576 = arith.constant 16 : index
        %get3A_577 = tpu.vector_load %arg10[%get3A_574, %get3A_575, %get3A_576] {strides = array<i32>} : memref<4x100x128xf32, #tpu.memory_space<vmem>>, vector<16xf32>,
        %mul3A_578 = arith.mulf %get3A_109, %get3A_577 : vector<16xf32>
        %get3A_579 = arith.constant 0 : i32
        %get3A_580 = arith.index_cast %get3A_579 : i32 to index
        %get3A_581 = arith.index_cast %add3A_566 : i32 to index
        %get3A_582 = arith.constant 32 : index
        %get3A_583 = tpu.vector_load %arg10[%get3A_580, %get3A_581, %get3A_582] {strides = array<i32>} : memref<4x100x128xf32, #tpu.memory_space<vmem>>, vector<16xf32>,
        %mul3A_584 = arith.mulf %get3A_112, %get3A_583 : vector<16xf32>
        %get3A_585 = arith.constant 0 : i32
        %get3A_586 = arith.index_cast %get3A_585 : i32 to index
        %get3A_587 = arith.index_cast %add3A_566 : i32 to index
        %get3A_588 = arith.constant 48 : index
        %get3A_589 = tpu.vector_load %arg10[%get3A_586, %get3A_587, %get3A_588] {strides = array<i32>} : memref<4x100x128xf32, #tpu.memory_space<vmem>>, vector<16xf32>,
        %mul3A_590 = arith.mulf %get3A_115, %get3A_589 : vector<16xf32>
        %get3A_591 = arith.constant 0 : i32
        %get3A_592 = arith.index_cast %get3A_591 : i32 to index
        %get3A_593 = arith.index_cast %add3A_566 : i32 to index
        %get3A_594 = arith.constant 64 : index
        %get3A_595 = tpu.vector_load %arg10[%get3A_592, %get3A_593, %get3A_594] {strides = array<i32>} : memref<4x100x128xf32, #tpu.memory_space<vmem>>, vector<16xf32>,
        %mul3A_596 = arith.mulf %get3A_118, %get3A_595 : vector<16xf32>
        %get3A_597 = arith.constant 0 : i32
        %get3A_598 = arith.index_cast %get3A_597 : i32 to index
        %get3A_599 = arith.index_cast %add3A_566 : i32 to index
        %get3A_600 = arith.constant 80 : index
        %get3A_601 = tpu.vector_load %arg10[%get3A_598, %get3A_599, %get3A_600] {strides = array<i32>} : memref<4x100x128xf32, #tpu.memory_space<vmem>>, vector<16xf32>,
        %mul3A_602 = arith.mulf %get3A_121, %get3A_601 : vector<16xf32>
        %get3A_603 = arith.constant 0 : i32
        %get3A_604 = arith.index_cast %get3A_603 : i32 to index
        %get3A_605 = arith.index_cast %add3A_566 : i32 to index
        %get3A_606 = arith.constant 96 : index
        %get3A_607 = tpu.vector_load %arg10[%get3A_604, %get3A_605, %get3A_606] {strides = array<i32>} : memref<4x100x128xf32, #tpu.memory_space<vmem>>, vector<16xf32>,
        %mul3A_608 = arith.mulf %get3A_124, %get3A_607 : vector<16xf32>
        %get3A_609 = arith.constant 0 : i32
        %get3A_610 = arith.index_cast %get3A_609 : i32 to index
        %get3A_611 = arith.index_cast %add3A_566 : i32 to index
        %get3A_612 = arith.constant 112 : index
        %get3A_613 = tpu.vector_load %arg10[%get3A_610, %get3A_611, %get3A_612] {strides = array<i32>} : memref<4x100x128xf32, #tpu.memory_space<vmem>>, vector<16xf32>,
        %mul3A_614 = arith.mulf %get3A_127, %get3A_613 : vector<16xf32>
        %add3A_615 = arith.addf %mul3A_572, %mul3A_578 : vector<16xf32>
        %add3A_616 = arith.addf %mul3A_584, %mul3A_590 : vector<16xf32>
        %add3A_617 = arith.addf %add3A_615, %add3A_616 : vector<16xf32>
        %add3A_618 = arith.addf %mul3A_596, %mul3A_602 : vector<16xf32>
        %add3A_619 = arith.addf %mul3A_608, %mul3A_614 : vector<16xf32>
        %add3A_620 = arith.addf %add3A_618, %add3A_619 : vector<16xf32>
        %add3A_621 = arith.addf %add3A_617, %add3A_620 : vector<16xf32>
        %reduce_sum3A_622 = arith.constant true
        %reduce_sum3A_623 = vector.broadcast %reduce_sum3A_622 : i1 to vector<16xi1>
        %reduce_sum3A_624 = tpu.scan <sum>, %add3A_621 masked %reduce_sum3A_623 : vector<16xf32>, vector<16xi1> -> vector<16xf32>
        %reduce_sum3A_625 = vector.extract %reduce_sum3A_624[15] : f32 from vector<16xf32>
        %gt3A_626 = arith.cmpf ogt, %reduce_sum3A_625, %select_n3A_561 : f32
        %select_n3A_627 = arith.select %gt3A_626, %reduce_sum3A_625, %select_n3A_561 : f32
        %select_n3A_628 = arith.select %gt3A_626, %scan3A_564, %select_n3A_562 : i32
        %scan3A_629 = arith.constant 2 : i32
        %scan3A_630 = arith.addi %scan3A_498, %scan3A_629 : i32
        %add3A_631 = arith.constant 0 : i32
        %add3A_632 = arith.addi %add3A_631, %scan3A_630 : i32
        %get3A_633 = arith.constant 0 : i32
        %get3A_634 = arith.index_cast %get3A_633 : i32 to index
        %get3A_635 = arith.index_cast %add3A_632 : i32 to index
        %get3A_636 = arith.constant 0 : index
        %get3A_637 = tpu.vector_load %arg10[%get3A_634, %get3A_635, %get3A_636] {strides = array<i32>} : memref<4x100x128xf32, #tpu.memory_space<vmem>>, vector<16xf32>,
        %mul3A_638 = arith.mulf %get3A_106, %get3A_637 : vector<16xf32>
        %get3A_639 = arith.constant 0 : i32
        %get3A_640 = arith.index_cast %get3A_639 : i32 to index
        %get3A_641 = arith.index_cast %add3A_632 : i32 to index
        %get3A_642 = arith.constant 16 : index
        %get3A_643 = tpu.vector_load %arg10[%get3A_640, %get3A_641, %get3A_642] {strides = array<i32>} : memref<4x100x128xf32, #tpu.memory_space<vmem>>, vector<16xf32>,
        %mul3A_644 = arith.mulf %get3A_109, %get3A_643 : vector<16xf32>
        %get3A_645 = arith.constant 0 : i32
        %get3A_646 = arith.index_cast %get3A_645 : i32 to index
        %get3A_647 = arith.index_cast %add3A_632 : i32 to index
        %get3A_648 = arith.constant 32 : index
        %get3A_649 = tpu.vector_load %arg10[%get3A_646, %get3A_647, %get3A_648] {strides = array<i32>} : memref<4x100x128xf32, #tpu.memory_space<vmem>>, vector<16xf32>,
        %mul3A_650 = arith.mulf %get3A_112, %get3A_649 : vector<16xf32>
        %get3A_651 = arith.constant 0 : i32
        %get3A_652 = arith.index_cast %get3A_651 : i32 to index
        %get3A_653 = arith.index_cast %add3A_632 : i32 to index
        %get3A_654 = arith.constant 48 : index
        %get3A_655 = tpu.vector_load %arg10[%get3A_652, %get3A_653, %get3A_654] {strides = array<i32>} : memref<4x100x128xf32, #tpu.memory_space<vmem>>, vector<16xf32>,
        %mul3A_656 = arith.mulf %get3A_115, %get3A_655 : vector<16xf32>
        %get3A_657 = arith.constant 0 : i32
        %get3A_658 = arith.index_cast %get3A_657 : i32 to index
        %get3A_659 = arith.index_cast %add3A_632 : i32 to index
        %get3A_660 = arith.constant 64 : index
        %get3A_661 = tpu.vector_load %arg10[%get3A_658, %get3A_659, %get3A_660] {strides = array<i32>} : memref<4x100x128xf32, #tpu.memory_space<vmem>>, vector<16xf32>,
        %mul3A_662 = arith.mulf %get3A_118, %get3A_661 : vector<16xf32>
        %get3A_663 = arith.constant 0 : i32
        %get3A_664 = arith.index_cast %get3A_663 : i32 to index
        %get3A_665 = arith.index_cast %add3A_632 : i32 to index
        %get3A_666 = arith.constant 80 : index
        %get3A_667 = tpu.vector_load %arg10[%get3A_664, %get3A_665, %get3A_666] {strides = array<i32>} : memref<4x100x128xf32, #tpu.memory_space<vmem>>, vector<16xf32>,
        %mul3A_668 = arith.mulf %get3A_121, %get3A_667 : vector<16xf32>
        %get3A_669 = arith.constant 0 : i32
        %get3A_670 = arith.index_cast %get3A_669 : i32 to index
        %get3A_671 = arith.index_cast %add3A_632 : i32 to index
        %get3A_672 = arith.constant 96 : index
        %get3A_673 = tpu.vector_load %arg10[%get3A_670, %get3A_671, %get3A_672] {strides = array<i32>} : memref<4x100x128xf32, #tpu.memory_space<vmem>>, vector<16xf32>,
        %mul3A_674 = arith.mulf %get3A_124, %get3A_673 : vector<16xf32>
        %get3A_675 = arith.constant 0 : i32
        %get3A_676 = arith.index_cast %get3A_675 : i32 to index
        %get3A_677 = arith.index_cast %add3A_632 : i32 to index
        %get3A_678 = arith.constant 112 : index
        %get3A_679 = tpu.vector_load %arg10[%get3A_676, %get3A_677, %get3A_678] {strides = array<i32>} : memref<4x100x128xf32, #tpu.memory_space<vmem>>, vector<16xf32>,
        %mul3A_680 = arith.mulf %get3A_127, %get3A_679 : vector<16xf32>
        %add3A_681 = arith.addf %mul3A_638, %mul3A_644 : vector<16xf32>
        %add3A_682 = arith.addf %mul3A_650, %mul3A_656 : vector<16xf32>
        %add3A_683 = arith.addf %add3A_681, %add3A_682 : vector<16xf32>
        %add3A_684 = arith.addf %mul3A_662, %mul3A_668 : vector<16xf32>
        %add3A_685 = arith.addf %mul3A_674, %mul3A_680 : vector<16xf32>
        %add3A_686 = arith.addf %add3A_684, %add3A_685 : vector<16xf32>
        %add3A_687 = arith.addf %add3A_683, %add3A_686 : vector<16xf32>
        %reduce_sum3A_688 = arith.constant true
        %reduce_sum3A_689 = vector.broadcast %reduce_sum3A_688 : i1 to vector<16xi1>
        %reduce_sum3A_690 = tpu.scan <sum>, %add3A_687 masked %reduce_sum3A_689 : vector<16xf32>, vector<16xi1> -> vector<16xf32>
        %reduce_sum3A_691 = vector.extract %reduce_sum3A_690[15] : f32 from vector<16xf32>
        %gt3A_692 = arith.cmpf ogt, %reduce_sum3A_691, %select_n3A_627 : f32
        %select_n3A_693 = arith.select %gt3A_692, %reduce_sum3A_691, %select_n3A_627 : f32
        %select_n3A_694 = arith.select %gt3A_692, %scan3A_630, %select_n3A_628 : i32
        %scan3A_695 = arith.constant 3 : i32
        %scan3A_696 = arith.addi %scan3A_498, %scan3A_695 : i32
        %add3A_697 = arith.constant 0 : i32
        %add3A_698 = arith.addi %add3A_697, %scan3A_696 : i32
        %get3A_699 = arith.constant 0 : i32
        %get3A_700 = arith.index_cast %get3A_699 : i32 to index
        %get3A_701 = arith.index_cast %add3A_698 : i32 to index
        %get3A_702 = arith.constant 0 : index
        %get3A_703 = tpu.vector_load %arg10[%get3A_700, %get3A_701, %get3A_702] {strides = array<i32>} : memref<4x100x128xf32, #tpu.memory_space<vmem>>, vector<16xf32>,
        %mul3A_704 = arith.mulf %get3A_106, %get3A_703 : vector<16xf32>
        %get3A_705 = arith.constant 0 : i32
        %get3A_706 = arith.index_cast %get3A_705 : i32 to index
        %get3A_707 = arith.index_cast %add3A_698 : i32 to index
        %get3A_708 = arith.constant 16 : index
        %get3A_709 = tpu.vector_load %arg10[%get3A_706, %get3A_707, %get3A_708] {strides = array<i32>} : memref<4x100x128xf32, #tpu.memory_space<vmem>>, vector<16xf32>,
        %mul3A_710 = arith.mulf %get3A_109, %get3A_709 : vector<16xf32>
        %get3A_711 = arith.constant 0 : i32
        %get3A_712 = arith.index_cast %get3A_711 : i32 to index
        %get3A_713 = arith.index_cast %add3A_698 : i32 to index
        %get3A_714 = arith.constant 32 : index
        %get3A_715 = tpu.vector_load %arg10[%get3A_712, %get3A_713, %get3A_714] {strides = array<i32>} : memref<4x100x128xf32, #tpu.memory_space<vmem>>, vector<16xf32>,
        %mul3A_716 = arith.mulf %get3A_112, %get3A_715 : vector<16xf32>
        %get3A_717 = arith.constant 0 : i32
        %get3A_718 = arith.index_cast %get3A_717 : i32 to index
        %get3A_719 = arith.index_cast %add3A_698 : i32 to index
        %get3A_720 = arith.constant 48 : index
        %get3A_721 = tpu.vector_load %arg10[%get3A_718, %get3A_719, %get3A_720] {strides = array<i32>} : memref<4x100x128xf32, #tpu.memory_space<vmem>>, vector<16xf32>,
        %mul3A_722 = arith.mulf %get3A_115, %get3A_721 : vector<16xf32>
        %get3A_723 = arith.constant 0 : i32
        %get3A_724 = arith.index_cast %get3A_723 : i32 to index
        %get3A_725 = arith.index_cast %add3A_698 : i32 to index
        %get3A_726 = arith.constant 64 : index
        %get3A_727 = tpu.vector_load %arg10[%get3A_724, %get3A_725, %get3A_726] {strides = array<i32>} : memref<4x100x128xf32, #tpu.memory_space<vmem>>, vector<16xf32>,
        %mul3A_728 = arith.mulf %get3A_118, %get3A_727 : vector<16xf32>
        %get3A_729 = arith.constant 0 : i32
        %get3A_730 = arith.index_cast %get3A_729 : i32 to index
        %get3A_731 = arith.index_cast %add3A_698 : i32 to index
        %get3A_732 = arith.constant 80 : index
        %get3A_733 = tpu.vector_load %arg10[%get3A_730, %get3A_731, %get3A_732] {strides = array<i32>} : memref<4x100x128xf32, #tpu.memory_space<vmem>>, vector<16xf32>,
        %mul3A_734 = arith.mulf %get3A_121, %get3A_733 : vector<16xf32>
        %get3A_735 = arith.constant 0 : i32
        %get3A_736 = arith.index_cast %get3A_735 : i32 to index
        %get3A_737 = arith.index_cast %add3A_698 : i32 to index
        %get3A_738 = arith.constant 96 : index
        %get3A_739 = tpu.vector_load %arg10[%get3A_736, %get3A_737, %get3A_738] {strides = array<i32>} : memref<4x100x128xf32, #tpu.memory_space<vmem>>, vector<16xf32>,
        %mul3A_740 = arith.mulf %get3A_124, %get3A_739 : vector<16xf32>
        %get3A_741 = arith.constant 0 : i32
        %get3A_742 = arith.index_cast %get3A_741 : i32 to index
        %get3A_743 = arith.index_cast %add3A_698 : i32 to index
        %get3A_744 = arith.constant 112 : index
        %get3A_745 = tpu.vector_load %arg10[%get3A_742, %get3A_743, %get3A_744] {strides = array<i32>} : memref<4x100x128xf32, #tpu.memory_space<vmem>>, vector<16xf32>,
        %mul3A_746 = arith.mulf %get3A_127, %get3A_745 : vector<16xf32>
        %add3A_747 = arith.addf %mul3A_704, %mul3A_710 : vector<16xf32>
        %add3A_748 = arith.addf %mul3A_716, %mul3A_722 : vector<16xf32>
        %add3A_749 = arith.addf %add3A_747, %add3A_748 : vector<16xf32>
        %add3A_750 = arith.addf %mul3A_728, %mul3A_734 : vector<16xf32>
        %add3A_751 = arith.addf %mul3A_740, %mul3A_746 : vector<16xf32>
        %add3A_752 = arith.addf %add3A_750, %add3A_751 : vector<16xf32>
        %add3A_753 = arith.addf %add3A_749, %add3A_752 : vector<16xf32>
        %reduce_sum3A_754 = arith.constant true
        %reduce_sum3A_755 = vector.broadcast %reduce_sum3A_754 : i1 to vector<16xi1>
        %reduce_sum3A_756 = tpu.scan <sum>, %add3A_753 masked %reduce_sum3A_755 : vector<16xf32>, vector<16xi1> -> vector<16xf32>
        %reduce_sum3A_757 = vector.extract %reduce_sum3A_756[15] : f32 from vector<16xf32>
        %gt3A_758 = arith.cmpf ogt, %reduce_sum3A_757, %select_n3A_693 : f32
        %select_n3A_759 = arith.select %gt3A_758, %reduce_sum3A_757, %select_n3A_693 : f32
        %select_n3A_760 = arith.select %gt3A_758, %scan3A_696, %select_n3A_694 : i32
        %scan3A_761 = arith.constant 4 : i32
        %scan3A_762 = arith.addi %scan3A_498, %scan3A_761 : i32
        %add3A_763 = arith.constant 0 : i32
        %add3A_764 = arith.addi %add3A_763, %scan3A_762 : i32
        %get3A_765 = arith.constant 0 : i32
        %get3A_766 = arith.index_cast %get3A_765 : i32 to index
        %get3A_767 = arith.index_cast %add3A_764 : i32 to index
        %get3A_768 = arith.constant 0 : index
        %get3A_769 = tpu.vector_load %arg10[%get3A_766, %get3A_767, %get3A_768] {strides = array<i32>} : memref<4x100x128xf32, #tpu.memory_space<vmem>>, vector<16xf32>,
        %mul3A_770 = arith.mulf %get3A_106, %get3A_769 : vector<16xf32>
        %get3A_771 = arith.constant 0 : i32
        %get3A_772 = arith.index_cast %get3A_771 : i32 to index
        %get3A_773 = arith.index_cast %add3A_764 : i32 to index
        %get3A_774 = arith.constant 16 : index
        %get3A_775 = tpu.vector_load %arg10[%get3A_772, %get3A_773, %get3A_774] {strides = array<i32>} : memref<4x100x128xf32, #tpu.memory_space<vmem>>, vector<16xf32>,
        %mul3A_776 = arith.mulf %get3A_109, %get3A_775 : vector<16xf32>
        %get3A_777 = arith.constant 0 : i32
        %get3A_778 = arith.index_cast %get3A_777 : i32 to index
        %get3A_779 = arith.index_cast %add3A_764 : i32 to index
        %get3A_780 = arith.constant 32 : index
        %get3A_781 = tpu.vector_load %arg10[%get3A_778, %get3A_779, %get3A_780] {strides = array<i32>} : memref<4x100x128xf32, #tpu.memory_space<vmem>>, vector<16xf32>,
        %mul3A_782 = arith.mulf %get3A_112, %get3A_781 : vector<16xf32>
        %get3A_783 = arith.constant 0 : i32
        %get3A_784 = arith.index_cast %get3A_783 : i32 to index
        %get3A_785 = arith.index_cast %add3A_764 : i32 to index
        %get3A_786 = arith.constant 48 : index
        %get3A_787 = tpu.vector_load %arg10[%get3A_784, %get3A_785, %get3A_786] {strides = array<i32>} : memref<4x100x128xf32, #tpu.memory_space<vmem>>, vector<16xf32>,
        %mul3A_788 = arith.mulf %get3A_115, %get3A_787 : vector<16xf32>
        %get3A_789 = arith.constant 0 : i32
        %get3A_790 = arith.index_cast %get3A_789 : i32 to index
        %get3A_791 = arith.index_cast %add3A_764 : i32 to index
        %get3A_792 = arith.constant 64 : index
        %get3A_793 = tpu.vector_load %arg10[%get3A_790, %get3A_791, %get3A_792] {strides = array<i32>} : memref<4x100x128xf32, #tpu.memory_space<vmem>>, vector<16xf32>,
        %mul3A_794 = arith.mulf %get3A_118, %get3A_793 : vector<16xf32>
        %get3A_795 = arith.constant 0 : i32
        %get3A_796 = arith.index_cast %get3A_795 : i32 to index
        %get3A_797 = arith.index_cast %add3A_764 : i32 to index
        %get3A_798 = arith.constant 80 : index
        %get3A_799 = tpu.vector_load %arg10[%get3A_796, %get3A_797, %get3A_798] {strides = array<i32>} : memref<4x100x128xf32, #tpu.memory_space<vmem>>, vector<16xf32>,
        %mul3A_800 = arith.mulf %get3A_121, %get3A_799 : vector<16xf32>
        %get3A_801 = arith.constant 0 : i32
        %get3A_802 = arith.index_cast %get3A_801 : i32 to index
        %get3A_803 = arith.index_cast %add3A_764 : i32 to index
        %get3A_804 = arith.constant 96 : index
        %get3A_805 = tpu.vector_load %arg10[%get3A_802, %get3A_803, %get3A_804] {strides = array<i32>} : memref<4x100x128xf32, #tpu.memory_space<vmem>>, vector<16xf32>,
        %mul3A_806 = arith.mulf %get3A_124, %get3A_805 : vector<16xf32>
        %get3A_807 = arith.constant 0 : i32
        %get3A_808 = arith.index_cast %get3A_807 : i32 to index
        %get3A_809 = arith.index_cast %add3A_764 : i32 to index
        %get3A_810 = arith.constant 112 : index
        %get3A_811 = tpu.vector_load %arg10[%get3A_808, %get3A_809, %get3A_810] {strides = array<i32>} : memref<4x100x128xf32, #tpu.memory_space<vmem>>, vector<16xf32>,
        %mul3A_812 = arith.mulf %get3A_127, %get3A_811 : vector<16xf32>
        %add3A_813 = arith.addf %mul3A_770, %mul3A_776 : vector<16xf32>
        %add3A_814 = arith.addf %mul3A_782, %mul3A_788 : vector<16xf32>
        %add3A_815 = arith.addf %add3A_813, %add3A_814 : vector<16xf32>
        %add3A_816 = arith.addf %mul3A_794, %mul3A_800 : vector<16xf32>
        %add3A_817 = arith.addf %mul3A_806, %mul3A_812 : vector<16xf32>
        %add3A_818 = arith.addf %add3A_816, %add3A_817 : vector<16xf32>
        %add3A_819 = arith.addf %add3A_815, %add3A_818 : vector<16xf32>
        %reduce_sum3A_820 = arith.constant true
        %reduce_sum3A_821 = vector.broadcast %reduce_sum3A_820 : i1 to vector<16xi1>
        %reduce_sum3A_822 = tpu.scan <sum>, %add3A_819 masked %reduce_sum3A_821 : vector<16xf32>, vector<16xi1> -> vector<16xf32>
        %reduce_sum3A_823 = vector.extract %reduce_sum3A_822[15] : f32 from vector<16xf32>
        %gt3A_824 = arith.cmpf ogt, %reduce_sum3A_823, %select_n3A_759 : f32
        %select_n3A_825 = arith.select %gt3A_824, %reduce_sum3A_823, %select_n3A_759 : f32
        %select_n3A_826 = arith.select %gt3A_824, %scan3A_762, %select_n3A_760 : i32
        scf.yield %select_n3A_825, %select_n3A_826 : f32, i32
      }
      %scan3A_139 = arith.constant 50 : i32
      %broadcast_in_dim3A = vector.broadcast %scan3A_138#1 : i32 to vector<16xi32>
      %add3A_140 = arith.constant 0 : i32
      %add3A_141 = vector.broadcast %add3A_140 : i32 to vector<16xi32>
      %add3A_142 = arith.addi %broadcast_in_dim3A, %add3A_141 : vector<16xi32>
      %broadcast_in_dim3A_143 = vector.broadcast %add3A_75 : i32 to vector<16xi32>
      %gather3A = tpu.vector_load_idx %arg7[%broadcast_in_dim3A_143, %add3A_142] : memref<128x100xi32, #tpu.memory_space<vmem>>[vector<16xi32>, vector<16xi32>], vector<16xi32>,
      %broadcast_in_dim3A_144 = vector.broadcast %add3A_131 : i32 to vector<16xi32>
      tpu.vector_store_idx %arg11[%broadcast_in_dim3A_144], %gather3A masked %eq3A_61 : memref<256xi32, #tpu.memory_space<vmem>>[vector<16xi32>], vector<16xi32>, vector<16xi1>
      %mul3A_145 = arith.constant 2 : i32
      %mul3A_146 = arith.muli %add3A_75, %mul3A_145 : i32
      %add3A_147 = arith.constant 1 : i32
      %add3A_148 = arith.addi %mul3A_146, %add3A_147 : i32
      %scan3A_149 = arith.constant 0xFF800000 : f32
      %scan3A_150 = arith.constant 0 : i32
      %scan3A_151 = arith.constant 0 : i32
      %scan3A_152 = arith.constant 50 : i32
      %scan3A_153 = arith.addi %scan3A_151, %scan3A_152 : i32
      %scan3A_154 = arith.constant 5 : i32
      %scan3A_155:2 = scf.for %scan3A_498 = %scan3A_151 to %scan3A_153 step %scan3A_154 iter_args(%scan3A_499 = %scan3A_149, %scan3A_500 = %scan3A_150) -> (f32, i32)  : i32 {
        %add3A_501 = arith.constant 50 : i32
        %add3A_502 = arith.addi %add3A_501, %scan3A_498 : i32
        %get3A_503 = arith.constant 0 : i32
        %get3A_504 = arith.index_cast %get3A_503 : i32 to index
        %get3A_505 = arith.index_cast %add3A_502 : i32 to index
        %get3A_506 = arith.constant 0 : index
        %get3A_507 = tpu.vector_load %arg10[%get3A_504, %get3A_505, %get3A_506] {strides = array<i32>} : memref<4x100x128xf32, #tpu.memory_space<vmem>>, vector<16xf32>,
        %mul3A_508 = arith.mulf %get3A_106, %get3A_507 : vector<16xf32>
        %get3A_509 = arith.constant 0 : i32
        %get3A_510 = arith.index_cast %get3A_509 : i32 to index
        %get3A_511 = arith.index_cast %add3A_502 : i32 to index
        %get3A_512 = arith.constant 16 : index
        %get3A_513 = tpu.vector_load %arg10[%get3A_510, %get3A_511, %get3A_512] {strides = array<i32>} : memref<4x100x128xf32, #tpu.memory_space<vmem>>, vector<16xf32>,
        %mul3A_514 = arith.mulf %get3A_109, %get3A_513 : vector<16xf32>
        %get3A_515 = arith.constant 0 : i32
        %get3A_516 = arith.index_cast %get3A_515 : i32 to index
        %get3A_517 = arith.index_cast %add3A_502 : i32 to index
        %get3A_518 = arith.constant 32 : index
        %get3A_519 = tpu.vector_load %arg10[%get3A_516, %get3A_517, %get3A_518] {strides = array<i32>} : memref<4x100x128xf32, #tpu.memory_space<vmem>>, vector<16xf32>,
        %mul3A_520 = arith.mulf %get3A_112, %get3A_519 : vector<16xf32>
        %get3A_521 = arith.constant 0 : i32
        %get3A_522 = arith.index_cast %get3A_521 : i32 to index
        %get3A_523 = arith.index_cast %add3A_502 : i32 to index
        %get3A_524 = arith.constant 48 : index
        %get3A_525 = tpu.vector_load %arg10[%get3A_522, %get3A_523, %get3A_524] {strides = array<i32>} : memref<4x100x128xf32, #tpu.memory_space<vmem>>, vector<16xf32>,
        %mul3A_526 = arith.mulf %get3A_115, %get3A_525 : vector<16xf32>
        %get3A_527 = arith.constant 0 : i32
        %get3A_528 = arith.index_cast %get3A_527 : i32 to index
        %get3A_529 = arith.index_cast %add3A_502 : i32 to index
        %get3A_530 = arith.constant 64 : index
        %get3A_531 = tpu.vector_load %arg10[%get3A_528, %get3A_529, %get3A_530] {strides = array<i32>} : memref<4x100x128xf32, #tpu.memory_space<vmem>>, vector<16xf32>,
        %mul3A_532 = arith.mulf %get3A_118, %get3A_531 : vector<16xf32>
        %get3A_533 = arith.constant 0 : i32
        %get3A_534 = arith.index_cast %get3A_533 : i32 to index
        %get3A_535 = arith.index_cast %add3A_502 : i32 to index
        %get3A_536 = arith.constant 80 : index
        %get3A_537 = tpu.vector_load %arg10[%get3A_534, %get3A_535, %get3A_536] {strides = array<i32>} : memref<4x100x128xf32, #tpu.memory_space<vmem>>, vector<16xf32>,
        %mul3A_538 = arith.mulf %get3A_121, %get3A_537 : vector<16xf32>
        %get3A_539 = arith.constant 0 : i32
        %get3A_540 = arith.index_cast %get3A_539 : i32 to index
        %get3A_541 = arith.index_cast %add3A_502 : i32 to index
        %get3A_542 = arith.constant 96 : index
        %get3A_543 = tpu.vector_load %arg10[%get3A_540, %get3A_541, %get3A_542] {strides = array<i32>} : memref<4x100x128xf32, #tpu.memory_space<vmem>>, vector<16xf32>,
        %mul3A_544 = arith.mulf %get3A_124, %get3A_543 : vector<16xf32>
        %get3A_545 = arith.constant 0 : i32
        %get3A_546 = arith.index_cast %get3A_545 : i32 to index
        %get3A_547 = arith.index_cast %add3A_502 : i32 to index
        %get3A_548 = arith.constant 112 : index
        %get3A_549 = tpu.vector_load %arg10[%get3A_546, %get3A_547, %get3A_548] {strides = array<i32>} : memref<4x100x128xf32, #tpu.memory_space<vmem>>, vector<16xf32>,
        %mul3A_550 = arith.mulf %get3A_127, %get3A_549 : vector<16xf32>
        %add3A_551 = arith.addf %mul3A_508, %mul3A_514 : vector<16xf32>
        %add3A_552 = arith.addf %mul3A_520, %mul3A_526 : vector<16xf32>
        %add3A_553 = arith.addf %add3A_551, %add3A_552 : vector<16xf32>
        %add3A_554 = arith.addf %mul3A_532, %mul3A_538 : vector<16xf32>
        %add3A_555 = arith.addf %mul3A_544, %mul3A_550 : vector<16xf32>
        %add3A_556 = arith.addf %add3A_554, %add3A_555 : vector<16xf32>
        %add3A_557 = arith.addf %add3A_553, %add3A_556 : vector<16xf32>
        %reduce_sum3A = arith.constant true
        %reduce_sum3A_558 = vector.broadcast %reduce_sum3A : i1 to vector<16xi1>
        %reduce_sum3A_559 = tpu.scan <sum>, %add3A_557 masked %reduce_sum3A_558 : vector<16xf32>, vector<16xi1> -> vector<16xf32>
        %reduce_sum3A_560 = vector.extract %reduce_sum3A_559[15] : f32 from vector<16xf32>
        %gt3A = arith.cmpf ogt, %reduce_sum3A_560, %scan3A_499 : f32
        %select_n3A_561 = arith.select %gt3A, %reduce_sum3A_560, %scan3A_499 : f32
        %select_n3A_562 = arith.select %gt3A, %scan3A_498, %scan3A_500 : i32
        %scan3A_563 = arith.constant 1 : i32
        %scan3A_564 = arith.addi %scan3A_498, %scan3A_563 : i32
        %add3A_565 = arith.constant 50 : i32
        %add3A_566 = arith.addi %add3A_565, %scan3A_564 : i32
        %get3A_567 = arith.constant 0 : i32
        %get3A_568 = arith.index_cast %get3A_567 : i32 to index
        %get3A_569 = arith.index_cast %add3A_566 : i32 to index
        %get3A_570 = arith.constant 0 : index
        %get3A_571 = tpu.vector_load %arg10[%get3A_568, %get3A_569, %get3A_570] {strides = array<i32>} : memref<4x100x128xf32, #tpu.memory_space<vmem>>, vector<16xf32>,
        %mul3A_572 = arith.mulf %get3A_106, %get3A_571 : vector<16xf32>
        %get3A_573 = arith.constant 0 : i32
        %get3A_574 = arith.index_cast %get3A_573 : i32 to index
        %get3A_575 = arith.index_cast %add3A_566 : i32 to index
        %get3A_576 = arith.constant 16 : index
        %get3A_577 = tpu.vector_load %arg10[%get3A_574, %get3A_575, %get3A_576] {strides = array<i32>} : memref<4x100x128xf32, #tpu.memory_space<vmem>>, vector<16xf32>,
        %mul3A_578 = arith.mulf %get3A_109, %get3A_577 : vector<16xf32>
        %get3A_579 = arith.constant 0 : i32
        %get3A_580 = arith.index_cast %get3A_579 : i32 to index
        %get3A_581 = arith.index_cast %add3A_566 : i32 to index
        %get3A_582 = arith.constant 32 : index
        %get3A_583 = tpu.vector_load %arg10[%get3A_580, %get3A_581, %get3A_582] {strides = array<i32>} : memref<4x100x128xf32, #tpu.memory_space<vmem>>, vector<16xf32>,
        %mul3A_584 = arith.mulf %get3A_112, %get3A_583 : vector<16xf32>
        %get3A_585 = arith.constant 0 : i32
        %get3A_586 = arith.index_cast %get3A_585 : i32 to index
        %get3A_587 = arith.index_cast %add3A_566 : i32 to index
        %get3A_588 = arith.constant 48 : index
        %get3A_589 = tpu.vector_load %arg10[%get3A_586, %get3A_587, %get3A_588] {strides = array<i32>} : memref<4x100x128xf32, #tpu.memory_space<vmem>>, vector<16xf32>,
        %mul3A_590 = arith.mulf %get3A_115, %get3A_589 : vector<16xf32>
        %get3A_591 = arith.constant 0 : i32
        %get3A_592 = arith.index_cast %get3A_591 : i32 to index
        %get3A_593 = arith.index_cast %add3A_566 : i32 to index
        %get3A_594 = arith.constant 64 : index
        %get3A_595 = tpu.vector_load %arg10[%get3A_592, %get3A_593, %get3A_594] {strides = array<i32>} : memref<4x100x128xf32, #tpu.memory_space<vmem>>, vector<16xf32>,
        %mul3A_596 = arith.mulf %get3A_118, %get3A_595 : vector<16xf32>
        %get3A_597 = arith.constant 0 : i32
        %get3A_598 = arith.index_cast %get3A_597 : i32 to index
        %get3A_599 = arith.index_cast %add3A_566 : i32 to index
        %get3A_600 = arith.constant 80 : index
        %get3A_601 = tpu.vector_load %arg10[%get3A_598, %get3A_599, %get3A_600] {strides = array<i32>} : memref<4x100x128xf32, #tpu.memory_space<vmem>>, vector<16xf32>,
        %mul3A_602 = arith.mulf %get3A_121, %get3A_601 : vector<16xf32>
        %get3A_603 = arith.constant 0 : i32
        %get3A_604 = arith.index_cast %get3A_603 : i32 to index
        %get3A_605 = arith.index_cast %add3A_566 : i32 to index
        %get3A_606 = arith.constant 96 : index
        %get3A_607 = tpu.vector_load %arg10[%get3A_604, %get3A_605, %get3A_606] {strides = array<i32>} : memref<4x100x128xf32, #tpu.memory_space<vmem>>, vector<16xf32>,
        %mul3A_608 = arith.mulf %get3A_124, %get3A_607 : vector<16xf32>
        %get3A_609 = arith.constant 0 : i32
        %get3A_610 = arith.index_cast %get3A_609 : i32 to index
        %get3A_611 = arith.index_cast %add3A_566 : i32 to index
        %get3A_612 = arith.constant 112 : index
        %get3A_613 = tpu.vector_load %arg10[%get3A_610, %get3A_611, %get3A_612] {strides = array<i32>} : memref<4x100x128xf32, #tpu.memory_space<vmem>>, vector<16xf32>,
        %mul3A_614 = arith.mulf %get3A_127, %get3A_613 : vector<16xf32>
        %add3A_615 = arith.addf %mul3A_572, %mul3A_578 : vector<16xf32>
        %add3A_616 = arith.addf %mul3A_584, %mul3A_590 : vector<16xf32>
        %add3A_617 = arith.addf %add3A_615, %add3A_616 : vector<16xf32>
        %add3A_618 = arith.addf %mul3A_596, %mul3A_602 : vector<16xf32>
        %add3A_619 = arith.addf %mul3A_608, %mul3A_614 : vector<16xf32>
        %add3A_620 = arith.addf %add3A_618, %add3A_619 : vector<16xf32>
        %add3A_621 = arith.addf %add3A_617, %add3A_620 : vector<16xf32>
        %reduce_sum3A_622 = arith.constant true
        %reduce_sum3A_623 = vector.broadcast %reduce_sum3A_622 : i1 to vector<16xi1>
        %reduce_sum3A_624 = tpu.scan <sum>, %add3A_621 masked %reduce_sum3A_623 : vector<16xf32>, vector<16xi1> -> vector<16xf32>
        %reduce_sum3A_625 = vector.extract %reduce_sum3A_624[15] : f32 from vector<16xf32>
        %gt3A_626 = arith.cmpf ogt, %reduce_sum3A_625, %select_n3A_561 : f32
        %select_n3A_627 = arith.select %gt3A_626, %reduce_sum3A_625, %select_n3A_561 : f32
        %select_n3A_628 = arith.select %gt3A_626, %scan3A_564, %select_n3A_562 : i32
        %scan3A_629 = arith.constant 2 : i32
        %scan3A_630 = arith.addi %scan3A_498, %scan3A_629 : i32
        %add3A_631 = arith.constant 50 : i32
        %add3A_632 = arith.addi %add3A_631, %scan3A_630 : i32
        %get3A_633 = arith.constant 0 : i32
        %get3A_634 = arith.index_cast %get3A_633 : i32 to index
        %get3A_635 = arith.index_cast %add3A_632 : i32 to index
        %get3A_636 = arith.constant 0 : index
        %get3A_637 = tpu.vector_load %arg10[%get3A_634, %get3A_635, %get3A_636] {strides = array<i32>} : memref<4x100x128xf32, #tpu.memory_space<vmem>>, vector<16xf32>,
        %mul3A_638 = arith.mulf %get3A_106, %get3A_637 : vector<16xf32>
        %get3A_639 = arith.constant 0 : i32
        %get3A_640 = arith.index_cast %get3A_639 : i32 to index
        %get3A_641 = arith.index_cast %add3A_632 : i32 to index
        %get3A_642 = arith.constant 16 : index
        %get3A_643 = tpu.vector_load %arg10[%get3A_640, %get3A_641, %get3A_642] {strides = array<i32>} : memref<4x100x128xf32, #tpu.memory_space<vmem>>, vector<16xf32>,
        %mul3A_644 = arith.mulf %get3A_109, %get3A_643 : vector<16xf32>
        %get3A_645 = arith.constant 0 : i32
        %get3A_646 = arith.index_cast %get3A_645 : i32 to index
        %get3A_647 = arith.index_cast %add3A_632 : i32 to index
        %get3A_648 = arith.constant 32 : index
        %get3A_649 = tpu.vector_load %arg10[%get3A_646, %get3A_647, %get3A_648] {strides = array<i32>} : memref<4x100x128xf32, #tpu.memory_space<vmem>>, vector<16xf32>,
        %mul3A_650 = arith.mulf %get3A_112, %get3A_649 : vector<16xf32>
        %get3A_651 = arith.constant 0 : i32
        %get3A_652 = arith.index_cast %get3A_651 : i32 to index
        %get3A_653 = arith.index_cast %add3A_632 : i32 to index
        %get3A_654 = arith.constant 48 : index
        %get3A_655 = tpu.vector_load %arg10[%get3A_652, %get3A_653, %get3A_654] {strides = array<i32>} : memref<4x100x128xf32, #tpu.memory_space<vmem>>, vector<16xf32>,
        %mul3A_656 = arith.mulf %get3A_115, %get3A_655 : vector<16xf32>
        %get3A_657 = arith.constant 0 : i32
        %get3A_658 = arith.index_cast %get3A_657 : i32 to index
        %get3A_659 = arith.index_cast %add3A_632 : i32 to index
        %get3A_660 = arith.constant 64 : index
        %get3A_661 = tpu.vector_load %arg10[%get3A_658, %get3A_659, %get3A_660] {strides = array<i32>} : memref<4x100x128xf32, #tpu.memory_space<vmem>>, vector<16xf32>,
        %mul3A_662 = arith.mulf %get3A_118, %get3A_661 : vector<16xf32>
        %get3A_663 = arith.constant 0 : i32
        %get3A_664 = arith.index_cast %get3A_663 : i32 to index
        %get3A_665 = arith.index_cast %add3A_632 : i32 to index
        %get3A_666 = arith.constant 80 : index
        %get3A_667 = tpu.vector_load %arg10[%get3A_664, %get3A_665, %get3A_666] {strides = array<i32>} : memref<4x100x128xf32, #tpu.memory_space<vmem>>, vector<16xf32>,
        %mul3A_668 = arith.mulf %get3A_121, %get3A_667 : vector<16xf32>
        %get3A_669 = arith.constant 0 : i32
        %get3A_670 = arith.index_cast %get3A_669 : i32 to index
        %get3A_671 = arith.index_cast %add3A_632 : i32 to index
        %get3A_672 = arith.constant 96 : index
        %get3A_673 = tpu.vector_load %arg10[%get3A_670, %get3A_671, %get3A_672] {strides = array<i32>} : memref<4x100x128xf32, #tpu.memory_space<vmem>>, vector<16xf32>,
        %mul3A_674 = arith.mulf %get3A_124, %get3A_673 : vector<16xf32>
        %get3A_675 = arith.constant 0 : i32
        %get3A_676 = arith.index_cast %get3A_675 : i32 to index
        %get3A_677 = arith.index_cast %add3A_632 : i32 to index
        %get3A_678 = arith.constant 112 : index
        %get3A_679 = tpu.vector_load %arg10[%get3A_676, %get3A_677, %get3A_678] {strides = array<i32>} : memref<4x100x128xf32, #tpu.memory_space<vmem>>, vector<16xf32>,
        %mul3A_680 = arith.mulf %get3A_127, %get3A_679 : vector<16xf32>
        %add3A_681 = arith.addf %mul3A_638, %mul3A_644 : vector<16xf32>
        %add3A_682 = arith.addf %mul3A_650, %mul3A_656 : vector<16xf32>
        %add3A_683 = arith.addf %add3A_681, %add3A_682 : vector<16xf32>
        %add3A_684 = arith.addf %mul3A_662, %mul3A_668 : vector<16xf32>
        %add3A_685 = arith.addf %mul3A_674, %mul3A_680 : vector<16xf32>
        %add3A_686 = arith.addf %add3A_684, %add3A_685 : vector<16xf32>
        %add3A_687 = arith.addf %add3A_683, %add3A_686 : vector<16xf32>
        %reduce_sum3A_688 = arith.constant true
        %reduce_sum3A_689 = vector.broadcast %reduce_sum3A_688 : i1 to vector<16xi1>
        %reduce_sum3A_690 = tpu.scan <sum>, %add3A_687 masked %reduce_sum3A_689 : vector<16xf32>, vector<16xi1> -> vector<16xf32>
        %reduce_sum3A_691 = vector.extract %reduce_sum3A_690[15] : f32 from vector<16xf32>
        %gt3A_692 = arith.cmpf ogt, %reduce_sum3A_691, %select_n3A_627 : f32
        %select_n3A_693 = arith.select %gt3A_692, %reduce_sum3A_691, %select_n3A_627 : f32
        %select_n3A_694 = arith.select %gt3A_692, %scan3A_630, %select_n3A_628 : i32
        %scan3A_695 = arith.constant 3 : i32
        %scan3A_696 = arith.addi %scan3A_498, %scan3A_695 : i32
        %add3A_697 = arith.constant 50 : i32
        %add3A_698 = arith.addi %add3A_697, %scan3A_696 : i32
        %get3A_699 = arith.constant 0 : i32
        %get3A_700 = arith.index_cast %get3A_699 : i32 to index
        %get3A_701 = arith.index_cast %add3A_698 : i32 to index
        %get3A_702 = arith.constant 0 : index
        %get3A_703 = tpu.vector_load %arg10[%get3A_700, %get3A_701, %get3A_702] {strides = array<i32>} : memref<4x100x128xf32, #tpu.memory_space<vmem>>, vector<16xf32>,
        %mul3A_704 = arith.mulf %get3A_106, %get3A_703 : vector<16xf32>
        %get3A_705 = arith.constant 0 : i32
        %get3A_706 = arith.index_cast %get3A_705 : i32 to index
        %get3A_707 = arith.index_cast %add3A_698 : i32 to index
        %get3A_708 = arith.constant 16 : index
        %get3A_709 = tpu.vector_load %arg10[%get3A_706, %get3A_707, %get3A_708] {strides = array<i32>} : memref<4x100x128xf32, #tpu.memory_space<vmem>>, vector<16xf32>,
        %mul3A_710 = arith.mulf %get3A_109, %get3A_709 : vector<16xf32>
        %get3A_711 = arith.constant 0 : i32
        %get3A_712 = arith.index_cast %get3A_711 : i32 to index
        %get3A_713 = arith.index_cast %add3A_698 : i32 to index
        %get3A_714 = arith.constant 32 : index
        %get3A_715 = tpu.vector_load %arg10[%get3A_712, %get3A_713, %get3A_714] {strides = array<i32>} : memref<4x100x128xf32, #tpu.memory_space<vmem>>, vector<16xf32>,
        %mul3A_716 = arith.mulf %get3A_112, %get3A_715 : vector<16xf32>
        %get3A_717 = arith.constant 0 : i32
        %get3A_718 = arith.index_cast %get3A_717 : i32 to index
        %get3A_719 = arith.index_cast %add3A_698 : i32 to index
        %get3A_720 = arith.constant 48 : index
        %get3A_721 = tpu.vector_load %arg10[%get3A_718, %get3A_719, %get3A_720] {strides = array<i32>} : memref<4x100x128xf32, #tpu.memory_space<vmem>>, vector<16xf32>,
        %mul3A_722 = arith.mulf %get3A_115, %get3A_721 : vector<16xf32>
        %get3A_723 = arith.constant 0 : i32
        %get3A_724 = arith.index_cast %get3A_723 : i32 to index
        %get3A_725 = arith.index_cast %add3A_698 : i32 to index
        %get3A_726 = arith.constant 64 : index
        %get3A_727 = tpu.vector_load %arg10[%get3A_724, %get3A_725, %get3A_726] {strides = array<i32>} : memref<4x100x128xf32, #tpu.memory_space<vmem>>, vector<16xf32>,
        %mul3A_728 = arith.mulf %get3A_118, %get3A_727 : vector<16xf32>
        %get3A_729 = arith.constant 0 : i32
        %get3A_730 = arith.index_cast %get3A_729 : i32 to index
        %get3A_731 = arith.index_cast %add3A_698 : i32 to index
        %get3A_732 = arith.constant 80 : index
        %get3A_733 = tpu.vector_load %arg10[%get3A_730, %get3A_731, %get3A_732] {strides = array<i32>} : memref<4x100x128xf32, #tpu.memory_space<vmem>>, vector<16xf32>,
        %mul3A_734 = arith.mulf %get3A_121, %get3A_733 : vector<16xf32>
        %get3A_735 = arith.constant 0 : i32
        %get3A_736 = arith.index_cast %get3A_735 : i32 to index
        %get3A_737 = arith.index_cast %add3A_698 : i32 to index
        %get3A_738 = arith.constant 96 : index
        %get3A_739 = tpu.vector_load %arg10[%get3A_736, %get3A_737, %get3A_738] {strides = array<i32>} : memref<4x100x128xf32, #tpu.memory_space<vmem>>, vector<16xf32>,
        %mul3A_740 = arith.mulf %get3A_124, %get3A_739 : vector<16xf32>
        %get3A_741 = arith.constant 0 : i32
        %get3A_742 = arith.index_cast %get3A_741 : i32 to index
        %get3A_743 = arith.index_cast %add3A_698 : i32 to index
        %get3A_744 = arith.constant 112 : index
        %get3A_745 = tpu.vector_load %arg10[%get3A_742, %get3A_743, %get3A_744] {strides = array<i32>} : memref<4x100x128xf32, #tpu.memory_space<vmem>>, vector<16xf32>,
        %mul3A_746 = arith.mulf %get3A_127, %get3A_745 : vector<16xf32>
        %add3A_747 = arith.addf %mul3A_704, %mul3A_710 : vector<16xf32>
        %add3A_748 = arith.addf %mul3A_716, %mul3A_722 : vector<16xf32>
        %add3A_749 = arith.addf %add3A_747, %add3A_748 : vector<16xf32>
        %add3A_750 = arith.addf %mul3A_728, %mul3A_734 : vector<16xf32>
        %add3A_751 = arith.addf %mul3A_740, %mul3A_746 : vector<16xf32>
        %add3A_752 = arith.addf %add3A_750, %add3A_751 : vector<16xf32>
        %add3A_753 = arith.addf %add3A_749, %add3A_752 : vector<16xf32>
        %reduce_sum3A_754 = arith.constant true
        %reduce_sum3A_755 = vector.broadcast %reduce_sum3A_754 : i1 to vector<16xi1>
        %reduce_sum3A_756 = tpu.scan <sum>, %add3A_753 masked %reduce_sum3A_755 : vector<16xf32>, vector<16xi1> -> vector<16xf32>
        %reduce_sum3A_757 = vector.extract %reduce_sum3A_756[15] : f32 from vector<16xf32>
        %gt3A_758 = arith.cmpf ogt, %reduce_sum3A_757, %select_n3A_693 : f32
        %select_n3A_759 = arith.select %gt3A_758, %reduce_sum3A_757, %select_n3A_693 : f32
        %select_n3A_760 = arith.select %gt3A_758, %scan3A_696, %select_n3A_694 : i32
        %scan3A_761 = arith.constant 4 : i32
        %scan3A_762 = arith.addi %scan3A_498, %scan3A_761 : i32
        %add3A_763 = arith.constant 50 : i32
        %add3A_764 = arith.addi %add3A_763, %scan3A_762 : i32
        %get3A_765 = arith.constant 0 : i32
        %get3A_766 = arith.index_cast %get3A_765 : i32 to index
        %get3A_767 = arith.index_cast %add3A_764 : i32 to index
        %get3A_768 = arith.constant 0 : index
        %get3A_769 = tpu.vector_load %arg10[%get3A_766, %get3A_767, %get3A_768] {strides = array<i32>} : memref<4x100x128xf32, #tpu.memory_space<vmem>>, vector<16xf32>,
        %mul3A_770 = arith.mulf %get3A_106, %get3A_769 : vector<16xf32>
        %get3A_771 = arith.constant 0 : i32
        %get3A_772 = arith.index_cast %get3A_771 : i32 to index
        %get3A_773 = arith.index_cast %add3A_764 : i32 to index
        %get3A_774 = arith.constant 16 : index
        %get3A_775 = tpu.vector_load %arg10[%get3A_772, %get3A_773, %get3A_774] {strides = array<i32>} : memref<4x100x128xf32, #tpu.memory_space<vmem>>, vector<16xf32>,
        %mul3A_776 = arith.mulf %get3A_109, %get3A_775 : vector<16xf32>
        %get3A_777 = arith.constant 0 : i32
        %get3A_778 = arith.index_cast %get3A_777 : i32 to index
        %get3A_779 = arith.index_cast %add3A_764 : i32 to index
        %get3A_780 = arith.constant 32 : index
        %get3A_781 = tpu.vector_load %arg10[%get3A_778, %get3A_779, %get3A_780] {strides = array<i32>} : memref<4x100x128xf32, #tpu.memory_space<vmem>>, vector<16xf32>,
        %mul3A_782 = arith.mulf %get3A_112, %get3A_781 : vector<16xf32>
        %get3A_783 = arith.constant 0 : i32
        %get3A_784 = arith.index_cast %get3A_783 : i32 to index
        %get3A_785 = arith.index_cast %add3A_764 : i32 to index
        %get3A_786 = arith.constant 48 : index
        %get3A_787 = tpu.vector_load %arg10[%get3A_784, %get3A_785, %get3A_786] {strides = array<i32>} : memref<4x100x128xf32, #tpu.memory_space<vmem>>, vector<16xf32>,
        %mul3A_788 = arith.mulf %get3A_115, %get3A_787 : vector<16xf32>
        %get3A_789 = arith.constant 0 : i32
        %get3A_790 = arith.index_cast %get3A_789 : i32 to index
        %get3A_791 = arith.index_cast %add3A_764 : i32 to index
        %get3A_792 = arith.constant 64 : index
        %get3A_793 = tpu.vector_load %arg10[%get3A_790, %get3A_791, %get3A_792] {strides = array<i32>} : memref<4x100x128xf32, #tpu.memory_space<vmem>>, vector<16xf32>,
        %mul3A_794 = arith.mulf %get3A_118, %get3A_793 : vector<16xf32>
        %get3A_795 = arith.constant 0 : i32
        %get3A_796 = arith.index_cast %get3A_795 : i32 to index
        %get3A_797 = arith.index_cast %add3A_764 : i32 to index
        %get3A_798 = arith.constant 80 : index
        %get3A_799 = tpu.vector_load %arg10[%get3A_796, %get3A_797, %get3A_798] {strides = array<i32>} : memref<4x100x128xf32, #tpu.memory_space<vmem>>, vector<16xf32>,
        %mul3A_800 = arith.mulf %get3A_121, %get3A_799 : vector<16xf32>
        %get3A_801 = arith.constant 0 : i32
        %get3A_802 = arith.index_cast %get3A_801 : i32 to index
        %get3A_803 = arith.index_cast %add3A_764 : i32 to index
        %get3A_804 = arith.constant 96 : index
        %get3A_805 = tpu.vector_load %arg10[%get3A_802, %get3A_803, %get3A_804] {strides = array<i32>} : memref<4x100x128xf32, #tpu.memory_space<vmem>>, vector<16xf32>,
        %mul3A_806 = arith.mulf %get3A_124, %get3A_805 : vector<16xf32>
        %get3A_807 = arith.constant 0 : i32
        %get3A_808 = arith.index_cast %get3A_807 : i32 to index
        %get3A_809 = arith.index_cast %add3A_764 : i32 to index
        %get3A_810 = arith.constant 112 : index
        %get3A_811 = tpu.vector_load %arg10[%get3A_808, %get3A_809, %get3A_810] {strides = array<i32>} : memref<4x100x128xf32, #tpu.memory_space<vmem>>, vector<16xf32>,
        %mul3A_812 = arith.mulf %get3A_127, %get3A_811 : vector<16xf32>
        %add3A_813 = arith.addf %mul3A_770, %mul3A_776 : vector<16xf32>
        %add3A_814 = arith.addf %mul3A_782, %mul3A_788 : vector<16xf32>
        %add3A_815 = arith.addf %add3A_813, %add3A_814 : vector<16xf32>
        %add3A_816 = arith.addf %mul3A_794, %mul3A_800 : vector<16xf32>
        %add3A_817 = arith.addf %mul3A_806, %mul3A_812 : vector<16xf32>
        %add3A_818 = arith.addf %add3A_816, %add3A_817 : vector<16xf32>
        %add3A_819 = arith.addf %add3A_815, %add3A_818 : vector<16xf32>
        %reduce_sum3A_820 = arith.constant true
        %reduce_sum3A_821 = vector.broadcast %reduce_sum3A_820 : i1 to vector<16xi1>
        %reduce_sum3A_822 = tpu.scan <sum>, %add3A_819 masked %reduce_sum3A_821 : vector<16xf32>, vector<16xi1> -> vector<16xf32>
        %reduce_sum3A_823 = vector.extract %reduce_sum3A_822[15] : f32 from vector<16xf32>
        %gt3A_824 = arith.cmpf ogt, %reduce_sum3A_823, %select_n3A_759 : f32
        %select_n3A_825 = arith.select %gt3A_824, %reduce_sum3A_823, %select_n3A_759 : f32
        %select_n3A_826 = arith.select %gt3A_824, %scan3A_762, %select_n3A_760 : i32
        scf.yield %select_n3A_825, %select_n3A_826 : f32, i32
      }
      %scan3A_156 = arith.constant 50 : i32
      %broadcast_in_dim3A_157 = vector.broadcast %scan3A_155#1 : i32 to vector<16xi32>
      %add3A_158 = arith.constant 50 : i32
      %add3A_159 = vector.broadcast %add3A_158 : i32 to vector<16xi32>
      %add3A_160 = arith.addi %broadcast_in_dim3A_157, %add3A_159 : vector<16xi32>
      %broadcast_in_dim3A_161 = vector.broadcast %add3A_75 : i32 to vector<16xi32>
      %gather3A_162 = tpu.vector_load_idx %arg7[%broadcast_in_dim3A_161, %add3A_160] : memref<128x100xi32, #tpu.memory_space<vmem>>[vector<16xi32>, vector<16xi32>], vector<16xi32>,
      %broadcast_in_dim3A_163 = vector.broadcast %add3A_148 : i32 to vector<16xi32>
      tpu.vector_store_idx %arg11[%broadcast_in_dim3A_163], %gather3A_162 masked %eq3A_61 : memref<256xi32, #tpu.memory_space<vmem>>[vector<16xi32>], vector<16xi32>, vector<16xi1>
      %add3A_164 = arith.constant 4 : i32
      %add3A_165 = arith.addi %add3A_75, %add3A_164 : i32
      %lt3A = arith.constant 128 : i32
      %lt3A_166 = arith.cmpi slt, %add3A_165, %lt3A : i32
      %convert_element_type3A = arith.extui %lt3A_166 : i1 to i32
      %cond3A = arith.constant 0 : i32
      %cond3A_167 = arith.cmpi ne, %convert_element_type3A, %cond3A : i32
      scf.if %cond3A_167 {
        %add3A_498 = arith.constant 4 : i32
        %add3A_499 = arith.addi %add3A_75, %add3A_498 : i32
        %dma_start3A_500 = arith.constant 0 : i32
        %dma_start3A_501 = arith.constant 0 : i32
        %dma_start3A_502 = arith.constant 0 : i32
        %dma_start3A_503 = tpu.memref_slice %arg10[%dma_start3A_500, %dma_start3A_501, %dma_start3A_502] : memref<4x100x128xf32, #tpu.memory_space<vmem>> -> memref<1x100x128xf32, #tpu.memory_space<vmem>>
        %dma_start3A_504 = tpu.memref_squeeze %dma_start3A_503 : memref<1x100x128xf32, #tpu.memory_space<vmem>> -> memref<100x128xf32, #tpu.memory_space<vmem>>
        %dma_start3A_505 = arith.constant 0 : i32
        %dma_start3A_506 = tpu.memref_slice %arg7[%add3A_499, %dma_start3A_505] : memref<128x100xi32, #tpu.memory_space<vmem>> -> memref<1x100xi32, #tpu.memory_space<vmem>>
        %dma_start3A_507 = tpu.memref_squeeze %dma_start3A_506 : memref<1x100xi32, #tpu.memory_space<vmem>> -> memref<100xi32, #tpu.memory_space<vmem>>
        %dma_start3A_508 = arith.constant 0 : i32
        %dma_start3A_509 = arith.constant 0 : i32
        %dma_start3A_510 = tpu.memref_slice %arg4[%dma_start3A_508, %dma_start3A_509] : memref<100000x128xf32, #tpu.memory_space<hbm>> -> memref<100000x128xf32, #tpu.memory_space<hbm>>
        tpu.enqueue_indirect_dma source(%dma_start3A_510 : memref<100000x128xf32, #tpu.memory_space<hbm>>) target(%dma_start3A_504 : memref<100x128xf32, #tpu.memory_space<vmem>>) offsets(%dma_start3A_507 : memref<100xi32, #tpu.memory_space<vmem>>) semaphore(%arg13 : memref<!tpu.dma_semaphore, #tpu.memory_space<semaphore_mem>>)
      } else {
      }
      %mul3A_168 = arith.constant 4 : i32
      %mul3A_169 = arith.muli %scan3A_71, %mul3A_168 : i32
      %add3A_170 = arith.constant 1 : i32
      %add3A_171 = arith.addi %mul3A_169, %add3A_170 : i32
      %dma_wait3A_172 = arith.constant 1 : i32
      %dma_wait3A_173 = arith.constant 0 : i32
      %dma_wait3A_174 = arith.constant 0 : i32
      %dma_wait3A_175 = tpu.memref_slice %arg10[%dma_wait3A_172, %dma_wait3A_173, %dma_wait3A_174] : memref<4x100x128xf32, #tpu.memory_space<vmem>> -> memref<1x100x128xf32, #tpu.memory_space<vmem>>
      %dma_wait3A_176 = tpu.memref_squeeze %dma_wait3A_175 : memref<1x100x128xf32, #tpu.memory_space<vmem>> -> memref<100x128xf32, #tpu.memory_space<vmem>>
      %dma_wait3A_177 = arith.constant 0 : i32
      %dma_wait3A_178 = tpu.memref_slice %arg7[%add3A_171, %dma_wait3A_177] : memref<128x100xi32, #tpu.memory_space<vmem>> -> memref<1x100xi32, #tpu.memory_space<vmem>>
      %dma_wait3A_179 = tpu.memref_squeeze %dma_wait3A_178 : memref<1x100xi32, #tpu.memory_space<vmem>> -> memref<100xi32, #tpu.memory_space<vmem>>
      %dma_wait3A_180 = arith.constant 0 : i32
      %dma_wait3A_181 = arith.constant 0 : i32
      %dma_wait3A_182 = tpu.memref_slice %arg4[%dma_wait3A_180, %dma_wait3A_181] : memref<100000x128xf32, #tpu.memory_space<hbm>> -> memref<100000x128xf32, #tpu.memory_space<hbm>>
      tpu.wait_indirect_dma semaphore(%arg14 : memref<!tpu.dma_semaphore, #tpu.memory_space<semaphore_mem>>) src(%dma_wait3A_182 : memref<100000x128xf32, #tpu.memory_space<hbm>>) dst(%dma_wait3A_176 : memref<100x128xf32, #tpu.memory_space<vmem>>)
      %mul3A_183 = arith.constant 2 : i32
      %mul3A_184 = arith.muli %add3A_171, %mul3A_183 : i32
      %jit3A_185 = arith.constant 8 : i32
      %div3A_186 = arith.divsi %mul3A_184, %jit3A_185 : i32
      %sign3A_187 = arith.constant 0 : i32
      %sign3A_188 = arith.cmpi sgt, %mul3A_184, %sign3A_187 : i32
      %sign3A_189 = arith.extui %sign3A_188 : i1 to i32
      %sign3A_190 = arith.constant 0 : i32
      %sign3A_191 = arith.cmpi slt, %mul3A_184, %sign3A_190 : i32
      %sign3A_192 = arith.extui %sign3A_191 : i1 to i32
      %sign3A_193 = arith.subi %sign3A_189, %sign3A_192 : i32
      %sign3A_194 = arith.constant 0 : i32
      %sign3A_195 = arith.cmpi sgt, %jit3A_185, %sign3A_194 : i32
      %sign3A_196 = arith.extui %sign3A_195 : i1 to i32
      %sign3A_197 = arith.constant 0 : i32
      %sign3A_198 = arith.cmpi slt, %jit3A_185, %sign3A_197 : i32
      %sign3A_199 = arith.extui %sign3A_198 : i1 to i32
      %sign3A_200 = arith.subi %sign3A_196, %sign3A_199 : i32
      %ne3A_201 = arith.cmpi ne, %sign3A_193, %sign3A_200 : i32
      %rem3A_202 = arith.remsi %mul3A_184, %jit3A_185 : i32
      %ne3A_203 = arith.constant 0 : i32
      %ne3A_204 = arith.cmpi ne, %rem3A_202, %ne3A_203 : i32
      %and3A_205 = arith.andi %ne3A_201, %ne3A_204 : i1
      %sub3A_206 = arith.constant 1 : i32
      %sub3A_207 = arith.subi %div3A_186, %sub3A_206 : i32
      %select_n3A_208 = arith.select %and3A_205, %sub3A_207, %div3A_186 : i32
      %get3A_209 = arith.index_cast %select_n3A_208 : i32 to index
      %get3A_210 = arith.constant 0 : index
      %get3A_211 = tpu.vector_load %arg9[%get3A_209, %get3A_210] {strides = array<i32>} : memref<32x128xf32, #tpu.memory_space<vmem>>, vector<16xf32>,
      %get3A_212 = arith.index_cast %select_n3A_208 : i32 to index
      %get3A_213 = arith.constant 16 : index
      %get3A_214 = tpu.vector_load %arg9[%get3A_212, %get3A_213] {strides = array<i32>} : memref<32x128xf32, #tpu.memory_space<vmem>>, vector<16xf32>,
      %get3A_215 = arith.index_cast %select_n3A_208 : i32 to index
      %get3A_216 = arith.constant 32 : index
      %get3A_217 = tpu.vector_load %arg9[%get3A_215, %get3A_216] {strides = array<i32>} : memref<32x128xf32, #tpu.memory_space<vmem>>, vector<16xf32>,
      %get3A_218 = arith.index_cast %select_n3A_208 : i32 to index
      %get3A_219 = arith.constant 48 : index
      %get3A_220 = tpu.vector_load %arg9[%get3A_218, %get3A_219] {strides = array<i32>} : memref<32x128xf32, #tpu.memory_space<vmem>>, vector<16xf32>,
      %get3A_221 = arith.index_cast %select_n3A_208 : i32 to index
      %get3A_222 = arith.constant 64 : index
      %get3A_223 = tpu.vector_load %arg9[%get3A_221, %get3A_222] {strides = array<i32>} : memref<32x128xf32, #tpu.memory_space<vmem>>, vector<16xf32>,
      %get3A_224 = arith.index_cast %select_n3A_208 : i32 to index
      %get3A_225 = arith.constant 80 : index
      %get3A_226 = tpu.vector_load %arg9[%get3A_224, %get3A_225] {strides = array<i32>} : memref<32x128xf32, #tpu.memory_space<vmem>>, vector<16xf32>,
      %get3A_227 = arith.index_cast %select_n3A_208 : i32 to index
      %get3A_228 = arith.constant 96 : index
      %get3A_229 = tpu.vector_load %arg9[%get3A_227, %get3A_228] {strides = array<i32>} : memref<32x128xf32, #tpu.memory_space<vmem>>, vector<16xf32>,
      %get3A_230 = arith.index_cast %select_n3A_208 : i32 to index
      %get3A_231 = arith.constant 112 : index
      %get3A_232 = tpu.vector_load %arg9[%get3A_230, %get3A_231] {strides = array<i32>} : memref<32x128xf32, #tpu.memory_space<vmem>>, vector<16xf32>,
      %mul3A_233 = arith.constant 2 : i32
      %mul3A_234 = arith.muli %add3A_171, %mul3A_233 : i32
      %add3A_235 = arith.constant 0 : i32
      %add3A_236 = arith.addi %mul3A_234, %add3A_235 : i32
      %scan3A_237 = arith.constant 0xFF800000 : f32
      %scan3A_238 = arith.constant 0 : i32
      %scan3A_239 = arith.constant 0 : i32
      %scan3A_240 = arith.constant 50 : i32
      %scan3A_241 = arith.addi %scan3A_239, %scan3A_240 : i32
      %scan3A_242 = arith.constant 5 : i32
      %scan3A_243:2 = scf.for %scan3A_498 = %scan3A_239 to %scan3A_241 step %scan3A_242 iter_args(%scan3A_499 = %scan3A_237, %scan3A_500 = %scan3A_238) -> (f32, i32)  : i32 {
        %add3A_501 = arith.constant 0 : i32
        %add3A_502 = arith.addi %add3A_501, %scan3A_498 : i32
        %get3A_503 = arith.constant 1 : i32
        %get3A_504 = arith.index_cast %get3A_503 : i32 to index
        %get3A_505 = arith.index_cast %add3A_502 : i32 to index
        %get3A_506 = arith.constant 0 : index
        %get3A_507 = tpu.vector_load %arg10[%get3A_504, %get3A_505, %get3A_506] {strides = array<i32>} : memref<4x100x128xf32, #tpu.memory_space<vmem>>, vector<16xf32>,
        %mul3A_508 = arith.mulf %get3A_211, %get3A_507 : vector<16xf32>
        %get3A_509 = arith.constant 1 : i32
        %get3A_510 = arith.index_cast %get3A_509 : i32 to index
        %get3A_511 = arith.index_cast %add3A_502 : i32 to index
        %get3A_512 = arith.constant 16 : index
        %get3A_513 = tpu.vector_load %arg10[%get3A_510, %get3A_511, %get3A_512] {strides = array<i32>} : memref<4x100x128xf32, #tpu.memory_space<vmem>>, vector<16xf32>,
        %mul3A_514 = arith.mulf %get3A_214, %get3A_513 : vector<16xf32>
        %get3A_515 = arith.constant 1 : i32
        %get3A_516 = arith.index_cast %get3A_515 : i32 to index
        %get3A_517 = arith.index_cast %add3A_502 : i32 to index
        %get3A_518 = arith.constant 32 : index
        %get3A_519 = tpu.vector_load %arg10[%get3A_516, %get3A_517, %get3A_518] {strides = array<i32>} : memref<4x100x128xf32, #tpu.memory_space<vmem>>, vector<16xf32>,
        %mul3A_520 = arith.mulf %get3A_217, %get3A_519 : vector<16xf32>
        %get3A_521 = arith.constant 1 : i32
        %get3A_522 = arith.index_cast %get3A_521 : i32 to index
        %get3A_523 = arith.index_cast %add3A_502 : i32 to index
        %get3A_524 = arith.constant 48 : index
        %get3A_525 = tpu.vector_load %arg10[%get3A_522, %get3A_523, %get3A_524] {strides = array<i32>} : memref<4x100x128xf32, #tpu.memory_space<vmem>>, vector<16xf32>,
        %mul3A_526 = arith.mulf %get3A_220, %get3A_525 : vector<16xf32>
        %get3A_527 = arith.constant 1 : i32
        %get3A_528 = arith.index_cast %get3A_527 : i32 to index
        %get3A_529 = arith.index_cast %add3A_502 : i32 to index
        %get3A_530 = arith.constant 64 : index
        %get3A_531 = tpu.vector_load %arg10[%get3A_528, %get3A_529, %get3A_530] {strides = array<i32>} : memref<4x100x128xf32, #tpu.memory_space<vmem>>, vector<16xf32>,
        %mul3A_532 = arith.mulf %get3A_223, %get3A_531 : vector<16xf32>
        %get3A_533 = arith.constant 1 : i32
        %get3A_534 = arith.index_cast %get3A_533 : i32 to index
        %get3A_535 = arith.index_cast %add3A_502 : i32 to index
        %get3A_536 = arith.constant 80 : index
        %get3A_537 = tpu.vector_load %arg10[%get3A_534, %get3A_535, %get3A_536] {strides = array<i32>} : memref<4x100x128xf32, #tpu.memory_space<vmem>>, vector<16xf32>,
        %mul3A_538 = arith.mulf %get3A_226, %get3A_537 : vector<16xf32>
        %get3A_539 = arith.constant 1 : i32
        %get3A_540 = arith.index_cast %get3A_539 : i32 to index
        %get3A_541 = arith.index_cast %add3A_502 : i32 to index
        %get3A_542 = arith.constant 96 : index
        %get3A_543 = tpu.vector_load %arg10[%get3A_540, %get3A_541, %get3A_542] {strides = array<i32>} : memref<4x100x128xf32, #tpu.memory_space<vmem>>, vector<16xf32>,
        %mul3A_544 = arith.mulf %get3A_229, %get3A_543 : vector<16xf32>
        %get3A_545 = arith.constant 1 : i32
        %get3A_546 = arith.index_cast %get3A_545 : i32 to index
        %get3A_547 = arith.index_cast %add3A_502 : i32 to index
        %get3A_548 = arith.constant 112 : index
        %get3A_549 = tpu.vector_load %arg10[%get3A_546, %get3A_547, %get3A_548] {strides = array<i32>} : memref<4x100x128xf32, #tpu.memory_space<vmem>>, vector<16xf32>,
        %mul3A_550 = arith.mulf %get3A_232, %get3A_549 : vector<16xf32>
        %add3A_551 = arith.addf %mul3A_508, %mul3A_514 : vector<16xf32>
        %add3A_552 = arith.addf %mul3A_520, %mul3A_526 : vector<16xf32>
        %add3A_553 = arith.addf %add3A_551, %add3A_552 : vector<16xf32>
        %add3A_554 = arith.addf %mul3A_532, %mul3A_538 : vector<16xf32>
        %add3A_555 = arith.addf %mul3A_544, %mul3A_550 : vector<16xf32>
        %add3A_556 = arith.addf %add3A_554, %add3A_555 : vector<16xf32>
        %add3A_557 = arith.addf %add3A_553, %add3A_556 : vector<16xf32>
        %reduce_sum3A = arith.constant true
        %reduce_sum3A_558 = vector.broadcast %reduce_sum3A : i1 to vector<16xi1>
        %reduce_sum3A_559 = tpu.scan <sum>, %add3A_557 masked %reduce_sum3A_558 : vector<16xf32>, vector<16xi1> -> vector<16xf32>
        %reduce_sum3A_560 = vector.extract %reduce_sum3A_559[15] : f32 from vector<16xf32>
        %gt3A = arith.cmpf ogt, %reduce_sum3A_560, %scan3A_499 : f32
        %select_n3A_561 = arith.select %gt3A, %reduce_sum3A_560, %scan3A_499 : f32
        %select_n3A_562 = arith.select %gt3A, %scan3A_498, %scan3A_500 : i32
        %scan3A_563 = arith.constant 1 : i32
        %scan3A_564 = arith.addi %scan3A_498, %scan3A_563 : i32
        %add3A_565 = arith.constant 0 : i32
        %add3A_566 = arith.addi %add3A_565, %scan3A_564 : i32
        %get3A_567 = arith.constant 1 : i32
        %get3A_568 = arith.index_cast %get3A_567 : i32 to index
        %get3A_569 = arith.index_cast %add3A_566 : i32 to index
        %get3A_570 = arith.constant 0 : index
        %get3A_571 = tpu.vector_load %arg10[%get3A_568, %get3A_569, %get3A_570] {strides = array<i32>} : memref<4x100x128xf32, #tpu.memory_space<vmem>>, vector<16xf32>,
        %mul3A_572 = arith.mulf %get3A_211, %get3A_571 : vector<16xf32>
        %get3A_573 = arith.constant 1 : i32
        %get3A_574 = arith.index_cast %get3A_573 : i32 to index
        %get3A_575 = arith.index_cast %add3A_566 : i32 to index
        %get3A_576 = arith.constant 16 : index
        %get3A_577 = tpu.vector_load %arg10[%get3A_574, %get3A_575, %get3A_576] {strides = array<i32>} : memref<4x100x128xf32, #tpu.memory_space<vmem>>, vector<16xf32>,
        %mul3A_578 = arith.mulf %get3A_214, %get3A_577 : vector<16xf32>
        %get3A_579 = arith.constant 1 : i32
        %get3A_580 = arith.index_cast %get3A_579 : i32 to index
        %get3A_581 = arith.index_cast %add3A_566 : i32 to index
        %get3A_582 = arith.constant 32 : index
        %get3A_583 = tpu.vector_load %arg10[%get3A_580, %get3A_581, %get3A_582] {strides = array<i32>} : memref<4x100x128xf32, #tpu.memory_space<vmem>>, vector<16xf32>,
        %mul3A_584 = arith.mulf %get3A_217, %get3A_583 : vector<16xf32>
        %get3A_585 = arith.constant 1 : i32
        %get3A_586 = arith.index_cast %get3A_585 : i32 to index
        %get3A_587 = arith.index_cast %add3A_566 : i32 to index
        %get3A_588 = arith.constant 48 : index
        %get3A_589 = tpu.vector_load %arg10[%get3A_586, %get3A_587, %get3A_588] {strides = array<i32>} : memref<4x100x128xf32, #tpu.memory_space<vmem>>, vector<16xf32>,
        %mul3A_590 = arith.mulf %get3A_220, %get3A_589 : vector<16xf32>
        %get3A_591 = arith.constant 1 : i32
        %get3A_592 = arith.index_cast %get3A_591 : i32 to index
        %get3A_593 = arith.index_cast %add3A_566 : i32 to index
        %get3A_594 = arith.constant 64 : index
        %get3A_595 = tpu.vector_load %arg10[%get3A_592, %get3A_593, %get3A_594] {strides = array<i32>} : memref<4x100x128xf32, #tpu.memory_space<vmem>>, vector<16xf32>,
        %mul3A_596 = arith.mulf %get3A_223, %get3A_595 : vector<16xf32>
        %get3A_597 = arith.constant 1 : i32
        %get3A_598 = arith.index_cast %get3A_597 : i32 to index
        %get3A_599 = arith.index_cast %add3A_566 : i32 to index
        %get3A_600 = arith.constant 80 : index
        %get3A_601 = tpu.vector_load %arg10[%get3A_598, %get3A_599, %get3A_600] {strides = array<i32>} : memref<4x100x128xf32, #tpu.memory_space<vmem>>, vector<16xf32>,
        %mul3A_602 = arith.mulf %get3A_226, %get3A_601 : vector<16xf32>
        %get3A_603 = arith.constant 1 : i32
        %get3A_604 = arith.index_cast %get3A_603 : i32 to index
        %get3A_605 = arith.index_cast %add3A_566 : i32 to index
        %get3A_606 = arith.constant 96 : index
        %get3A_607 = tpu.vector_load %arg10[%get3A_604, %get3A_605, %get3A_606] {strides = array<i32>} : memref<4x100x128xf32, #tpu.memory_space<vmem>>, vector<16xf32>,
        %mul3A_608 = arith.mulf %get3A_229, %get3A_607 : vector<16xf32>
        %get3A_609 = arith.constant 1 : i32
        %get3A_610 = arith.index_cast %get3A_609 : i32 to index
        %get3A_611 = arith.index_cast %add3A_566 : i32 to index
        %get3A_612 = arith.constant 112 : index
        %get3A_613 = tpu.vector_load %arg10[%get3A_610, %get3A_611, %get3A_612] {strides = array<i32>} : memref<4x100x128xf32, #tpu.memory_space<vmem>>, vector<16xf32>,
        %mul3A_614 = arith.mulf %get3A_232, %get3A_613 : vector<16xf32>
        %add3A_615 = arith.addf %mul3A_572, %mul3A_578 : vector<16xf32>
        %add3A_616 = arith.addf %mul3A_584, %mul3A_590 : vector<16xf32>
        %add3A_617 = arith.addf %add3A_615, %add3A_616 : vector<16xf32>
        %add3A_618 = arith.addf %mul3A_596, %mul3A_602 : vector<16xf32>
        %add3A_619 = arith.addf %mul3A_608, %mul3A_614 : vector<16xf32>
        %add3A_620 = arith.addf %add3A_618, %add3A_619 : vector<16xf32>
        %add3A_621 = arith.addf %add3A_617, %add3A_620 : vector<16xf32>
        %reduce_sum3A_622 = arith.constant true
        %reduce_sum3A_623 = vector.broadcast %reduce_sum3A_622 : i1 to vector<16xi1>
        %reduce_sum3A_624 = tpu.scan <sum>, %add3A_621 masked %reduce_sum3A_623 : vector<16xf32>, vector<16xi1> -> vector<16xf32>
        %reduce_sum3A_625 = vector.extract %reduce_sum3A_624[15] : f32 from vector<16xf32>
        %gt3A_626 = arith.cmpf ogt, %reduce_sum3A_625, %select_n3A_561 : f32
        %select_n3A_627 = arith.select %gt3A_626, %reduce_sum3A_625, %select_n3A_561 : f32
        %select_n3A_628 = arith.select %gt3A_626, %scan3A_564, %select_n3A_562 : i32
        %scan3A_629 = arith.constant 2 : i32
        %scan3A_630 = arith.addi %scan3A_498, %scan3A_629 : i32
        %add3A_631 = arith.constant 0 : i32
        %add3A_632 = arith.addi %add3A_631, %scan3A_630 : i32
        %get3A_633 = arith.constant 1 : i32
        %get3A_634 = arith.index_cast %get3A_633 : i32 to index
        %get3A_635 = arith.index_cast %add3A_632 : i32 to index
        %get3A_636 = arith.constant 0 : index
        %get3A_637 = tpu.vector_load %arg10[%get3A_634, %get3A_635, %get3A_636] {strides = array<i32>} : memref<4x100x128xf32, #tpu.memory_space<vmem>>, vector<16xf32>,
        %mul3A_638 = arith.mulf %get3A_211, %get3A_637 : vector<16xf32>
        %get3A_639 = arith.constant 1 : i32
        %get3A_640 = arith.index_cast %get3A_639 : i32 to index
        %get3A_641 = arith.index_cast %add3A_632 : i32 to index
        %get3A_642 = arith.constant 16 : index
        %get3A_643 = tpu.vector_load %arg10[%get3A_640, %get3A_641, %get3A_642] {strides = array<i32>} : memref<4x100x128xf32, #tpu.memory_space<vmem>>, vector<16xf32>,
        %mul3A_644 = arith.mulf %get3A_214, %get3A_643 : vector<16xf32>
        %get3A_645 = arith.constant 1 : i32
        %get3A_646 = arith.index_cast %get3A_645 : i32 to index
        %get3A_647 = arith.index_cast %add3A_632 : i32 to index
        %get3A_648 = arith.constant 32 : index
        %get3A_649 = tpu.vector_load %arg10[%get3A_646, %get3A_647, %get3A_648] {strides = array<i32>} : memref<4x100x128xf32, #tpu.memory_space<vmem>>, vector<16xf32>,
        %mul3A_650 = arith.mulf %get3A_217, %get3A_649 : vector<16xf32>
        %get3A_651 = arith.constant 1 : i32
        %get3A_652 = arith.index_cast %get3A_651 : i32 to index
        %get3A_653 = arith.index_cast %add3A_632 : i32 to index
        %get3A_654 = arith.constant 48 : index
        %get3A_655 = tpu.vector_load %arg10[%get3A_652, %get3A_653, %get3A_654] {strides = array<i32>} : memref<4x100x128xf32, #tpu.memory_space<vmem>>, vector<16xf32>,
        %mul3A_656 = arith.mulf %get3A_220, %get3A_655 : vector<16xf32>
        %get3A_657 = arith.constant 1 : i32
        %get3A_658 = arith.index_cast %get3A_657 : i32 to index
        %get3A_659 = arith.index_cast %add3A_632 : i32 to index
        %get3A_660 = arith.constant 64 : index
        %get3A_661 = tpu.vector_load %arg10[%get3A_658, %get3A_659, %get3A_660] {strides = array<i32>} : memref<4x100x128xf32, #tpu.memory_space<vmem>>, vector<16xf32>,
        %mul3A_662 = arith.mulf %get3A_223, %get3A_661 : vector<16xf32>
        %get3A_663 = arith.constant 1 : i32
        %get3A_664 = arith.index_cast %get3A_663 : i32 to index
        %get3A_665 = arith.index_cast %add3A_632 : i32 to index
        %get3A_666 = arith.constant 80 : index
        %get3A_667 = tpu.vector_load %arg10[%get3A_664, %get3A_665, %get3A_666] {strides = array<i32>} : memref<4x100x128xf32, #tpu.memory_space<vmem>>, vector<16xf32>,
        %mul3A_668 = arith.mulf %get3A_226, %get3A_667 : vector<16xf32>
        %get3A_669 = arith.constant 1 : i32
        %get3A_670 = arith.index_cast %get3A_669 : i32 to index
        %get3A_671 = arith.index_cast %add3A_632 : i32 to index
        %get3A_672 = arith.constant 96 : index
        %get3A_673 = tpu.vector_load %arg10[%get3A_670, %get3A_671, %get3A_672] {strides = array<i32>} : memref<4x100x128xf32, #tpu.memory_space<vmem>>, vector<16xf32>,
        %mul3A_674 = arith.mulf %get3A_229, %get3A_673 : vector<16xf32>
        %get3A_675 = arith.constant 1 : i32
        %get3A_676 = arith.index_cast %get3A_675 : i32 to index
        %get3A_677 = arith.index_cast %add3A_632 : i32 to index
        %get3A_678 = arith.constant 112 : index
        %get3A_679 = tpu.vector_load %arg10[%get3A_676, %get3A_677, %get3A_678] {strides = array<i32>} : memref<4x100x128xf32, #tpu.memory_space<vmem>>, vector<16xf32>,
        %mul3A_680 = arith.mulf %get3A_232, %get3A_679 : vector<16xf32>
        %add3A_681 = arith.addf %mul3A_638, %mul3A_644 : vector<16xf32>
        %add3A_682 = arith.addf %mul3A_650, %mul3A_656 : vector<16xf32>
        %add3A_683 = arith.addf %add3A_681, %add3A_682 : vector<16xf32>
        %add3A_684 = arith.addf %mul3A_662, %mul3A_668 : vector<16xf32>
        %add3A_685 = arith.addf %mul3A_674, %mul3A_680 : vector<16xf32>
        %add3A_686 = arith.addf %add3A_684, %add3A_685 : vector<16xf32>
        %add3A_687 = arith.addf %add3A_683, %add3A_686 : vector<16xf32>
        %reduce_sum3A_688 = arith.constant true
        %reduce_sum3A_689 = vector.broadcast %reduce_sum3A_688 : i1 to vector<16xi1>
        %reduce_sum3A_690 = tpu.scan <sum>, %add3A_687 masked %reduce_sum3A_689 : vector<16xf32>, vector<16xi1> -> vector<16xf32>
        %reduce_sum3A_691 = vector.extract %reduce_sum3A_690[15] : f32 from vector<16xf32>
        %gt3A_692 = arith.cmpf ogt, %reduce_sum3A_691, %select_n3A_627 : f32
        %select_n3A_693 = arith.select %gt3A_692, %reduce_sum3A_691, %select_n3A_627 : f32
        %select_n3A_694 = arith.select %gt3A_692, %scan3A_630, %select_n3A_628 : i32
        %scan3A_695 = arith.constant 3 : i32
        %scan3A_696 = arith.addi %scan3A_498, %scan3A_695 : i32
        %add3A_697 = arith.constant 0 : i32
        %add3A_698 = arith.addi %add3A_697, %scan3A_696 : i32
        %get3A_699 = arith.constant 1 : i32
        %get3A_700 = arith.index_cast %get3A_699 : i32 to index
        %get3A_701 = arith.index_cast %add3A_698 : i32 to index
        %get3A_702 = arith.constant 0 : index
        %get3A_703 = tpu.vector_load %arg10[%get3A_700, %get3A_701, %get3A_702] {strides = array<i32>} : memref<4x100x128xf32, #tpu.memory_space<vmem>>, vector<16xf32>,
        %mul3A_704 = arith.mulf %get3A_211, %get3A_703 : vector<16xf32>
        %get3A_705 = arith.constant 1 : i32
        %get3A_706 = arith.index_cast %get3A_705 : i32 to index
        %get3A_707 = arith.index_cast %add3A_698 : i32 to index
        %get3A_708 = arith.constant 16 : index
        %get3A_709 = tpu.vector_load %arg10[%get3A_706, %get3A_707, %get3A_708] {strides = array<i32>} : memref<4x100x128xf32, #tpu.memory_space<vmem>>, vector<16xf32>,
        %mul3A_710 = arith.mulf %get3A_214, %get3A_709 : vector<16xf32>
        %get3A_711 = arith.constant 1 : i32
        %get3A_712 = arith.index_cast %get3A_711 : i32 to index
        %get3A_713 = arith.index_cast %add3A_698 : i32 to index
        %get3A_714 = arith.constant 32 : index
        %get3A_715 = tpu.vector_load %arg10[%get3A_712, %get3A_713, %get3A_714] {strides = array<i32>} : memref<4x100x128xf32, #tpu.memory_space<vmem>>, vector<16xf32>,
        %mul3A_716 = arith.mulf %get3A_217, %get3A_715 : vector<16xf32>
        %get3A_717 = arith.constant 1 : i32
        %get3A_718 = arith.index_cast %get3A_717 : i32 to index
        %get3A_719 = arith.index_cast %add3A_698 : i32 to index
        %get3A_720 = arith.constant 48 : index
        %get3A_721 = tpu.vector_load %arg10[%get3A_718, %get3A_719, %get3A_720] {strides = array<i32>} : memref<4x100x128xf32, #tpu.memory_space<vmem>>, vector<16xf32>,
        %mul3A_722 = arith.mulf %get3A_220, %get3A_721 : vector<16xf32>
        %get3A_723 = arith.constant 1 : i32
        %get3A_724 = arith.index_cast %get3A_723 : i32 to index
        %get3A_725 = arith.index_cast %add3A_698 : i32 to index
        %get3A_726 = arith.constant 64 : index
        %get3A_727 = tpu.vector_load %arg10[%get3A_724, %get3A_725, %get3A_726] {strides = array<i32>} : memref<4x100x128xf32, #tpu.memory_space<vmem>>, vector<16xf32>,
        %mul3A_728 = arith.mulf %get3A_223, %get3A_727 : vector<16xf32>
        %get3A_729 = arith.constant 1 : i32
        %get3A_730 = arith.index_cast %get3A_729 : i32 to index
        %get3A_731 = arith.index_cast %add3A_698 : i32 to index
        %get3A_732 = arith.constant 80 : index
        %get3A_733 = tpu.vector_load %arg10[%get3A_730, %get3A_731, %get3A_732] {strides = array<i32>} : memref<4x100x128xf32, #tpu.memory_space<vmem>>, vector<16xf32>,
        %mul3A_734 = arith.mulf %get3A_226, %get3A_733 : vector<16xf32>
        %get3A_735 = arith.constant 1 : i32
        %get3A_736 = arith.index_cast %get3A_735 : i32 to index
        %get3A_737 = arith.index_cast %add3A_698 : i32 to index
        %get3A_738 = arith.constant 96 : index
        %get3A_739 = tpu.vector_load %arg10[%get3A_736, %get3A_737, %get3A_738] {strides = array<i32>} : memref<4x100x128xf32, #tpu.memory_space<vmem>>, vector<16xf32>,
        %mul3A_740 = arith.mulf %get3A_229, %get3A_739 : vector<16xf32>
        %get3A_741 = arith.constant 1 : i32
        %get3A_742 = arith.index_cast %get3A_741 : i32 to index
        %get3A_743 = arith.index_cast %add3A_698 : i32 to index
        %get3A_744 = arith.constant 112 : index
        %get3A_745 = tpu.vector_load %arg10[%get3A_742, %get3A_743, %get3A_744] {strides = array<i32>} : memref<4x100x128xf32, #tpu.memory_space<vmem>>, vector<16xf32>,
        %mul3A_746 = arith.mulf %get3A_232, %get3A_745 : vector<16xf32>
        %add3A_747 = arith.addf %mul3A_704, %mul3A_710 : vector<16xf32>
        %add3A_748 = arith.addf %mul3A_716, %mul3A_722 : vector<16xf32>
        %add3A_749 = arith.addf %add3A_747, %add3A_748 : vector<16xf32>
        %add3A_750 = arith.addf %mul3A_728, %mul3A_734 : vector<16xf32>
        %add3A_751 = arith.addf %mul3A_740, %mul3A_746 : vector<16xf32>
        %add3A_752 = arith.addf %add3A_750, %add3A_751 : vector<16xf32>
        %add3A_753 = arith.addf %add3A_749, %add3A_752 : vector<16xf32>
        %reduce_sum3A_754 = arith.constant true
        %reduce_sum3A_755 = vector.broadcast %reduce_sum3A_754 : i1 to vector<16xi1>
        %reduce_sum3A_756 = tpu.scan <sum>, %add3A_753 masked %reduce_sum3A_755 : vector<16xf32>, vector<16xi1> -> vector<16xf32>
        %reduce_sum3A_757 = vector.extract %reduce_sum3A_756[15] : f32 from vector<16xf32>
        %gt3A_758 = arith.cmpf ogt, %reduce_sum3A_757, %select_n3A_693 : f32
        %select_n3A_759 = arith.select %gt3A_758, %reduce_sum3A_757, %select_n3A_693 : f32
        %select_n3A_760 = arith.select %gt3A_758, %scan3A_696, %select_n3A_694 : i32
        %scan3A_761 = arith.constant 4 : i32
        %scan3A_762 = arith.addi %scan3A_498, %scan3A_761 : i32
        %add3A_763 = arith.constant 0 : i32
        %add3A_764 = arith.addi %add3A_763, %scan3A_762 : i32
        %get3A_765 = arith.constant 1 : i32
        %get3A_766 = arith.index_cast %get3A_765 : i32 to index
        %get3A_767 = arith.index_cast %add3A_764 : i32 to index
        %get3A_768 = arith.constant 0 : index
        %get3A_769 = tpu.vector_load %arg10[%get3A_766, %get3A_767, %get3A_768] {strides = array<i32>} : memref<4x100x128xf32, #tpu.memory_space<vmem>>, vector<16xf32>,
        %mul3A_770 = arith.mulf %get3A_211, %get3A_769 : vector<16xf32>
        %get3A_771 = arith.constant 1 : i32
        %get3A_772 = arith.index_cast %get3A_771 : i32 to index
        %get3A_773 = arith.index_cast %add3A_764 : i32 to index
        %get3A_774 = arith.constant 16 : index
        %get3A_775 = tpu.vector_load %arg10[%get3A_772, %get3A_773, %get3A_774] {strides = array<i32>} : memref<4x100x128xf32, #tpu.memory_space<vmem>>, vector<16xf32>,
        %mul3A_776 = arith.mulf %get3A_214, %get3A_775 : vector<16xf32>
        %get3A_777 = arith.constant 1 : i32
        %get3A_778 = arith.index_cast %get3A_777 : i32 to index
        %get3A_779 = arith.index_cast %add3A_764 : i32 to index
        %get3A_780 = arith.constant 32 : index
        %get3A_781 = tpu.vector_load %arg10[%get3A_778, %get3A_779, %get3A_780] {strides = array<i32>} : memref<4x100x128xf32, #tpu.memory_space<vmem>>, vector<16xf32>,
        %mul3A_782 = arith.mulf %get3A_217, %get3A_781 : vector<16xf32>
        %get3A_783 = arith.constant 1 : i32
        %get3A_784 = arith.index_cast %get3A_783 : i32 to index
        %get3A_785 = arith.index_cast %add3A_764 : i32 to index
        %get3A_786 = arith.constant 48 : index
        %get3A_787 = tpu.vector_load %arg10[%get3A_784, %get3A_785, %get3A_786] {strides = array<i32>} : memref<4x100x128xf32, #tpu.memory_space<vmem>>, vector<16xf32>,
        %mul3A_788 = arith.mulf %get3A_220, %get3A_787 : vector<16xf32>
        %get3A_789 = arith.constant 1 : i32
        %get3A_790 = arith.index_cast %get3A_789 : i32 to index
        %get3A_791 = arith.index_cast %add3A_764 : i32 to index
        %get3A_792 = arith.constant 64 : index
        %get3A_793 = tpu.vector_load %arg10[%get3A_790, %get3A_791, %get3A_792] {strides = array<i32>} : memref<4x100x128xf32, #tpu.memory_space<vmem>>, vector<16xf32>,
        %mul3A_794 = arith.mulf %get3A_223, %get3A_793 : vector<16xf32>
        %get3A_795 = arith.constant 1 : i32
        %get3A_796 = arith.index_cast %get3A_795 : i32 to index
        %get3A_797 = arith.index_cast %add3A_764 : i32 to index
        %get3A_798 = arith.constant 80 : index
        %get3A_799 = tpu.vector_load %arg10[%get3A_796, %get3A_797, %get3A_798] {strides = array<i32>} : memref<4x100x128xf32, #tpu.memory_space<vmem>>, vector<16xf32>,
        %mul3A_800 = arith.mulf %get3A_226, %get3A_799 : vector<16xf32>
        %get3A_801 = arith.constant 1 : i32
        %get3A_802 = arith.index_cast %get3A_801 : i32 to index
        %get3A_803 = arith.index_cast %add3A_764 : i32 to index
        %get3A_804 = arith.constant 96 : index
        %get3A_805 = tpu.vector_load %arg10[%get3A_802, %get3A_803, %get3A_804] {strides = array<i32>} : memref<4x100x128xf32, #tpu.memory_space<vmem>>, vector<16xf32>,
        %mul3A_806 = arith.mulf %get3A_229, %get3A_805 : vector<16xf32>
        %get3A_807 = arith.constant 1 : i32
        %get3A_808 = arith.index_cast %get3A_807 : i32 to index
        %get3A_809 = arith.index_cast %add3A_764 : i32 to index
        %get3A_810 = arith.constant 112 : index
        %get3A_811 = tpu.vector_load %arg10[%get3A_808, %get3A_809, %get3A_810] {strides = array<i32>} : memref<4x100x128xf32, #tpu.memory_space<vmem>>, vector<16xf32>,
        %mul3A_812 = arith.mulf %get3A_232, %get3A_811 : vector<16xf32>
        %add3A_813 = arith.addf %mul3A_770, %mul3A_776 : vector<16xf32>
        %add3A_814 = arith.addf %mul3A_782, %mul3A_788 : vector<16xf32>
        %add3A_815 = arith.addf %add3A_813, %add3A_814 : vector<16xf32>
        %add3A_816 = arith.addf %mul3A_794, %mul3A_800 : vector<16xf32>
        %add3A_817 = arith.addf %mul3A_806, %mul3A_812 : vector<16xf32>
        %add3A_818 = arith.addf %add3A_816, %add3A_817 : vector<16xf32>
        %add3A_819 = arith.addf %add3A_815, %add3A_818 : vector<16xf32>
        %reduce_sum3A_820 = arith.constant true
        %reduce_sum3A_821 = vector.broadcast %reduce_sum3A_820 : i1 to vector<16xi1>
        %reduce_sum3A_822 = tpu.scan <sum>, %add3A_819 masked %reduce_sum3A_821 : vector<16xf32>, vector<16xi1> -> vector<16xf32>
        %reduce_sum3A_823 = vector.extract %reduce_sum3A_822[15] : f32 from vector<16xf32>
        %gt3A_824 = arith.cmpf ogt, %reduce_sum3A_823, %select_n3A_759 : f32
        %select_n3A_825 = arith.select %gt3A_824, %reduce_sum3A_823, %select_n3A_759 : f32
        %select_n3A_826 = arith.select %gt3A_824, %scan3A_762, %select_n3A_760 : i32
        scf.yield %select_n3A_825, %select_n3A_826 : f32, i32
      }
      %scan3A_244 = arith.constant 50 : i32
      %broadcast_in_dim3A_245 = vector.broadcast %scan3A_243#1 : i32 to vector<16xi32>
      %add3A_246 = arith.constant 0 : i32
      %add3A_247 = vector.broadcast %add3A_246 : i32 to vector<16xi32>
      %add3A_248 = arith.addi %broadcast_in_dim3A_245, %add3A_247 : vector<16xi32>
      %broadcast_in_dim3A_249 = vector.broadcast %add3A_171 : i32 to vector<16xi32>
      %gather3A_250 = tpu.vector_load_idx %arg7[%broadcast_in_dim3A_249, %add3A_248] : memref<128x100xi32, #tpu.memory_space<vmem>>[vector<16xi32>, vector<16xi32>], vector<16xi32>,
      %broadcast_in_dim3A_251 = vector.broadcast %add3A_236 : i32 to vector<16xi32>
      tpu.vector_store_idx %arg11[%broadcast_in_dim3A_251], %gather3A_250 masked %eq3A_61 : memref<256xi32, #tpu.memory_space<vmem>>[vector<16xi32>], vector<16xi32>, vector<16xi1>
      %mul3A_252 = arith.constant 2 : i32
      %mul3A_253 = arith.muli %add3A_171, %mul3A_252 : i32
      %add3A_254 = arith.constant 1 : i32
      %add3A_255 = arith.addi %mul3A_253, %add3A_254 : i32
      %scan3A_256 = arith.constant 0xFF800000 : f32
      %scan3A_257 = arith.constant 0 : i32
      %scan3A_258 = arith.constant 0 : i32
      %scan3A_259 = arith.constant 50 : i32
      %scan3A_260 = arith.addi %scan3A_258, %scan3A_259 : i32
      %scan3A_261 = arith.constant 5 : i32
      %scan3A_262:2 = scf.for %scan3A_498 = %scan3A_258 to %scan3A_260 step %scan3A_261 iter_args(%scan3A_499 = %scan3A_256, %scan3A_500 = %scan3A_257) -> (f32, i32)  : i32 {
        %add3A_501 = arith.constant 50 : i32
        %add3A_502 = arith.addi %add3A_501, %scan3A_498 : i32
        %get3A_503 = arith.constant 1 : i32
        %get3A_504 = arith.index_cast %get3A_503 : i32 to index
        %get3A_505 = arith.index_cast %add3A_502 : i32 to index
        %get3A_506 = arith.constant 0 : index
        %get3A_507 = tpu.vector_load %arg10[%get3A_504, %get3A_505, %get3A_506] {strides = array<i32>} : memref<4x100x128xf32, #tpu.memory_space<vmem>>, vector<16xf32>,
        %mul3A_508 = arith.mulf %get3A_211, %get3A_507 : vector<16xf32>
        %get3A_509 = arith.constant 1 : i32
        %get3A_510 = arith.index_cast %get3A_509 : i32 to index
        %get3A_511 = arith.index_cast %add3A_502 : i32 to index
        %get3A_512 = arith.constant 16 : index
        %get3A_513 = tpu.vector_load %arg10[%get3A_510, %get3A_511, %get3A_512] {strides = array<i32>} : memref<4x100x128xf32, #tpu.memory_space<vmem>>, vector<16xf32>,
        %mul3A_514 = arith.mulf %get3A_214, %get3A_513 : vector<16xf32>
        %get3A_515 = arith.constant 1 : i32
        %get3A_516 = arith.index_cast %get3A_515 : i32 to index
        %get3A_517 = arith.index_cast %add3A_502 : i32 to index
        %get3A_518 = arith.constant 32 : index
        %get3A_519 = tpu.vector_load %arg10[%get3A_516, %get3A_517, %get3A_518] {strides = array<i32>} : memref<4x100x128xf32, #tpu.memory_space<vmem>>, vector<16xf32>,
        %mul3A_520 = arith.mulf %get3A_217, %get3A_519 : vector<16xf32>
        %get3A_521 = arith.constant 1 : i32
        %get3A_522 = arith.index_cast %get3A_521 : i32 to index
        %get3A_523 = arith.index_cast %add3A_502 : i32 to index
        %get3A_524 = arith.constant 48 : index
        %get3A_525 = tpu.vector_load %arg10[%get3A_522, %get3A_523, %get3A_524] {strides = array<i32>} : memref<4x100x128xf32, #tpu.memory_space<vmem>>, vector<16xf32>,
        %mul3A_526 = arith.mulf %get3A_220, %get3A_525 : vector<16xf32>
        %get3A_527 = arith.constant 1 : i32
        %get3A_528 = arith.index_cast %get3A_527 : i32 to index
        %get3A_529 = arith.index_cast %add3A_502 : i32 to index
        %get3A_530 = arith.constant 64 : index
        %get3A_531 = tpu.vector_load %arg10[%get3A_528, %get3A_529, %get3A_530] {strides = array<i32>} : memref<4x100x128xf32, #tpu.memory_space<vmem>>, vector<16xf32>,
        %mul3A_532 = arith.mulf %get3A_223, %get3A_531 : vector<16xf32>
        %get3A_533 = arith.constant 1 : i32
        %get3A_534 = arith.index_cast %get3A_533 : i32 to index
        %get3A_535 = arith.index_cast %add3A_502 : i32 to index
        %get3A_536 = arith.constant 80 : index
        %get3A_537 = tpu.vector_load %arg10[%get3A_534, %get3A_535, %get3A_536] {strides = array<i32>} : memref<4x100x128xf32, #tpu.memory_space<vmem>>, vector<16xf32>,
        %mul3A_538 = arith.mulf %get3A_226, %get3A_537 : vector<16xf32>
        %get3A_539 = arith.constant 1 : i32
        %get3A_540 = arith.index_cast %get3A_539 : i32 to index
        %get3A_541 = arith.index_cast %add3A_502 : i32 to index
        %get3A_542 = arith.constant 96 : index
        %get3A_543 = tpu.vector_load %arg10[%get3A_540, %get3A_541, %get3A_542] {strides = array<i32>} : memref<4x100x128xf32, #tpu.memory_space<vmem>>, vector<16xf32>,
        %mul3A_544 = arith.mulf %get3A_229, %get3A_543 : vector<16xf32>
        %get3A_545 = arith.constant 1 : i32
        %get3A_546 = arith.index_cast %get3A_545 : i32 to index
        %get3A_547 = arith.index_cast %add3A_502 : i32 to index
        %get3A_548 = arith.constant 112 : index
        %get3A_549 = tpu.vector_load %arg10[%get3A_546, %get3A_547, %get3A_548] {strides = array<i32>} : memref<4x100x128xf32, #tpu.memory_space<vmem>>, vector<16xf32>,
        %mul3A_550 = arith.mulf %get3A_232, %get3A_549 : vector<16xf32>
        %add3A_551 = arith.addf %mul3A_508, %mul3A_514 : vector<16xf32>
        %add3A_552 = arith.addf %mul3A_520, %mul3A_526 : vector<16xf32>
        %add3A_553 = arith.addf %add3A_551, %add3A_552 : vector<16xf32>
        %add3A_554 = arith.addf %mul3A_532, %mul3A_538 : vector<16xf32>
        %add3A_555 = arith.addf %mul3A_544, %mul3A_550 : vector<16xf32>
        %add3A_556 = arith.addf %add3A_554, %add3A_555 : vector<16xf32>
        %add3A_557 = arith.addf %add3A_553, %add3A_556 : vector<16xf32>
        %reduce_sum3A = arith.constant true
        %reduce_sum3A_558 = vector.broadcast %reduce_sum3A : i1 to vector<16xi1>
        %reduce_sum3A_559 = tpu.scan <sum>, %add3A_557 masked %reduce_sum3A_558 : vector<16xf32>, vector<16xi1> -> vector<16xf32>
        %reduce_sum3A_560 = vector.extract %reduce_sum3A_559[15] : f32 from vector<16xf32>
        %gt3A = arith.cmpf ogt, %reduce_sum3A_560, %scan3A_499 : f32
        %select_n3A_561 = arith.select %gt3A, %reduce_sum3A_560, %scan3A_499 : f32
        %select_n3A_562 = arith.select %gt3A, %scan3A_498, %scan3A_500 : i32
        %scan3A_563 = arith.constant 1 : i32
        %scan3A_564 = arith.addi %scan3A_498, %scan3A_563 : i32
        %add3A_565 = arith.constant 50 : i32
        %add3A_566 = arith.addi %add3A_565, %scan3A_564 : i32
        %get3A_567 = arith.constant 1 : i32
        %get3A_568 = arith.index_cast %get3A_567 : i32 to index
        %get3A_569 = arith.index_cast %add3A_566 : i32 to index
        %get3A_570 = arith.constant 0 : index
        %get3A_571 = tpu.vector_load %arg10[%get3A_568, %get3A_569, %get3A_570] {strides = array<i32>} : memref<4x100x128xf32, #tpu.memory_space<vmem>>, vector<16xf32>,
        %mul3A_572 = arith.mulf %get3A_211, %get3A_571 : vector<16xf32>
        %get3A_573 = arith.constant 1 : i32
        %get3A_574 = arith.index_cast %get3A_573 : i32 to index
        %get3A_575 = arith.index_cast %add3A_566 : i32 to index
        %get3A_576 = arith.constant 16 : index
        %get3A_577 = tpu.vector_load %arg10[%get3A_574, %get3A_575, %get3A_576] {strides = array<i32>} : memref<4x100x128xf32, #tpu.memory_space<vmem>>, vector<16xf32>,
        %mul3A_578 = arith.mulf %get3A_214, %get3A_577 : vector<16xf32>
        %get3A_579 = arith.constant 1 : i32
        %get3A_580 = arith.index_cast %get3A_579 : i32 to index
        %get3A_581 = arith.index_cast %add3A_566 : i32 to index
        %get3A_582 = arith.constant 32 : index
        %get3A_583 = tpu.vector_load %arg10[%get3A_580, %get3A_581, %get3A_582] {strides = array<i32>} : memref<4x100x128xf32, #tpu.memory_space<vmem>>, vector<16xf32>,
        %mul3A_584 = arith.mulf %get3A_217, %get3A_583 : vector<16xf32>
        %get3A_585 = arith.constant 1 : i32
        %get3A_586 = arith.index_cast %get3A_585 : i32 to index
        %get3A_587 = arith.index_cast %add3A_566 : i32 to index
        %get3A_588 = arith.constant 48 : index
        %get3A_589 = tpu.vector_load %arg10[%get3A_586, %get3A_587, %get3A_588] {strides = array<i32>} : memref<4x100x128xf32, #tpu.memory_space<vmem>>, vector<16xf32>,
        %mul3A_590 = arith.mulf %get3A_220, %get3A_589 : vector<16xf32>
        %get3A_591 = arith.constant 1 : i32
        %get3A_592 = arith.index_cast %get3A_591 : i32 to index
        %get3A_593 = arith.index_cast %add3A_566 : i32 to index
        %get3A_594 = arith.constant 64 : index
        %get3A_595 = tpu.vector_load %arg10[%get3A_592, %get3A_593, %get3A_594] {strides = array<i32>} : memref<4x100x128xf32, #tpu.memory_space<vmem>>, vector<16xf32>,
        %mul3A_596 = arith.mulf %get3A_223, %get3A_595 : vector<16xf32>
        %get3A_597 = arith.constant 1 : i32
        %get3A_598 = arith.index_cast %get3A_597 : i32 to index
        %get3A_599 = arith.index_cast %add3A_566 : i32 to index
        %get3A_600 = arith.constant 80 : index
        %get3A_601 = tpu.vector_load %arg10[%get3A_598, %get3A_599, %get3A_600] {strides = array<i32>} : memref<4x100x128xf32, #tpu.memory_space<vmem>>, vector<16xf32>,
        %mul3A_602 = arith.mulf %get3A_226, %get3A_601 : vector<16xf32>
        %get3A_603 = arith.constant 1 : i32
        %get3A_604 = arith.index_cast %get3A_603 : i32 to index
        %get3A_605 = arith.index_cast %add3A_566 : i32 to index
        %get3A_606 = arith.constant 96 : index
        %get3A_607 = tpu.vector_load %arg10[%get3A_604, %get3A_605, %get3A_606] {strides = array<i32>} : memref<4x100x128xf32, #tpu.memory_space<vmem>>, vector<16xf32>,
        %mul3A_608 = arith.mulf %get3A_229, %get3A_607 : vector<16xf32>
        %get3A_609 = arith.constant 1 : i32
        %get3A_610 = arith.index_cast %get3A_609 : i32 to index
        %get3A_611 = arith.index_cast %add3A_566 : i32 to index
        %get3A_612 = arith.constant 112 : index
        %get3A_613 = tpu.vector_load %arg10[%get3A_610, %get3A_611, %get3A_612] {strides = array<i32>} : memref<4x100x128xf32, #tpu.memory_space<vmem>>, vector<16xf32>,
        %mul3A_614 = arith.mulf %get3A_232, %get3A_613 : vector<16xf32>
        %add3A_615 = arith.addf %mul3A_572, %mul3A_578 : vector<16xf32>
        %add3A_616 = arith.addf %mul3A_584, %mul3A_590 : vector<16xf32>
        %add3A_617 = arith.addf %add3A_615, %add3A_616 : vector<16xf32>
        %add3A_618 = arith.addf %mul3A_596, %mul3A_602 : vector<16xf32>
        %add3A_619 = arith.addf %mul3A_608, %mul3A_614 : vector<16xf32>
        %add3A_620 = arith.addf %add3A_618, %add3A_619 : vector<16xf32>
        %add3A_621 = arith.addf %add3A_617, %add3A_620 : vector<16xf32>
        %reduce_sum3A_622 = arith.constant true
        %reduce_sum3A_623 = vector.broadcast %reduce_sum3A_622 : i1 to vector<16xi1>
        %reduce_sum3A_624 = tpu.scan <sum>, %add3A_621 masked %reduce_sum3A_623 : vector<16xf32>, vector<16xi1> -> vector<16xf32>
        %reduce_sum3A_625 = vector.extract %reduce_sum3A_624[15] : f32 from vector<16xf32>
        %gt3A_626 = arith.cmpf ogt, %reduce_sum3A_625, %select_n3A_561 : f32
        %select_n3A_627 = arith.select %gt3A_626, %reduce_sum3A_625, %select_n3A_561 : f32
        %select_n3A_628 = arith.select %gt3A_626, %scan3A_564, %select_n3A_562 : i32
        %scan3A_629 = arith.constant 2 : i32
        %scan3A_630 = arith.addi %scan3A_498, %scan3A_629 : i32
        %add3A_631 = arith.constant 50 : i32
        %add3A_632 = arith.addi %add3A_631, %scan3A_630 : i32
        %get3A_633 = arith.constant 1 : i32
        %get3A_634 = arith.index_cast %get3A_633 : i32 to index
        %get3A_635 = arith.index_cast %add3A_632 : i32 to index
        %get3A_636 = arith.constant 0 : index
        %get3A_637 = tpu.vector_load %arg10[%get3A_634, %get3A_635, %get3A_636] {strides = array<i32>} : memref<4x100x128xf32, #tpu.memory_space<vmem>>, vector<16xf32>,
        %mul3A_638 = arith.mulf %get3A_211, %get3A_637 : vector<16xf32>
        %get3A_639 = arith.constant 1 : i32
        %get3A_640 = arith.index_cast %get3A_639 : i32 to index
        %get3A_641 = arith.index_cast %add3A_632 : i32 to index
        %get3A_642 = arith.constant 16 : index
        %get3A_643 = tpu.vector_load %arg10[%get3A_640, %get3A_641, %get3A_642] {strides = array<i32>} : memref<4x100x128xf32, #tpu.memory_space<vmem>>, vector<16xf32>,
        %mul3A_644 = arith.mulf %get3A_214, %get3A_643 : vector<16xf32>
        %get3A_645 = arith.constant 1 : i32
        %get3A_646 = arith.index_cast %get3A_645 : i32 to index
        %get3A_647 = arith.index_cast %add3A_632 : i32 to index
        %get3A_648 = arith.constant 32 : index
        %get3A_649 = tpu.vector_load %arg10[%get3A_646, %get3A_647, %get3A_648] {strides = array<i32>} : memref<4x100x128xf32, #tpu.memory_space<vmem>>, vector<16xf32>,
        %mul3A_650 = arith.mulf %get3A_217, %get3A_649 : vector<16xf32>
        %get3A_651 = arith.constant 1 : i32
        %get3A_652 = arith.index_cast %get3A_651 : i32 to index
        %get3A_653 = arith.index_cast %add3A_632 : i32 to index
        %get3A_654 = arith.constant 48 : index
        %get3A_655 = tpu.vector_load %arg10[%get3A_652, %get3A_653, %get3A_654] {strides = array<i32>} : memref<4x100x128xf32, #tpu.memory_space<vmem>>, vector<16xf32>,
        %mul3A_656 = arith.mulf %get3A_220, %get3A_655 : vector<16xf32>
        %get3A_657 = arith.constant 1 : i32
        %get3A_658 = arith.index_cast %get3A_657 : i32 to index
        %get3A_659 = arith.index_cast %add3A_632 : i32 to index
        %get3A_660 = arith.constant 64 : index
        %get3A_661 = tpu.vector_load %arg10[%get3A_658, %get3A_659, %get3A_660] {strides = array<i32>} : memref<4x100x128xf32, #tpu.memory_space<vmem>>, vector<16xf32>,
        %mul3A_662 = arith.mulf %get3A_223, %get3A_661 : vector<16xf32>
        %get3A_663 = arith.constant 1 : i32
        %get3A_664 = arith.index_cast %get3A_663 : i32 to index
        %get3A_665 = arith.index_cast %add3A_632 : i32 to index
        %get3A_666 = arith.constant 80 : index
        %get3A_667 = tpu.vector_load %arg10[%get3A_664, %get3A_665, %get3A_666] {strides = array<i32>} : memref<4x100x128xf32, #tpu.memory_space<vmem>>, vector<16xf32>,
        %mul3A_668 = arith.mulf %get3A_226, %get3A_667 : vector<16xf32>
        %get3A_669 = arith.constant 1 : i32
        %get3A_670 = arith.index_cast %get3A_669 : i32 to index
        %get3A_671 = arith.index_cast %add3A_632 : i32 to index
        %get3A_672 = arith.constant 96 : index
        %get3A_673 = tpu.vector_load %arg10[%get3A_670, %get3A_671, %get3A_672] {strides = array<i32>} : memref<4x100x128xf32, #tpu.memory_space<vmem>>, vector<16xf32>,
        %mul3A_674 = arith.mulf %get3A_229, %get3A_673 : vector<16xf32>
        %get3A_675 = arith.constant 1 : i32
        %get3A_676 = arith.index_cast %get3A_675 : i32 to index
        %get3A_677 = arith.index_cast %add3A_632 : i32 to index
        %get3A_678 = arith.constant 112 : index
        %get3A_679 = tpu.vector_load %arg10[%get3A_676, %get3A_677, %get3A_678] {strides = array<i32>} : memref<4x100x128xf32, #tpu.memory_space<vmem>>, vector<16xf32>,
        %mul3A_680 = arith.mulf %get3A_232, %get3A_679 : vector<16xf32>
        %add3A_681 = arith.addf %mul3A_638, %mul3A_644 : vector<16xf32>
        %add3A_682 = arith.addf %mul3A_650, %mul3A_656 : vector<16xf32>
        %add3A_683 = arith.addf %add3A_681, %add3A_682 : vector<16xf32>
        %add3A_684 = arith.addf %mul3A_662, %mul3A_668 : vector<16xf32>
        %add3A_685 = arith.addf %mul3A_674, %mul3A_680 : vector<16xf32>
        %add3A_686 = arith.addf %add3A_684, %add3A_685 : vector<16xf32>
        %add3A_687 = arith.addf %add3A_683, %add3A_686 : vector<16xf32>
        %reduce_sum3A_688 = arith.constant true
        %reduce_sum3A_689 = vector.broadcast %reduce_sum3A_688 : i1 to vector<16xi1>
        %reduce_sum3A_690 = tpu.scan <sum>, %add3A_687 masked %reduce_sum3A_689 : vector<16xf32>, vector<16xi1> -> vector<16xf32>
        %reduce_sum3A_691 = vector.extract %reduce_sum3A_690[15] : f32 from vector<16xf32>
        %gt3A_692 = arith.cmpf ogt, %reduce_sum3A_691, %select_n3A_627 : f32
        %select_n3A_693 = arith.select %gt3A_692, %reduce_sum3A_691, %select_n3A_627 : f32
        %select_n3A_694 = arith.select %gt3A_692, %scan3A_630, %select_n3A_628 : i32
        %scan3A_695 = arith.constant 3 : i32
        %scan3A_696 = arith.addi %scan3A_498, %scan3A_695 : i32
        %add3A_697 = arith.constant 50 : i32
        %add3A_698 = arith.addi %add3A_697, %scan3A_696 : i32
        %get3A_699 = arith.constant 1 : i32
        %get3A_700 = arith.index_cast %get3A_699 : i32 to index
        %get3A_701 = arith.index_cast %add3A_698 : i32 to index
        %get3A_702 = arith.constant 0 : index
        %get3A_703 = tpu.vector_load %arg10[%get3A_700, %get3A_701, %get3A_702] {strides = array<i32>} : memref<4x100x128xf32, #tpu.memory_space<vmem>>, vector<16xf32>,
        %mul3A_704 = arith.mulf %get3A_211, %get3A_703 : vector<16xf32>
        %get3A_705 = arith.constant 1 : i32
        %get3A_706 = arith.index_cast %get3A_705 : i32 to index
        %get3A_707 = arith.index_cast %add3A_698 : i32 to index
        %get3A_708 = arith.constant 16 : index
        %get3A_709 = tpu.vector_load %arg10[%get3A_706, %get3A_707, %get3A_708] {strides = array<i32>} : memref<4x100x128xf32, #tpu.memory_space<vmem>>, vector<16xf32>,
        %mul3A_710 = arith.mulf %get3A_214, %get3A_709 : vector<16xf32>
        %get3A_711 = arith.constant 1 : i32
        %get3A_712 = arith.index_cast %get3A_711 : i32 to index
        %get3A_713 = arith.index_cast %add3A_698 : i32 to index
        %get3A_714 = arith.constant 32 : index
        %get3A_715 = tpu.vector_load %arg10[%get3A_712, %get3A_713, %get3A_714] {strides = array<i32>} : memref<4x100x128xf32, #tpu.memory_space<vmem>>, vector<16xf32>,
        %mul3A_716 = arith.mulf %get3A_217, %get3A_715 : vector<16xf32>
        %get3A_717 = arith.constant 1 : i32
        %get3A_718 = arith.index_cast %get3A_717 : i32 to index
        %get3A_719 = arith.index_cast %add3A_698 : i32 to index
        %get3A_720 = arith.constant 48 : index
        %get3A_721 = tpu.vector_load %arg10[%get3A_718, %get3A_719, %get3A_720] {strides = array<i32>} : memref<4x100x128xf32, #tpu.memory_space<vmem>>, vector<16xf32>,
        %mul3A_722 = arith.mulf %get3A_220, %get3A_721 : vector<16xf32>
        %get3A_723 = arith.constant 1 : i32
        %get3A_724 = arith.index_cast %get3A_723 : i32 to index
        %get3A_725 = arith.index_cast %add3A_698 : i32 to index
        %get3A_726 = arith.constant 64 : index
        %get3A_727 = tpu.vector_load %arg10[%get3A_724, %get3A_725, %get3A_726] {strides = array<i32>} : memref<4x100x128xf32, #tpu.memory_space<vmem>>, vector<16xf32>,
        %mul3A_728 = arith.mulf %get3A_223, %get3A_727 : vector<16xf32>
        %get3A_729 = arith.constant 1 : i32
        %get3A_730 = arith.index_cast %get3A_729 : i32 to index
        %get3A_731 = arith.index_cast %add3A_698 : i32 to index
        %get3A_732 = arith.constant 80 : index
        %get3A_733 = tpu.vector_load %arg10[%get3A_730, %get3A_731, %get3A_732] {strides = array<i32>} : memref<4x100x128xf32, #tpu.memory_space<vmem>>, vector<16xf32>,
        %mul3A_734 = arith.mulf %get3A_226, %get3A_733 : vector<16xf32>
        %get3A_735 = arith.constant 1 : i32
        %get3A_736 = arith.index_cast %get3A_735 : i32 to index
        %get3A_737 = arith.index_cast %add3A_698 : i32 to index
        %get3A_738 = arith.constant 96 : index
        %get3A_739 = tpu.vector_load %arg10[%get3A_736, %get3A_737, %get3A_738] {strides = array<i32>} : memref<4x100x128xf32, #tpu.memory_space<vmem>>, vector<16xf32>,
        %mul3A_740 = arith.mulf %get3A_229, %get3A_739 : vector<16xf32>
        %get3A_741 = arith.constant 1 : i32
        %get3A_742 = arith.index_cast %get3A_741 : i32 to index
        %get3A_743 = arith.index_cast %add3A_698 : i32 to index
        %get3A_744 = arith.constant 112 : index
        %get3A_745 = tpu.vector_load %arg10[%get3A_742, %get3A_743, %get3A_744] {strides = array<i32>} : memref<4x100x128xf32, #tpu.memory_space<vmem>>, vector<16xf32>,
        %mul3A_746 = arith.mulf %get3A_232, %get3A_745 : vector<16xf32>
        %add3A_747 = arith.addf %mul3A_704, %mul3A_710 : vector<16xf32>
        %add3A_748 = arith.addf %mul3A_716, %mul3A_722 : vector<16xf32>
        %add3A_749 = arith.addf %add3A_747, %add3A_748 : vector<16xf32>
        %add3A_750 = arith.addf %mul3A_728, %mul3A_734 : vector<16xf32>
        %add3A_751 = arith.addf %mul3A_740, %mul3A_746 : vector<16xf32>
        %add3A_752 = arith.addf %add3A_750, %add3A_751 : vector<16xf32>
        %add3A_753 = arith.addf %add3A_749, %add3A_752 : vector<16xf32>
        %reduce_sum3A_754 = arith.constant true
        %reduce_sum3A_755 = vector.broadcast %reduce_sum3A_754 : i1 to vector<16xi1>
        %reduce_sum3A_756 = tpu.scan <sum>, %add3A_753 masked %reduce_sum3A_755 : vector<16xf32>, vector<16xi1> -> vector<16xf32>
        %reduce_sum3A_757 = vector.extract %reduce_sum3A_756[15] : f32 from vector<16xf32>
        %gt3A_758 = arith.cmpf ogt, %reduce_sum3A_757, %select_n3A_693 : f32
        %select_n3A_759 = arith.select %gt3A_758, %reduce_sum3A_757, %select_n3A_693 : f32
        %select_n3A_760 = arith.select %gt3A_758, %scan3A_696, %select_n3A_694 : i32
        %scan3A_761 = arith.constant 4 : i32
        %scan3A_762 = arith.addi %scan3A_498, %scan3A_761 : i32
        %add3A_763 = arith.constant 50 : i32
        %add3A_764 = arith.addi %add3A_763, %scan3A_762 : i32
        %get3A_765 = arith.constant 1 : i32
        %get3A_766 = arith.index_cast %get3A_765 : i32 to index
        %get3A_767 = arith.index_cast %add3A_764 : i32 to index
        %get3A_768 = arith.constant 0 : index
        %get3A_769 = tpu.vector_load %arg10[%get3A_766, %get3A_767, %get3A_768] {strides = array<i32>} : memref<4x100x128xf32, #tpu.memory_space<vmem>>, vector<16xf32>,
        %mul3A_770 = arith.mulf %get3A_211, %get3A_769 : vector<16xf32>
        %get3A_771 = arith.constant 1 : i32
        %get3A_772 = arith.index_cast %get3A_771 : i32 to index
        %get3A_773 = arith.index_cast %add3A_764 : i32 to index
        %get3A_774 = arith.constant 16 : index
        %get3A_775 = tpu.vector_load %arg10[%get3A_772, %get3A_773, %get3A_774] {strides = array<i32>} : memref<4x100x128xf32, #tpu.memory_space<vmem>>, vector<16xf32>,
        %mul3A_776 = arith.mulf %get3A_214, %get3A_775 : vector<16xf32>
        %get3A_777 = arith.constant 1 : i32
        %get3A_778 = arith.index_cast %get3A_777 : i32 to index
        %get3A_779 = arith.index_cast %add3A_764 : i32 to index
        %get3A_780 = arith.constant 32 : index
        %get3A_781 = tpu.vector_load %arg10[%get3A_778, %get3A_779, %get3A_780] {strides = array<i32>} : memref<4x100x128xf32, #tpu.memory_space<vmem>>, vector<16xf32>,
        %mul3A_782 = arith.mulf %get3A_217, %get3A_781 : vector<16xf32>
        %get3A_783 = arith.constant 1 : i32
        %get3A_784 = arith.index_cast %get3A_783 : i32 to index
        %get3A_785 = arith.index_cast %add3A_764 : i32 to index
        %get3A_786 = arith.constant 48 : index
        %get3A_787 = tpu.vector_load %arg10[%get3A_784, %get3A_785, %get3A_786] {strides = array<i32>} : memref<4x100x128xf32, #tpu.memory_space<vmem>>, vector<16xf32>,
        %mul3A_788 = arith.mulf %get3A_220, %get3A_787 : vector<16xf32>
        %get3A_789 = arith.constant 1 : i32
        %get3A_790 = arith.index_cast %get3A_789 : i32 to index
        %get3A_791 = arith.index_cast %add3A_764 : i32 to index
        %get3A_792 = arith.constant 64 : index
        %get3A_793 = tpu.vector_load %arg10[%get3A_790, %get3A_791, %get3A_792] {strides = array<i32>} : memref<4x100x128xf32, #tpu.memory_space<vmem>>, vector<16xf32>,
        %mul3A_794 = arith.mulf %get3A_223, %get3A_793 : vector<16xf32>
        %get3A_795 = arith.constant 1 : i32
        %get3A_796 = arith.index_cast %get3A_795 : i32 to index
        %get3A_797 = arith.index_cast %add3A_764 : i32 to index
        %get3A_798 = arith.constant 80 : index
        %get3A_799 = tpu.vector_load %arg10[%get3A_796, %get3A_797, %get3A_798] {strides = array<i32>} : memref<4x100x128xf32, #tpu.memory_space<vmem>>, vector<16xf32>,
        %mul3A_800 = arith.mulf %get3A_226, %get3A_799 : vector<16xf32>
        %get3A_801 = arith.constant 1 : i32
        %get3A_802 = arith.index_cast %get3A_801 : i32 to index
        %get3A_803 = arith.index_cast %add3A_764 : i32 to index
        %get3A_804 = arith.constant 96 : index
        %get3A_805 = tpu.vector_load %arg10[%get3A_802, %get3A_803, %get3A_804] {strides = array<i32>} : memref<4x100x128xf32, #tpu.memory_space<vmem>>, vector<16xf32>,
        %mul3A_806 = arith.mulf %get3A_229, %get3A_805 : vector<16xf32>
        %get3A_807 = arith.constant 1 : i32
        %get3A_808 = arith.index_cast %get3A_807 : i32 to index
        %get3A_809 = arith.index_cast %add3A_764 : i32 to index
        %get3A_810 = arith.constant 112 : index
        %get3A_811 = tpu.vector_load %arg10[%get3A_808, %get3A_809, %get3A_810] {strides = array<i32>} : memref<4x100x128xf32, #tpu.memory_space<vmem>>, vector<16xf32>,
        %mul3A_812 = arith.mulf %get3A_232, %get3A_811 : vector<16xf32>
        %add3A_813 = arith.addf %mul3A_770, %mul3A_776 : vector<16xf32>
        %add3A_814 = arith.addf %mul3A_782, %mul3A_788 : vector<16xf32>
        %add3A_815 = arith.addf %add3A_813, %add3A_814 : vector<16xf32>
        %add3A_816 = arith.addf %mul3A_794, %mul3A_800 : vector<16xf32>
        %add3A_817 = arith.addf %mul3A_806, %mul3A_812 : vector<16xf32>
        %add3A_818 = arith.addf %add3A_816, %add3A_817 : vector<16xf32>
        %add3A_819 = arith.addf %add3A_815, %add3A_818 : vector<16xf32>
        %reduce_sum3A_820 = arith.constant true
        %reduce_sum3A_821 = vector.broadcast %reduce_sum3A_820 : i1 to vector<16xi1>
        %reduce_sum3A_822 = tpu.scan <sum>, %add3A_819 masked %reduce_sum3A_821 : vector<16xf32>, vector<16xi1> -> vector<16xf32>
        %reduce_sum3A_823 = vector.extract %reduce_sum3A_822[15] : f32 from vector<16xf32>
        %gt3A_824 = arith.cmpf ogt, %reduce_sum3A_823, %select_n3A_759 : f32
        %select_n3A_825 = arith.select %gt3A_824, %reduce_sum3A_823, %select_n3A_759 : f32
        %select_n3A_826 = arith.select %gt3A_824, %scan3A_762, %select_n3A_760 : i32
        scf.yield %select_n3A_825, %select_n3A_826 : f32, i32
      }
      %scan3A_263 = arith.constant 50 : i32
      %broadcast_in_dim3A_264 = vector.broadcast %scan3A_262#1 : i32 to vector<16xi32>
      %add3A_265 = arith.constant 50 : i32
      %add3A_266 = vector.broadcast %add3A_265 : i32 to vector<16xi32>
      %add3A_267 = arith.addi %broadcast_in_dim3A_264, %add3A_266 : vector<16xi32>
      %broadcast_in_dim3A_268 = vector.broadcast %add3A_171 : i32 to vector<16xi32>
      %gather3A_269 = tpu.vector_load_idx %arg7[%broadcast_in_dim3A_268, %add3A_267] : memref<128x100xi32, #tpu.memory_space<vmem>>[vector<16xi32>, vector<16xi32>], vector<16xi32>,
      %broadcast_in_dim3A_270 = vector.broadcast %add3A_255 : i32 to vector<16xi32>
      tpu.vector_store_idx %arg11[%broadcast_in_dim3A_270], %gather3A_269 masked %eq3A_61 : memref<256xi32, #tpu.memory_space<vmem>>[vector<16xi32>], vector<16xi32>, vector<16xi1>
      %add3A_271 = arith.constant 4 : i32
      %add3A_272 = arith.addi %add3A_171, %add3A_271 : i32
      %lt3A_273 = arith.constant 128 : i32
      %lt3A_274 = arith.cmpi slt, %add3A_272, %lt3A_273 : i32
      %convert_element_type3A_275 = arith.extui %lt3A_274 : i1 to i32
      %cond3A_276 = arith.constant 0 : i32
      %cond3A_277 = arith.cmpi ne, %convert_element_type3A_275, %cond3A_276 : i32
      scf.if %cond3A_277 {
        %add3A_498 = arith.constant 4 : i32
        %add3A_499 = arith.addi %add3A_171, %add3A_498 : i32
        %dma_start3A_500 = arith.constant 1 : i32
        %dma_start3A_501 = arith.constant 0 : i32
        %dma_start3A_502 = arith.constant 0 : i32
        %dma_start3A_503 = tpu.memref_slice %arg10[%dma_start3A_500, %dma_start3A_501, %dma_start3A_502] : memref<4x100x128xf32, #tpu.memory_space<vmem>> -> memref<1x100x128xf32, #tpu.memory_space<vmem>>
        %dma_start3A_504 = tpu.memref_squeeze %dma_start3A_503 : memref<1x100x128xf32, #tpu.memory_space<vmem>> -> memref<100x128xf32, #tpu.memory_space<vmem>>
        %dma_start3A_505 = arith.constant 0 : i32
        %dma_start3A_506 = tpu.memref_slice %arg7[%add3A_499, %dma_start3A_505] : memref<128x100xi32, #tpu.memory_space<vmem>> -> memref<1x100xi32, #tpu.memory_space<vmem>>
        %dma_start3A_507 = tpu.memref_squeeze %dma_start3A_506 : memref<1x100xi32, #tpu.memory_space<vmem>> -> memref<100xi32, #tpu.memory_space<vmem>>
        %dma_start3A_508 = arith.constant 0 : i32
        %dma_start3A_509 = arith.constant 0 : i32
        %dma_start3A_510 = tpu.memref_slice %arg4[%dma_start3A_508, %dma_start3A_509] : memref<100000x128xf32, #tpu.memory_space<hbm>> -> memref<100000x128xf32, #tpu.memory_space<hbm>>
        tpu.enqueue_indirect_dma source(%dma_start3A_510 : memref<100000x128xf32, #tpu.memory_space<hbm>>) target(%dma_start3A_504 : memref<100x128xf32, #tpu.memory_space<vmem>>) offsets(%dma_start3A_507 : memref<100xi32, #tpu.memory_space<vmem>>) semaphore(%arg14 : memref<!tpu.dma_semaphore, #tpu.memory_space<semaphore_mem>>)
      } else {
      }
      %mul3A_278 = arith.constant 4 : i32
      %mul3A_279 = arith.muli %scan3A_71, %mul3A_278 : i32
      %add3A_280 = arith.constant 2 : i32
      %add3A_281 = arith.addi %mul3A_279, %add3A_280 : i32
      %dma_wait3A_282 = arith.constant 2 : i32
      %dma_wait3A_283 = arith.constant 0 : i32
      %dma_wait3A_284 = arith.constant 0 : i32
      %dma_wait3A_285 = tpu.memref_slice %arg10[%dma_wait3A_282, %dma_wait3A_283, %dma_wait3A_284] : memref<4x100x128xf32, #tpu.memory_space<vmem>> -> memref<1x100x128xf32, #tpu.memory_space<vmem>>
      %dma_wait3A_286 = tpu.memref_squeeze %dma_wait3A_285 : memref<1x100x128xf32, #tpu.memory_space<vmem>> -> memref<100x128xf32, #tpu.memory_space<vmem>>
      %dma_wait3A_287 = arith.constant 0 : i32
      %dma_wait3A_288 = tpu.memref_slice %arg7[%add3A_281, %dma_wait3A_287] : memref<128x100xi32, #tpu.memory_space<vmem>> -> memref<1x100xi32, #tpu.memory_space<vmem>>
      %dma_wait3A_289 = tpu.memref_squeeze %dma_wait3A_288 : memref<1x100xi32, #tpu.memory_space<vmem>> -> memref<100xi32, #tpu.memory_space<vmem>>
      %dma_wait3A_290 = arith.constant 0 : i32
      %dma_wait3A_291 = arith.constant 0 : i32
      %dma_wait3A_292 = tpu.memref_slice %arg4[%dma_wait3A_290, %dma_wait3A_291] : memref<100000x128xf32, #tpu.memory_space<hbm>> -> memref<100000x128xf32, #tpu.memory_space<hbm>>
      tpu.wait_indirect_dma semaphore(%arg15 : memref<!tpu.dma_semaphore, #tpu.memory_space<semaphore_mem>>) src(%dma_wait3A_292 : memref<100000x128xf32, #tpu.memory_space<hbm>>) dst(%dma_wait3A_286 : memref<100x128xf32, #tpu.memory_space<vmem>>)
      %mul3A_293 = arith.constant 2 : i32
      %mul3A_294 = arith.muli %add3A_281, %mul3A_293 : i32
      %jit3A_295 = arith.constant 8 : i32
      %div3A_296 = arith.divsi %mul3A_294, %jit3A_295 : i32
      %sign3A_297 = arith.constant 0 : i32
      %sign3A_298 = arith.cmpi sgt, %mul3A_294, %sign3A_297 : i32
      %sign3A_299 = arith.extui %sign3A_298 : i1 to i32
      %sign3A_300 = arith.constant 0 : i32
      %sign3A_301 = arith.cmpi slt, %mul3A_294, %sign3A_300 : i32
      %sign3A_302 = arith.extui %sign3A_301 : i1 to i32
      %sign3A_303 = arith.subi %sign3A_299, %sign3A_302 : i32
      %sign3A_304 = arith.constant 0 : i32
      %sign3A_305 = arith.cmpi sgt, %jit3A_295, %sign3A_304 : i32
      %sign3A_306 = arith.extui %sign3A_305 : i1 to i32
      %sign3A_307 = arith.constant 0 : i32
      %sign3A_308 = arith.cmpi slt, %jit3A_295, %sign3A_307 : i32
      %sign3A_309 = arith.extui %sign3A_308 : i1 to i32
      %sign3A_310 = arith.subi %sign3A_306, %sign3A_309 : i32
      %ne3A_311 = arith.cmpi ne, %sign3A_303, %sign3A_310 : i32
      %rem3A_312 = arith.remsi %mul3A_294, %jit3A_295 : i32
      %ne3A_313 = arith.constant 0 : i32
      %ne3A_314 = arith.cmpi ne, %rem3A_312, %ne3A_313 : i32
      %and3A_315 = arith.andi %ne3A_311, %ne3A_314 : i1
      %sub3A_316 = arith.constant 1 : i32
      %sub3A_317 = arith.subi %div3A_296, %sub3A_316 : i32
      %select_n3A_318 = arith.select %and3A_315, %sub3A_317, %div3A_296 : i32
      %get3A_319 = arith.index_cast %select_n3A_318 : i32 to index
      %get3A_320 = arith.constant 0 : index
      %get3A_321 = tpu.vector_load %arg9[%get3A_319, %get3A_320] {strides = array<i32>} : memref<32x128xf32, #tpu.memory_space<vmem>>, vector<16xf32>,
      %get3A_322 = arith.index_cast %select_n3A_318 : i32 to index
      %get3A_323 = arith.constant 16 : index
      %get3A_324 = tpu.vector_load %arg9[%get3A_322, %get3A_323] {strides = array<i32>} : memref<32x128xf32, #tpu.memory_space<vmem>>, vector<16xf32>,
      %get3A_325 = arith.index_cast %select_n3A_318 : i32 to index
      %get3A_326 = arith.constant 32 : index
      %get3A_327 = tpu.vector_load %arg9[%get3A_325, %get3A_326] {strides = array<i32>} : memref<32x128xf32, #tpu.memory_space<vmem>>, vector<16xf32>,
      %get3A_328 = arith.index_cast %select_n3A_318 : i32 to index
      %get3A_329 = arith.constant 48 : index
      %get3A_330 = tpu.vector_load %arg9[%get3A_328, %get3A_329] {strides = array<i32>} : memref<32x128xf32, #tpu.memory_space<vmem>>, vector<16xf32>,
      %get3A_331 = arith.index_cast %select_n3A_318 : i32 to index
      %get3A_332 = arith.constant 64 : index
      %get3A_333 = tpu.vector_load %arg9[%get3A_331, %get3A_332] {strides = array<i32>} : memref<32x128xf32, #tpu.memory_space<vmem>>, vector<16xf32>,
      %get3A_334 = arith.index_cast %select_n3A_318 : i32 to index
      %get3A_335 = arith.constant 80 : index
      %get3A_336 = tpu.vector_load %arg9[%get3A_334, %get3A_335] {strides = array<i32>} : memref<32x128xf32, #tpu.memory_space<vmem>>, vector<16xf32>,
      %get3A_337 = arith.index_cast %select_n3A_318 : i32 to index
      %get3A_338 = arith.constant 96 : index
      %get3A_339 = tpu.vector_load %arg9[%get3A_337, %get3A_338] {strides = array<i32>} : memref<32x128xf32, #tpu.memory_space<vmem>>, vector<16xf32>,
      %get3A_340 = arith.index_cast %select_n3A_318 : i32 to index
      %get3A_341 = arith.constant 112 : index
      %get3A_342 = tpu.vector_load %arg9[%get3A_340, %get3A_341] {strides = array<i32>} : memref<32x128xf32, #tpu.memory_space<vmem>>, vector<16xf32>,
      %mul3A_343 = arith.constant 2 : i32
      %mul3A_344 = arith.muli %add3A_281, %mul3A_343 : i32
      %add3A_345 = arith.constant 0 : i32
      %add3A_346 = arith.addi %mul3A_344, %add3A_345 : i32
      %scan3A_347 = arith.constant 0xFF800000 : f32
      %scan3A_348 = arith.constant 0 : i32
      %scan3A_349 = arith.constant 0 : i32
      %scan3A_350 = arith.constant 50 : i32
      %scan3A_351 = arith.addi %scan3A_349, %scan3A_350 : i32
      %scan3A_352 = arith.constant 5 : i32
      %scan3A_353:2 = scf.for %scan3A_498 = %scan3A_349 to %scan3A_351 step %scan3A_352 iter_args(%scan3A_499 = %scan3A_347, %scan3A_500 = %scan3A_348) -> (f32, i32)  : i32 {
        %add3A_501 = arith.constant 0 : i32
        %add3A_502 = arith.addi %add3A_501, %scan3A_498 : i32
        %get3A_503 = arith.constant 2 : i32
        %get3A_504 = arith.index_cast %get3A_503 : i32 to index
        %get3A_505 = arith.index_cast %add3A_502 : i32 to index
        %get3A_506 = arith.constant 0 : index
        %get3A_507 = tpu.vector_load %arg10[%get3A_504, %get3A_505, %get3A_506] {strides = array<i32>} : memref<4x100x128xf32, #tpu.memory_space<vmem>>, vector<16xf32>,
        %mul3A_508 = arith.mulf %get3A_321, %get3A_507 : vector<16xf32>
        %get3A_509 = arith.constant 2 : i32
        %get3A_510 = arith.index_cast %get3A_509 : i32 to index
        %get3A_511 = arith.index_cast %add3A_502 : i32 to index
        %get3A_512 = arith.constant 16 : index
        %get3A_513 = tpu.vector_load %arg10[%get3A_510, %get3A_511, %get3A_512] {strides = array<i32>} : memref<4x100x128xf32, #tpu.memory_space<vmem>>, vector<16xf32>,
        %mul3A_514 = arith.mulf %get3A_324, %get3A_513 : vector<16xf32>
        %get3A_515 = arith.constant 2 : i32
        %get3A_516 = arith.index_cast %get3A_515 : i32 to index
        %get3A_517 = arith.index_cast %add3A_502 : i32 to index
        %get3A_518 = arith.constant 32 : index
        %get3A_519 = tpu.vector_load %arg10[%get3A_516, %get3A_517, %get3A_518] {strides = array<i32>} : memref<4x100x128xf32, #tpu.memory_space<vmem>>, vector<16xf32>,
        %mul3A_520 = arith.mulf %get3A_327, %get3A_519 : vector<16xf32>
        %get3A_521 = arith.constant 2 : i32
        %get3A_522 = arith.index_cast %get3A_521 : i32 to index
        %get3A_523 = arith.index_cast %add3A_502 : i32 to index
        %get3A_524 = arith.constant 48 : index
        %get3A_525 = tpu.vector_load %arg10[%get3A_522, %get3A_523, %get3A_524] {strides = array<i32>} : memref<4x100x128xf32, #tpu.memory_space<vmem>>, vector<16xf32>,
        %mul3A_526 = arith.mulf %get3A_330, %get3A_525 : vector<16xf32>
        %get3A_527 = arith.constant 2 : i32
        %get3A_528 = arith.index_cast %get3A_527 : i32 to index
        %get3A_529 = arith.index_cast %add3A_502 : i32 to index
        %get3A_530 = arith.constant 64 : index
        %get3A_531 = tpu.vector_load %arg10[%get3A_528, %get3A_529, %get3A_530] {strides = array<i32>} : memref<4x100x128xf32, #tpu.memory_space<vmem>>, vector<16xf32>,
        %mul3A_532 = arith.mulf %get3A_333, %get3A_531 : vector<16xf32>
        %get3A_533 = arith.constant 2 : i32
        %get3A_534 = arith.index_cast %get3A_533 : i32 to index
        %get3A_535 = arith.index_cast %add3A_502 : i32 to index
        %get3A_536 = arith.constant 80 : index
        %get3A_537 = tpu.vector_load %arg10[%get3A_534, %get3A_535, %get3A_536] {strides = array<i32>} : memref<4x100x128xf32, #tpu.memory_space<vmem>>, vector<16xf32>,
        %mul3A_538 = arith.mulf %get3A_336, %get3A_537 : vector<16xf32>
        %get3A_539 = arith.constant 2 : i32
        %get3A_540 = arith.index_cast %get3A_539 : i32 to index
        %get3A_541 = arith.index_cast %add3A_502 : i32 to index
        %get3A_542 = arith.constant 96 : index
        %get3A_543 = tpu.vector_load %arg10[%get3A_540, %get3A_541, %get3A_542] {strides = array<i32>} : memref<4x100x128xf32, #tpu.memory_space<vmem>>, vector<16xf32>,
        %mul3A_544 = arith.mulf %get3A_339, %get3A_543 : vector<16xf32>
        %get3A_545 = arith.constant 2 : i32
        %get3A_546 = arith.index_cast %get3A_545 : i32 to index
        %get3A_547 = arith.index_cast %add3A_502 : i32 to index
        %get3A_548 = arith.constant 112 : index
        %get3A_549 = tpu.vector_load %arg10[%get3A_546, %get3A_547, %get3A_548] {strides = array<i32>} : memref<4x100x128xf32, #tpu.memory_space<vmem>>, vector<16xf32>,
        %mul3A_550 = arith.mulf %get3A_342, %get3A_549 : vector<16xf32>
        %add3A_551 = arith.addf %mul3A_508, %mul3A_514 : vector<16xf32>
        %add3A_552 = arith.addf %mul3A_520, %mul3A_526 : vector<16xf32>
        %add3A_553 = arith.addf %add3A_551, %add3A_552 : vector<16xf32>
        %add3A_554 = arith.addf %mul3A_532, %mul3A_538 : vector<16xf32>
        %add3A_555 = arith.addf %mul3A_544, %mul3A_550 : vector<16xf32>
        %add3A_556 = arith.addf %add3A_554, %add3A_555 : vector<16xf32>
        %add3A_557 = arith.addf %add3A_553, %add3A_556 : vector<16xf32>
        %reduce_sum3A = arith.constant true
        %reduce_sum3A_558 = vector.broadcast %reduce_sum3A : i1 to vector<16xi1>
        %reduce_sum3A_559 = tpu.scan <sum>, %add3A_557 masked %reduce_sum3A_558 : vector<16xf32>, vector<16xi1> -> vector<16xf32>
        %reduce_sum3A_560 = vector.extract %reduce_sum3A_559[15] : f32 from vector<16xf32>
        %gt3A = arith.cmpf ogt, %reduce_sum3A_560, %scan3A_499 : f32
        %select_n3A_561 = arith.select %gt3A, %reduce_sum3A_560, %scan3A_499 : f32
        %select_n3A_562 = arith.select %gt3A, %scan3A_498, %scan3A_500 : i32
        %scan3A_563 = arith.constant 1 : i32
        %scan3A_564 = arith.addi %scan3A_498, %scan3A_563 : i32
        %add3A_565 = arith.constant 0 : i32
        %add3A_566 = arith.addi %add3A_565, %scan3A_564 : i32
        %get3A_567 = arith.constant 2 : i32
        %get3A_568 = arith.index_cast %get3A_567 : i32 to index
        %get3A_569 = arith.index_cast %add3A_566 : i32 to index
        %get3A_570 = arith.constant 0 : index
        %get3A_571 = tpu.vector_load %arg10[%get3A_568, %get3A_569, %get3A_570] {strides = array<i32>} : memref<4x100x128xf32, #tpu.memory_space<vmem>>, vector<16xf32>,
        %mul3A_572 = arith.mulf %get3A_321, %get3A_571 : vector<16xf32>
        %get3A_573 = arith.constant 2 : i32
        %get3A_574 = arith.index_cast %get3A_573 : i32 to index
        %get3A_575 = arith.index_cast %add3A_566 : i32 to index
        %get3A_576 = arith.constant 16 : index
        %get3A_577 = tpu.vector_load %arg10[%get3A_574, %get3A_575, %get3A_576] {strides = array<i32>} : memref<4x100x128xf32, #tpu.memory_space<vmem>>, vector<16xf32>,
        %mul3A_578 = arith.mulf %get3A_324, %get3A_577 : vector<16xf32>
        %get3A_579 = arith.constant 2 : i32
        %get3A_580 = arith.index_cast %get3A_579 : i32 to index
        %get3A_581 = arith.index_cast %add3A_566 : i32 to index
        %get3A_582 = arith.constant 32 : index
        %get3A_583 = tpu.vector_load %arg10[%get3A_580, %get3A_581, %get3A_582] {strides = array<i32>} : memref<4x100x128xf32, #tpu.memory_space<vmem>>, vector<16xf32>,
        %mul3A_584 = arith.mulf %get3A_327, %get3A_583 : vector<16xf32>
        %get3A_585 = arith.constant 2 : i32
        %get3A_586 = arith.index_cast %get3A_585 : i32 to index
        %get3A_587 = arith.index_cast %add3A_566 : i32 to index
        %get3A_588 = arith.constant 48 : index
        %get3A_589 = tpu.vector_load %arg10[%get3A_586, %get3A_587, %get3A_588] {strides = array<i32>} : memref<4x100x128xf32, #tpu.memory_space<vmem>>, vector<16xf32>,
        %mul3A_590 = arith.mulf %get3A_330, %get3A_589 : vector<16xf32>
        %get3A_591 = arith.constant 2 : i32
        %get3A_592 = arith.index_cast %get3A_591 : i32 to index
        %get3A_593 = arith.index_cast %add3A_566 : i32 to index
        %get3A_594 = arith.constant 64 : index
        %get3A_595 = tpu.vector_load %arg10[%get3A_592, %get3A_593, %get3A_594] {strides = array<i32>} : memref<4x100x128xf32, #tpu.memory_space<vmem>>, vector<16xf32>,
        %mul3A_596 = arith.mulf %get3A_333, %get3A_595 : vector<16xf32>
        %get3A_597 = arith.constant 2 : i32
        %get3A_598 = arith.index_cast %get3A_597 : i32 to index
        %get3A_599 = arith.index_cast %add3A_566 : i32 to index
        %get3A_600 = arith.constant 80 : index
        %get3A_601 = tpu.vector_load %arg10[%get3A_598, %get3A_599, %get3A_600] {strides = array<i32>} : memref<4x100x128xf32, #tpu.memory_space<vmem>>, vector<16xf32>,
        %mul3A_602 = arith.mulf %get3A_336, %get3A_601 : vector<16xf32>
        %get3A_603 = arith.constant 2 : i32
        %get3A_604 = arith.index_cast %get3A_603 : i32 to index
        %get3A_605 = arith.index_cast %add3A_566 : i32 to index
        %get3A_606 = arith.constant 96 : index
        %get3A_607 = tpu.vector_load %arg10[%get3A_604, %get3A_605, %get3A_606] {strides = array<i32>} : memref<4x100x128xf32, #tpu.memory_space<vmem>>, vector<16xf32>,
        %mul3A_608 = arith.mulf %get3A_339, %get3A_607 : vector<16xf32>
        %get3A_609 = arith.constant 2 : i32
        %get3A_610 = arith.index_cast %get3A_609 : i32 to index
        %get3A_611 = arith.index_cast %add3A_566 : i32 to index
        %get3A_612 = arith.constant 112 : index
        %get3A_613 = tpu.vector_load %arg10[%get3A_610, %get3A_611, %get3A_612] {strides = array<i32>} : memref<4x100x128xf32, #tpu.memory_space<vmem>>, vector<16xf32>,
        %mul3A_614 = arith.mulf %get3A_342, %get3A_613 : vector<16xf32>
        %add3A_615 = arith.addf %mul3A_572, %mul3A_578 : vector<16xf32>
        %add3A_616 = arith.addf %mul3A_584, %mul3A_590 : vector<16xf32>
        %add3A_617 = arith.addf %add3A_615, %add3A_616 : vector<16xf32>
        %add3A_618 = arith.addf %mul3A_596, %mul3A_602 : vector<16xf32>
        %add3A_619 = arith.addf %mul3A_608, %mul3A_614 : vector<16xf32>
        %add3A_620 = arith.addf %add3A_618, %add3A_619 : vector<16xf32>
        %add3A_621 = arith.addf %add3A_617, %add3A_620 : vector<16xf32>
        %reduce_sum3A_622 = arith.constant true
        %reduce_sum3A_623 = vector.broadcast %reduce_sum3A_622 : i1 to vector<16xi1>
        %reduce_sum3A_624 = tpu.scan <sum>, %add3A_621 masked %reduce_sum3A_623 : vector<16xf32>, vector<16xi1> -> vector<16xf32>
        %reduce_sum3A_625 = vector.extract %reduce_sum3A_624[15] : f32 from vector<16xf32>
        %gt3A_626 = arith.cmpf ogt, %reduce_sum3A_625, %select_n3A_561 : f32
        %select_n3A_627 = arith.select %gt3A_626, %reduce_sum3A_625, %select_n3A_561 : f32
        %select_n3A_628 = arith.select %gt3A_626, %scan3A_564, %select_n3A_562 : i32
        %scan3A_629 = arith.constant 2 : i32
        %scan3A_630 = arith.addi %scan3A_498, %scan3A_629 : i32
        %add3A_631 = arith.constant 0 : i32
        %add3A_632 = arith.addi %add3A_631, %scan3A_630 : i32
        %get3A_633 = arith.constant 2 : i32
        %get3A_634 = arith.index_cast %get3A_633 : i32 to index
        %get3A_635 = arith.index_cast %add3A_632 : i32 to index
        %get3A_636 = arith.constant 0 : index
        %get3A_637 = tpu.vector_load %arg10[%get3A_634, %get3A_635, %get3A_636] {strides = array<i32>} : memref<4x100x128xf32, #tpu.memory_space<vmem>>, vector<16xf32>,
        %mul3A_638 = arith.mulf %get3A_321, %get3A_637 : vector<16xf32>
        %get3A_639 = arith.constant 2 : i32
        %get3A_640 = arith.index_cast %get3A_639 : i32 to index
        %get3A_641 = arith.index_cast %add3A_632 : i32 to index
        %get3A_642 = arith.constant 16 : index
        %get3A_643 = tpu.vector_load %arg10[%get3A_640, %get3A_641, %get3A_642] {strides = array<i32>} : memref<4x100x128xf32, #tpu.memory_space<vmem>>, vector<16xf32>,
        %mul3A_644 = arith.mulf %get3A_324, %get3A_643 : vector<16xf32>
        %get3A_645 = arith.constant 2 : i32
        %get3A_646 = arith.index_cast %get3A_645 : i32 to index
        %get3A_647 = arith.index_cast %add3A_632 : i32 to index
        %get3A_648 = arith.constant 32 : index
        %get3A_649 = tpu.vector_load %arg10[%get3A_646, %get3A_647, %get3A_648] {strides = array<i32>} : memref<4x100x128xf32, #tpu.memory_space<vmem>>, vector<16xf32>,
        %mul3A_650 = arith.mulf %get3A_327, %get3A_649 : vector<16xf32>
        %get3A_651 = arith.constant 2 : i32
        %get3A_652 = arith.index_cast %get3A_651 : i32 to index
        %get3A_653 = arith.index_cast %add3A_632 : i32 to index
        %get3A_654 = arith.constant 48 : index
        %get3A_655 = tpu.vector_load %arg10[%get3A_652, %get3A_653, %get3A_654] {strides = array<i32>} : memref<4x100x128xf32, #tpu.memory_space<vmem>>, vector<16xf32>,
        %mul3A_656 = arith.mulf %get3A_330, %get3A_655 : vector<16xf32>
        %get3A_657 = arith.constant 2 : i32
        %get3A_658 = arith.index_cast %get3A_657 : i32 to index
        %get3A_659 = arith.index_cast %add3A_632 : i32 to index
        %get3A_660 = arith.constant 64 : index
        %get3A_661 = tpu.vector_load %arg10[%get3A_658, %get3A_659, %get3A_660] {strides = array<i32>} : memref<4x100x128xf32, #tpu.memory_space<vmem>>, vector<16xf32>,
        %mul3A_662 = arith.mulf %get3A_333, %get3A_661 : vector<16xf32>
        %get3A_663 = arith.constant 2 : i32
        %get3A_664 = arith.index_cast %get3A_663 : i32 to index
        %get3A_665 = arith.index_cast %add3A_632 : i32 to index
        %get3A_666 = arith.constant 80 : index
        %get3A_667 = tpu.vector_load %arg10[%get3A_664, %get3A_665, %get3A_666] {strides = array<i32>} : memref<4x100x128xf32, #tpu.memory_space<vmem>>, vector<16xf32>,
        %mul3A_668 = arith.mulf %get3A_336, %get3A_667 : vector<16xf32>
        %get3A_669 = arith.constant 2 : i32
        %get3A_670 = arith.index_cast %get3A_669 : i32 to index
        %get3A_671 = arith.index_cast %add3A_632 : i32 to index
        %get3A_672 = arith.constant 96 : index
        %get3A_673 = tpu.vector_load %arg10[%get3A_670, %get3A_671, %get3A_672] {strides = array<i32>} : memref<4x100x128xf32, #tpu.memory_space<vmem>>, vector<16xf32>,
        %mul3A_674 = arith.mulf %get3A_339, %get3A_673 : vector<16xf32>
        %get3A_675 = arith.constant 2 : i32
        %get3A_676 = arith.index_cast %get3A_675 : i32 to index
        %get3A_677 = arith.index_cast %add3A_632 : i32 to index
        %get3A_678 = arith.constant 112 : index
        %get3A_679 = tpu.vector_load %arg10[%get3A_676, %get3A_677, %get3A_678] {strides = array<i32>} : memref<4x100x128xf32, #tpu.memory_space<vmem>>, vector<16xf32>,
        %mul3A_680 = arith.mulf %get3A_342, %get3A_679 : vector<16xf32>
        %add3A_681 = arith.addf %mul3A_638, %mul3A_644 : vector<16xf32>
        %add3A_682 = arith.addf %mul3A_650, %mul3A_656 : vector<16xf32>
        %add3A_683 = arith.addf %add3A_681, %add3A_682 : vector<16xf32>
        %add3A_684 = arith.addf %mul3A_662, %mul3A_668 : vector<16xf32>
        %add3A_685 = arith.addf %mul3A_674, %mul3A_680 : vector<16xf32>
        %add3A_686 = arith.addf %add3A_684, %add3A_685 : vector<16xf32>
        %add3A_687 = arith.addf %add3A_683, %add3A_686 : vector<16xf32>
        %reduce_sum3A_688 = arith.constant true
        %reduce_sum3A_689 = vector.broadcast %reduce_sum3A_688 : i1 to vector<16xi1>
        %reduce_sum3A_690 = tpu.scan <sum>, %add3A_687 masked %reduce_sum3A_689 : vector<16xf32>, vector<16xi1> -> vector<16xf32>
        %reduce_sum3A_691 = vector.extract %reduce_sum3A_690[15] : f32 from vector<16xf32>
        %gt3A_692 = arith.cmpf ogt, %reduce_sum3A_691, %select_n3A_627 : f32
        %select_n3A_693 = arith.select %gt3A_692, %reduce_sum3A_691, %select_n3A_627 : f32
        %select_n3A_694 = arith.select %gt3A_692, %scan3A_630, %select_n3A_628 : i32
        %scan3A_695 = arith.constant 3 : i32
        %scan3A_696 = arith.addi %scan3A_498, %scan3A_695 : i32
        %add3A_697 = arith.constant 0 : i32
        %add3A_698 = arith.addi %add3A_697, %scan3A_696 : i32
        %get3A_699 = arith.constant 2 : i32
        %get3A_700 = arith.index_cast %get3A_699 : i32 to index
        %get3A_701 = arith.index_cast %add3A_698 : i32 to index
        %get3A_702 = arith.constant 0 : index
        %get3A_703 = tpu.vector_load %arg10[%get3A_700, %get3A_701, %get3A_702] {strides = array<i32>} : memref<4x100x128xf32, #tpu.memory_space<vmem>>, vector<16xf32>,
        %mul3A_704 = arith.mulf %get3A_321, %get3A_703 : vector<16xf32>
        %get3A_705 = arith.constant 2 : i32
        %get3A_706 = arith.index_cast %get3A_705 : i32 to index
        %get3A_707 = arith.index_cast %add3A_698 : i32 to index
        %get3A_708 = arith.constant 16 : index
        %get3A_709 = tpu.vector_load %arg10[%get3A_706, %get3A_707, %get3A_708] {strides = array<i32>} : memref<4x100x128xf32, #tpu.memory_space<vmem>>, vector<16xf32>,
        %mul3A_710 = arith.mulf %get3A_324, %get3A_709 : vector<16xf32>
        %get3A_711 = arith.constant 2 : i32
        %get3A_712 = arith.index_cast %get3A_711 : i32 to index
        %get3A_713 = arith.index_cast %add3A_698 : i32 to index
        %get3A_714 = arith.constant 32 : index
        %get3A_715 = tpu.vector_load %arg10[%get3A_712, %get3A_713, %get3A_714] {strides = array<i32>} : memref<4x100x128xf32, #tpu.memory_space<vmem>>, vector<16xf32>,
        %mul3A_716 = arith.mulf %get3A_327, %get3A_715 : vector<16xf32>
        %get3A_717 = arith.constant 2 : i32
        %get3A_718 = arith.index_cast %get3A_717 : i32 to index
        %get3A_719 = arith.index_cast %add3A_698 : i32 to index
        %get3A_720 = arith.constant 48 : index
        %get3A_721 = tpu.vector_load %arg10[%get3A_718, %get3A_719, %get3A_720] {strides = array<i32>} : memref<4x100x128xf32, #tpu.memory_space<vmem>>, vector<16xf32>,
        %mul3A_722 = arith.mulf %get3A_330, %get3A_721 : vector<16xf32>
        %get3A_723 = arith.constant 2 : i32
        %get3A_724 = arith.index_cast %get3A_723 : i32 to index
        %get3A_725 = arith.index_cast %add3A_698 : i32 to index
        %get3A_726 = arith.constant 64 : index
        %get3A_727 = tpu.vector_load %arg10[%get3A_724, %get3A_725, %get3A_726] {strides = array<i32>} : memref<4x100x128xf32, #tpu.memory_space<vmem>>, vector<16xf32>,
        %mul3A_728 = arith.mulf %get3A_333, %get3A_727 : vector<16xf32>
        %get3A_729 = arith.constant 2 : i32
        %get3A_730 = arith.index_cast %get3A_729 : i32 to index
        %get3A_731 = arith.index_cast %add3A_698 : i32 to index
        %get3A_732 = arith.constant 80 : index
        %get3A_733 = tpu.vector_load %arg10[%get3A_730, %get3A_731, %get3A_732] {strides = array<i32>} : memref<4x100x128xf32, #tpu.memory_space<vmem>>, vector<16xf32>,
        %mul3A_734 = arith.mulf %get3A_336, %get3A_733 : vector<16xf32>
        %get3A_735 = arith.constant 2 : i32
        %get3A_736 = arith.index_cast %get3A_735 : i32 to index
        %get3A_737 = arith.index_cast %add3A_698 : i32 to index
        %get3A_738 = arith.constant 96 : index
        %get3A_739 = tpu.vector_load %arg10[%get3A_736, %get3A_737, %get3A_738] {strides = array<i32>} : memref<4x100x128xf32, #tpu.memory_space<vmem>>, vector<16xf32>,
        %mul3A_740 = arith.mulf %get3A_339, %get3A_739 : vector<16xf32>
        %get3A_741 = arith.constant 2 : i32
        %get3A_742 = arith.index_cast %get3A_741 : i32 to index
        %get3A_743 = arith.index_cast %add3A_698 : i32 to index
        %get3A_744 = arith.constant 112 : index
        %get3A_745 = tpu.vector_load %arg10[%get3A_742, %get3A_743, %get3A_744] {strides = array<i32>} : memref<4x100x128xf32, #tpu.memory_space<vmem>>, vector<16xf32>,
        %mul3A_746 = arith.mulf %get3A_342, %get3A_745 : vector<16xf32>
        %add3A_747 = arith.addf %mul3A_704, %mul3A_710 : vector<16xf32>
        %add3A_748 = arith.addf %mul3A_716, %mul3A_722 : vector<16xf32>
        %add3A_749 = arith.addf %add3A_747, %add3A_748 : vector<16xf32>
        %add3A_750 = arith.addf %mul3A_728, %mul3A_734 : vector<16xf32>
        %add3A_751 = arith.addf %mul3A_740, %mul3A_746 : vector<16xf32>
        %add3A_752 = arith.addf %add3A_750, %add3A_751 : vector<16xf32>
        %add3A_753 = arith.addf %add3A_749, %add3A_752 : vector<16xf32>
        %reduce_sum3A_754 = arith.constant true
        %reduce_sum3A_755 = vector.broadcast %reduce_sum3A_754 : i1 to vector<16xi1>
        %reduce_sum3A_756 = tpu.scan <sum>, %add3A_753 masked %reduce_sum3A_755 : vector<16xf32>, vector<16xi1> -> vector<16xf32>
        %reduce_sum3A_757 = vector.extract %reduce_sum3A_756[15] : f32 from vector<16xf32>
        %gt3A_758 = arith.cmpf ogt, %reduce_sum3A_757, %select_n3A_693 : f32
        %select_n3A_759 = arith.select %gt3A_758, %reduce_sum3A_757, %select_n3A_693 : f32
        %select_n3A_760 = arith.select %gt3A_758, %scan3A_696, %select_n3A_694 : i32
        %scan3A_761 = arith.constant 4 : i32
        %scan3A_762 = arith.addi %scan3A_498, %scan3A_761 : i32
        %add3A_763 = arith.constant 0 : i32
        %add3A_764 = arith.addi %add3A_763, %scan3A_762 : i32
        %get3A_765 = arith.constant 2 : i32
        %get3A_766 = arith.index_cast %get3A_765 : i32 to index
        %get3A_767 = arith.index_cast %add3A_764 : i32 to index
        %get3A_768 = arith.constant 0 : index
        %get3A_769 = tpu.vector_load %arg10[%get3A_766, %get3A_767, %get3A_768] {strides = array<i32>} : memref<4x100x128xf32, #tpu.memory_space<vmem>>, vector<16xf32>,
        %mul3A_770 = arith.mulf %get3A_321, %get3A_769 : vector<16xf32>
        %get3A_771 = arith.constant 2 : i32
        %get3A_772 = arith.index_cast %get3A_771 : i32 to index
        %get3A_773 = arith.index_cast %add3A_764 : i32 to index
        %get3A_774 = arith.constant 16 : index
        %get3A_775 = tpu.vector_load %arg10[%get3A_772, %get3A_773, %get3A_774] {strides = array<i32>} : memref<4x100x128xf32, #tpu.memory_space<vmem>>, vector<16xf32>,
        %mul3A_776 = arith.mulf %get3A_324, %get3A_775 : vector<16xf32>
        %get3A_777 = arith.constant 2 : i32
        %get3A_778 = arith.index_cast %get3A_777 : i32 to index
        %get3A_779 = arith.index_cast %add3A_764 : i32 to index
        %get3A_780 = arith.constant 32 : index
        %get3A_781 = tpu.vector_load %arg10[%get3A_778, %get3A_779, %get3A_780] {strides = array<i32>} : memref<4x100x128xf32, #tpu.memory_space<vmem>>, vector<16xf32>,
        %mul3A_782 = arith.mulf %get3A_327, %get3A_781 : vector<16xf32>
        %get3A_783 = arith.constant 2 : i32
        %get3A_784 = arith.index_cast %get3A_783 : i32 to index
        %get3A_785 = arith.index_cast %add3A_764 : i32 to index
        %get3A_786 = arith.constant 48 : index
        %get3A_787 = tpu.vector_load %arg10[%get3A_784, %get3A_785, %get3A_786] {strides = array<i32>} : memref<4x100x128xf32, #tpu.memory_space<vmem>>, vector<16xf32>,
        %mul3A_788 = arith.mulf %get3A_330, %get3A_787 : vector<16xf32>
        %get3A_789 = arith.constant 2 : i32
        %get3A_790 = arith.index_cast %get3A_789 : i32 to index
        %get3A_791 = arith.index_cast %add3A_764 : i32 to index
        %get3A_792 = arith.constant 64 : index
        %get3A_793 = tpu.vector_load %arg10[%get3A_790, %get3A_791, %get3A_792] {strides = array<i32>} : memref<4x100x128xf32, #tpu.memory_space<vmem>>, vector<16xf32>,
        %mul3A_794 = arith.mulf %get3A_333, %get3A_793 : vector<16xf32>
        %get3A_795 = arith.constant 2 : i32
        %get3A_796 = arith.index_cast %get3A_795 : i32 to index
        %get3A_797 = arith.index_cast %add3A_764 : i32 to index
        %get3A_798 = arith.constant 80 : index
        %get3A_799 = tpu.vector_load %arg10[%get3A_796, %get3A_797, %get3A_798] {strides = array<i32>} : memref<4x100x128xf32, #tpu.memory_space<vmem>>, vector<16xf32>,
        %mul3A_800 = arith.mulf %get3A_336, %get3A_799 : vector<16xf32>
        %get3A_801 = arith.constant 2 : i32
        %get3A_802 = arith.index_cast %get3A_801 : i32 to index
        %get3A_803 = arith.index_cast %add3A_764 : i32 to index
        %get3A_804 = arith.constant 96 : index
        %get3A_805 = tpu.vector_load %arg10[%get3A_802, %get3A_803, %get3A_804] {strides = array<i32>} : memref<4x100x128xf32, #tpu.memory_space<vmem>>, vector<16xf32>,
        %mul3A_806 = arith.mulf %get3A_339, %get3A_805 : vector<16xf32>
        %get3A_807 = arith.constant 2 : i32
        %get3A_808 = arith.index_cast %get3A_807 : i32 to index
        %get3A_809 = arith.index_cast %add3A_764 : i32 to index
        %get3A_810 = arith.constant 112 : index
        %get3A_811 = tpu.vector_load %arg10[%get3A_808, %get3A_809, %get3A_810] {strides = array<i32>} : memref<4x100x128xf32, #tpu.memory_space<vmem>>, vector<16xf32>,
        %mul3A_812 = arith.mulf %get3A_342, %get3A_811 : vector<16xf32>
        %add3A_813 = arith.addf %mul3A_770, %mul3A_776 : vector<16xf32>
        %add3A_814 = arith.addf %mul3A_782, %mul3A_788 : vector<16xf32>
        %add3A_815 = arith.addf %add3A_813, %add3A_814 : vector<16xf32>
        %add3A_816 = arith.addf %mul3A_794, %mul3A_800 : vector<16xf32>
        %add3A_817 = arith.addf %mul3A_806, %mul3A_812 : vector<16xf32>
        %add3A_818 = arith.addf %add3A_816, %add3A_817 : vector<16xf32>
        %add3A_819 = arith.addf %add3A_815, %add3A_818 : vector<16xf32>
        %reduce_sum3A_820 = arith.constant true
        %reduce_sum3A_821 = vector.broadcast %reduce_sum3A_820 : i1 to vector<16xi1>
        %reduce_sum3A_822 = tpu.scan <sum>, %add3A_819 masked %reduce_sum3A_821 : vector<16xf32>, vector<16xi1> -> vector<16xf32>
        %reduce_sum3A_823 = vector.extract %reduce_sum3A_822[15] : f32 from vector<16xf32>
        %gt3A_824 = arith.cmpf ogt, %reduce_sum3A_823, %select_n3A_759 : f32
        %select_n3A_825 = arith.select %gt3A_824, %reduce_sum3A_823, %select_n3A_759 : f32
        %select_n3A_826 = arith.select %gt3A_824, %scan3A_762, %select_n3A_760 : i32
        scf.yield %select_n3A_825, %select_n3A_826 : f32, i32
      }
      %scan3A_354 = arith.constant 50 : i32
      %broadcast_in_dim3A_355 = vector.broadcast %scan3A_353#1 : i32 to vector<16xi32>
      %add3A_356 = arith.constant 0 : i32
      %add3A_357 = vector.broadcast %add3A_356 : i32 to vector<16xi32>
      %add3A_358 = arith.addi %broadcast_in_dim3A_355, %add3A_357 : vector<16xi32>
      %broadcast_in_dim3A_359 = vector.broadcast %add3A_281 : i32 to vector<16xi32>
      %gather3A_360 = tpu.vector_load_idx %arg7[%broadcast_in_dim3A_359, %add3A_358] : memref<128x100xi32, #tpu.memory_space<vmem>>[vector<16xi32>, vector<16xi32>], vector<16xi32>,
      %broadcast_in_dim3A_361 = vector.broadcast %add3A_346 : i32 to vector<16xi32>
      tpu.vector_store_idx %arg11[%broadcast_in_dim3A_361], %gather3A_360 masked %eq3A_61 : memref<256xi32, #tpu.memory_space<vmem>>[vector<16xi32>], vector<16xi32>, vector<16xi1>
      %mul3A_362 = arith.constant 2 : i32
      %mul3A_363 = arith.muli %add3A_281, %mul3A_362 : i32
      %add3A_364 = arith.constant 1 : i32
      %add3A_365 = arith.addi %mul3A_363, %add3A_364 : i32
      %scan3A_366 = arith.constant 0xFF800000 : f32
      %scan3A_367 = arith.constant 0 : i32
      %scan3A_368 = arith.constant 0 : i32
      %scan3A_369 = arith.constant 50 : i32
      %scan3A_370 = arith.addi %scan3A_368, %scan3A_369 : i32
      %scan3A_371 = arith.constant 5 : i32
      %scan3A_372:2 = scf.for %scan3A_498 = %scan3A_368 to %scan3A_370 step %scan3A_371 iter_args(%scan3A_499 = %scan3A_366, %scan3A_500 = %scan3A_367) -> (f32, i32)  : i32 {
        %add3A_501 = arith.constant 50 : i32
        %add3A_502 = arith.addi %add3A_501, %scan3A_498 : i32
        %get3A_503 = arith.constant 2 : i32
        %get3A_504 = arith.index_cast %get3A_503 : i32 to index
        %get3A_505 = arith.index_cast %add3A_502 : i32 to index
        %get3A_506 = arith.constant 0 : index
        %get3A_507 = tpu.vector_load %arg10[%get3A_504, %get3A_505, %get3A_506] {strides = array<i32>} : memref<4x100x128xf32, #tpu.memory_space<vmem>>, vector<16xf32>,
        %mul3A_508 = arith.mulf %get3A_321, %get3A_507 : vector<16xf32>
        %get3A_509 = arith.constant 2 : i32
        %get3A_510 = arith.index_cast %get3A_509 : i32 to index
        %get3A_511 = arith.index_cast %add3A_502 : i32 to index
        %get3A_512 = arith.constant 16 : index
        %get3A_513 = tpu.vector_load %arg10[%get3A_510, %get3A_511, %get3A_512] {strides = array<i32>} : memref<4x100x128xf32, #tpu.memory_space<vmem>>, vector<16xf32>,
        %mul3A_514 = arith.mulf %get3A_324, %get3A_513 : vector<16xf32>
        %get3A_515 = arith.constant 2 : i32
        %get3A_516 = arith.index_cast %get3A_515 : i32 to index
        %get3A_517 = arith.index_cast %add3A_502 : i32 to index
        %get3A_518 = arith.constant 32 : index
        %get3A_519 = tpu.vector_load %arg10[%get3A_516, %get3A_517, %get3A_518] {strides = array<i32>} : memref<4x100x128xf32, #tpu.memory_space<vmem>>, vector<16xf32>,
        %mul3A_520 = arith.mulf %get3A_327, %get3A_519 : vector<16xf32>
        %get3A_521 = arith.constant 2 : i32
        %get3A_522 = arith.index_cast %get3A_521 : i32 to index
        %get3A_523 = arith.index_cast %add3A_502 : i32 to index
        %get3A_524 = arith.constant 48 : index
        %get3A_525 = tpu.vector_load %arg10[%get3A_522, %get3A_523, %get3A_524] {strides = array<i32>} : memref<4x100x128xf32, #tpu.memory_space<vmem>>, vector<16xf32>,
        %mul3A_526 = arith.mulf %get3A_330, %get3A_525 : vector<16xf32>
        %get3A_527 = arith.constant 2 : i32
        %get3A_528 = arith.index_cast %get3A_527 : i32 to index
        %get3A_529 = arith.index_cast %add3A_502 : i32 to index
        %get3A_530 = arith.constant 64 : index
        %get3A_531 = tpu.vector_load %arg10[%get3A_528, %get3A_529, %get3A_530] {strides = array<i32>} : memref<4x100x128xf32, #tpu.memory_space<vmem>>, vector<16xf32>,
        %mul3A_532 = arith.mulf %get3A_333, %get3A_531 : vector<16xf32>
        %get3A_533 = arith.constant 2 : i32
        %get3A_534 = arith.index_cast %get3A_533 : i32 to index
        %get3A_535 = arith.index_cast %add3A_502 : i32 to index
        %get3A_536 = arith.constant 80 : index
        %get3A_537 = tpu.vector_load %arg10[%get3A_534, %get3A_535, %get3A_536] {strides = array<i32>} : memref<4x100x128xf32, #tpu.memory_space<vmem>>, vector<16xf32>,
        %mul3A_538 = arith.mulf %get3A_336, %get3A_537 : vector<16xf32>
        %get3A_539 = arith.constant 2 : i32
        %get3A_540 = arith.index_cast %get3A_539 : i32 to index
        %get3A_541 = arith.index_cast %add3A_502 : i32 to index
        %get3A_542 = arith.constant 96 : index
        %get3A_543 = tpu.vector_load %arg10[%get3A_540, %get3A_541, %get3A_542] {strides = array<i32>} : memref<4x100x128xf32, #tpu.memory_space<vmem>>, vector<16xf32>,
        %mul3A_544 = arith.mulf %get3A_339, %get3A_543 : vector<16xf32>
        %get3A_545 = arith.constant 2 : i32
        %get3A_546 = arith.index_cast %get3A_545 : i32 to index
        %get3A_547 = arith.index_cast %add3A_502 : i32 to index
        %get3A_548 = arith.constant 112 : index
        %get3A_549 = tpu.vector_load %arg10[%get3A_546, %get3A_547, %get3A_548] {strides = array<i32>} : memref<4x100x128xf32, #tpu.memory_space<vmem>>, vector<16xf32>,
        %mul3A_550 = arith.mulf %get3A_342, %get3A_549 : vector<16xf32>
        %add3A_551 = arith.addf %mul3A_508, %mul3A_514 : vector<16xf32>
        %add3A_552 = arith.addf %mul3A_520, %mul3A_526 : vector<16xf32>
        %add3A_553 = arith.addf %add3A_551, %add3A_552 : vector<16xf32>
        %add3A_554 = arith.addf %mul3A_532, %mul3A_538 : vector<16xf32>
        %add3A_555 = arith.addf %mul3A_544, %mul3A_550 : vector<16xf32>
        %add3A_556 = arith.addf %add3A_554, %add3A_555 : vector<16xf32>
        %add3A_557 = arith.addf %add3A_553, %add3A_556 : vector<16xf32>
        %reduce_sum3A = arith.constant true
        %reduce_sum3A_558 = vector.broadcast %reduce_sum3A : i1 to vector<16xi1>
        %reduce_sum3A_559 = tpu.scan <sum>, %add3A_557 masked %reduce_sum3A_558 : vector<16xf32>, vector<16xi1> -> vector<16xf32>
        %reduce_sum3A_560 = vector.extract %reduce_sum3A_559[15] : f32 from vector<16xf32>
        %gt3A = arith.cmpf ogt, %reduce_sum3A_560, %scan3A_499 : f32
        %select_n3A_561 = arith.select %gt3A, %reduce_sum3A_560, %scan3A_499 : f32
        %select_n3A_562 = arith.select %gt3A, %scan3A_498, %scan3A_500 : i32
        %scan3A_563 = arith.constant 1 : i32
        %scan3A_564 = arith.addi %scan3A_498, %scan3A_563 : i32
        %add3A_565 = arith.constant 50 : i32
        %add3A_566 = arith.addi %add3A_565, %scan3A_564 : i32
        %get3A_567 = arith.constant 2 : i32
        %get3A_568 = arith.index_cast %get3A_567 : i32 to index
        %get3A_569 = arith.index_cast %add3A_566 : i32 to index
        %get3A_570 = arith.constant 0 : index
        %get3A_571 = tpu.vector_load %arg10[%get3A_568, %get3A_569, %get3A_570] {strides = array<i32>} : memref<4x100x128xf32, #tpu.memory_space<vmem>>, vector<16xf32>,
        %mul3A_572 = arith.mulf %get3A_321, %get3A_571 : vector<16xf32>
        %get3A_573 = arith.constant 2 : i32
        %get3A_574 = arith.index_cast %get3A_573 : i32 to index
        %get3A_575 = arith.index_cast %add3A_566 : i32 to index
        %get3A_576 = arith.constant 16 : index
        %get3A_577 = tpu.vector_load %arg10[%get3A_574, %get3A_575, %get3A_576] {strides = array<i32>} : memref<4x100x128xf32, #tpu.memory_space<vmem>>, vector<16xf32>,
        %mul3A_578 = arith.mulf %get3A_324, %get3A_577 : vector<16xf32>
        %get3A_579 = arith.constant 2 : i32
        %get3A_580 = arith.index_cast %get3A_579 : i32 to index
        %get3A_581 = arith.index_cast %add3A_566 : i32 to index
        %get3A_582 = arith.constant 32 : index
        %get3A_583 = tpu.vector_load %arg10[%get3A_580, %get3A_581, %get3A_582] {strides = array<i32>} : memref<4x100x128xf32, #tpu.memory_space<vmem>>, vector<16xf32>,
        %mul3A_584 = arith.mulf %get3A_327, %get3A_583 : vector<16xf32>
        %get3A_585 = arith.constant 2 : i32
        %get3A_586 = arith.index_cast %get3A_585 : i32 to index
        %get3A_587 = arith.index_cast %add3A_566 : i32 to index
        %get3A_588 = arith.constant 48 : index
        %get3A_589 = tpu.vector_load %arg10[%get3A_586, %get3A_587, %get3A_588] {strides = array<i32>} : memref<4x100x128xf32, #tpu.memory_space<vmem>>, vector<16xf32>,
        %mul3A_590 = arith.mulf %get3A_330, %get3A_589 : vector<16xf32>
        %get3A_591 = arith.constant 2 : i32
        %get3A_592 = arith.index_cast %get3A_591 : i32 to index
        %get3A_593 = arith.index_cast %add3A_566 : i32 to index
        %get3A_594 = arith.constant 64 : index
        %get3A_595 = tpu.vector_load %arg10[%get3A_592, %get3A_593, %get3A_594] {strides = array<i32>} : memref<4x100x128xf32, #tpu.memory_space<vmem>>, vector<16xf32>,
        %mul3A_596 = arith.mulf %get3A_333, %get3A_595 : vector<16xf32>
        %get3A_597 = arith.constant 2 : i32
        %get3A_598 = arith.index_cast %get3A_597 : i32 to index
        %get3A_599 = arith.index_cast %add3A_566 : i32 to index
        %get3A_600 = arith.constant 80 : index
        %get3A_601 = tpu.vector_load %arg10[%get3A_598, %get3A_599, %get3A_600] {strides = array<i32>} : memref<4x100x128xf32, #tpu.memory_space<vmem>>, vector<16xf32>,
        %mul3A_602 = arith.mulf %get3A_336, %get3A_601 : vector<16xf32>
        %get3A_603 = arith.constant 2 : i32
        %get3A_604 = arith.index_cast %get3A_603 : i32 to index
        %get3A_605 = arith.index_cast %add3A_566 : i32 to index
        %get3A_606 = arith.constant 96 : index
        %get3A_607 = tpu.vector_load %arg10[%get3A_604, %get3A_605, %get3A_606] {strides = array<i32>} : memref<4x100x128xf32, #tpu.memory_space<vmem>>, vector<16xf32>,
        %mul3A_608 = arith.mulf %get3A_339, %get3A_607 : vector<16xf32>
        %get3A_609 = arith.constant 2 : i32
        %get3A_610 = arith.index_cast %get3A_609 : i32 to index
        %get3A_611 = arith.index_cast %add3A_566 : i32 to index
        %get3A_612 = arith.constant 112 : index
        %get3A_613 = tpu.vector_load %arg10[%get3A_610, %get3A_611, %get3A_612] {strides = array<i32>} : memref<4x100x128xf32, #tpu.memory_space<vmem>>, vector<16xf32>,
        %mul3A_614 = arith.mulf %get3A_342, %get3A_613 : vector<16xf32>
        %add3A_615 = arith.addf %mul3A_572, %mul3A_578 : vector<16xf32>
        %add3A_616 = arith.addf %mul3A_584, %mul3A_590 : vector<16xf32>
        %add3A_617 = arith.addf %add3A_615, %add3A_616 : vector<16xf32>
        %add3A_618 = arith.addf %mul3A_596, %mul3A_602 : vector<16xf32>
        %add3A_619 = arith.addf %mul3A_608, %mul3A_614 : vector<16xf32>
        %add3A_620 = arith.addf %add3A_618, %add3A_619 : vector<16xf32>
        %add3A_621 = arith.addf %add3A_617, %add3A_620 : vector<16xf32>
        %reduce_sum3A_622 = arith.constant true
        %reduce_sum3A_623 = vector.broadcast %reduce_sum3A_622 : i1 to vector<16xi1>
        %reduce_sum3A_624 = tpu.scan <sum>, %add3A_621 masked %reduce_sum3A_623 : vector<16xf32>, vector<16xi1> -> vector<16xf32>
        %reduce_sum3A_625 = vector.extract %reduce_sum3A_624[15] : f32 from vector<16xf32>
        %gt3A_626 = arith.cmpf ogt, %reduce_sum3A_625, %select_n3A_561 : f32
        %select_n3A_627 = arith.select %gt3A_626, %reduce_sum3A_625, %select_n3A_561 : f32
        %select_n3A_628 = arith.select %gt3A_626, %scan3A_564, %select_n3A_562 : i32
        %scan3A_629 = arith.constant 2 : i32
        %scan3A_630 = arith.addi %scan3A_498, %scan3A_629 : i32
        %add3A_631 = arith.constant 50 : i32
        %add3A_632 = arith.addi %add3A_631, %scan3A_630 : i32
        %get3A_633 = arith.constant 2 : i32
        %get3A_634 = arith.index_cast %get3A_633 : i32 to index
        %get3A_635 = arith.index_cast %add3A_632 : i32 to index
        %get3A_636 = arith.constant 0 : index
        %get3A_637 = tpu.vector_load %arg10[%get3A_634, %get3A_635, %get3A_636] {strides = array<i32>} : memref<4x100x128xf32, #tpu.memory_space<vmem>>, vector<16xf32>,
        %mul3A_638 = arith.mulf %get3A_321, %get3A_637 : vector<16xf32>
        %get3A_639 = arith.constant 2 : i32
        %get3A_640 = arith.index_cast %get3A_639 : i32 to index
        %get3A_641 = arith.index_cast %add3A_632 : i32 to index
        %get3A_642 = arith.constant 16 : index
        %get3A_643 = tpu.vector_load %arg10[%get3A_640, %get3A_641, %get3A_642] {strides = array<i32>} : memref<4x100x128xf32, #tpu.memory_space<vmem>>, vector<16xf32>,
        %mul3A_644 = arith.mulf %get3A_324, %get3A_643 : vector<16xf32>
        %get3A_645 = arith.constant 2 : i32
        %get3A_646 = arith.index_cast %get3A_645 : i32 to index
        %get3A_647 = arith.index_cast %add3A_632 : i32 to index
        %get3A_648 = arith.constant 32 : index
        %get3A_649 = tpu.vector_load %arg10[%get3A_646, %get3A_647, %get3A_648] {strides = array<i32>} : memref<4x100x128xf32, #tpu.memory_space<vmem>>, vector<16xf32>,
        %mul3A_650 = arith.mulf %get3A_327, %get3A_649 : vector<16xf32>
        %get3A_651 = arith.constant 2 : i32
        %get3A_652 = arith.index_cast %get3A_651 : i32 to index
        %get3A_653 = arith.index_cast %add3A_632 : i32 to index
        %get3A_654 = arith.constant 48 : index
        %get3A_655 = tpu.vector_load %arg10[%get3A_652, %get3A_653, %get3A_654] {strides = array<i32>} : memref<4x100x128xf32, #tpu.memory_space<vmem>>, vector<16xf32>,
        %mul3A_656 = arith.mulf %get3A_330, %get3A_655 : vector<16xf32>
        %get3A_657 = arith.constant 2 : i32
        %get3A_658 = arith.index_cast %get3A_657 : i32 to index
        %get3A_659 = arith.index_cast %add3A_632 : i32 to index
        %get3A_660 = arith.constant 64 : index
        %get3A_661 = tpu.vector_load %arg10[%get3A_658, %get3A_659, %get3A_660] {strides = array<i32>} : memref<4x100x128xf32, #tpu.memory_space<vmem>>, vector<16xf32>,
        %mul3A_662 = arith.mulf %get3A_333, %get3A_661 : vector<16xf32>
        %get3A_663 = arith.constant 2 : i32
        %get3A_664 = arith.index_cast %get3A_663 : i32 to index
        %get3A_665 = arith.index_cast %add3A_632 : i32 to index
        %get3A_666 = arith.constant 80 : index
        %get3A_667 = tpu.vector_load %arg10[%get3A_664, %get3A_665, %get3A_666] {strides = array<i32>} : memref<4x100x128xf32, #tpu.memory_space<vmem>>, vector<16xf32>,
        %mul3A_668 = arith.mulf %get3A_336, %get3A_667 : vector<16xf32>
        %get3A_669 = arith.constant 2 : i32
        %get3A_670 = arith.index_cast %get3A_669 : i32 to index
        %get3A_671 = arith.index_cast %add3A_632 : i32 to index
        %get3A_672 = arith.constant 96 : index
        %get3A_673 = tpu.vector_load %arg10[%get3A_670, %get3A_671, %get3A_672] {strides = array<i32>} : memref<4x100x128xf32, #tpu.memory_space<vmem>>, vector<16xf32>,
        %mul3A_674 = arith.mulf %get3A_339, %get3A_673 : vector<16xf32>
        %get3A_675 = arith.constant 2 : i32
        %get3A_676 = arith.index_cast %get3A_675 : i32 to index
        %get3A_677 = arith.index_cast %add3A_632 : i32 to index
        %get3A_678 = arith.constant 112 : index
        %get3A_679 = tpu.vector_load %arg10[%get3A_676, %get3A_677, %get3A_678] {strides = array<i32>} : memref<4x100x128xf32, #tpu.memory_space<vmem>>, vector<16xf32>,
        %mul3A_680 = arith.mulf %get3A_342, %get3A_679 : vector<16xf32>
        %add3A_681 = arith.addf %mul3A_638, %mul3A_644 : vector<16xf32>
        %add3A_682 = arith.addf %mul3A_650, %mul3A_656 : vector<16xf32>
        %add3A_683 = arith.addf %add3A_681, %add3A_682 : vector<16xf32>
        %add3A_684 = arith.addf %mul3A_662, %mul3A_668 : vector<16xf32>
        %add3A_685 = arith.addf %mul3A_674, %mul3A_680 : vector<16xf32>
        %add3A_686 = arith.addf %add3A_684, %add3A_685 : vector<16xf32>
        %add3A_687 = arith.addf %add3A_683, %add3A_686 : vector<16xf32>
        %reduce_sum3A_688 = arith.constant true
        %reduce_sum3A_689 = vector.broadcast %reduce_sum3A_688 : i1 to vector<16xi1>
        %reduce_sum3A_690 = tpu.scan <sum>, %add3A_687 masked %reduce_sum3A_689 : vector<16xf32>, vector<16xi1> -> vector<16xf32>
        %reduce_sum3A_691 = vector.extract %reduce_sum3A_690[15] : f32 from vector<16xf32>
        %gt3A_692 = arith.cmpf ogt, %reduce_sum3A_691, %select_n3A_627 : f32
        %select_n3A_693 = arith.select %gt3A_692, %reduce_sum3A_691, %select_n3A_627 : f32
        %select_n3A_694 = arith.select %gt3A_692, %scan3A_630, %select_n3A_628 : i32
        %scan3A_695 = arith.constant 3 : i32
        %scan3A_696 = arith.addi %scan3A_498, %scan3A_695 : i32
        %add3A_697 = arith.constant 50 : i32
        %add3A_698 = arith.addi %add3A_697, %scan3A_696 : i32
        %get3A_699 = arith.constant 2 : i32
        %get3A_700 = arith.index_cast %get3A_699 : i32 to index
        %get3A_701 = arith.index_cast %add3A_698 : i32 to index
        %get3A_702 = arith.constant 0 : index
        %get3A_703 = tpu.vector_load %arg10[%get3A_700, %get3A_701, %get3A_702] {strides = array<i32>} : memref<4x100x128xf32, #tpu.memory_space<vmem>>, vector<16xf32>,
        %mul3A_704 = arith.mulf %get3A_321, %get3A_703 : vector<16xf32>
        %get3A_705 = arith.constant 2 : i32
        %get3A_706 = arith.index_cast %get3A_705 : i32 to index
        %get3A_707 = arith.index_cast %add3A_698 : i32 to index
        %get3A_708 = arith.constant 16 : index
        %get3A_709 = tpu.vector_load %arg10[%get3A_706, %get3A_707, %get3A_708] {strides = array<i32>} : memref<4x100x128xf32, #tpu.memory_space<vmem>>, vector<16xf32>,
        %mul3A_710 = arith.mulf %get3A_324, %get3A_709 : vector<16xf32>
        %get3A_711 = arith.constant 2 : i32
        %get3A_712 = arith.index_cast %get3A_711 : i32 to index
        %get3A_713 = arith.index_cast %add3A_698 : i32 to index
        %get3A_714 = arith.constant 32 : index
        %get3A_715 = tpu.vector_load %arg10[%get3A_712, %get3A_713, %get3A_714] {strides = array<i32>} : memref<4x100x128xf32, #tpu.memory_space<vmem>>, vector<16xf32>,
        %mul3A_716 = arith.mulf %get3A_327, %get3A_715 : vector<16xf32>
        %get3A_717 = arith.constant 2 : i32
        %get3A_718 = arith.index_cast %get3A_717 : i32 to index
        %get3A_719 = arith.index_cast %add3A_698 : i32 to index
        %get3A_720 = arith.constant 48 : index
        %get3A_721 = tpu.vector_load %arg10[%get3A_718, %get3A_719, %get3A_720] {strides = array<i32>} : memref<4x100x128xf32, #tpu.memory_space<vmem>>, vector<16xf32>,
        %mul3A_722 = arith.mulf %get3A_330, %get3A_721 : vector<16xf32>
        %get3A_723 = arith.constant 2 : i32
        %get3A_724 = arith.index_cast %get3A_723 : i32 to index
        %get3A_725 = arith.index_cast %add3A_698 : i32 to index
        %get3A_726 = arith.constant 64 : index
        %get3A_727 = tpu.vector_load %arg10[%get3A_724, %get3A_725, %get3A_726] {strides = array<i32>} : memref<4x100x128xf32, #tpu.memory_space<vmem>>, vector<16xf32>,
        %mul3A_728 = arith.mulf %get3A_333, %get3A_727 : vector<16xf32>
        %get3A_729 = arith.constant 2 : i32
        %get3A_730 = arith.index_cast %get3A_729 : i32 to index
        %get3A_731 = arith.index_cast %add3A_698 : i32 to index
        %get3A_732 = arith.constant 80 : index
        %get3A_733 = tpu.vector_load %arg10[%get3A_730, %get3A_731, %get3A_732] {strides = array<i32>} : memref<4x100x128xf32, #tpu.memory_space<vmem>>, vector<16xf32>,
        %mul3A_734 = arith.mulf %get3A_336, %get3A_733 : vector<16xf32>
        %get3A_735 = arith.constant 2 : i32
        %get3A_736 = arith.index_cast %get3A_735 : i32 to index
        %get3A_737 = arith.index_cast %add3A_698 : i32 to index
        %get3A_738 = arith.constant 96 : index
        %get3A_739 = tpu.vector_load %arg10[%get3A_736, %get3A_737, %get3A_738] {strides = array<i32>} : memref<4x100x128xf32, #tpu.memory_space<vmem>>, vector<16xf32>,
        %mul3A_740 = arith.mulf %get3A_339, %get3A_739 : vector<16xf32>
        %get3A_741 = arith.constant 2 : i32
        %get3A_742 = arith.index_cast %get3A_741 : i32 to index
        %get3A_743 = arith.index_cast %add3A_698 : i32 to index
        %get3A_744 = arith.constant 112 : index
        %get3A_745 = tpu.vector_load %arg10[%get3A_742, %get3A_743, %get3A_744] {strides = array<i32>} : memref<4x100x128xf32, #tpu.memory_space<vmem>>, vector<16xf32>,
        %mul3A_746 = arith.mulf %get3A_342, %get3A_745 : vector<16xf32>
        %add3A_747 = arith.addf %mul3A_704, %mul3A_710 : vector<16xf32>
        %add3A_748 = arith.addf %mul3A_716, %mul3A_722 : vector<16xf32>
        %add3A_749 = arith.addf %add3A_747, %add3A_748 : vector<16xf32>
        %add3A_750 = arith.addf %mul3A_728, %mul3A_734 : vector<16xf32>
        %add3A_751 = arith.addf %mul3A_740, %mul3A_746 : vector<16xf32>
        %add3A_752 = arith.addf %add3A_750, %add3A_751 : vector<16xf32>
        %add3A_753 = arith.addf %add3A_749, %add3A_752 : vector<16xf32>
        %reduce_sum3A_754 = arith.constant true
        %reduce_sum3A_755 = vector.broadcast %reduce_sum3A_754 : i1 to vector<16xi1>
        %reduce_sum3A_756 = tpu.scan <sum>, %add3A_753 masked %reduce_sum3A_755 : vector<16xf32>, vector<16xi1> -> vector<16xf32>
        %reduce_sum3A_757 = vector.extract %reduce_sum3A_756[15] : f32 from vector<16xf32>
        %gt3A_758 = arith.cmpf ogt, %reduce_sum3A_757, %select_n3A_693 : f32
        %select_n3A_759 = arith.select %gt3A_758, %reduce_sum3A_757, %select_n3A_693 : f32
        %select_n3A_760 = arith.select %gt3A_758, %scan3A_696, %select_n3A_694 : i32
        %scan3A_761 = arith.constant 4 : i32
        %scan3A_762 = arith.addi %scan3A_498, %scan3A_761 : i32
        %add3A_763 = arith.constant 50 : i32
        %add3A_764 = arith.addi %add3A_763, %scan3A_762 : i32
        %get3A_765 = arith.constant 2 : i32
        %get3A_766 = arith.index_cast %get3A_765 : i32 to index
        %get3A_767 = arith.index_cast %add3A_764 : i32 to index
        %get3A_768 = arith.constant 0 : index
        %get3A_769 = tpu.vector_load %arg10[%get3A_766, %get3A_767, %get3A_768] {strides = array<i32>} : memref<4x100x128xf32, #tpu.memory_space<vmem>>, vector<16xf32>,
        %mul3A_770 = arith.mulf %get3A_321, %get3A_769 : vector<16xf32>
        %get3A_771 = arith.constant 2 : i32
        %get3A_772 = arith.index_cast %get3A_771 : i32 to index
        %get3A_773 = arith.index_cast %add3A_764 : i32 to index
        %get3A_774 = arith.constant 16 : index
        %get3A_775 = tpu.vector_load %arg10[%get3A_772, %get3A_773, %get3A_774] {strides = array<i32>} : memref<4x100x128xf32, #tpu.memory_space<vmem>>, vector<16xf32>,
        %mul3A_776 = arith.mulf %get3A_324, %get3A_775 : vector<16xf32>
        %get3A_777 = arith.constant 2 : i32
        %get3A_778 = arith.index_cast %get3A_777 : i32 to index
        %get3A_779 = arith.index_cast %add3A_764 : i32 to index
        %get3A_780 = arith.constant 32 : index
        %get3A_781 = tpu.vector_load %arg10[%get3A_778, %get3A_779, %get3A_780] {strides = array<i32>} : memref<4x100x128xf32, #tpu.memory_space<vmem>>, vector<16xf32>,
        %mul3A_782 = arith.mulf %get3A_327, %get3A_781 : vector<16xf32>
        %get3A_783 = arith.constant 2 : i32
        %get3A_784 = arith.index_cast %get3A_783 : i32 to index
        %get3A_785 = arith.index_cast %add3A_764 : i32 to index
        %get3A_786 = arith.constant 48 : index
        %get3A_787 = tpu.vector_load %arg10[%get3A_784, %get3A_785, %get3A_786] {strides = array<i32>} : memref<4x100x128xf32, #tpu.memory_space<vmem>>, vector<16xf32>,
        %mul3A_788 = arith.mulf %get3A_330, %get3A_787 : vector<16xf32>
        %get3A_789 = arith.constant 2 : i32
        %get3A_790 = arith.index_cast %get3A_789 : i32 to index
        %get3A_791 = arith.index_cast %add3A_764 : i32 to index
        %get3A_792 = arith.constant 64 : index
        %get3A_793 = tpu.vector_load %arg10[%get3A_790, %get3A_791, %get3A_792] {strides = array<i32>} : memref<4x100x128xf32, #tpu.memory_space<vmem>>, vector<16xf32>,
        %mul3A_794 = arith.mulf %get3A_333, %get3A_793 : vector<16xf32>
        %get3A_795 = arith.constant 2 : i32
        %get3A_796 = arith.index_cast %get3A_795 : i32 to index
        %get3A_797 = arith.index_cast %add3A_764 : i32 to index
        %get3A_798 = arith.constant 80 : index
        %get3A_799 = tpu.vector_load %arg10[%get3A_796, %get3A_797, %get3A_798] {strides = array<i32>} : memref<4x100x128xf32, #tpu.memory_space<vmem>>, vector<16xf32>,
        %mul3A_800 = arith.mulf %get3A_336, %get3A_799 : vector<16xf32>
        %get3A_801 = arith.constant 2 : i32
        %get3A_802 = arith.index_cast %get3A_801 : i32 to index
        %get3A_803 = arith.index_cast %add3A_764 : i32 to index
        %get3A_804 = arith.constant 96 : index
        %get3A_805 = tpu.vector_load %arg10[%get3A_802, %get3A_803, %get3A_804] {strides = array<i32>} : memref<4x100x128xf32, #tpu.memory_space<vmem>>, vector<16xf32>,
        %mul3A_806 = arith.mulf %get3A_339, %get3A_805 : vector<16xf32>
        %get3A_807 = arith.constant 2 : i32
        %get3A_808 = arith.index_cast %get3A_807 : i32 to index
        %get3A_809 = arith.index_cast %add3A_764 : i32 to index
        %get3A_810 = arith.constant 112 : index
        %get3A_811 = tpu.vector_load %arg10[%get3A_808, %get3A_809, %get3A_810] {strides = array<i32>} : memref<4x100x128xf32, #tpu.memory_space<vmem>>, vector<16xf32>,
        %mul3A_812 = arith.mulf %get3A_342, %get3A_811 : vector<16xf32>
        %add3A_813 = arith.addf %mul3A_770, %mul3A_776 : vector<16xf32>
        %add3A_814 = arith.addf %mul3A_782, %mul3A_788 : vector<16xf32>
        %add3A_815 = arith.addf %add3A_813, %add3A_814 : vector<16xf32>
        %add3A_816 = arith.addf %mul3A_794, %mul3A_800 : vector<16xf32>
        %add3A_817 = arith.addf %mul3A_806, %mul3A_812 : vector<16xf32>
        %add3A_818 = arith.addf %add3A_816, %add3A_817 : vector<16xf32>
        %add3A_819 = arith.addf %add3A_815, %add3A_818 : vector<16xf32>
        %reduce_sum3A_820 = arith.constant true
        %reduce_sum3A_821 = vector.broadcast %reduce_sum3A_820 : i1 to vector<16xi1>
        %reduce_sum3A_822 = tpu.scan <sum>, %add3A_819 masked %reduce_sum3A_821 : vector<16xf32>, vector<16xi1> -> vector<16xf32>
        %reduce_sum3A_823 = vector.extract %reduce_sum3A_822[15] : f32 from vector<16xf32>
        %gt3A_824 = arith.cmpf ogt, %reduce_sum3A_823, %select_n3A_759 : f32
        %select_n3A_825 = arith.select %gt3A_824, %reduce_sum3A_823, %select_n3A_759 : f32
        %select_n3A_826 = arith.select %gt3A_824, %scan3A_762, %select_n3A_760 : i32
        scf.yield %select_n3A_825, %select_n3A_826 : f32, i32
      }
      %scan3A_373 = arith.constant 50 : i32
      %broadcast_in_dim3A_374 = vector.broadcast %scan3A_372#1 : i32 to vector<16xi32>
      %add3A_375 = arith.constant 50 : i32
      %add3A_376 = vector.broadcast %add3A_375 : i32 to vector<16xi32>
      %add3A_377 = arith.addi %broadcast_in_dim3A_374, %add3A_376 : vector<16xi32>
      %broadcast_in_dim3A_378 = vector.broadcast %add3A_281 : i32 to vector<16xi32>
      %gather3A_379 = tpu.vector_load_idx %arg7[%broadcast_in_dim3A_378, %add3A_377] : memref<128x100xi32, #tpu.memory_space<vmem>>[vector<16xi32>, vector<16xi32>], vector<16xi32>,
      %broadcast_in_dim3A_380 = vector.broadcast %add3A_365 : i32 to vector<16xi32>
      tpu.vector_store_idx %arg11[%broadcast_in_dim3A_380], %gather3A_379 masked %eq3A_61 : memref<256xi32, #tpu.memory_space<vmem>>[vector<16xi32>], vector<16xi32>, vector<16xi1>
      %add3A_381 = arith.constant 4 : i32
      %add3A_382 = arith.addi %add3A_281, %add3A_381 : i32
      %lt3A_383 = arith.constant 128 : i32
      %lt3A_384 = arith.cmpi slt, %add3A_382, %lt3A_383 : i32
      %convert_element_type3A_385 = arith.extui %lt3A_384 : i1 to i32
      %cond3A_386 = arith.constant 0 : i32
      %cond3A_387 = arith.cmpi ne, %convert_element_type3A_385, %cond3A_386 : i32
      scf.if %cond3A_387 {
        %add3A_498 = arith.constant 4 : i32
        %add3A_499 = arith.addi %add3A_281, %add3A_498 : i32
        %dma_start3A_500 = arith.constant 2 : i32
        %dma_start3A_501 = arith.constant 0 : i32
        %dma_start3A_502 = arith.constant 0 : i32
        %dma_start3A_503 = tpu.memref_slice %arg10[%dma_start3A_500, %dma_start3A_501, %dma_start3A_502] : memref<4x100x128xf32, #tpu.memory_space<vmem>> -> memref<1x100x128xf32, #tpu.memory_space<vmem>>
        %dma_start3A_504 = tpu.memref_squeeze %dma_start3A_503 : memref<1x100x128xf32, #tpu.memory_space<vmem>> -> memref<100x128xf32, #tpu.memory_space<vmem>>
        %dma_start3A_505 = arith.constant 0 : i32
        %dma_start3A_506 = tpu.memref_slice %arg7[%add3A_499, %dma_start3A_505] : memref<128x100xi32, #tpu.memory_space<vmem>> -> memref<1x100xi32, #tpu.memory_space<vmem>>
        %dma_start3A_507 = tpu.memref_squeeze %dma_start3A_506 : memref<1x100xi32, #tpu.memory_space<vmem>> -> memref<100xi32, #tpu.memory_space<vmem>>
        %dma_start3A_508 = arith.constant 0 : i32
        %dma_start3A_509 = arith.constant 0 : i32
        %dma_start3A_510 = tpu.memref_slice %arg4[%dma_start3A_508, %dma_start3A_509] : memref<100000x128xf32, #tpu.memory_space<hbm>> -> memref<100000x128xf32, #tpu.memory_space<hbm>>
        tpu.enqueue_indirect_dma source(%dma_start3A_510 : memref<100000x128xf32, #tpu.memory_space<hbm>>) target(%dma_start3A_504 : memref<100x128xf32, #tpu.memory_space<vmem>>) offsets(%dma_start3A_507 : memref<100xi32, #tpu.memory_space<vmem>>) semaphore(%arg15 : memref<!tpu.dma_semaphore, #tpu.memory_space<semaphore_mem>>)
      } else {
      }
      %mul3A_388 = arith.constant 4 : i32
      %mul3A_389 = arith.muli %scan3A_71, %mul3A_388 : i32
      %add3A_390 = arith.constant 3 : i32
      %add3A_391 = arith.addi %mul3A_389, %add3A_390 : i32
      %dma_wait3A_392 = arith.constant 3 : i32
      %dma_wait3A_393 = arith.constant 0 : i32
      %dma_wait3A_394 = arith.constant 0 : i32
      %dma_wait3A_395 = tpu.memref_slice %arg10[%dma_wait3A_392, %dma_wait3A_393, %dma_wait3A_394] : memref<4x100x128xf32, #tpu.memory_space<vmem>> -> memref<1x100x128xf32, #tpu.memory_space<vmem>>
      %dma_wait3A_396 = tpu.memref_squeeze %dma_wait3A_395 : memref<1x100x128xf32, #tpu.memory_space<vmem>> -> memref<100x128xf32, #tpu.memory_space<vmem>>
      %dma_wait3A_397 = arith.constant 0 : i32
      %dma_wait3A_398 = tpu.memref_slice %arg7[%add3A_391, %dma_wait3A_397] : memref<128x100xi32, #tpu.memory_space<vmem>> -> memref<1x100xi32, #tpu.memory_space<vmem>>
      %dma_wait3A_399 = tpu.memref_squeeze %dma_wait3A_398 : memref<1x100xi32, #tpu.memory_space<vmem>> -> memref<100xi32, #tpu.memory_space<vmem>>
      %dma_wait3A_400 = arith.constant 0 : i32
      %dma_wait3A_401 = arith.constant 0 : i32
      %dma_wait3A_402 = tpu.memref_slice %arg4[%dma_wait3A_400, %dma_wait3A_401] : memref<100000x128xf32, #tpu.memory_space<hbm>> -> memref<100000x128xf32, #tpu.memory_space<hbm>>
      tpu.wait_indirect_dma semaphore(%arg16 : memref<!tpu.dma_semaphore, #tpu.memory_space<semaphore_mem>>) src(%dma_wait3A_402 : memref<100000x128xf32, #tpu.memory_space<hbm>>) dst(%dma_wait3A_396 : memref<100x128xf32, #tpu.memory_space<vmem>>)
      %mul3A_403 = arith.constant 2 : i32
      %mul3A_404 = arith.muli %add3A_391, %mul3A_403 : i32
      %jit3A_405 = arith.constant 8 : i32
      %div3A_406 = arith.divsi %mul3A_404, %jit3A_405 : i32
      %sign3A_407 = arith.constant 0 : i32
      %sign3A_408 = arith.cmpi sgt, %mul3A_404, %sign3A_407 : i32
      %sign3A_409 = arith.extui %sign3A_408 : i1 to i32
      %sign3A_410 = arith.constant 0 : i32
      %sign3A_411 = arith.cmpi slt, %mul3A_404, %sign3A_410 : i32
      %sign3A_412 = arith.extui %sign3A_411 : i1 to i32
      %sign3A_413 = arith.subi %sign3A_409, %sign3A_412 : i32
      %sign3A_414 = arith.constant 0 : i32
      %sign3A_415 = arith.cmpi sgt, %jit3A_405, %sign3A_414 : i32
      %sign3A_416 = arith.extui %sign3A_415 : i1 to i32
      %sign3A_417 = arith.constant 0 : i32
      %sign3A_418 = arith.cmpi slt, %jit3A_405, %sign3A_417 : i32
      %sign3A_419 = arith.extui %sign3A_418 : i1 to i32
      %sign3A_420 = arith.subi %sign3A_416, %sign3A_419 : i32
      %ne3A_421 = arith.cmpi ne, %sign3A_413, %sign3A_420 : i32
      %rem3A_422 = arith.remsi %mul3A_404, %jit3A_405 : i32
      %ne3A_423 = arith.constant 0 : i32
      %ne3A_424 = arith.cmpi ne, %rem3A_422, %ne3A_423 : i32
      %and3A_425 = arith.andi %ne3A_421, %ne3A_424 : i1
      %sub3A_426 = arith.constant 1 : i32
      %sub3A_427 = arith.subi %div3A_406, %sub3A_426 : i32
      %select_n3A_428 = arith.select %and3A_425, %sub3A_427, %div3A_406 : i32
      %get3A_429 = arith.index_cast %select_n3A_428 : i32 to index
      %get3A_430 = arith.constant 0 : index
      %get3A_431 = tpu.vector_load %arg9[%get3A_429, %get3A_430] {strides = array<i32>} : memref<32x128xf32, #tpu.memory_space<vmem>>, vector<16xf32>,
      %get3A_432 = arith.index_cast %select_n3A_428 : i32 to index
      %get3A_433 = arith.constant 16 : index
      %get3A_434 = tpu.vector_load %arg9[%get3A_432, %get3A_433] {strides = array<i32>} : memref<32x128xf32, #tpu.memory_space<vmem>>, vector<16xf32>,
      %get3A_435 = arith.index_cast %select_n3A_428 : i32 to index
      %get3A_436 = arith.constant 32 : index
      %get3A_437 = tpu.vector_load %arg9[%get3A_435, %get3A_436] {strides = array<i32>} : memref<32x128xf32, #tpu.memory_space<vmem>>, vector<16xf32>,
      %get3A_438 = arith.index_cast %select_n3A_428 : i32 to index
      %get3A_439 = arith.constant 48 : index
      %get3A_440 = tpu.vector_load %arg9[%get3A_438, %get3A_439] {strides = array<i32>} : memref<32x128xf32, #tpu.memory_space<vmem>>, vector<16xf32>,
      %get3A_441 = arith.index_cast %select_n3A_428 : i32 to index
      %get3A_442 = arith.constant 64 : index
      %get3A_443 = tpu.vector_load %arg9[%get3A_441, %get3A_442] {strides = array<i32>} : memref<32x128xf32, #tpu.memory_space<vmem>>, vector<16xf32>,
      %get3A_444 = arith.index_cast %select_n3A_428 : i32 to index
      %get3A_445 = arith.constant 80 : index
      %get3A_446 = tpu.vector_load %arg9[%get3A_444, %get3A_445] {strides = array<i32>} : memref<32x128xf32, #tpu.memory_space<vmem>>, vector<16xf32>,
      %get3A_447 = arith.index_cast %select_n3A_428 : i32 to index
      %get3A_448 = arith.constant 96 : index
      %get3A_449 = tpu.vector_load %arg9[%get3A_447, %get3A_448] {strides = array<i32>} : memref<32x128xf32, #tpu.memory_space<vmem>>, vector<16xf32>,
      %get3A_450 = arith.index_cast %select_n3A_428 : i32 to index
      %get3A_451 = arith.constant 112 : index
      %get3A_452 = tpu.vector_load %arg9[%get3A_450, %get3A_451] {strides = array<i32>} : memref<32x128xf32, #tpu.memory_space<vmem>>, vector<16xf32>,
      %mul3A_453 = arith.constant 2 : i32
      %mul3A_454 = arith.muli %add3A_391, %mul3A_453 : i32
      %add3A_455 = arith.constant 0 : i32
      %add3A_456 = arith.addi %mul3A_454, %add3A_455 : i32
      %scan3A_457 = arith.constant 0xFF800000 : f32
      %scan3A_458 = arith.constant 0 : i32
      %scan3A_459 = arith.constant 0 : i32
      %scan3A_460 = arith.constant 50 : i32
      %scan3A_461 = arith.addi %scan3A_459, %scan3A_460 : i32
      %scan3A_462 = arith.constant 5 : i32
      %scan3A_463:2 = scf.for %scan3A_498 = %scan3A_459 to %scan3A_461 step %scan3A_462 iter_args(%scan3A_499 = %scan3A_457, %scan3A_500 = %scan3A_458) -> (f32, i32)  : i32 {
        %add3A_501 = arith.constant 0 : i32
        %add3A_502 = arith.addi %add3A_501, %scan3A_498 : i32
        %get3A_503 = arith.constant 3 : i32
        %get3A_504 = arith.index_cast %get3A_503 : i32 to index
        %get3A_505 = arith.index_cast %add3A_502 : i32 to index
        %get3A_506 = arith.constant 0 : index
        %get3A_507 = tpu.vector_load %arg10[%get3A_504, %get3A_505, %get3A_506] {strides = array<i32>} : memref<4x100x128xf32, #tpu.memory_space<vmem>>, vector<16xf32>,
        %mul3A_508 = arith.mulf %get3A_431, %get3A_507 : vector<16xf32>
        %get3A_509 = arith.constant 3 : i32
        %get3A_510 = arith.index_cast %get3A_509 : i32 to index
        %get3A_511 = arith.index_cast %add3A_502 : i32 to index
        %get3A_512 = arith.constant 16 : index
        %get3A_513 = tpu.vector_load %arg10[%get3A_510, %get3A_511, %get3A_512] {strides = array<i32>} : memref<4x100x128xf32, #tpu.memory_space<vmem>>, vector<16xf32>,
        %mul3A_514 = arith.mulf %get3A_434, %get3A_513 : vector<16xf32>
        %get3A_515 = arith.constant 3 : i32
        %get3A_516 = arith.index_cast %get3A_515 : i32 to index
        %get3A_517 = arith.index_cast %add3A_502 : i32 to index
        %get3A_518 = arith.constant 32 : index
        %get3A_519 = tpu.vector_load %arg10[%get3A_516, %get3A_517, %get3A_518] {strides = array<i32>} : memref<4x100x128xf32, #tpu.memory_space<vmem>>, vector<16xf32>,
        %mul3A_520 = arith.mulf %get3A_437, %get3A_519 : vector<16xf32>
        %get3A_521 = arith.constant 3 : i32
        %get3A_522 = arith.index_cast %get3A_521 : i32 to index
        %get3A_523 = arith.index_cast %add3A_502 : i32 to index
        %get3A_524 = arith.constant 48 : index
        %get3A_525 = tpu.vector_load %arg10[%get3A_522, %get3A_523, %get3A_524] {strides = array<i32>} : memref<4x100x128xf32, #tpu.memory_space<vmem>>, vector<16xf32>,
        %mul3A_526 = arith.mulf %get3A_440, %get3A_525 : vector<16xf32>
        %get3A_527 = arith.constant 3 : i32
        %get3A_528 = arith.index_cast %get3A_527 : i32 to index
        %get3A_529 = arith.index_cast %add3A_502 : i32 to index
        %get3A_530 = arith.constant 64 : index
        %get3A_531 = tpu.vector_load %arg10[%get3A_528, %get3A_529, %get3A_530] {strides = array<i32>} : memref<4x100x128xf32, #tpu.memory_space<vmem>>, vector<16xf32>,
        %mul3A_532 = arith.mulf %get3A_443, %get3A_531 : vector<16xf32>
        %get3A_533 = arith.constant 3 : i32
        %get3A_534 = arith.index_cast %get3A_533 : i32 to index
        %get3A_535 = arith.index_cast %add3A_502 : i32 to index
        %get3A_536 = arith.constant 80 : index
        %get3A_537 = tpu.vector_load %arg10[%get3A_534, %get3A_535, %get3A_536] {strides = array<i32>} : memref<4x100x128xf32, #tpu.memory_space<vmem>>, vector<16xf32>,
        %mul3A_538 = arith.mulf %get3A_446, %get3A_537 : vector<16xf32>
        %get3A_539 = arith.constant 3 : i32
        %get3A_540 = arith.index_cast %get3A_539 : i32 to index
        %get3A_541 = arith.index_cast %add3A_502 : i32 to index
        %get3A_542 = arith.constant 96 : index
        %get3A_543 = tpu.vector_load %arg10[%get3A_540, %get3A_541, %get3A_542] {strides = array<i32>} : memref<4x100x128xf32, #tpu.memory_space<vmem>>, vector<16xf32>,
        %mul3A_544 = arith.mulf %get3A_449, %get3A_543 : vector<16xf32>
        %get3A_545 = arith.constant 3 : i32
        %get3A_546 = arith.index_cast %get3A_545 : i32 to index
        %get3A_547 = arith.index_cast %add3A_502 : i32 to index
        %get3A_548 = arith.constant 112 : index
        %get3A_549 = tpu.vector_load %arg10[%get3A_546, %get3A_547, %get3A_548] {strides = array<i32>} : memref<4x100x128xf32, #tpu.memory_space<vmem>>, vector<16xf32>,
        %mul3A_550 = arith.mulf %get3A_452, %get3A_549 : vector<16xf32>
        %add3A_551 = arith.addf %mul3A_508, %mul3A_514 : vector<16xf32>
        %add3A_552 = arith.addf %mul3A_520, %mul3A_526 : vector<16xf32>
        %add3A_553 = arith.addf %add3A_551, %add3A_552 : vector<16xf32>
        %add3A_554 = arith.addf %mul3A_532, %mul3A_538 : vector<16xf32>
        %add3A_555 = arith.addf %mul3A_544, %mul3A_550 : vector<16xf32>
        %add3A_556 = arith.addf %add3A_554, %add3A_555 : vector<16xf32>
        %add3A_557 = arith.addf %add3A_553, %add3A_556 : vector<16xf32>
        %reduce_sum3A = arith.constant true
        %reduce_sum3A_558 = vector.broadcast %reduce_sum3A : i1 to vector<16xi1>
        %reduce_sum3A_559 = tpu.scan <sum>, %add3A_557 masked %reduce_sum3A_558 : vector<16xf32>, vector<16xi1> -> vector<16xf32>
        %reduce_sum3A_560 = vector.extract %reduce_sum3A_559[15] : f32 from vector<16xf32>
        %gt3A = arith.cmpf ogt, %reduce_sum3A_560, %scan3A_499 : f32
        %select_n3A_561 = arith.select %gt3A, %reduce_sum3A_560, %scan3A_499 : f32
        %select_n3A_562 = arith.select %gt3A, %scan3A_498, %scan3A_500 : i32
        %scan3A_563 = arith.constant 1 : i32
        %scan3A_564 = arith.addi %scan3A_498, %scan3A_563 : i32
        %add3A_565 = arith.constant 0 : i32
        %add3A_566 = arith.addi %add3A_565, %scan3A_564 : i32
        %get3A_567 = arith.constant 3 : i32
        %get3A_568 = arith.index_cast %get3A_567 : i32 to index
        %get3A_569 = arith.index_cast %add3A_566 : i32 to index
        %get3A_570 = arith.constant 0 : index
        %get3A_571 = tpu.vector_load %arg10[%get3A_568, %get3A_569, %get3A_570] {strides = array<i32>} : memref<4x100x128xf32, #tpu.memory_space<vmem>>, vector<16xf32>,
        %mul3A_572 = arith.mulf %get3A_431, %get3A_571 : vector<16xf32>
        %get3A_573 = arith.constant 3 : i32
        %get3A_574 = arith.index_cast %get3A_573 : i32 to index
        %get3A_575 = arith.index_cast %add3A_566 : i32 to index
        %get3A_576 = arith.constant 16 : index
        %get3A_577 = tpu.vector_load %arg10[%get3A_574, %get3A_575, %get3A_576] {strides = array<i32>} : memref<4x100x128xf32, #tpu.memory_space<vmem>>, vector<16xf32>,
        %mul3A_578 = arith.mulf %get3A_434, %get3A_577 : vector<16xf32>
        %get3A_579 = arith.constant 3 : i32
        %get3A_580 = arith.index_cast %get3A_579 : i32 to index
        %get3A_581 = arith.index_cast %add3A_566 : i32 to index
        %get3A_582 = arith.constant 32 : index
        %get3A_583 = tpu.vector_load %arg10[%get3A_580, %get3A_581, %get3A_582] {strides = array<i32>} : memref<4x100x128xf32, #tpu.memory_space<vmem>>, vector<16xf32>,
        %mul3A_584 = arith.mulf %get3A_437, %get3A_583 : vector<16xf32>
        %get3A_585 = arith.constant 3 : i32
        %get3A_586 = arith.index_cast %get3A_585 : i32 to index
        %get3A_587 = arith.index_cast %add3A_566 : i32 to index
        %get3A_588 = arith.constant 48 : index
        %get3A_589 = tpu.vector_load %arg10[%get3A_586, %get3A_587, %get3A_588] {strides = array<i32>} : memref<4x100x128xf32, #tpu.memory_space<vmem>>, vector<16xf32>,
        %mul3A_590 = arith.mulf %get3A_440, %get3A_589 : vector<16xf32>
        %get3A_591 = arith.constant 3 : i32
        %get3A_592 = arith.index_cast %get3A_591 : i32 to index
        %get3A_593 = arith.index_cast %add3A_566 : i32 to index
        %get3A_594 = arith.constant 64 : index
        %get3A_595 = tpu.vector_load %arg10[%get3A_592, %get3A_593, %get3A_594] {strides = array<i32>} : memref<4x100x128xf32, #tpu.memory_space<vmem>>, vector<16xf32>,
        %mul3A_596 = arith.mulf %get3A_443, %get3A_595 : vector<16xf32>
        %get3A_597 = arith.constant 3 : i32
        %get3A_598 = arith.index_cast %get3A_597 : i32 to index
        %get3A_599 = arith.index_cast %add3A_566 : i32 to index
        %get3A_600 = arith.constant 80 : index
        %get3A_601 = tpu.vector_load %arg10[%get3A_598, %get3A_599, %get3A_600] {strides = array<i32>} : memref<4x100x128xf32, #tpu.memory_space<vmem>>, vector<16xf32>,
        %mul3A_602 = arith.mulf %get3A_446, %get3A_601 : vector<16xf32>
        %get3A_603 = arith.constant 3 : i32
        %get3A_604 = arith.index_cast %get3A_603 : i32 to index
        %get3A_605 = arith.index_cast %add3A_566 : i32 to index
        %get3A_606 = arith.constant 96 : index
        %get3A_607 = tpu.vector_load %arg10[%get3A_604, %get3A_605, %get3A_606] {strides = array<i32>} : memref<4x100x128xf32, #tpu.memory_space<vmem>>, vector<16xf32>,
        %mul3A_608 = arith.mulf %get3A_449, %get3A_607 : vector<16xf32>
        %get3A_609 = arith.constant 3 : i32
        %get3A_610 = arith.index_cast %get3A_609 : i32 to index
        %get3A_611 = arith.index_cast %add3A_566 : i32 to index
        %get3A_612 = arith.constant 112 : index
        %get3A_613 = tpu.vector_load %arg10[%get3A_610, %get3A_611, %get3A_612] {strides = array<i32>} : memref<4x100x128xf32, #tpu.memory_space<vmem>>, vector<16xf32>,
        %mul3A_614 = arith.mulf %get3A_452, %get3A_613 : vector<16xf32>
        %add3A_615 = arith.addf %mul3A_572, %mul3A_578 : vector<16xf32>
        %add3A_616 = arith.addf %mul3A_584, %mul3A_590 : vector<16xf32>
        %add3A_617 = arith.addf %add3A_615, %add3A_616 : vector<16xf32>
        %add3A_618 = arith.addf %mul3A_596, %mul3A_602 : vector<16xf32>
        %add3A_619 = arith.addf %mul3A_608, %mul3A_614 : vector<16xf32>
        %add3A_620 = arith.addf %add3A_618, %add3A_619 : vector<16xf32>
        %add3A_621 = arith.addf %add3A_617, %add3A_620 : vector<16xf32>
        %reduce_sum3A_622 = arith.constant true
        %reduce_sum3A_623 = vector.broadcast %reduce_sum3A_622 : i1 to vector<16xi1>
        %reduce_sum3A_624 = tpu.scan <sum>, %add3A_621 masked %reduce_sum3A_623 : vector<16xf32>, vector<16xi1> -> vector<16xf32>
        %reduce_sum3A_625 = vector.extract %reduce_sum3A_624[15] : f32 from vector<16xf32>
        %gt3A_626 = arith.cmpf ogt, %reduce_sum3A_625, %select_n3A_561 : f32
        %select_n3A_627 = arith.select %gt3A_626, %reduce_sum3A_625, %select_n3A_561 : f32
        %select_n3A_628 = arith.select %gt3A_626, %scan3A_564, %select_n3A_562 : i32
        %scan3A_629 = arith.constant 2 : i32
        %scan3A_630 = arith.addi %scan3A_498, %scan3A_629 : i32
        %add3A_631 = arith.constant 0 : i32
        %add3A_632 = arith.addi %add3A_631, %scan3A_630 : i32
        %get3A_633 = arith.constant 3 : i32
        %get3A_634 = arith.index_cast %get3A_633 : i32 to index
        %get3A_635 = arith.index_cast %add3A_632 : i32 to index
        %get3A_636 = arith.constant 0 : index
        %get3A_637 = tpu.vector_load %arg10[%get3A_634, %get3A_635, %get3A_636] {strides = array<i32>} : memref<4x100x128xf32, #tpu.memory_space<vmem>>, vector<16xf32>,
        %mul3A_638 = arith.mulf %get3A_431, %get3A_637 : vector<16xf32>
        %get3A_639 = arith.constant 3 : i32
        %get3A_640 = arith.index_cast %get3A_639 : i32 to index
        %get3A_641 = arith.index_cast %add3A_632 : i32 to index
        %get3A_642 = arith.constant 16 : index
        %get3A_643 = tpu.vector_load %arg10[%get3A_640, %get3A_641, %get3A_642] {strides = array<i32>} : memref<4x100x128xf32, #tpu.memory_space<vmem>>, vector<16xf32>,
        %mul3A_644 = arith.mulf %get3A_434, %get3A_643 : vector<16xf32>
        %get3A_645 = arith.constant 3 : i32
        %get3A_646 = arith.index_cast %get3A_645 : i32 to index
        %get3A_647 = arith.index_cast %add3A_632 : i32 to index
        %get3A_648 = arith.constant 32 : index
        %get3A_649 = tpu.vector_load %arg10[%get3A_646, %get3A_647, %get3A_648] {strides = array<i32>} : memref<4x100x128xf32, #tpu.memory_space<vmem>>, vector<16xf32>,
        %mul3A_650 = arith.mulf %get3A_437, %get3A_649 : vector<16xf32>
        %get3A_651 = arith.constant 3 : i32
        %get3A_652 = arith.index_cast %get3A_651 : i32 to index
        %get3A_653 = arith.index_cast %add3A_632 : i32 to index
        %get3A_654 = arith.constant 48 : index
        %get3A_655 = tpu.vector_load %arg10[%get3A_652, %get3A_653, %get3A_654] {strides = array<i32>} : memref<4x100x128xf32, #tpu.memory_space<vmem>>, vector<16xf32>,
        %mul3A_656 = arith.mulf %get3A_440, %get3A_655 : vector<16xf32>
        %get3A_657 = arith.constant 3 : i32
        %get3A_658 = arith.index_cast %get3A_657 : i32 to index
        %get3A_659 = arith.index_cast %add3A_632 : i32 to index
        %get3A_660 = arith.constant 64 : index
        %get3A_661 = tpu.vector_load %arg10[%get3A_658, %get3A_659, %get3A_660] {strides = array<i32>} : memref<4x100x128xf32, #tpu.memory_space<vmem>>, vector<16xf32>,
        %mul3A_662 = arith.mulf %get3A_443, %get3A_661 : vector<16xf32>
        %get3A_663 = arith.constant 3 : i32
        %get3A_664 = arith.index_cast %get3A_663 : i32 to index
        %get3A_665 = arith.index_cast %add3A_632 : i32 to index
        %get3A_666 = arith.constant 80 : index
        %get3A_667 = tpu.vector_load %arg10[%get3A_664, %get3A_665, %get3A_666] {strides = array<i32>} : memref<4x100x128xf32, #tpu.memory_space<vmem>>, vector<16xf32>,
        %mul3A_668 = arith.mulf %get3A_446, %get3A_667 : vector<16xf32>
        %get3A_669 = arith.constant 3 : i32
        %get3A_670 = arith.index_cast %get3A_669 : i32 to index
        %get3A_671 = arith.index_cast %add3A_632 : i32 to index
        %get3A_672 = arith.constant 96 : index
        %get3A_673 = tpu.vector_load %arg10[%get3A_670, %get3A_671, %get3A_672] {strides = array<i32>} : memref<4x100x128xf32, #tpu.memory_space<vmem>>, vector<16xf32>,
        %mul3A_674 = arith.mulf %get3A_449, %get3A_673 : vector<16xf32>
        %get3A_675 = arith.constant 3 : i32
        %get3A_676 = arith.index_cast %get3A_675 : i32 to index
        %get3A_677 = arith.index_cast %add3A_632 : i32 to index
        %get3A_678 = arith.constant 112 : index
        %get3A_679 = tpu.vector_load %arg10[%get3A_676, %get3A_677, %get3A_678] {strides = array<i32>} : memref<4x100x128xf32, #tpu.memory_space<vmem>>, vector<16xf32>,
        %mul3A_680 = arith.mulf %get3A_452, %get3A_679 : vector<16xf32>
        %add3A_681 = arith.addf %mul3A_638, %mul3A_644 : vector<16xf32>
        %add3A_682 = arith.addf %mul3A_650, %mul3A_656 : vector<16xf32>
        %add3A_683 = arith.addf %add3A_681, %add3A_682 : vector<16xf32>
        %add3A_684 = arith.addf %mul3A_662, %mul3A_668 : vector<16xf32>
        %add3A_685 = arith.addf %mul3A_674, %mul3A_680 : vector<16xf32>
        %add3A_686 = arith.addf %add3A_684, %add3A_685 : vector<16xf32>
        %add3A_687 = arith.addf %add3A_683, %add3A_686 : vector<16xf32>
        %reduce_sum3A_688 = arith.constant true
        %reduce_sum3A_689 = vector.broadcast %reduce_sum3A_688 : i1 to vector<16xi1>
        %reduce_sum3A_690 = tpu.scan <sum>, %add3A_687 masked %reduce_sum3A_689 : vector<16xf32>, vector<16xi1> -> vector<16xf32>
        %reduce_sum3A_691 = vector.extract %reduce_sum3A_690[15] : f32 from vector<16xf32>
        %gt3A_692 = arith.cmpf ogt, %reduce_sum3A_691, %select_n3A_627 : f32
        %select_n3A_693 = arith.select %gt3A_692, %reduce_sum3A_691, %select_n3A_627 : f32
        %select_n3A_694 = arith.select %gt3A_692, %scan3A_630, %select_n3A_628 : i32
        %scan3A_695 = arith.constant 3 : i32
        %scan3A_696 = arith.addi %scan3A_498, %scan3A_695 : i32
        %add3A_697 = arith.constant 0 : i32
        %add3A_698 = arith.addi %add3A_697, %scan3A_696 : i32
        %get3A_699 = arith.constant 3 : i32
        %get3A_700 = arith.index_cast %get3A_699 : i32 to index
        %get3A_701 = arith.index_cast %add3A_698 : i32 to index
        %get3A_702 = arith.constant 0 : index
        %get3A_703 = tpu.vector_load %arg10[%get3A_700, %get3A_701, %get3A_702] {strides = array<i32>} : memref<4x100x128xf32, #tpu.memory_space<vmem>>, vector<16xf32>,
        %mul3A_704 = arith.mulf %get3A_431, %get3A_703 : vector<16xf32>
        %get3A_705 = arith.constant 3 : i32
        %get3A_706 = arith.index_cast %get3A_705 : i32 to index
        %get3A_707 = arith.index_cast %add3A_698 : i32 to index
        %get3A_708 = arith.constant 16 : index
        %get3A_709 = tpu.vector_load %arg10[%get3A_706, %get3A_707, %get3A_708] {strides = array<i32>} : memref<4x100x128xf32, #tpu.memory_space<vmem>>, vector<16xf32>,
        %mul3A_710 = arith.mulf %get3A_434, %get3A_709 : vector<16xf32>
        %get3A_711 = arith.constant 3 : i32
        %get3A_712 = arith.index_cast %get3A_711 : i32 to index
        %get3A_713 = arith.index_cast %add3A_698 : i32 to index
        %get3A_714 = arith.constant 32 : index
        %get3A_715 = tpu.vector_load %arg10[%get3A_712, %get3A_713, %get3A_714] {strides = array<i32>} : memref<4x100x128xf32, #tpu.memory_space<vmem>>, vector<16xf32>,
        %mul3A_716 = arith.mulf %get3A_437, %get3A_715 : vector<16xf32>
        %get3A_717 = arith.constant 3 : i32
        %get3A_718 = arith.index_cast %get3A_717 : i32 to index
        %get3A_719 = arith.index_cast %add3A_698 : i32 to index
        %get3A_720 = arith.constant 48 : index
        %get3A_721 = tpu.vector_load %arg10[%get3A_718, %get3A_719, %get3A_720] {strides = array<i32>} : memref<4x100x128xf32, #tpu.memory_space<vmem>>, vector<16xf32>,
        %mul3A_722 = arith.mulf %get3A_440, %get3A_721 : vector<16xf32>
        %get3A_723 = arith.constant 3 : i32
        %get3A_724 = arith.index_cast %get3A_723 : i32 to index
        %get3A_725 = arith.index_cast %add3A_698 : i32 to index
        %get3A_726 = arith.constant 64 : index
        %get3A_727 = tpu.vector_load %arg10[%get3A_724, %get3A_725, %get3A_726] {strides = array<i32>} : memref<4x100x128xf32, #tpu.memory_space<vmem>>, vector<16xf32>,
        %mul3A_728 = arith.mulf %get3A_443, %get3A_727 : vector<16xf32>
        %get3A_729 = arith.constant 3 : i32
        %get3A_730 = arith.index_cast %get3A_729 : i32 to index
        %get3A_731 = arith.index_cast %add3A_698 : i32 to index
        %get3A_732 = arith.constant 80 : index
        %get3A_733 = tpu.vector_load %arg10[%get3A_730, %get3A_731, %get3A_732] {strides = array<i32>} : memref<4x100x128xf32, #tpu.memory_space<vmem>>, vector<16xf32>,
        %mul3A_734 = arith.mulf %get3A_446, %get3A_733 : vector<16xf32>
        %get3A_735 = arith.constant 3 : i32
        %get3A_736 = arith.index_cast %get3A_735 : i32 to index
        %get3A_737 = arith.index_cast %add3A_698 : i32 to index
        %get3A_738 = arith.constant 96 : index
        %get3A_739 = tpu.vector_load %arg10[%get3A_736, %get3A_737, %get3A_738] {strides = array<i32>} : memref<4x100x128xf32, #tpu.memory_space<vmem>>, vector<16xf32>,
        %mul3A_740 = arith.mulf %get3A_449, %get3A_739 : vector<16xf32>
        %get3A_741 = arith.constant 3 : i32
        %get3A_742 = arith.index_cast %get3A_741 : i32 to index
        %get3A_743 = arith.index_cast %add3A_698 : i32 to index
        %get3A_744 = arith.constant 112 : index
        %get3A_745 = tpu.vector_load %arg10[%get3A_742, %get3A_743, %get3A_744] {strides = array<i32>} : memref<4x100x128xf32, #tpu.memory_space<vmem>>, vector<16xf32>,
        %mul3A_746 = arith.mulf %get3A_452, %get3A_745 : vector<16xf32>
        %add3A_747 = arith.addf %mul3A_704, %mul3A_710 : vector<16xf32>
        %add3A_748 = arith.addf %mul3A_716, %mul3A_722 : vector<16xf32>
        %add3A_749 = arith.addf %add3A_747, %add3A_748 : vector<16xf32>
        %add3A_750 = arith.addf %mul3A_728, %mul3A_734 : vector<16xf32>
        %add3A_751 = arith.addf %mul3A_740, %mul3A_746 : vector<16xf32>
        %add3A_752 = arith.addf %add3A_750, %add3A_751 : vector<16xf32>
        %add3A_753 = arith.addf %add3A_749, %add3A_752 : vector<16xf32>
        %reduce_sum3A_754 = arith.constant true
        %reduce_sum3A_755 = vector.broadcast %reduce_sum3A_754 : i1 to vector<16xi1>
        %reduce_sum3A_756 = tpu.scan <sum>, %add3A_753 masked %reduce_sum3A_755 : vector<16xf32>, vector<16xi1> -> vector<16xf32>
        %reduce_sum3A_757 = vector.extract %reduce_sum3A_756[15] : f32 from vector<16xf32>
        %gt3A_758 = arith.cmpf ogt, %reduce_sum3A_757, %select_n3A_693 : f32
        %select_n3A_759 = arith.select %gt3A_758, %reduce_sum3A_757, %select_n3A_693 : f32
        %select_n3A_760 = arith.select %gt3A_758, %scan3A_696, %select_n3A_694 : i32
        %scan3A_761 = arith.constant 4 : i32
        %scan3A_762 = arith.addi %scan3A_498, %scan3A_761 : i32
        %add3A_763 = arith.constant 0 : i32
        %add3A_764 = arith.addi %add3A_763, %scan3A_762 : i32
        %get3A_765 = arith.constant 3 : i32
        %get3A_766 = arith.index_cast %get3A_765 : i32 to index
        %get3A_767 = arith.index_cast %add3A_764 : i32 to index
        %get3A_768 = arith.constant 0 : index
        %get3A_769 = tpu.vector_load %arg10[%get3A_766, %get3A_767, %get3A_768] {strides = array<i32>} : memref<4x100x128xf32, #tpu.memory_space<vmem>>, vector<16xf32>,
        %mul3A_770 = arith.mulf %get3A_431, %get3A_769 : vector<16xf32>
        %get3A_771 = arith.constant 3 : i32
        %get3A_772 = arith.index_cast %get3A_771 : i32 to index
        %get3A_773 = arith.index_cast %add3A_764 : i32 to index
        %get3A_774 = arith.constant 16 : index
        %get3A_775 = tpu.vector_load %arg10[%get3A_772, %get3A_773, %get3A_774] {strides = array<i32>} : memref<4x100x128xf32, #tpu.memory_space<vmem>>, vector<16xf32>,
        %mul3A_776 = arith.mulf %get3A_434, %get3A_775 : vector<16xf32>
        %get3A_777 = arith.constant 3 : i32
        %get3A_778 = arith.index_cast %get3A_777 : i32 to index
        %get3A_779 = arith.index_cast %add3A_764 : i32 to index
        %get3A_780 = arith.constant 32 : index
        %get3A_781 = tpu.vector_load %arg10[%get3A_778, %get3A_779, %get3A_780] {strides = array<i32>} : memref<4x100x128xf32, #tpu.memory_space<vmem>>, vector<16xf32>,
        %mul3A_782 = arith.mulf %get3A_437, %get3A_781 : vector<16xf32>
        %get3A_783 = arith.constant 3 : i32
        %get3A_784 = arith.index_cast %get3A_783 : i32 to index
        %get3A_785 = arith.index_cast %add3A_764 : i32 to index
        %get3A_786 = arith.constant 48 : index
        %get3A_787 = tpu.vector_load %arg10[%get3A_784, %get3A_785, %get3A_786] {strides = array<i32>} : memref<4x100x128xf32, #tpu.memory_space<vmem>>, vector<16xf32>,
        %mul3A_788 = arith.mulf %get3A_440, %get3A_787 : vector<16xf32>
        %get3A_789 = arith.constant 3 : i32
        %get3A_790 = arith.index_cast %get3A_789 : i32 to index
        %get3A_791 = arith.index_cast %add3A_764 : i32 to index
        %get3A_792 = arith.constant 64 : index
        %get3A_793 = tpu.vector_load %arg10[%get3A_790, %get3A_791, %get3A_792] {strides = array<i32>} : memref<4x100x128xf32, #tpu.memory_space<vmem>>, vector<16xf32>,
        %mul3A_794 = arith.mulf %get3A_443, %get3A_793 : vector<16xf32>
        %get3A_795 = arith.constant 3 : i32
        %get3A_796 = arith.index_cast %get3A_795 : i32 to index
        %get3A_797 = arith.index_cast %add3A_764 : i32 to index
        %get3A_798 = arith.constant 80 : index
        %get3A_799 = tpu.vector_load %arg10[%get3A_796, %get3A_797, %get3A_798] {strides = array<i32>} : memref<4x100x128xf32, #tpu.memory_space<vmem>>, vector<16xf32>,
        %mul3A_800 = arith.mulf %get3A_446, %get3A_799 : vector<16xf32>
        %get3A_801 = arith.constant 3 : i32
        %get3A_802 = arith.index_cast %get3A_801 : i32 to index
        %get3A_803 = arith.index_cast %add3A_764 : i32 to index
        %get3A_804 = arith.constant 96 : index
        %get3A_805 = tpu.vector_load %arg10[%get3A_802, %get3A_803, %get3A_804] {strides = array<i32>} : memref<4x100x128xf32, #tpu.memory_space<vmem>>, vector<16xf32>,
        %mul3A_806 = arith.mulf %get3A_449, %get3A_805 : vector<16xf32>
        %get3A_807 = arith.constant 3 : i32
        %get3A_808 = arith.index_cast %get3A_807 : i32 to index
        %get3A_809 = arith.index_cast %add3A_764 : i32 to index
        %get3A_810 = arith.constant 112 : index
        %get3A_811 = tpu.vector_load %arg10[%get3A_808, %get3A_809, %get3A_810] {strides = array<i32>} : memref<4x100x128xf32, #tpu.memory_space<vmem>>, vector<16xf32>,
        %mul3A_812 = arith.mulf %get3A_452, %get3A_811 : vector<16xf32>
        %add3A_813 = arith.addf %mul3A_770, %mul3A_776 : vector<16xf32>
        %add3A_814 = arith.addf %mul3A_782, %mul3A_788 : vector<16xf32>
        %add3A_815 = arith.addf %add3A_813, %add3A_814 : vector<16xf32>
        %add3A_816 = arith.addf %mul3A_794, %mul3A_800 : vector<16xf32>
        %add3A_817 = arith.addf %mul3A_806, %mul3A_812 : vector<16xf32>
        %add3A_818 = arith.addf %add3A_816, %add3A_817 : vector<16xf32>
        %add3A_819 = arith.addf %add3A_815, %add3A_818 : vector<16xf32>
        %reduce_sum3A_820 = arith.constant true
        %reduce_sum3A_821 = vector.broadcast %reduce_sum3A_820 : i1 to vector<16xi1>
        %reduce_sum3A_822 = tpu.scan <sum>, %add3A_819 masked %reduce_sum3A_821 : vector<16xf32>, vector<16xi1> -> vector<16xf32>
        %reduce_sum3A_823 = vector.extract %reduce_sum3A_822[15] : f32 from vector<16xf32>
        %gt3A_824 = arith.cmpf ogt, %reduce_sum3A_823, %select_n3A_759 : f32
        %select_n3A_825 = arith.select %gt3A_824, %reduce_sum3A_823, %select_n3A_759 : f32
        %select_n3A_826 = arith.select %gt3A_824, %scan3A_762, %select_n3A_760 : i32
        scf.yield %select_n3A_825, %select_n3A_826 : f32, i32
      }
      %scan3A_464 = arith.constant 50 : i32
      %broadcast_in_dim3A_465 = vector.broadcast %scan3A_463#1 : i32 to vector<16xi32>
      %add3A_466 = arith.constant 0 : i32
      %add3A_467 = vector.broadcast %add3A_466 : i32 to vector<16xi32>
      %add3A_468 = arith.addi %broadcast_in_dim3A_465, %add3A_467 : vector<16xi32>
      %broadcast_in_dim3A_469 = vector.broadcast %add3A_391 : i32 to vector<16xi32>
      %gather3A_470 = tpu.vector_load_idx %arg7[%broadcast_in_dim3A_469, %add3A_468] : memref<128x100xi32, #tpu.memory_space<vmem>>[vector<16xi32>, vector<16xi32>], vector<16xi32>,
      %broadcast_in_dim3A_471 = vector.broadcast %add3A_456 : i32 to vector<16xi32>
      tpu.vector_store_idx %arg11[%broadcast_in_dim3A_471], %gather3A_470 masked %eq3A_61 : memref<256xi32, #tpu.memory_space<vmem>>[vector<16xi32>], vector<16xi32>, vector<16xi1>
      %mul3A_472 = arith.constant 2 : i32
      %mul3A_473 = arith.muli %add3A_391, %mul3A_472 : i32
      %add3A_474 = arith.constant 1 : i32
      %add3A_475 = arith.addi %mul3A_473, %add3A_474 : i32
      %scan3A_476 = arith.constant 0xFF800000 : f32
      %scan3A_477 = arith.constant 0 : i32
      %scan3A_478 = arith.constant 0 : i32
      %scan3A_479 = arith.constant 50 : i32
      %scan3A_480 = arith.addi %scan3A_478, %scan3A_479 : i32
      %scan3A_481 = arith.constant 5 : i32
      %scan3A_482:2 = scf.for %scan3A_498 = %scan3A_478 to %scan3A_480 step %scan3A_481 iter_args(%scan3A_499 = %scan3A_476, %scan3A_500 = %scan3A_477) -> (f32, i32)  : i32 {
        %add3A_501 = arith.constant 50 : i32
        %add3A_502 = arith.addi %add3A_501, %scan3A_498 : i32
        %get3A_503 = arith.constant 3 : i32
        %get3A_504 = arith.index_cast %get3A_503 : i32 to index
        %get3A_505 = arith.index_cast %add3A_502 : i32 to index
        %get3A_506 = arith.constant 0 : index
        %get3A_507 = tpu.vector_load %arg10[%get3A_504, %get3A_505, %get3A_506] {strides = array<i32>} : memref<4x100x128xf32, #tpu.memory_space<vmem>>, vector<16xf32>,
        %mul3A_508 = arith.mulf %get3A_431, %get3A_507 : vector<16xf32>
        %get3A_509 = arith.constant 3 : i32
        %get3A_510 = arith.index_cast %get3A_509 : i32 to index
        %get3A_511 = arith.index_cast %add3A_502 : i32 to index
        %get3A_512 = arith.constant 16 : index
        %get3A_513 = tpu.vector_load %arg10[%get3A_510, %get3A_511, %get3A_512] {strides = array<i32>} : memref<4x100x128xf32, #tpu.memory_space<vmem>>, vector<16xf32>,
        %mul3A_514 = arith.mulf %get3A_434, %get3A_513 : vector<16xf32>
        %get3A_515 = arith.constant 3 : i32
        %get3A_516 = arith.index_cast %get3A_515 : i32 to index
        %get3A_517 = arith.index_cast %add3A_502 : i32 to index
        %get3A_518 = arith.constant 32 : index
        %get3A_519 = tpu.vector_load %arg10[%get3A_516, %get3A_517, %get3A_518] {strides = array<i32>} : memref<4x100x128xf32, #tpu.memory_space<vmem>>, vector<16xf32>,
        %mul3A_520 = arith.mulf %get3A_437, %get3A_519 : vector<16xf32>
        %get3A_521 = arith.constant 3 : i32
        %get3A_522 = arith.index_cast %get3A_521 : i32 to index
        %get3A_523 = arith.index_cast %add3A_502 : i32 to index
        %get3A_524 = arith.constant 48 : index
        %get3A_525 = tpu.vector_load %arg10[%get3A_522, %get3A_523, %get3A_524] {strides = array<i32>} : memref<4x100x128xf32, #tpu.memory_space<vmem>>, vector<16xf32>,
        %mul3A_526 = arith.mulf %get3A_440, %get3A_525 : vector<16xf32>
        %get3A_527 = arith.constant 3 : i32
        %get3A_528 = arith.index_cast %get3A_527 : i32 to index
        %get3A_529 = arith.index_cast %add3A_502 : i32 to index
        %get3A_530 = arith.constant 64 : index
        %get3A_531 = tpu.vector_load %arg10[%get3A_528, %get3A_529, %get3A_530] {strides = array<i32>} : memref<4x100x128xf32, #tpu.memory_space<vmem>>, vector<16xf32>,
        %mul3A_532 = arith.mulf %get3A_443, %get3A_531 : vector<16xf32>
        %get3A_533 = arith.constant 3 : i32
        %get3A_534 = arith.index_cast %get3A_533 : i32 to index
        %get3A_535 = arith.index_cast %add3A_502 : i32 to index
        %get3A_536 = arith.constant 80 : index
        %get3A_537 = tpu.vector_load %arg10[%get3A_534, %get3A_535, %get3A_536] {strides = array<i32>} : memref<4x100x128xf32, #tpu.memory_space<vmem>>, vector<16xf32>,
        %mul3A_538 = arith.mulf %get3A_446, %get3A_537 : vector<16xf32>
        %get3A_539 = arith.constant 3 : i32
        %get3A_540 = arith.index_cast %get3A_539 : i32 to index
        %get3A_541 = arith.index_cast %add3A_502 : i32 to index
        %get3A_542 = arith.constant 96 : index
        %get3A_543 = tpu.vector_load %arg10[%get3A_540, %get3A_541, %get3A_542] {strides = array<i32>} : memref<4x100x128xf32, #tpu.memory_space<vmem>>, vector<16xf32>,
        %mul3A_544 = arith.mulf %get3A_449, %get3A_543 : vector<16xf32>
        %get3A_545 = arith.constant 3 : i32
        %get3A_546 = arith.index_cast %get3A_545 : i32 to index
        %get3A_547 = arith.index_cast %add3A_502 : i32 to index
        %get3A_548 = arith.constant 112 : index
        %get3A_549 = tpu.vector_load %arg10[%get3A_546, %get3A_547, %get3A_548] {strides = array<i32>} : memref<4x100x128xf32, #tpu.memory_space<vmem>>, vector<16xf32>,
        %mul3A_550 = arith.mulf %get3A_452, %get3A_549 : vector<16xf32>
        %add3A_551 = arith.addf %mul3A_508, %mul3A_514 : vector<16xf32>
        %add3A_552 = arith.addf %mul3A_520, %mul3A_526 : vector<16xf32>
        %add3A_553 = arith.addf %add3A_551, %add3A_552 : vector<16xf32>
        %add3A_554 = arith.addf %mul3A_532, %mul3A_538 : vector<16xf32>
        %add3A_555 = arith.addf %mul3A_544, %mul3A_550 : vector<16xf32>
        %add3A_556 = arith.addf %add3A_554, %add3A_555 : vector<16xf32>
        %add3A_557 = arith.addf %add3A_553, %add3A_556 : vector<16xf32>
        %reduce_sum3A = arith.constant true
        %reduce_sum3A_558 = vector.broadcast %reduce_sum3A : i1 to vector<16xi1>
        %reduce_sum3A_559 = tpu.scan <sum>, %add3A_557 masked %reduce_sum3A_558 : vector<16xf32>, vector<16xi1> -> vector<16xf32>
        %reduce_sum3A_560 = vector.extract %reduce_sum3A_559[15] : f32 from vector<16xf32>
        %gt3A = arith.cmpf ogt, %reduce_sum3A_560, %scan3A_499 : f32
        %select_n3A_561 = arith.select %gt3A, %reduce_sum3A_560, %scan3A_499 : f32
        %select_n3A_562 = arith.select %gt3A, %scan3A_498, %scan3A_500 : i32
        %scan3A_563 = arith.constant 1 : i32
        %scan3A_564 = arith.addi %scan3A_498, %scan3A_563 : i32
        %add3A_565 = arith.constant 50 : i32
        %add3A_566 = arith.addi %add3A_565, %scan3A_564 : i32
        %get3A_567 = arith.constant 3 : i32
        %get3A_568 = arith.index_cast %get3A_567 : i32 to index
        %get3A_569 = arith.index_cast %add3A_566 : i32 to index
        %get3A_570 = arith.constant 0 : index
        %get3A_571 = tpu.vector_load %arg10[%get3A_568, %get3A_569, %get3A_570] {strides = array<i32>} : memref<4x100x128xf32, #tpu.memory_space<vmem>>, vector<16xf32>,
        %mul3A_572 = arith.mulf %get3A_431, %get3A_571 : vector<16xf32>
        %get3A_573 = arith.constant 3 : i32
        %get3A_574 = arith.index_cast %get3A_573 : i32 to index
        %get3A_575 = arith.index_cast %add3A_566 : i32 to index
        %get3A_576 = arith.constant 16 : index
        %get3A_577 = tpu.vector_load %arg10[%get3A_574, %get3A_575, %get3A_576] {strides = array<i32>} : memref<4x100x128xf32, #tpu.memory_space<vmem>>, vector<16xf32>,
        %mul3A_578 = arith.mulf %get3A_434, %get3A_577 : vector<16xf32>
        %get3A_579 = arith.constant 3 : i32
        %get3A_580 = arith.index_cast %get3A_579 : i32 to index
        %get3A_581 = arith.index_cast %add3A_566 : i32 to index
        %get3A_582 = arith.constant 32 : index
        %get3A_583 = tpu.vector_load %arg10[%get3A_580, %get3A_581, %get3A_582] {strides = array<i32>} : memref<4x100x128xf32, #tpu.memory_space<vmem>>, vector<16xf32>,
        %mul3A_584 = arith.mulf %get3A_437, %get3A_583 : vector<16xf32>
        %get3A_585 = arith.constant 3 : i32
        %get3A_586 = arith.index_cast %get3A_585 : i32 to index
        %get3A_587 = arith.index_cast %add3A_566 : i32 to index
        %get3A_588 = arith.constant 48 : index
        %get3A_589 = tpu.vector_load %arg10[%get3A_586, %get3A_587, %get3A_588] {strides = array<i32>} : memref<4x100x128xf32, #tpu.memory_space<vmem>>, vector<16xf32>,
        %mul3A_590 = arith.mulf %get3A_440, %get3A_589 : vector<16xf32>
        %get3A_591 = arith.constant 3 : i32
        %get3A_592 = arith.index_cast %get3A_591 : i32 to index
        %get3A_593 = arith.index_cast %add3A_566 : i32 to index
        %get3A_594 = arith.constant 64 : index
        %get3A_595 = tpu.vector_load %arg10[%get3A_592, %get3A_593, %get3A_594] {strides = array<i32>} : memref<4x100x128xf32, #tpu.memory_space<vmem>>, vector<16xf32>,
        %mul3A_596 = arith.mulf %get3A_443, %get3A_595 : vector<16xf32>
        %get3A_597 = arith.constant 3 : i32
        %get3A_598 = arith.index_cast %get3A_597 : i32 to index
        %get3A_599 = arith.index_cast %add3A_566 : i32 to index
        %get3A_600 = arith.constant 80 : index
        %get3A_601 = tpu.vector_load %arg10[%get3A_598, %get3A_599, %get3A_600] {strides = array<i32>} : memref<4x100x128xf32, #tpu.memory_space<vmem>>, vector<16xf32>,
        %mul3A_602 = arith.mulf %get3A_446, %get3A_601 : vector<16xf32>
        %get3A_603 = arith.constant 3 : i32
        %get3A_604 = arith.index_cast %get3A_603 : i32 to index
        %get3A_605 = arith.index_cast %add3A_566 : i32 to index
        %get3A_606 = arith.constant 96 : index
        %get3A_607 = tpu.vector_load %arg10[%get3A_604, %get3A_605, %get3A_606] {strides = array<i32>} : memref<4x100x128xf32, #tpu.memory_space<vmem>>, vector<16xf32>,
        %mul3A_608 = arith.mulf %get3A_449, %get3A_607 : vector<16xf32>
        %get3A_609 = arith.constant 3 : i32
        %get3A_610 = arith.index_cast %get3A_609 : i32 to index
        %get3A_611 = arith.index_cast %add3A_566 : i32 to index
        %get3A_612 = arith.constant 112 : index
        %get3A_613 = tpu.vector_load %arg10[%get3A_610, %get3A_611, %get3A_612] {strides = array<i32>} : memref<4x100x128xf32, #tpu.memory_space<vmem>>, vector<16xf32>,
        %mul3A_614 = arith.mulf %get3A_452, %get3A_613 : vector<16xf32>
        %add3A_615 = arith.addf %mul3A_572, %mul3A_578 : vector<16xf32>
        %add3A_616 = arith.addf %mul3A_584, %mul3A_590 : vector<16xf32>
        %add3A_617 = arith.addf %add3A_615, %add3A_616 : vector<16xf32>
        %add3A_618 = arith.addf %mul3A_596, %mul3A_602 : vector<16xf32>
        %add3A_619 = arith.addf %mul3A_608, %mul3A_614 : vector<16xf32>
        %add3A_620 = arith.addf %add3A_618, %add3A_619 : vector<16xf32>
        %add3A_621 = arith.addf %add3A_617, %add3A_620 : vector<16xf32>
        %reduce_sum3A_622 = arith.constant true
        %reduce_sum3A_623 = vector.broadcast %reduce_sum3A_622 : i1 to vector<16xi1>
        %reduce_sum3A_624 = tpu.scan <sum>, %add3A_621 masked %reduce_sum3A_623 : vector<16xf32>, vector<16xi1> -> vector<16xf32>
        %reduce_sum3A_625 = vector.extract %reduce_sum3A_624[15] : f32 from vector<16xf32>
        %gt3A_626 = arith.cmpf ogt, %reduce_sum3A_625, %select_n3A_561 : f32
        %select_n3A_627 = arith.select %gt3A_626, %reduce_sum3A_625, %select_n3A_561 : f32
        %select_n3A_628 = arith.select %gt3A_626, %scan3A_564, %select_n3A_562 : i32
        %scan3A_629 = arith.constant 2 : i32
        %scan3A_630 = arith.addi %scan3A_498, %scan3A_629 : i32
        %add3A_631 = arith.constant 50 : i32
        %add3A_632 = arith.addi %add3A_631, %scan3A_630 : i32
        %get3A_633 = arith.constant 3 : i32
        %get3A_634 = arith.index_cast %get3A_633 : i32 to index
        %get3A_635 = arith.index_cast %add3A_632 : i32 to index
        %get3A_636 = arith.constant 0 : index
        %get3A_637 = tpu.vector_load %arg10[%get3A_634, %get3A_635, %get3A_636] {strides = array<i32>} : memref<4x100x128xf32, #tpu.memory_space<vmem>>, vector<16xf32>,
        %mul3A_638 = arith.mulf %get3A_431, %get3A_637 : vector<16xf32>
        %get3A_639 = arith.constant 3 : i32
        %get3A_640 = arith.index_cast %get3A_639 : i32 to index
        %get3A_641 = arith.index_cast %add3A_632 : i32 to index
        %get3A_642 = arith.constant 16 : index
        %get3A_643 = tpu.vector_load %arg10[%get3A_640, %get3A_641, %get3A_642] {strides = array<i32>} : memref<4x100x128xf32, #tpu.memory_space<vmem>>, vector<16xf32>,
        %mul3A_644 = arith.mulf %get3A_434, %get3A_643 : vector<16xf32>
        %get3A_645 = arith.constant 3 : i32
        %get3A_646 = arith.index_cast %get3A_645 : i32 to index
        %get3A_647 = arith.index_cast %add3A_632 : i32 to index
        %get3A_648 = arith.constant 32 : index
        %get3A_649 = tpu.vector_load %arg10[%get3A_646, %get3A_647, %get3A_648] {strides = array<i32>} : memref<4x100x128xf32, #tpu.memory_space<vmem>>, vector<16xf32>,
        %mul3A_650 = arith.mulf %get3A_437, %get3A_649 : vector<16xf32>
        %get3A_651 = arith.constant 3 : i32
        %get3A_652 = arith.index_cast %get3A_651 : i32 to index
        %get3A_653 = arith.index_cast %add3A_632 : i32 to index
        %get3A_654 = arith.constant 48 : index
        %get3A_655 = tpu.vector_load %arg10[%get3A_652, %get3A_653, %get3A_654] {strides = array<i32>} : memref<4x100x128xf32, #tpu.memory_space<vmem>>, vector<16xf32>,
        %mul3A_656 = arith.mulf %get3A_440, %get3A_655 : vector<16xf32>
        %get3A_657 = arith.constant 3 : i32
        %get3A_658 = arith.index_cast %get3A_657 : i32 to index
        %get3A_659 = arith.index_cast %add3A_632 : i32 to index
        %get3A_660 = arith.constant 64 : index
        %get3A_661 = tpu.vector_load %arg10[%get3A_658, %get3A_659, %get3A_660] {strides = array<i32>} : memref<4x100x128xf32, #tpu.memory_space<vmem>>, vector<16xf32>,
        %mul3A_662 = arith.mulf %get3A_443, %get3A_661 : vector<16xf32>
        %get3A_663 = arith.constant 3 : i32
        %get3A_664 = arith.index_cast %get3A_663 : i32 to index
        %get3A_665 = arith.index_cast %add3A_632 : i32 to index
        %get3A_666 = arith.constant 80 : index
        %get3A_667 = tpu.vector_load %arg10[%get3A_664, %get3A_665, %get3A_666] {strides = array<i32>} : memref<4x100x128xf32, #tpu.memory_space<vmem>>, vector<16xf32>,
        %mul3A_668 = arith.mulf %get3A_446, %get3A_667 : vector<16xf32>
        %get3A_669 = arith.constant 3 : i32
        %get3A_670 = arith.index_cast %get3A_669 : i32 to index
        %get3A_671 = arith.index_cast %add3A_632 : i32 to index
        %get3A_672 = arith.constant 96 : index
        %get3A_673 = tpu.vector_load %arg10[%get3A_670, %get3A_671, %get3A_672] {strides = array<i32>} : memref<4x100x128xf32, #tpu.memory_space<vmem>>, vector<16xf32>,
        %mul3A_674 = arith.mulf %get3A_449, %get3A_673 : vector<16xf32>
        %get3A_675 = arith.constant 3 : i32
        %get3A_676 = arith.index_cast %get3A_675 : i32 to index
        %get3A_677 = arith.index_cast %add3A_632 : i32 to index
        %get3A_678 = arith.constant 112 : index
        %get3A_679 = tpu.vector_load %arg10[%get3A_676, %get3A_677, %get3A_678] {strides = array<i32>} : memref<4x100x128xf32, #tpu.memory_space<vmem>>, vector<16xf32>,
        %mul3A_680 = arith.mulf %get3A_452, %get3A_679 : vector<16xf32>
        %add3A_681 = arith.addf %mul3A_638, %mul3A_644 : vector<16xf32>
        %add3A_682 = arith.addf %mul3A_650, %mul3A_656 : vector<16xf32>
        %add3A_683 = arith.addf %add3A_681, %add3A_682 : vector<16xf32>
        %add3A_684 = arith.addf %mul3A_662, %mul3A_668 : vector<16xf32>
        %add3A_685 = arith.addf %mul3A_674, %mul3A_680 : vector<16xf32>
        %add3A_686 = arith.addf %add3A_684, %add3A_685 : vector<16xf32>
        %add3A_687 = arith.addf %add3A_683, %add3A_686 : vector<16xf32>
        %reduce_sum3A_688 = arith.constant true
        %reduce_sum3A_689 = vector.broadcast %reduce_sum3A_688 : i1 to vector<16xi1>
        %reduce_sum3A_690 = tpu.scan <sum>, %add3A_687 masked %reduce_sum3A_689 : vector<16xf32>, vector<16xi1> -> vector<16xf32>
        %reduce_sum3A_691 = vector.extract %reduce_sum3A_690[15] : f32 from vector<16xf32>
        %gt3A_692 = arith.cmpf ogt, %reduce_sum3A_691, %select_n3A_627 : f32
        %select_n3A_693 = arith.select %gt3A_692, %reduce_sum3A_691, %select_n3A_627 : f32
        %select_n3A_694 = arith.select %gt3A_692, %scan3A_630, %select_n3A_628 : i32
        %scan3A_695 = arith.constant 3 : i32
        %scan3A_696 = arith.addi %scan3A_498, %scan3A_695 : i32
        %add3A_697 = arith.constant 50 : i32
        %add3A_698 = arith.addi %add3A_697, %scan3A_696 : i32
        %get3A_699 = arith.constant 3 : i32
        %get3A_700 = arith.index_cast %get3A_699 : i32 to index
        %get3A_701 = arith.index_cast %add3A_698 : i32 to index
        %get3A_702 = arith.constant 0 : index
        %get3A_703 = tpu.vector_load %arg10[%get3A_700, %get3A_701, %get3A_702] {strides = array<i32>} : memref<4x100x128xf32, #tpu.memory_space<vmem>>, vector<16xf32>,
        %mul3A_704 = arith.mulf %get3A_431, %get3A_703 : vector<16xf32>
        %get3A_705 = arith.constant 3 : i32
        %get3A_706 = arith.index_cast %get3A_705 : i32 to index
        %get3A_707 = arith.index_cast %add3A_698 : i32 to index
        %get3A_708 = arith.constant 16 : index
        %get3A_709 = tpu.vector_load %arg10[%get3A_706, %get3A_707, %get3A_708] {strides = array<i32>} : memref<4x100x128xf32, #tpu.memory_space<vmem>>, vector<16xf32>,
        %mul3A_710 = arith.mulf %get3A_434, %get3A_709 : vector<16xf32>
        %get3A_711 = arith.constant 3 : i32
        %get3A_712 = arith.index_cast %get3A_711 : i32 to index
        %get3A_713 = arith.index_cast %add3A_698 : i32 to index
        %get3A_714 = arith.constant 32 : index
        %get3A_715 = tpu.vector_load %arg10[%get3A_712, %get3A_713, %get3A_714] {strides = array<i32>} : memref<4x100x128xf32, #tpu.memory_space<vmem>>, vector<16xf32>,
        %mul3A_716 = arith.mulf %get3A_437, %get3A_715 : vector<16xf32>
        %get3A_717 = arith.constant 3 : i32
        %get3A_718 = arith.index_cast %get3A_717 : i32 to index
        %get3A_719 = arith.index_cast %add3A_698 : i32 to index
        %get3A_720 = arith.constant 48 : index
        %get3A_721 = tpu.vector_load %arg10[%get3A_718, %get3A_719, %get3A_720] {strides = array<i32>} : memref<4x100x128xf32, #tpu.memory_space<vmem>>, vector<16xf32>,
        %mul3A_722 = arith.mulf %get3A_440, %get3A_721 : vector<16xf32>
        %get3A_723 = arith.constant 3 : i32
        %get3A_724 = arith.index_cast %get3A_723 : i32 to index
        %get3A_725 = arith.index_cast %add3A_698 : i32 to index
        %get3A_726 = arith.constant 64 : index
        %get3A_727 = tpu.vector_load %arg10[%get3A_724, %get3A_725, %get3A_726] {strides = array<i32>} : memref<4x100x128xf32, #tpu.memory_space<vmem>>, vector<16xf32>,
        %mul3A_728 = arith.mulf %get3A_443, %get3A_727 : vector<16xf32>
        %get3A_729 = arith.constant 3 : i32
        %get3A_730 = arith.index_cast %get3A_729 : i32 to index
        %get3A_731 = arith.index_cast %add3A_698 : i32 to index
        %get3A_732 = arith.constant 80 : index
        %get3A_733 = tpu.vector_load %arg10[%get3A_730, %get3A_731, %get3A_732] {strides = array<i32>} : memref<4x100x128xf32, #tpu.memory_space<vmem>>, vector<16xf32>,
        %mul3A_734 = arith.mulf %get3A_446, %get3A_733 : vector<16xf32>
        %get3A_735 = arith.constant 3 : i32
        %get3A_736 = arith.index_cast %get3A_735 : i32 to index
        %get3A_737 = arith.index_cast %add3A_698 : i32 to index
        %get3A_738 = arith.constant 96 : index
        %get3A_739 = tpu.vector_load %arg10[%get3A_736, %get3A_737, %get3A_738] {strides = array<i32>} : memref<4x100x128xf32, #tpu.memory_space<vmem>>, vector<16xf32>,
        %mul3A_740 = arith.mulf %get3A_449, %get3A_739 : vector<16xf32>
        %get3A_741 = arith.constant 3 : i32
        %get3A_742 = arith.index_cast %get3A_741 : i32 to index
        %get3A_743 = arith.index_cast %add3A_698 : i32 to index
        %get3A_744 = arith.constant 112 : index
        %get3A_745 = tpu.vector_load %arg10[%get3A_742, %get3A_743, %get3A_744] {strides = array<i32>} : memref<4x100x128xf32, #tpu.memory_space<vmem>>, vector<16xf32>,
        %mul3A_746 = arith.mulf %get3A_452, %get3A_745 : vector<16xf32>
        %add3A_747 = arith.addf %mul3A_704, %mul3A_710 : vector<16xf32>
        %add3A_748 = arith.addf %mul3A_716, %mul3A_722 : vector<16xf32>
        %add3A_749 = arith.addf %add3A_747, %add3A_748 : vector<16xf32>
        %add3A_750 = arith.addf %mul3A_728, %mul3A_734 : vector<16xf32>
        %add3A_751 = arith.addf %mul3A_740, %mul3A_746 : vector<16xf32>
        %add3A_752 = arith.addf %add3A_750, %add3A_751 : vector<16xf32>
        %add3A_753 = arith.addf %add3A_749, %add3A_752 : vector<16xf32>
        %reduce_sum3A_754 = arith.constant true
        %reduce_sum3A_755 = vector.broadcast %reduce_sum3A_754 : i1 to vector<16xi1>
        %reduce_sum3A_756 = tpu.scan <sum>, %add3A_753 masked %reduce_sum3A_755 : vector<16xf32>, vector<16xi1> -> vector<16xf32>
        %reduce_sum3A_757 = vector.extract %reduce_sum3A_756[15] : f32 from vector<16xf32>
        %gt3A_758 = arith.cmpf ogt, %reduce_sum3A_757, %select_n3A_693 : f32
        %select_n3A_759 = arith.select %gt3A_758, %reduce_sum3A_757, %select_n3A_693 : f32
        %select_n3A_760 = arith.select %gt3A_758, %scan3A_696, %select_n3A_694 : i32
        %scan3A_761 = arith.constant 4 : i32
        %scan3A_762 = arith.addi %scan3A_498, %scan3A_761 : i32
        %add3A_763 = arith.constant 50 : i32
        %add3A_764 = arith.addi %add3A_763, %scan3A_762 : i32
        %get3A_765 = arith.constant 3 : i32
        %get3A_766 = arith.index_cast %get3A_765 : i32 to index
        %get3A_767 = arith.index_cast %add3A_764 : i32 to index
        %get3A_768 = arith.constant 0 : index
        %get3A_769 = tpu.vector_load %arg10[%get3A_766, %get3A_767, %get3A_768] {strides = array<i32>} : memref<4x100x128xf32, #tpu.memory_space<vmem>>, vector<16xf32>,
        %mul3A_770 = arith.mulf %get3A_431, %get3A_769 : vector<16xf32>
        %get3A_771 = arith.constant 3 : i32
        %get3A_772 = arith.index_cast %get3A_771 : i32 to index
        %get3A_773 = arith.index_cast %add3A_764 : i32 to index
        %get3A_774 = arith.constant 16 : index
        %get3A_775 = tpu.vector_load %arg10[%get3A_772, %get3A_773, %get3A_774] {strides = array<i32>} : memref<4x100x128xf32, #tpu.memory_space<vmem>>, vector<16xf32>,
        %mul3A_776 = arith.mulf %get3A_434, %get3A_775 : vector<16xf32>
        %get3A_777 = arith.constant 3 : i32
        %get3A_778 = arith.index_cast %get3A_777 : i32 to index
        %get3A_779 = arith.index_cast %add3A_764 : i32 to index
        %get3A_780 = arith.constant 32 : index
        %get3A_781 = tpu.vector_load %arg10[%get3A_778, %get3A_779, %get3A_780] {strides = array<i32>} : memref<4x100x128xf32, #tpu.memory_space<vmem>>, vector<16xf32>,
        %mul3A_782 = arith.mulf %get3A_437, %get3A_781 : vector<16xf32>
        %get3A_783 = arith.constant 3 : i32
        %get3A_784 = arith.index_cast %get3A_783 : i32 to index
        %get3A_785 = arith.index_cast %add3A_764 : i32 to index
        %get3A_786 = arith.constant 48 : index
        %get3A_787 = tpu.vector_load %arg10[%get3A_784, %get3A_785, %get3A_786] {strides = array<i32>} : memref<4x100x128xf32, #tpu.memory_space<vmem>>, vector<16xf32>,
        %mul3A_788 = arith.mulf %get3A_440, %get3A_787 : vector<16xf32>
        %get3A_789 = arith.constant 3 : i32
        %get3A_790 = arith.index_cast %get3A_789 : i32 to index
        %get3A_791 = arith.index_cast %add3A_764 : i32 to index
        %get3A_792 = arith.constant 64 : index
        %get3A_793 = tpu.vector_load %arg10[%get3A_790, %get3A_791, %get3A_792] {strides = array<i32>} : memref<4x100x128xf32, #tpu.memory_space<vmem>>, vector<16xf32>,
        %mul3A_794 = arith.mulf %get3A_443, %get3A_793 : vector<16xf32>
        %get3A_795 = arith.constant 3 : i32
        %get3A_796 = arith.index_cast %get3A_795 : i32 to index
        %get3A_797 = arith.index_cast %add3A_764 : i32 to index
        %get3A_798 = arith.constant 80 : index
        %get3A_799 = tpu.vector_load %arg10[%get3A_796, %get3A_797, %get3A_798] {strides = array<i32>} : memref<4x100x128xf32, #tpu.memory_space<vmem>>, vector<16xf32>,
        %mul3A_800 = arith.mulf %get3A_446, %get3A_799 : vector<16xf32>
        %get3A_801 = arith.constant 3 : i32
        %get3A_802 = arith.index_cast %get3A_801 : i32 to index
        %get3A_803 = arith.index_cast %add3A_764 : i32 to index
        %get3A_804 = arith.constant 96 : index
        %get3A_805 = tpu.vector_load %arg10[%get3A_802, %get3A_803, %get3A_804] {strides = array<i32>} : memref<4x100x128xf32, #tpu.memory_space<vmem>>, vector<16xf32>,
        %mul3A_806 = arith.mulf %get3A_449, %get3A_805 : vector<16xf32>
        %get3A_807 = arith.constant 3 : i32
        %get3A_808 = arith.index_cast %get3A_807 : i32 to index
        %get3A_809 = arith.index_cast %add3A_764 : i32 to index
        %get3A_810 = arith.constant 112 : index
        %get3A_811 = tpu.vector_load %arg10[%get3A_808, %get3A_809, %get3A_810] {strides = array<i32>} : memref<4x100x128xf32, #tpu.memory_space<vmem>>, vector<16xf32>,
        %mul3A_812 = arith.mulf %get3A_452, %get3A_811 : vector<16xf32>
        %add3A_813 = arith.addf %mul3A_770, %mul3A_776 : vector<16xf32>
        %add3A_814 = arith.addf %mul3A_782, %mul3A_788 : vector<16xf32>
        %add3A_815 = arith.addf %add3A_813, %add3A_814 : vector<16xf32>
        %add3A_816 = arith.addf %mul3A_794, %mul3A_800 : vector<16xf32>
        %add3A_817 = arith.addf %mul3A_806, %mul3A_812 : vector<16xf32>
        %add3A_818 = arith.addf %add3A_816, %add3A_817 : vector<16xf32>
        %add3A_819 = arith.addf %add3A_815, %add3A_818 : vector<16xf32>
        %reduce_sum3A_820 = arith.constant true
        %reduce_sum3A_821 = vector.broadcast %reduce_sum3A_820 : i1 to vector<16xi1>
        %reduce_sum3A_822 = tpu.scan <sum>, %add3A_819 masked %reduce_sum3A_821 : vector<16xf32>, vector<16xi1> -> vector<16xf32>
        %reduce_sum3A_823 = vector.extract %reduce_sum3A_822[15] : f32 from vector<16xf32>
        %gt3A_824 = arith.cmpf ogt, %reduce_sum3A_823, %select_n3A_759 : f32
        %select_n3A_825 = arith.select %gt3A_824, %reduce_sum3A_823, %select_n3A_759 : f32
        %select_n3A_826 = arith.select %gt3A_824, %scan3A_762, %select_n3A_760 : i32
        scf.yield %select_n3A_825, %select_n3A_826 : f32, i32
      }
      %scan3A_483 = arith.constant 50 : i32
      %broadcast_in_dim3A_484 = vector.broadcast %scan3A_482#1 : i32 to vector<16xi32>
      %add3A_485 = arith.constant 50 : i32
      %add3A_486 = vector.broadcast %add3A_485 : i32 to vector<16xi32>
      %add3A_487 = arith.addi %broadcast_in_dim3A_484, %add3A_486 : vector<16xi32>
      %broadcast_in_dim3A_488 = vector.broadcast %add3A_391 : i32 to vector<16xi32>
      %gather3A_489 = tpu.vector_load_idx %arg7[%broadcast_in_dim3A_488, %add3A_487] : memref<128x100xi32, #tpu.memory_space<vmem>>[vector<16xi32>, vector<16xi32>], vector<16xi32>,
      %broadcast_in_dim3A_490 = vector.broadcast %add3A_475 : i32 to vector<16xi32>
      tpu.vector_store_idx %arg11[%broadcast_in_dim3A_490], %gather3A_489 masked %eq3A_61 : memref<256xi32, #tpu.memory_space<vmem>>[vector<16xi32>], vector<16xi32>, vector<16xi1>
      %add3A_491 = arith.constant 4 : i32
      %add3A_492 = arith.addi %add3A_391, %add3A_491 : i32
      %lt3A_493 = arith.constant 128 : i32
      %lt3A_494 = arith.cmpi slt, %add3A_492, %lt3A_493 : i32
      %convert_element_type3A_495 = arith.extui %lt3A_494 : i1 to i32
      %cond3A_496 = arith.constant 0 : i32
      %cond3A_497 = arith.cmpi ne, %convert_element_type3A_495, %cond3A_496 : i32
      scf.if %cond3A_497 {
        %add3A_498 = arith.constant 4 : i32
        %add3A_499 = arith.addi %add3A_391, %add3A_498 : i32
        %dma_start3A_500 = arith.constant 3 : i32
        %dma_start3A_501 = arith.constant 0 : i32
        %dma_start3A_502 = arith.constant 0 : i32
        %dma_start3A_503 = tpu.memref_slice %arg10[%dma_start3A_500, %dma_start3A_501, %dma_start3A_502] : memref<4x100x128xf32, #tpu.memory_space<vmem>> -> memref<1x100x128xf32, #tpu.memory_space<vmem>>
        %dma_start3A_504 = tpu.memref_squeeze %dma_start3A_503 : memref<1x100x128xf32, #tpu.memory_space<vmem>> -> memref<100x128xf32, #tpu.memory_space<vmem>>
        %dma_start3A_505 = arith.constant 0 : i32
        %dma_start3A_506 = tpu.memref_slice %arg7[%add3A_499, %dma_start3A_505] : memref<128x100xi32, #tpu.memory_space<vmem>> -> memref<1x100xi32, #tpu.memory_space<vmem>>
        %dma_start3A_507 = tpu.memref_squeeze %dma_start3A_506 : memref<1x100xi32, #tpu.memory_space<vmem>> -> memref<100xi32, #tpu.memory_space<vmem>>
        %dma_start3A_508 = arith.constant 0 : i32
        %dma_start3A_509 = arith.constant 0 : i32
        %dma_start3A_510 = tpu.memref_slice %arg4[%dma_start3A_508, %dma_start3A_509] : memref<100000x128xf32, #tpu.memory_space<hbm>> -> memref<100000x128xf32, #tpu.memory_space<hbm>>
        tpu.enqueue_indirect_dma source(%dma_start3A_510 : memref<100000x128xf32, #tpu.memory_space<hbm>>) target(%dma_start3A_504 : memref<100x128xf32, #tpu.memory_space<vmem>>) offsets(%dma_start3A_507 : memref<100xi32, #tpu.memory_space<vmem>>) semaphore(%arg16 : memref<!tpu.dma_semaphore, #tpu.memory_space<semaphore_mem>>)
      } else {
      }
    }
    %scan3A_67 = arith.constant 32 : i32
    %mul3A_68 = arith.constant 256 : i32
    %mul3A_69 = arith.muli %add3A, %mul3A_68 : i32
    %multiple_of3A_70 = tpu.assume_multiple %mul3A_69, 8 : i32
    "tpu.region"() ({
      %run_scoped3A = tpu.sem_alloc : memref<!tpu.dma_semaphore, #tpu.memory_space<semaphore_mem>>
      %dma_start3A_71 = tpu.memref_slice %arg6[%multiple_of3A_70] : memref<8192xi32, #tpu.memory_space<hbm>> -> memref<256xi32, #tpu.memory_space<hbm>>
      %dma_start3A_72 = tpu.memref_slice %arg6[%multiple_of3A_70] : memref<8192xi32, #tpu.memory_space<hbm>> -> memref<256xi32, #tpu.memory_space<hbm>>
      tpu.enqueue_dma source(%arg11 : memref<256xi32, #tpu.memory_space<vmem>>) target(%dma_start3A_72 : memref<256xi32, #tpu.memory_space<hbm>>) target_semaphore(%run_scoped3A : memref<!tpu.dma_semaphore, #tpu.memory_space<semaphore_mem>>)
      %dma_wait3A_73 = tpu.memref_slice %arg6[%multiple_of3A_70] : memref<8192xi32, #tpu.memory_space<hbm>> -> memref<256xi32, #tpu.memory_space<hbm>>
      %dma_wait3A_74 = tpu.memref_slice %arg6[%multiple_of3A_70] : memref<8192xi32, #tpu.memory_space<hbm>> -> memref<256xi32, #tpu.memory_space<hbm>>
      tpu.wait_dma2 semaphore(%run_scoped3A : memref<!tpu.dma_semaphore, #tpu.memory_space<semaphore_mem>>) src(%arg11 : memref<256xi32, #tpu.memory_space<vmem>>) dst(%dma_wait3A_74 : memref<256xi32, #tpu.memory_space<hbm>>)
      tpu.yield
    }) : () -> ()
    return
  }
}

</mosaic_0001>

<sc_bundles>
// kernel: _run.3.cloned.1.call-start
scs
__scs_entry_jumppad:
0x0: {  	(pc) =	sbr.rel $0x88, $3  }
0x1: {  	(tag) =	ssettag $0x0;
	lr =	simm.s32 $0x1  }
0x2: {  	[smem:$0x3F9D] =	sst lr;
	_ =	strace $0xD0000000  }
0x3: {  	_ = 	snop  }
0x4: {  	_ = 	snop  }
0x5: {  	_ = 	snop  }
0x6: {  	_ = 	snop  }
0x7: {  	_ = 	snop  }
__scs_overlays_trampoline_lowered:
0x8: {  	[smem:$0x3FAC] =	sst s0  }
0x9: {  	[smem:$0x3FAD] =	sst s1  }
0xa: {  	[smem:$0x3FAE] =	sst s2  }
0xb: {  	[smem:$0x3FAF] =	sst s3  }
0xc: {  	[smem:$0x3FB0] =	sst s4  }
0xd: {  	[smem:$0x3FB1] =	sst s5  }
0xe: {  	[smem:$0x3FB2] =	sst s6  }
0xf: {  	[smem:$0x3FB3] =	sst s7  }
0x10: {  	[smem:$0x3FB4] =	sst s8  }
0x11: {  	[smem:$0x3FB5] =	sst s9;
	s0 =	simm.s32 @!p0 $0x0  }
0x12: {  	s1 =	sld [smem:$0x3F9B];
	s0 =	simm.s32 @p0 $0x1  }
0x13: {  	[smem:$0x3FB6] =	sst s0;
	s0 =	simm.s32 @!p1 $0x0  }
0x14: {  	s2 =	sld [smem:$0x3F9A];
	s0 =	simm.s32 @p1 $0x1  }
0x15: {  	[smem:$0x3FB7] =	sst s0;
	s0 =	simm.s32 @!p2 $0x0  }
0x16: {  	s3 =	sld [smem:$0x3FDB];
	s0 =	simm.s32 @p2 $0x1  }
0x17: {  	s4 =	simm.s32 $0x1BF5;
	[smem:$0x3FB9] =	sst s0  }
0x18: {  	s0 =	sld [smem:$0x3F9C];
	_ =	swait.ge [sflag:s4], $0x0  }
0x19: {  	s7 =	sld [smem:$0x3F9D]  }
0x1a: {  	s8 =	sadd.s32 $0xFFFFE003, lr  }
0x1b: {  	s9 =	sadd.s32 $0xFFFFFEF7, lr;
	s5 =	simm.s32 $0xFFFFFFFF;
	p2 =	slt.u32 s8, $0xFFFFF086  }
0x1c: {  	p1 =	slt.u32 s9, $0xF7A;
	s5 =	simm.s32 @!p2 $0x0  }
0x1d: {  	s5 =	simm.s32 @p1 $0x1;
	p0 =	seq.s32 s7, s2  }
0x1e: {  	s7 =	smul.u32 @!p0 $0xF7A, s2;
	p2 =	seq.s32 @!p0 s5, $0x0  }
0x1f: {  	s9 =	smul.u32 $0xF7A, s1;
	s8 =	simm.s32 @!p0 $0x1BF5;
	p2 =	por !p2, p0  }
0x20: {  	[sflag:s8] =	ssyncset.s32 @!p0 $0xFFFFF086;
	s6 =	sadd.s32 @!p0 s3, s7;
	s7 =	simm.s32 @!p0 $0x108  }
0x21: {  	s3 =	sadd.s32 s3, s9;
	s6 =	sadd.s32 @!p0 $0x88, s6;
	s7 =	simm.s32 @p2 $0x1082  }
0x22: {  	[simem:s7], [sflag:s8] =	dma.local @!p0 [hbm:s6], $0xF7A  }
0x23: {  	s9 =	sor.u32 $0xD0000000, s2;
	s6 =	simm.s32 $0x108;
	_ =	swait.ge @!p0 [sflag:s8], $0x0  }
0x24: {  	s3 =	sadd.s32 $0x88, s3;
	s6 =	simm.s32 @!p1 $0x1082;
	[sflag:s4] =	ssyncset.s32 $0xFFFFF086  }
0x25: {  	[simem:s6], [sflag:s4] =	dma.local [hbm:s3], $0xF7A  }
0x26: {  	[smem:$0x3F9D] =	sst s1;
	(tag) =	ssettag s2;
	_ =	strace s9  }
0x27: {  	s1 =	sld [smem:$0x3FAD]  }
0x28: {  	s2 =	sld [smem:$0x3FAE]  }
0x29: {  	s4 =	sld [smem:$0x3FB0]  }
0x2a: {  	p0 =	seq.s32 s5, $0x0;
	s5 =	sld [smem:$0x3FB1]  }
0x2b: {  	s6 =	sld [smem:$0x3FB2]  }
0x2c: {  	s7 =	sld [smem:$0x3FB3]  }
0x2d: {  	s3 =	simm.s32 $0x108;
	s8 =	sld [smem:$0x3FB4]  }
0x2e: {  	s3 =	simm.s32 @!p0 $0x1082;
	s9 =	sld [smem:$0x3FB5]  }
0x2f: {  	lr =	sadd.s32 s0, s3;
	s0 =	sld [smem:$0x3FAC]  }
0x30: {  	s3 =	sld [smem:$0x3FAF]  }
0x31: {  	[smem:$0x3FB8] =	sst s10  }
0x32: {  	s10 =	sld [smem:$0x3FB6];
	_ =	sdelay $0x3  }
0x33: {  	p0 =	seq.s32 s10, $0x1;
	s10 =	sld [smem:$0x3FB8];
	_ =	sdelay $0x3  }
0x34: {  	[smem:$0x3FB8] =	sst s10  }
0x35: {  	s10 =	sld [smem:$0x3FB7];
	_ =	sdelay $0x3  }
0x36: {  	p1 =	seq.s32 s10, $0x1;
	s10 =	sld [smem:$0x3FB8];
	_ =	sdelay $0x3  }
0x37: {  	[smem:$0x3FB8] =	sst s10  }
0x38: {  	s10 =	sld [smem:$0x3FB9]  }
0x39: {  	_ = 	snop;
	(pc) =	sbr.ind lr, $3  }
0x3a: {  	_ = 	snop  }
0x3b: {  	_ = 	snop  }
0x3c: {  	p2 =	seq.s32 s10, $0x1;
	s10 =	sld [smem:$0x3FB8]  }
0x3d: {  	_ =	shalt  }
0x3e: {  	_ =	shalt  }
0x3f: {  	_ =	shalt  }
0x40: {  	_ =	shalt  }
0x41: {  	_ =	shalt  }
0x42: {  	_ =	shalt  }
0x43: {  	_ =	shalt  }
0x44: {  	_ =	shalt  }
0x45: {  	_ =	shalt  }
0x46: {  	_ =	shalt  }
0x47: {  	_ =	shalt  }
0x48: {  	_ =	shalt  }
0x49: {  	_ =	shalt  }
0x4a: {  	_ =	shalt  }
0x4b: {  	_ =	shalt  }
0x4c: {  	_ =	shalt  }
0x4d: {  	_ =	shalt  }
0x4e: {  	_ =	shalt  }
0x4f: {  	_ =	shalt  }
0x50: {  	_ =	shalt  }
0x51: {  	_ =	shalt  }
0x52: {  	_ =	shalt  }
0x53: {  	_ =	shalt  }
0x54: {  	_ =	shalt  }
0x55: {  	_ =	shalt  }
0x56: {  	_ =	shalt  }
0x57: {  	_ =	shalt  }
0x58: {  	_ =	shalt  }
0x59: {  	_ =	shalt  }
0x5a: {  	_ =	shalt  }
0x5b: {  	_ =	shalt  }
0x5c: {  	_ =	shalt  }
0x5d: {  	_ =	shalt  }
0x5e: {  	_ =	shalt  }
0x5f: {  	_ =	shalt  }
0x60: {  	_ =	shalt  }
0x61: {  	_ =	shalt  }
0x62: {  	_ =	shalt  }
0x63: {  	_ =	shalt  }
0x64: {  	_ =	shalt  }
0x65: {  	_ =	shalt  }
0x66: {  	_ =	shalt  }
0x67: {  	_ =	shalt  }
0x68: {  	_ =	shalt  }
0x69: {  	_ =	shalt  }
0x6a: {  	_ =	shalt  }
0x6b: {  	_ =	shalt  }
0x6c: {  	_ =	shalt  }
0x6d: {  	_ =	shalt  }
0x6e: {  	_ =	shalt  }
0x6f: {  	_ =	shalt  }
0x70: {  	_ =	shalt  }
0x71: {  	_ =	shalt  }
0x72: {  	_ =	shalt  }
0x73: {  	_ =	shalt  }
0x74: {  	_ =	shalt  }
0x75: {  	_ =	shalt  }
0x76: {  	_ =	shalt  }
0x77: {  	_ =	shalt  }
0x78: {  	_ =	shalt  }
0x79: {  	_ =	shalt  }
0x7a: {  	_ =	shalt  }
0x7b: {  	_ =	shalt  }
0x7c: {  	_ =	shalt  }
0x7d: {  	_ =	shalt  }
0x7e: {  	_ =	shalt  }
0x7f: {  	_ =	shalt  }
0x80: {  	_ =	shalt  }
0x81: {  	_ =	shalt  }
0x82: {  	_ =	shalt  }
0x83: {  	_ =	shalt  }
0x84: {  	_ =	shalt  }
0x85: {  	_ =	shalt  }
0x86: {  	_ =	shalt  }
0x87: {  	_ =	shalt  }
.Lfunc_end0:
.L_simem_size_0:
called_computation_lowered:
.L_overlay_start_0:
0x88: {  	s2 =	sld [smem:$0x3FD9]  }
0x89: {  	s3 =	sld [smem:$0x3FFE];
	_ =	sdelay $0x1  }
0x8a: {  	s1 =	srdreg.scid  }
0x8b: {  	s0 =	sand.u32 $0x1, s1  }
0x8c: {  	s17 =	sshll.u32 s0, $0xA;
	s2 =	sadd.s32 s3, s2  }
0x8d: {  	s2 =	sadd.s32 s2, s17  }
0x8e: {  	[smem:$0x3FC4] =	sst s2  }
0x8f: {  	_ = 	snop  }
0x90: {  	s2 =	sld [smem:$0x3FC9]  }
0x91: {  	s18 =	sld [smem:$0x3FC8]  }
0x92: {  	s4 =	sld [smem:$0x3FC7]  }
0x93: {  	s5 =	sld [smem:$0x3FD0];
	(tm) =	ssettm $0x1  }
0x94: {  	s6 =	sld [smem:$0x3FFB];
	_ =	sdelay $0x3  }
0x95: {  	_ =	strace s6  }
0x96: {  	s6 =	sld [smem:$0x3FFC];
	_ =	sdelay $0x3  }
0x97: {  	_ =	strace s6  }
0x98: {  	s6 =	sld [smem:$0x3FFD];
	_ =	sdelay $0x3  }
0x99: {  	_ =	strace s6  }
0x9a: {  	_ =	strace $0x8FFFFFFF  }
0x9b: {  	s19 =	sld [smem:$0x3FDB];
	_ =	sdelay $0x1  }
0x9c: {  	s7 =	simm.s32 $_scs_section_size  }
0x9d: {  	s8 =	simm.s32 $_size__tile_overlayer_lowered;
	s9 =	simm.s32 $_tile_overlayer_lowered  }
0x9e: {  	s22 =	simm.s32 $0x1BFF;
	s21 =	sshll.u32 s9, $0x1;
	s6 =	sadd.s32 s7, s19  }
0x9f: {  	s10 =	simm.s32 $0x0;
	s20 =	sshll.u32 s8, $0x1;
	s8 =	sadd.s32 s21, s6  }
0xa0: {  	[timem:s10], [sflag:s22] =	dma.local [hbm:s8], s20  }
0xa1: {  	_ =	swait.ge [sflag:s22], s20  }
0xa2: {  	s7 =	ssub.s32 $0x0, s20;
	[sflag:s22] =	ssyncset.done $0x0  }
0xa3: {  	[sflag:s22] =	ssyncadd.s32 s7;
	_ =	sdelay $0x1  }
0xa4: {  	s23 =	simm.s32 $0x1B8B  }
0xa5: {  	_ =	swait.ge [sflag:s23], $0x1  }
0xa6: {  	[sflag:s23] =	ssyncset.done $0x0  }
0xa7: {  	s25 =	simm.s32 $0x1B8E;
	s24 =	sld [smem:$0x3FFE];
	[sflag:s23] =	ssyncadd.s32 $0xFFFFFFFF  }
0xa8: {  	s26 =	simm.s32 $execute0_lowered;
	[smem:$0x3FD2] =	sst s25  }
0xa9: {  	s8 =	sshll.u32 s26, $0x1;
	_ =	strace $0x80000046;
	[dreg:$0x1] =	wrdreg $0xFFFFFFFF  }
0xaa: {  	s28 =	simm.s32 $_size_execute0_lowered;
	s6 =	sadd.s32 s6, s8;
	[dreg:$0x0] =	wrdreg $0x0  }
0xab: {  	s8 =	sshll.u32 s28, $0x1;
	[dreg:$0x2] =	wrdreg s6  }
0xac: {  	[dreg:$0x3] =	wrdreg s8  }
0xad: {  	[dreg:$0x4] =	wrdreg $0xC0  }
0xae: {  	_ =	task [dreg:s10], $0x5FFFF  }
0xaf: {  	[dreg:$0x1] =	wrdreg $0xFFFFFFFF  }
0xb0: {  	[dreg:$0x0] =	wrdreg $0x60  }
0xb1: {  	[dreg:$0x2] =	wrdreg s2  }
0xb2: {  	[dreg:$0x3] =	wrdreg s18  }
0xb3: {  	[dreg:$0x4] =	wrdreg s4  }
0xb4: {  	[dreg:$0x5] =	wrdreg s24  }
0xb5: {  	[dreg:$0x6] =	wrdreg s5  }
0xb6: {  	[dreg:$0x7] =	wrdreg $0x9  }
0xb7: {  	_ =	task.clear_ibuf [dreg:s10], $0x8FFFF;
	_ =	strace $0x90000046  }
0xb8: {  	s29 =	simm.s32 $0x9;
	_ =	strace $0x80000048  }
0xb9: {  	_ =	swait.ge [sflag:s29], $0x1  }
0xba: {  	[sflag:s29] =	ssyncadd.s32 $0xFFFFFFFF  }
0xbb: {  	_ =	strace $0x90000048  }
0xbc: {  	_ =	sfence  }
0xbd: {  	s30 =	sld [smem:$0x0];
	_ =	sdelay $0x2  }
0xbe: {  	s31 =	sshll.u32 s1, $0xD;
	s1 =	sshrl.u32 s1, $0x2  }
0xbf: {  	s3 =	sand.u32 $0x4000, s31;
	s1 =	sadd.s32 s1, s30  }
0xc0: {  	s0 =	sor.u32 s3, s0;
	s1 =	sshll.u32 s1, $0x11  }
0xc1: {  	s0 =	sor.u32 s1, s0  }
0xc2: {  	s0 =	sadd.s32 $0x8F2B, s0  }
0xc3: {  	[sflag:s0] =	ssyncadd.remote.s32 $0x1  }
0xc4: {  	_ =	sfence.sel $0xFFFF  }
0xc5: {  	[dreg:$0x0] =	wrdreg $0xFFFFFFFF;
	(pc) =	sbr.abs _section_cstart, $3  }
0xc6: {  	[dreg:$0x1] =	wrdreg $0xFFFFFFFF  }
0xc7: {  	_ =	task.clear_ibuf [dreg:s10], $0x2FFFF;
	_ =	strace $0x9FFFFFFF  }
0xc8: {  	(tm) =	ssettm $0x7FFFFFFF  }
0xc9: {  	_ =	shalt  }
tec
execute0_lowered:
.L_overlay_start_1:
0x0: {  	(tag) =	ssettag $0x1  }
0x1: {  	s0 =	rddreg [dreg:$0x0]  }
0x2: {  	s2 =	rddreg [dreg:$0x2]  }
0x3: {  	s1 =	rddreg [dreg:$0x3];
	s3 =	srdreg.scid  }
0x4: {  	s4 =	stileid.u32;
	s7 =	rddreg [dreg:$0x4]  }
0x5: {  	s9 =	simm.s32 $0x6;
	s10 =	simm.s32 $0x64;
	s17 =	simm.s32 $0xDA20  }
0x6: {  	s18 =	simm.s32 $0x3400;
	s20 =	simm.s32 $0x3420;
	s21 =	simm.s32 $0x1  }
0x7: {  	s22 =	simm.s32 $0x2;
	s23 =	simm.s32 $0x10C20;
	s24 =	simm.s32 $0x3  }
0x8: {  	s25 =	simm.s32 $0x4;
	s26 =	simm.s32 $0x5;
	s28 =	simm.s32 $0x0  }
0x9: {  	s3 =	sand.u32 $0x1, s3;
	s5 =	sshll.u32 s4, $0x1;
	s4 =	simm.s32 $0x0  }
.Ltmp0:
0xa: {  	s8 =	sor.u32 s3, s5;
	[smem:$0x7FF] =	sst s4;
	(pc) =	sbr.rel .LBB2_1-.Ltmp0, $4  }
0xb: {  	s3 =	ssub.s32 $0x2, s3;
	s5 =	smul.u32 $0x680, s8;
	_ =	strace $0x80000047  }
0xc: {  	s6 =	sshrl.u32 s3, $0x1;
	s30 =	sshll.u32 s8, $0x2;
	s31 =	sshll.u32 s8, $0x5  }
0xd: {  	v0 =	vimm.s32 $0x0;
	vm0 =	vcmask $0x300;
	s3 =	ssub.s32 s3, s6;
	s6 =	sadd.s32 s0, s30;
	s1 =	sadd.s32 s5, s1  }
0xe: {  	v0 =	vsel vm0, $0x3, v0;
	s7 =	sadd.s32 s7, s31;
	s8 =	smax.u32 s3, $0x1;
	s5 =	sadd.s32 $0x400, s1  }
.LBB2_22:
0xf: {  	s28 =	sadd.s32 $0x1, s28  }
0x10: {  	p0 =	sne.s32 s28, s8  }
.Ltmp1:
0x11: {  	_ = 	snop;
	(pc) =	sbr.rel @!p0 .LBB2_23-.Ltmp1, $4  }
0x12: {  	[hbm4b:s7+s4] =	stream.linear.scatter [tilespmem:s23], [sflag:$0x6], $0x100, $0x38;
	[tilespmem:$0x10D20] =	vst v63  }
0x13: {  	_ =	swait.ge [sflag:s9], $0x100  }
0x14: {  	[sflag:s9] =	ssyncset.done $0x0  }
0x15: {  	[sflag:s9] =	ssyncadd.s32 $0xFFFFFF00  }
.LBB2_1:
0x16: {  	[tilespmem:s4], [sflag:$0x6] =	stream.linear.gather [hbm4b:s5+s4], $0x3400, $0x38;
	[tilespmem:$0x10D20] =	vst v63  }
0x17: {  	_ =	swait.ge [sflag:s9], $0x3400  }
0x18: {  	[sflag:s9] =	ssyncset.done $0x0  }
0x19: {  	s0 =	simm.s32 $0x4420;
	[sflag:s9] =	ssyncadd.s32 $0xFFFFCC00  }
0x1a: {  	[tilespmem:s0], [sflag:$0x2] =	stream.indirect.gather [hbm4b:s2+s10], $0x80, s4, s10, $0xb8;
	[tilespmem:$0x10D20] =	vst v63  }
0x1b: {  	s15 =	simm.s32 $0x68;
	s1 =	simm.s32 $0x7620  }
0x1c: {  	[tilespmem:s1], [sflag:$0x3] =	stream.indirect.gather [hbm4b:s2+s10], $0x80, s15, s10, $0xb8;
	[tilespmem:$0x10D20] =	vst v63  }
0x1d: {  	s16 =	simm.s32 $0xD0;
	s19 =	simm.s32 $0xA820  }
0x1e: {  	[tilespmem:s19], [sflag:$0x4] =	stream.indirect.gather [hbm4b:s2+s10], $0x80, s16, s10, $0xb8;
	[tilespmem:$0x10D20] =	vst v63  }
0x1f: {  	s29 =	simm.s32 $0x138  }
0x20: {  	[tilespmem:s17], [sflag:$0x5] =	stream.indirect.gather [hbm4b:s2+s10], $0x80, s29, s10, $0xb8;
	[tilespmem:$0x10D20] =	vst v63  }
0x21: {  	_ = 	snop  }
0x22: {  	[tilespmem:s18], [sflag:$0x6] =	stream.linear.gather [hbm4b:s6+s4], $0x20, $0x38;
	[tilespmem:$0x10D20] =	vst v63  }
0x23: {  	_ =	swait.ge [sflag:s9], $0x20  }
0x24: {  	[sflag:s9] =	ssyncset.done $0x0  }
0x25: {  	[sflag:s9] =	ssyncadd.s32 $0xFFFFFFE0  }
0x26: {  	s31 =	simm.s32 $0x20;
	s30 =	rddreg [dreg:$0x1]  }
0x27: {  	[tilespmem:s20], [sflag:$0x1] =	stream.indirect.gather [hbm4b:s30+s31], $0x80, s18, s31, $0xb8;
	[tilespmem:$0x10D20] =	vst v63  }
0x28: {  	_ =	swait.ge [sflag:s21], $0x1000  }
0x29: {  	[sflag:s21] =	ssyncset.done $0x0  }
0x2a: {  	s0 =	simm.s32 $0x0;
	[sflag:s21] =	ssyncadd.s32 $0xFFFFF000  }
0x2b: {  	v2 =	vld [tilespmem:s0+$0x3450];
	_ =	sdelay $0x1  }
0x2c: {  	v5 =	vld [tilespmem:s0+$0x3480]  }
0x2d: {  	v4 =	vld [tilespmem:s0+$0x3490];
	_ =	sdelay $0x1  }
0x2e: {  	v6 =	vld [tilespmem:s0+$0x3470];
	v3 =	vshrl.u32 v2, $0x10  }
0x2f: {  	v7 =	vand.u32 $0x1, v3  }
0x30: {  	v1 =	vld [tilespmem:s0+$0x3430];
	v2 =	vadd.s32 v7, v2;
	v7 =	vshrl.u32 v5, $0x10  }
0x31: {  	v8 =	vshrl.u32 v4, $0x10;
	v3 =	vld [tilespmem:s0+$0x3420];
	v10 =	vadd.s32 $0x7FFF, v2;
	v2 =	vand.u32 $0x1, v7  }
0x32: {  	v7 =	vand.u32 $0x1, v8;
	v5 =	vadd.s32 v2, v5;
	v2 =	vld [tilespmem:s0+$0x3440]  }
0x33: {  	v8 =	vshrl.u32 v6, $0x10;
	v4 =	vadd.s32 v7, v4  }
0x34: {  	v7 =	vand.u32 $0x1, v8;
	v5 =	vadd.s32 $0x7FFF, v5;
	v8 =	vadd.s32 $0x7FFF, v4;
	v4 =	vld [tilespmem:s0+$0x3460]  }
0x35: {  	v6 =	vadd.s32 v7, v6;
	v7 =	vshrl.u32 v1, $0x10;
	v11 =	vand.u32 $0xFFFF0000, v5  }
0x36: {  	s1 =	simm.s32 $0x200;
	v5 =	vand.u32 $0xFFFF0000, v8;
	v9 =	vshrl.u32 v3, $0x10;
	v8 =	vand.u32 $0xFFFF0000, v10;
	[tilespmem:s0+$0x3480] =	vst v11  }
.LBB2_2:
0x37: {  	s3 =	sshra.s32 s1, $0x2;
	p0 =	sne.s32 s1, $0x3E00;
	s1 =	sadd.s32 $0x200, s1;
	v9 =	vand.u32 $0x1, v9;
	v10 =	vshrl.u32 v2, $0x10;
	[tilespmem:s0+$0x3450] =	vst v8;
	v6 =	vadd.s32 $0x7FFF, v6  }
0x38: {  	v7 =	vand.u32 $0x1, v7;
	v8 =	vld [tilespmem:s3+$0x3450];
	v3 =	vadd.s32 v9, v3;
	v9 =	vand.u32 $0x1, v10;
	[tilespmem:s0+$0x3490] =	vst v5  }
0x39: {  	v1 =	vadd.s32 v7, v1;
	v5 =	vld [tilespmem:s3+$0x3490];
	v3 =	vadd.s32 $0x7FFF, v3;
	v7 =	vshrl.u32 v4, $0x10  }
0x3a: {  	v6 =	vand.u32 $0xFFFF0000, v6;
	v10 =	vld [tilespmem:s3+$0x3480];
	v3 =	vand.u32 $0xFFFF0000, v3;
	v7 =	vand.u32 $0x1, v7  }
0x3b: {  	v1 =	vadd.s32 $0x7FFF, v1;
	v2 =	vadd.s32 v9, v2;
	v4 =	vadd.s32 v7, v4;
	[tilespmem:s0+$0x3470] =	vst v6  }
0x3c: {  	v1 =	vand.u32 $0xFFFF0000, v1;
	v2 =	vadd.s32 $0x7FFF, v2;
	v6 =	vld [tilespmem:s3+$0x3470];
	[tilespmem:s0+$0x3420] =	vst v3;
	v3 =	vadd.s32 $0x7FFF, v4  }
0x3d: {  	v2 =	vand.u32 $0xFFFF0000, v2;
	v4 =	vshrl.u32 v8, $0x10;
	[tilespmem:s0+$0x3430] =	vst v1;
	v3 =	vand.u32 $0xFFFF0000, v3  }
0x3e: {  	v1 =	vld [tilespmem:s3+$0x3430];
	v4 =	vand.u32 $0x1, v4;
	[tilespmem:s0+$0x3460] =	vst v3  }
0x3f: {  	v3 =	vld [tilespmem:s3+$0x3420];
	v4 =	vadd.s32 v4, v8;
	v7 =	vshrl.u32 v10, $0x10;
	v8 =	vshrl.u32 v5, $0x10;
	[tilespmem:s0+$0x3440] =	vst v2;
	s0 =	smov.u32 s3  }
.Ltmp2:
0x40: {  	v2 =	vld [tilespmem:s0+$0x3440];
	v11 =	vadd.s32 $0x7FFF, v4;
	v4 =	vand.u32 $0x1, v7;
	v7 =	vand.u32 $0x1, v8;
	(pc) =	sbr.rel @p0 .LBB2_2-.Ltmp2, $4  }
0x41: {  	v8 =	vshrl.u32 v6, $0x10;
	v9 =	vadd.s32 v4, v10;
	v5 =	vadd.s32 v7, v5  }
0x42: {  	v4 =	vld [tilespmem:s0+$0x3460];
	v7 =	vand.u32 $0x1, v8;
	v8 =	vadd.s32 $0x7FFF, v9;
	v5 =	vadd.s32 $0x7FFF, v5  }
0x43: {  	v6 =	vadd.s32 v7, v6;
	v10 =	vand.u32 $0xFFFF0000, v8;
	v5 =	vand.u32 $0xFFFF0000, v5  }
0x44: {  	s29 =	simm.s32 $0x0;
	v7 =	vshrl.u32 v1, $0x10;
	v8 =	vand.u32 $0xFFFF0000, v11;
	v9 =	vshrl.u32 v3, $0x10;
	[tilespmem:s0+$0x3480] =	vst v10  }
0x45: {  	v9 =	vand.u32 $0x1, v9;
	v10 =	vshrl.u32 v2, $0x10  }
0x46: {  	v6 =	vadd.s32 $0x7FFF, v6;
	v7 =	vand.u32 $0x1, v7;
	v3 =	vadd.s32 v9, v3  }
0x47: {  	[tilespmem:s0+$0x3450] =	vst v8;
	v60 =	vand.u32 $0x1, v10;
	v1 =	vadd.s32 v7, v1;
	v6 =	vand.u32 $0xFFFF0000, v6  }
0x48: {  	[tilespmem:s0+$0x3490] =	vst v5;
	v3 =	vadd.s32 $0x7FFF, v3;
	v61 =	vshrl.u32 v4, $0x10;
	v1 =	vadd.s32 $0x7FFF, v1  }
0x49: {  	[tilespmem:s0+$0x3470] =	vst v6;
	v2 =	vadd.s32 v60, v2;
	v62 =	vand.u32 $0x1, v61;
	v3 =	vand.u32 $0xFFFF0000, v3  }
0x4a: {  	v1 =	vand.u32 $0xFFFF0000, v1;
	v2 =	vadd.s32 $0x7FFF, v2;
	v63 =	vadd.s32 v62, v4;
	[tilespmem:s0+$0x3420] =	vst v3  }
0x4b: {  	[tilespmem:s0+$0x3430] =	vst v1;
	v2 =	vand.u32 $0xFFFF0000, v2;
	v3 =	vadd.s32 $0x7FFF, v63  }
0x4c: {  	[tilespmem:s0+$0x3440] =	vst v2;
	v1 =	vand.u32 $0xFFFF0000, v3  }
0x4d: {  	[tilespmem:s0+$0x3460] =	vst v1  }
.LBB2_4:
0x4e: {  	_ =	swait.ge [sflag:s22], $0x3200  }
0x4f: {  	s0 =	sshll.u32 s29, $0x7;
	[sflag:s22] =	ssyncset.done $0x0  }
0x50: {  	s30 =	sand.u32 $0x3FFFFF80, s0;
	[sflag:s22] =	ssyncadd.s32 $0xFFFFCE00  }
0x51: {  	v8 =	vld [tilespmem:s30+$0x3420]  }
0x52: {  	v7 =	vld [tilespmem:s30+$0x3430]  }
0x53: {  	v5 =	vld [tilespmem:s30+$0x3440]  }
0x54: {  	v6 =	vld [tilespmem:s30+$0x3450]  }
0x55: {  	v4 =	vld [tilespmem:s30+$0x3460]  }
0x56: {  	v3 =	vld [tilespmem:s30+$0x3470]  }
0x57: {  	v2 =	vld [tilespmem:s30+$0x3480]  }
0x58: {  	s31 =	simm.s32 $0x4560;
	v1 =	vld [tilespmem:s30+$0x3490]  }
0x59: {  	v9 =	vld [tilespmem:s31+$0xC0]  }
0x5a: {  	v10 =	vld [tilespmem:s31+$0xD0]  }
0x5b: {  	v11 =	vld [tilespmem:s31+$0xE0]  }
0x5c: {  	v12 =	vld [tilespmem:s31+$0xF0]  }
0x5d: {  	v14 =	vld [tilespmem:s31+$0x40]  }
0x5e: {  	v15 =	vld [tilespmem:s31+$0x50]  }
0x5f: {  	v16 =	vld [tilespmem:s31+$0x60]  }
0x60: {  	v17 =	vld [tilespmem:s31+$0x70]  }
0x61: {  	v22 =	vld [tilespmem:s31+$0xFFFFFF40]  }
0x62: {  	v23 =	vld [tilespmem:s31+$0xFFFFFF50]  }
0x63: {  	v24 =	vld [tilespmem:s31+$0xFFFFFF60]  }
0x64: {  	v25 =	vld [tilespmem:s31+$0xFFFFFF70]  }
0x65: {  	v26 =	vld [tilespmem:s31+$0xFFFFFF80]  }
0x66: {  	v27 =	vld [tilespmem:s31+$0xFFFFFF90]  }
0x67: {  	v28 =	vld [tilespmem:s31+$0xFFFFFFA0]  }
0x68: {  	v29 =	vld [tilespmem:s31+$0xFFFFFFB0]  }
0x69: {  	v30 =	vld [tilespmem:s31+$0xFFFFFEC0]  }
0x6a: {  	v31 =	vld [tilespmem:s31+$0xFFFFFED0]  }
0x6b: {  	v32 =	vld [tilespmem:s31+$0xFFFFFEE0]  }
0x6c: {  	v33 =	vld [tilespmem:s31+$0xFFFFFEF0];
	v9 =	vmul.f32 v9, v8  }
0x6d: {  	v34 =	vld [tilespmem:s31+$0xFFFFFF00];
	v22 =	vmul.f32 v22, v8;
	v23 =	vmul.f32 v23, v7  }
0x6e: {  	v35 =	vld [tilespmem:s31+$0xFFFFFF10];
	v24 =	vmul.f32 v24, v5;
	v25 =	vmul.f32 v25, v6  }
0x6f: {  	v18 =	vld [tilespmem:s31+$0x80];
	v26 =	vmul.f32 v26, v4;
	v27 =	vmul.f32 v27, v3  }
0x70: {  	v36 =	vld [tilespmem:s31+$0xFFFFFF20];
	v28 =	vmul.f32 v28, v2;
	v30 =	vmul.f32 v30, v8  }
0x71: {  	v37 =	vld [tilespmem:s31+$0xFFFFFF30];
	v29 =	vmul.f32 v29, v1;
	v31 =	vmul.f32 v31, v7  }
0x72: {  	v19 =	vld [tilespmem:s31+$0xFFFFFFC0];
	v32 =	vmul.f32 v32, v5;
	v33 =	vmul.f32 v33, v6  }
0x73: {  	v20 =	vld [tilespmem:s31+$0xFFFFFFD0];
	v34 =	vmul.f32 v34, v4;
	v35 =	vmul.f32 v35, v3  }
0x74: {  	v21 =	vld [tilespmem:s31+$0xFFFFFFE0];
	v10 =	vmul.f32 v10, v7;
	v11 =	vmul.f32 v11, v5  }
0x75: {  	v38 =	vld [tilespmem:s31+$0xFFFFFFF0];
	v22 =	vadd.f32 v23, v22;
	v24 =	vadd.f32 v25, v24;
	v25 =	vmul.f32 v36, v2  }
0x76: {  	v39 =	vld [tilespmem:s31+$0x0];
	v26 =	vadd.f32 v27, v26;
	v27 =	vadd.f32 v29, v28;
	v28 =	vmul.f32 v37, v1  }
0x77: {  	v50 =	vld [tilespmem:s31+$0x20];
	v14 =	vmul.f32 v14, v8;
	v30 =	vadd.f32 v31, v30;
	v31 =	vadd.f32 v33, v32  }
0x78: {  	v15 =	vmul.f32 v15, v7;
	v23 =	vld [tilespmem:s31+$0x10];
	v52 =	vadd.f32 v35, v34;
	v25 =	vadd.f32 v28, v25  }
0x79: {  	v16 =	vmul.f32 v16, v5;
	v29 =	vld [tilespmem:s31+$0x30];
	v22 =	vadd.f32 v24, v22;
	v24 =	vadd.f32 v27, v26  }
0x7a: {  	v51 =	vld [tilespmem:s31+$0x90];
	v17 =	vmul.f32 v17, v6;
	v27 =	vadd.f32 v31, v30;
	v25 =	vadd.f32 v25, v52  }
0x7b: {  	v19 =	vmul.f32 v19, v8;
	v20 =	vmul.f32 v20, v7;
	v28 =	vld [tilespmem:s31+$0xA0];
	v22 =	vadd.f32 v24, v22  }
0x7c: {  	v21 =	vmul.f32 v21, v5;
	v55 =	vmul.f32 v50, v2;
	v26 =	vld [tilespmem:s31+$0xB0];
	v25 =	vadd.f32 v25, v27  }
0x7d: {  	v13 =	vld [tilespmem:s31+$0x100];
	v19 =	vadd.f32 v20, v19;
	v31 =	vmul.f32 v38, v6;
	v23 =	vmul.f32 v23, v3;
	(xrf2) =	vadd.scan.msk.f32 $0xffff, v22  }
0x7e: {  	v9 =	vadd.f32 v10, v9;
	v24 =	vld [tilespmem:s31+$0x120];
	v29 =	vmul.f32 v29, v1;
	(xrf2) =	vadd.scan.msk.f32 $0xffff, v25;
	v25 =	vmul.f32 v39, v4  }
0x7f: {  	v18 =	vmul.f32 v18, v4;
	v14 =	vadd.f32 v15, v14;
	v10 =	vadd.f32 v31, v21;
	v27 =	vld [tilespmem:s31+$0x130]  }
0x80: {  	s0 =	simm.s32 $0x47E0;
	v30 =	vld [tilespmem:s31+$0x110];
	v21 =	vmul.f32 v51, v3;
	v23 =	vadd.f32 v23, v25;
	v25 =	vadd.f32 v29, v55  }
0x81: {  	v53 =	vld [tilespmem:s0+$0xD0];
	v15 =	vadd.f32 v17, v16;
	v28 =	vmul.f32 v28, v2;
	v26 =	vmul.f32 v26, v1  }
0x82: {  	v54 =	vld [tilespmem:s0+$0xE0];
	v12 =	vmul.f32 v12, v6;
	v10 =	vadd.f32 v10, v19;
	v17 =	vadd.f32 v25, v23  }
0x83: {  	v56 =	vld [tilespmem:s0+$0xFFFFFFD0];
	v13 =	vmul.f32 v13, v4;
	v18 =	vadd.f32 v21, v18;
	v21 =	vadd.f32 v26, v28  }
0x84: {  	v57 =	vld [tilespmem:s0+$0xFFFFFF50];
	v23 =	vmul.f32 v24, v2;
	v10 =	vadd.f32 v17, v10;
	v17 =	vmul.f32 v27, v1  }
0x85: {  	v58 =	vld [tilespmem:s0+$0xFFFFFF60];
	v11 =	vadd.f32 v12, v11;
	v12 =	vadd.f32 v15, v14;
	v19 =	vmul.f32 v30, v3  }
0x86: {  	v59 =	vld [tilespmem:s0+$0xFFFFFF70];
	v14 =	vadd.f32 v17, v23;
	v17 =	vadd.f32 v21, v18  }
0x87: {  	v60 =	vld [tilespmem:s0+$0xFFFFFF80];
	v13 =	vadd.f32 v19, v13;
	v28, _, _ =	vpop (xrf2);
	(xrf2) =	vadd.scan.msk.f32 $0xffff, v10  }
0x88: {  	v61 =	vld [tilespmem:s0+$0xFFFFFF90];
	v9 =	vadd.f32 v11, v9;
	v15, _, _ =	vpop (xrf2);
	v12 =	vadd.f32 v17, v12  }
0x89: {  	v40 =	vld [tilespmem:s0+$0xFFFFFFA0];
	v11 =	vadd.f32 v14, v13;
	(v2sf) =	vpush v15, $0xF  }
0x8a: {  	v41 =	vld [tilespmem:s0+$0xFFFFFFB0];
	(xrf2) =	vadd.scan.msk.f32 $0xffff, v12  }
0x8b: {  	v20 =	vld [tilespmem:s0+$0xF0];
	v9 =	vadd.f32 v11, v9  }
0x8c: {  	v16 =	vld [tilespmem:s0+$0x50]  }
0x8d: {  	v32 =	vld [tilespmem:s0+$0xFFFFFF10];
	(xrf2) =	vadd.scan.msk.f32 $0xffff, v9  }
0x8e: {  	v31 =	vld [tilespmem:s0+$0x100]  }
0x8f: {  	v22 =	vld [tilespmem:s0+$0xC0];
	(v2sf) =	vpush v28, $0xF  }
0x90: {  	v30 =	vld [tilespmem:s0+$0xFFFFFFC0]  }
0x91: {  	v29 =	vld [tilespmem:s0+$0x40];
	v28, _, _ =	vpop (xrf2)  }
0x92: {  	v26 =	vld [tilespmem:s0+$0x70];
	(v2sf) =	vpush v28, $0xF  }
0x93: {  	v34 =	vmul.f32 v61, v3;
	v25 =	vld [tilespmem:s0+$0x60]  }
0x94: {  	v35 =	vmul.f32 v40, v2;
	v37 =	vmul.f32 v41, v1;
	v24 =	vld [tilespmem:s0+$0xFFFFFEE0];
	v62, _, _ =	vpop (xrf2)  }
0x95: {  	v27 =	vld [tilespmem:s0+$0x80];
	v18 =	vmul.f32 v53, v7;
	v10 =	vmul.f32 v54, v5;
	(v2sf) =	vpush v62, $0xF  }
0x96: {  	v21 =	vld [tilespmem:s0+$0xFFFFFF40];
	v17 =	vmul.f32 v22, v8;
	v13 =	vmul.f32 v29, v8  }
0x97: {  	v23 =	vld [tilespmem:s0+$0xFFFFFED0];
	v14 =	vmul.f32 v16, v7;
	v16 =	vmul.f32 v26, v6;
	v63, _, _ =	vpop (xrf2)  }
0x98: {  	v26 =	vmul.f32 v57, v7;
	v9 =	vmul.f32 v31, v4;
	v31 =	vld [tilespmem:s0+$0xFFFFFEC0];
	s14 =	spop (v2sf);
	(v2sf) =	vpush v63, $0xF  }
0x99: {  	v29 =	vld [tilespmem:s0+$0xFFFFFF00];
	v15 =	vmul.f32 v25, v5;
	v11 =	vmul.f32 v20, v6  }
0x9a: {  	v25 =	vld [tilespmem:s0+$0xFFFFFEF0];
	v20 =	vmul.f32 v30, v8;
	v12 =	vmul.f32 v27, v4  }
0x9b: {  	v33 =	vld [tilespmem:s0+$0xFFFFFF20];
	v27 =	vmul.f32 v58, v5;
	v30 =	vmul.f32 v59, v6  }
0x9c: {  	s1 =	simm.f32 $-Inf;
	s3 =	simm.s32 $0x5;
	s13 =	simm.s32 $0xA;
	v36 =	vld [tilespmem:s0+$0xFFFFFF30];
	v22 =	vmul.f32 v21, v8;
	v21 =	vmul.f32 v56, v7  }
0x9d: {  	s12 =	simm.s32 $0x0;
	s11 =	simm.s32 $0x0;
	v19 =	vld [tilespmem:s0+$0xFFFFFFE0];
	v28 =	vmul.f32 v60, v4;
	v31 =	vmul.f32 v31, v8;
	p1 =	sgt.f32 s14, s1  }
.LBB2_5:
0x9e: {  	p0 =	slt.u32 s13, $0x2D;
	v23 =	vmul.f32 v23, v7;
	v24 =	vmul.f32 v24, v5;
	v38 =	vld [tilespmem:s0+$0xFFFFFFF0];
	s15 =	spop (v2sf)  }
0x9f: {  	v25 =	vmul.f32 v25, v6;
	v29 =	vmul.f32 v29, v4;
	v39 =	vld [tilespmem:s0+$0x0];
	s1 =	smov.u32 @p1 s14;
	s11 =	smov.u32 @p1 s12  }
0xa0: {  	v22 =	vadd.f32 v26, v22;
	v26 =	vadd.f32 v30, v27;
	v32 =	vmul.f32 v32, v3;
	v27 =	vld [tilespmem:s0+$0x10];
	p1 =	sgt.f32 s15, s1  }
0xa1: {  	v28 =	vadd.f32 v34, v28;
	s14 =	sadd.s32 $0x1, s12;
	v30 =	vmul.f32 v33, v2;
	v33 =	vadd.f32 v37, v35;
	v34 =	vld [tilespmem:s0+$0x20];
	s31 =	spop (v2sf)  }
0xa2: {  	v23 =	vadd.f32 v23, v31;
	v24 =	vadd.f32 v25, v24;
	v35 =	vmul.f32 v36, v1;
	v25 =	vld [tilespmem:s0+$0x30];
	s1 =	smov.u32 @p1 s15;
	s11 =	smov.u32 @p1 s14  }
0xa3: {  	v19 =	vmul.f32 v19, v5;
	v22 =	vadd.f32 v26, v22;
	v26 =	vadd.f32 v33, v28;
	v28 =	vld [tilespmem:s0+$0x90];
	p1 =	sgt.f32 s31, s1  }
0xa4: {  	v29 =	vadd.f32 v32, v29;
	s14 =	sadd.s32 $0x2, s12;
	v31 =	vmul.f32 v38, v6;
	v30 =	vadd.f32 v35, v30;
	v32 =	vld [tilespmem:s0+$0xA0];
	s15 =	spop (v2sf)  }
0xa5: {  	v22 =	vadd.f32 v26, v22;
	v26 =	vmul.f32 v39, v4;
	v27 =	vmul.f32 v27, v3;
	v33 =	vld [tilespmem:s0+$0xB0];
	s1 =	smov.u32 @p1 s31;
	s11 =	smov.u32 @p1 s14  }
0xa6: {  	v23 =	vadd.f32 v24, v23;
	v24 =	vadd.f32 v30, v29;
	v29 =	vmul.f32 v34, v2;
	v30 =	vld [tilespmem:s0+$0x110];
	p1 =	sgt.f32 s15, s1  }
0xa7: {  	v20 =	vadd.f32 v21, v20;
	v17 =	vadd.f32 v18, v17;
	s14 =	sadd.s32 $0x3, s12;
	v25 =	vmul.f32 v25, v1;
	v21 =	vld [tilespmem:s0+$0x120];
	(xrf2) =	vadd.scan.msk.f32 $0xffff, v22;
	s31 =	spop (v2sf)  }
0xa8: {  	v19 =	vadd.f32 v31, v19;
	v18 =	vadd.f32 v24, v23;
	v22 =	vmul.f32 v28, v3;
	v23 =	vld [tilespmem:s0+$0x130];
	s0 =	sadd.s32 $0x280, s0;
	s1 =	smov.u32 @p1 s15;
	s11 =	smov.u32 @p1 s14  }
0xa9: {  	v26 =	vadd.f32 v27, v26;
	v24 =	vld [tilespmem:s0+$0xC0];
	v25 =	vadd.f32 v25, v29;
	v27 =	vmul.f32 v32, v2;
	p1 =	sgt.f32 s31, s1  }
0xaa: {  	v13 =	vadd.f32 v14, v13;
	v14 =	vadd.f32 v16, v15;
	s14 =	sadd.s32 $0x4, s12;
	s12 =	smov.u32 s3;
	s3 =	smov.u32 s13;
	v28 =	vld [tilespmem:s0+$0xD0];
	v29 =	vmul.f32 v33, v1;
	(xrf2) =	vadd.scan.msk.f32 $0xffff, v18  }
0xab: {  	v16 =	vadd.f32 v19, v20;
	v15 =	vld [tilespmem:s0+$0xE0];
	v18 =	vadd.f32 v25, v26;
	v19 =	vmul.f32 v30, v3;
	s1 =	smov.u32 @p1 s31;
	s11 =	smov.u32 @p1 s14  }
0xac: {  	v12 =	vadd.f32 v22, v12;
	v20 =	vld [tilespmem:s0+$0xF0];
	v22 =	vadd.f32 v29, v27;
	v21 =	vmul.f32 v21, v2  }
0xad: {  	v10 =	vadd.f32 v11, v10;
	v25 =	vld [tilespmem:s0+$0x100];
	v16 =	vadd.f32 v18, v16;
	v18 =	vmul.f32 v23, v1  }
0xae: {  	v11 =	vadd.f32 v14, v13;
	v23 =	vld [tilespmem:s0+$0x40];
	v12 =	vadd.f32 v22, v12  }
0xaf: {  	v9 =	vadd.f32 v19, v9;
	v14 =	vld [tilespmem:s0+$0x50];
	v18 =	vadd.f32 v18, v21;
	(xrf2) =	vadd.scan.msk.f32 $0xffff, v16  }
0xb0: {  	v16 =	vld [tilespmem:s0+$0x60];
	v11 =	vadd.f32 v12, v11  }
0xb1: {  	v17 =	vadd.f32 v10, v17;
	v12 =	vld [tilespmem:s0+$0x70];
	v9 =	vadd.f32 v18, v9;
	v13, _, _ =	vpop (xrf2)  }
0xb2: {  	v21 =	vld [tilespmem:s0+$0x80];
	(xrf2) =	vadd.scan.msk.f32 $0xffff, v11  }
0xb3: {  	v22 =	vld [tilespmem:s0+$0xFFFFFFC0];
	v9 =	vadd.f32 v9, v17  }
0xb4: {  	v26 =	vld [tilespmem:s0+$0xFFFFFFD0];
	v10, _, _ =	vpop (xrf2)  }
0xb5: {  	v19 =	vld [tilespmem:s0+$0xFFFFFFE0];
	(v2sf) =	vpush v10, $0xF;
	(xrf2) =	vadd.scan.msk.f32 $0xffff, v9  }
0xb6: {  	v27 =	vld [tilespmem:s0+$0xFFFFFF40]  }
0xb7: {  	v30 =	vld [tilespmem:s0+$0xFFFFFF50];
	(v2sf) =	vpush v13, $0xF  }
0xb8: {  	v31 =	vld [tilespmem:s0+$0xFFFFFF60]  }
0xb9: {  	v33 =	vld [tilespmem:s0+$0xFFFFFF70];
	v9, _, _ =	vpop (xrf2)  }
0xba: {  	v34 =	vld [tilespmem:s0+$0xFFFFFF80];
	(v2sf) =	vpush v9, $0xF  }
0xbb: {  	v17 =	vmul.f32 v24, v8;
	v35 =	vld [tilespmem:s0+$0xFFFFFF90]  }
0xbc: {  	v18 =	vmul.f32 v28, v7;
	v10 =	vmul.f32 v15, v5;
	v36 =	vld [tilespmem:s0+$0xFFFFFFA0];
	v13, _, _ =	vpop (xrf2)  }
0xbd: {  	v11 =	vmul.f32 v20, v6;
	v9 =	vmul.f32 v25, v4;
	v37 =	vld [tilespmem:s0+$0xFFFFFFB0];
	(v2sf) =	vpush v13, $0xF  }
0xbe: {  	v14 =	vmul.f32 v14, v7;
	v13 =	vmul.f32 v23, v8;
	v38 =	vld [tilespmem:s0+$0xFFFFFEC0]  }
0xbf: {  	v15 =	vmul.f32 v16, v5;
	v16 =	vmul.f32 v12, v6;
	v23 =	vld [tilespmem:s0+$0xFFFFFED0];
	v25, _, _ =	vpop (xrf2)  }
0xc0: {  	v12 =	vmul.f32 v21, v4;
	v20 =	vmul.f32 v22, v8;
	v24 =	vld [tilespmem:s0+$0xFFFFFEE0];
	(v2sf) =	vpush v25, $0xF  }
.Ltmp3:
0xc1: {  	v21 =	vmul.f32 v26, v7;
	v22 =	vmul.f32 v27, v8;
	v25 =	vld [tilespmem:s0+$0xFFFFFEF0];
	(pc) =	sbr.rel @p0 .LBB2_5-.Ltmp3, $4  }
0xc2: {  	v26 =	vmul.f32 v30, v7;
	v27 =	vmul.f32 v31, v5;
	v29 =	vld [tilespmem:s0+$0xFFFFFF00]  }
0xc3: {  	v30 =	vmul.f32 v33, v6;
	v28 =	vmul.f32 v34, v4;
	v32 =	vld [tilespmem:s0+$0xFFFFFF10]  }
0xc4: {  	v34 =	vmul.f32 v35, v3;
	v35 =	vmul.f32 v36, v2;
	v33 =	vld [tilespmem:s0+$0xFFFFFF20];
	s14 =	spop (v2sf)  }
0xc5: {  	s13 =	sadd.s32 $0x5, s13;
	v37 =	vmul.f32 v37, v1;
	v31 =	vmul.f32 v38, v8;
	v36 =	vld [tilespmem:s0+$0xFFFFFF30];
	p1 =	sgt.f32 s14, s1  }
0xc6: {  	v23 =	vmul.f32 v23, v7;
	v24 =	vmul.f32 v24, v5;
	v22 =	vadd.f32 v26, v22  }
0xc7: {  	v38 =	vld [tilespmem:s0+$0xFFFFFFF0];
	v25 =	vmul.f32 v25, v6;
	v26 =	vadd.f32 v30, v27;
	v28 =	vadd.f32 v34, v28  }
0xc8: {  	v39 =	vld [tilespmem:s0+$0x0];
	v20 =	vadd.f32 v21, v20;
	v17 =	vadd.f32 v18, v17;
	v29 =	vmul.f32 v29, v4  }
0xc9: {  	v27 =	vld [tilespmem:s0+$0x10];
	v50 =	vadd.f32 v37, v35;
	v32 =	vmul.f32 v32, v3;
	v23 =	vadd.f32 v23, v31  }
0xca: {  	v51 =	vld [tilespmem:s0+$0x20];
	v24 =	vadd.f32 v25, v24;
	v30 =	vmul.f32 v33, v2;
	v52 =	vmul.f32 v36, v1  }
0xcb: {  	v25 =	vld [tilespmem:s0+$0x30];
	v22 =	vadd.f32 v26, v22;
	v28 =	vadd.f32 v50, v28  }
0xcc: {  	v53 =	vld [tilespmem:s0+$0xA0];
	v29 =	vadd.f32 v32, v29;
	v30 =	vadd.f32 v52, v30  }
0xcd: {  	v19 =	vmul.f32 v19, v5;
	v13 =	vadd.f32 v14, v13;
	v26 =	vld [tilespmem:s0+$0x90];
	v23 =	vadd.f32 v24, v23  }
0xce: {  	v55 =	vld [tilespmem:s0+$0xB0];
	v31 =	vmul.f32 v38, v6;
	v22 =	vadd.f32 v28, v22;
	v24 =	vadd.f32 v30, v29  }
0xcf: {  	v21 =	vld [tilespmem:s0+$0x120];
	v14 =	vadd.f32 v16, v15;
	v54 =	vmul.f32 v39, v4;
	v27 =	vmul.f32 v27, v3  }
0xd0: {  	v28 =	vmul.f32 v51, v2;
	v25 =	vmul.f32 v25, v1;
	(xrf2) =	vadd.scan.msk.f32 $0xffff, v22;
	v22 =	vld [tilespmem:s0+$0x130];
	v23 =	vadd.f32 v24, v23  }
0xd1: {  	v10 =	vadd.f32 v11, v10;
	v18 =	vadd.f32 v31, v19;
	v29 =	vld [tilespmem:s0+$0x110]  }
0xd2: {  	v19 =	vmul.f32 v26, v3;
	v25 =	vadd.f32 v25, v28;
	v24 =	vadd.f32 v27, v54;
	(xrf2) =	vadd.scan.msk.f32 $0xffff, v23  }
0xd3: {  	v11 =	vadd.f32 v14, v13;
	v26 =	vmul.f32 v53, v2;
	v23 =	vmul.f32 v55, v1  }
0xd4: {  	v15 =	vadd.f32 v18, v20;
	v16 =	vadd.f32 v25, v24  }
0xd5: {  	v12 =	vadd.f32 v19, v12;
	v20 =	vmul.f32 v21, v2;
	v19 =	vadd.f32 v23, v26  }
0xd6: {  	v18 =	vmul.f32 v29, v3;
	v15 =	vadd.f32 v16, v15;
	v16 =	vmul.f32 v22, v1  }
0xd7: {  	v10 =	vadd.f32 v10, v17;
	v12 =	vadd.f32 v19, v12  }
0xd8: {  	v9 =	vadd.f32 v18, v9;
	v13 =	vadd.f32 v16, v20;
	(xrf2) =	vadd.scan.msk.f32 $0xffff, v15  }
0xd9: {  	v11 =	vadd.f32 v12, v11  }
0xda: {  	v9 =	vadd.f32 v13, v9  }
0xdb: {  	v12, _, _ =	vpop (xrf2);
	(xrf2) =	vadd.scan.msk.f32 $0xffff, v11  }
0xdc: {  	v9 =	vadd.f32 v9, v10;
	v10, _, _ =	vpop (xrf2)  }
0xdd: {  	(v2sf) =	vpush v10, $0xF  }
0xde: {  	(xrf2) =	vadd.scan.msk.f32 $0xffff, v9;
	_ =	sdelay $0x1  }
0xdf: {  	s1 =	smov.u32 @p1 s14;
	s0 =	spop (v2sf);
	(v2sf) =	vpush v12, $0xF  }
0xe0: {  	p0 =	sgt.f32 s0, s1  }
0xe1: {  	v9, _, _ =	vpop (xrf2)  }
0xe2: {  	s13 =	spop (v2sf);
	s1 =	smov.u32 @p0 s0;
	(v2sf) =	vpush v9, $0xF  }
0xe3: {  	p2 =	sgt.f32 s13, s1  }
0xe4: {  	v9, _, _ =	vpop (xrf2)  }
0xe5: {  	s0 =	spop (v2sf);
	s1 =	smov.u32 @p2 s13;
	(v2sf) =	vpush v9, $0xF  }
0xe6: {  	p3 =	sgt.f32 s0, s1  }
0xe7: {  	v9, _, _ =	vpop (xrf2)  }
0xe8: {  	s13 =	spop (v2sf);
	s1 =	smov.u32 @p3 s0;
	(v2sf) =	vpush v9, $0xF  }
0xe9: {  	p4 =	sgt.f32 s13, s1;
	_ =	sdelay $0x1  }
0xea: {  	s1 =	smov.u32 @p4 s13;
	s0 =	spop (v2sf)  }
0xeb: {  	p5 =	sgt.f32 s0, s1  }
0xec: {  	s11 =	smov.u32 @p1 s12  }
0xed: {  	s13 =	sadd.s32 $0x1, s12;
	s14 =	spop (v2sf);
	s1 =	smov.u32 @p5 s0  }
0xee: {  	s11 =	smov.u32 @p0 s13;
	p0 =	sgt.f32 s14, s1;
	_ =	sdelay $0x1  }
0xef: {  	s0 =	sadd.s32 $0x2, s12;
	s13 =	spop (v2sf);
	s1 =	smov.u32 @p0 s14  }
0xf0: {  	s11 =	smov.u32 @p2 s0;
	s0 =	sadd.s32 $0x3, s12;
	p1 =	sgt.f32 s13, s1  }
0xf1: {  	s11 =	smov.u32 @p3 s0;
	s0 =	sadd.s32 $0x4, s12  }
0xf2: {  	s11 =	smov.u32 @p4 s0;
	s0 =	spop (v2sf);
	s1 =	smov.u32 @p1 s13  }
0xf3: {  	s12 =	sadd.s32 $0x1, s3;
	s11 =	smov.u32 @p5 s3;
	p2 =	sgt.f32 s0, s1  }
0xf4: {  	s31 =	sshll.u32 s29, $0x2;
	s11 =	smov.u32 @p0 s12  }
0xf5: {  	s12 =	sadd.s32 $0x2, s3;
	s15 =	spop (v2sf);
	s1 =	smov.u32 @p2 s0  }
0xf6: {  	v9 =	vmov s31;
	s11 =	smov.u32 @p1 s12;
	s0 =	sadd.s32 $0x3, s3;
	p0 =	sgt.f32 s15, s1  }
0xf7: {  	v9 =	vmul.u32 $0x68, v9;
	s11 =	smov.u32 @p2 s0;
	s0 =	sadd.s32 $0x4, s3  }
0xf8: {  	s11 =	smov.u32 @p0 s0  }
0xf9: {  	v9 =	vbroadcast v9, $0x0;
	v10 =	vmov s11  }
0xfa: {  	v11 =	vand.u32 $0xFFFFFFF8, v10  }
0xfb: {  	v10 =	vand.u32 $0x7, v10;
	v11 =	vadd.s32 v9, v11  }
0xfc: {  	s16 =	sshll.u32 s29, $0x3;
	v11 =	vor.u32 v10, v11  }
0xfd: {  	v10 =	vmov s16  }
0xfe: {  	v10 =	vshrl.u32 v10, $0x3  }
0xff: {  	v10 =	vshll.u32 v10, v0  }
0x100: {  	s3 =	simm.s32 $0x0;
	v12 =	vbroadcast v10, $0x0  }
0x101: {  	v11 =	vld.idx.msk [tilespmem:v11+s3+$0x0], $0xffff;
	_ =	sdelay $0x4  }
0x102: {  	s19 =	simm.s32 $0x5F90;
	[tilespmem:v12+s23+$0x0] =	vst.idx.msk $0x1, v11  }
0x103: {  	v11 =	vld [tilespmem:s19+$0xFFFFFF90]  }
0x104: {  	v12 =	vld [tilespmem:s19+$0xFFFFFFA0]  }
0x105: {  	v13 =	vld [tilespmem:s19+$0xFFFFFFB0]  }
0x106: {  	v14 =	vld [tilespmem:s19+$0xFFFFFFC0]  }
0x107: {  	v16 =	vld [tilespmem:s19+$0xFFFFFF10]  }
0x108: {  	v17 =	vld [tilespmem:s19+$0xFFFFFF20]  }
0x109: {  	v18 =	vld [tilespmem:s19+$0xFFFFFF30]  }
0x10a: {  	v19 =	vld [tilespmem:s19+$0xFFFFFF40]  }
0x10b: {  	v24 =	vld [tilespmem:s19+$0xFFFFFE10]  }
0x10c: {  	v25 =	vld [tilespmem:s19+$0xFFFFFE20]  }
0x10d: {  	v26 =	vld [tilespmem:s19+$0xFFFFFE30]  }
0x10e: {  	v27 =	vld [tilespmem:s19+$0xFFFFFE40]  }
0x10f: {  	v28 =	vld [tilespmem:s19+$0xFFFFFE50]  }
0x110: {  	v29 =	vld [tilespmem:s19+$0xFFFFFE60]  }
0x111: {  	v30 =	vld [tilespmem:s19+$0xFFFFFE70]  }
0x112: {  	v31 =	vld [tilespmem:s19+$0xFFFFFE80]  }
0x113: {  	v56 =	vld [tilespmem:s19+$0xFFFFFD90]  }
0x114: {  	v57 =	vld [tilespmem:s19+$0xFFFFFDA0]  }
0x115: {  	v58 =	vld [tilespmem:s19+$0xFFFFFDB0]  }
0x116: {  	v59 =	vld [tilespmem:s19+$0xFFFFFDC0];
	v11 =	vmul.f32 v11, v8  }
0x117: {  	v60 =	vld [tilespmem:s19+$0xFFFFFDD0];
	v24 =	vmul.f32 v24, v8;
	v25 =	vmul.f32 v25, v7  }
0x118: {  	v61 =	vld [tilespmem:s19+$0xFFFFFDE0];
	v26 =	vmul.f32 v26, v5;
	v27 =	vmul.f32 v27, v6  }
0x119: {  	v20 =	vld [tilespmem:s19+$0xFFFFFF50];
	v28 =	vmul.f32 v28, v4;
	v29 =	vmul.f32 v29, v3  }
0x11a: {  	v62 =	vld [tilespmem:s19+$0xFFFFFDF0];
	v30 =	vmul.f32 v30, v2;
	v32 =	vmul.f32 v56, v8  }
0x11b: {  	v63 =	vld [tilespmem:s19+$0xFFFFFE00];
	v31 =	vmul.f32 v31, v1;
	v33 =	vmul.f32 v57, v7  }
0x11c: {  	v21 =	vld [tilespmem:s19+$0xFFFFFE90];
	v34 =	vmul.f32 v58, v5;
	v35 =	vmul.f32 v59, v6  }
0x11d: {  	v22 =	vld [tilespmem:s19+$0xFFFFFEA0];
	v36 =	vmul.f32 v60, v4;
	v37 =	vmul.f32 v61, v3  }
0x11e: {  	v23 =	vld [tilespmem:s19+$0xFFFFFEB0];
	v12 =	vmul.f32 v12, v7;
	v13 =	vmul.f32 v13, v5  }
0x11f: {  	v40 =	vld [tilespmem:s19+$0xFFFFFEC0];
	v24 =	vadd.f32 v25, v24;
	v26 =	vadd.f32 v27, v26;
	v27 =	vmul.f32 v62, v2  }
0x120: {  	v41 =	vld [tilespmem:s19+$0xFFFFFED0];
	v28 =	vadd.f32 v29, v28;
	v29 =	vadd.f32 v31, v30;
	v30 =	vmul.f32 v63, v1  }
0x121: {  	v44 =	vld [tilespmem:s19+$0xFFFFFEF0];
	v16 =	vmul.f32 v16, v8;
	v32 =	vadd.f32 v33, v32;
	v45 =	vadd.f32 v35, v34  }
0x122: {  	v17 =	vmul.f32 v17, v7;
	v25 =	vld [tilespmem:s19+$0xFFFFFEE0];
	v47 =	vadd.f32 v37, v36;
	v27 =	vadd.f32 v30, v27  }
0x123: {  	v18 =	vmul.f32 v18, v5;
	v31 =	vld [tilespmem:s19+$0xFFFFFF00];
	v24 =	vadd.f32 v26, v24;
	v26 =	vadd.f32 v29, v28  }
0x124: {  	v46 =	vld [tilespmem:s19+$0xFFFFFF60];
	v19 =	vmul.f32 v19, v6;
	v29 =	vadd.f32 v45, v32;
	v27 =	vadd.f32 v27, v47  }
0x125: {  	v21 =	vmul.f32 v21, v8;
	v22 =	vmul.f32 v22, v7;
	v30 =	vld [tilespmem:s19+$0xFFFFFF70];
	v24 =	vadd.f32 v26, v24  }
0x126: {  	v23 =	vmul.f32 v23, v5;
	v49 =	vmul.f32 v40, v6;
	v28 =	vld [tilespmem:s19+$0xFFFFFF80];
	v27 =	vadd.f32 v27, v29  }
0x127: {  	v15 =	vld [tilespmem:s19+$0xFFFFFFD0];
	v52 =	vmul.f32 v44, v2;
	v21 =	vadd.f32 v22, v21;
	v25 =	vmul.f32 v25, v3;
	(xrf2) =	vadd.scan.msk.f32 $0xffff, v24  }
0x128: {  	v11 =	vadd.f32 v12, v11;
	v26 =	vld [tilespmem:s19+$0xFFFFFFF0];
	v31 =	vmul.f32 v31, v1;
	(xrf2) =	vadd.scan.msk.f32 $0xffff, v27;
	v27 =	vmul.f32 v41, v4  }
0x129: {  	v20 =	vmul.f32 v20, v4;
	v12 =	vadd.f32 v49, v23;
	v16 =	vadd.f32 v17, v16;
	v29 =	vld [tilespmem:s19+$0x0]  }
0x12a: {  	s0 =	simm.s32 $0x6210;
	v48 =	vld [tilespmem:s19+$0xFFFFFFE0];
	v23 =	vmul.f32 v46, v3;
	v25 =	vadd.f32 v25, v27;
	v27 =	vadd.f32 v31, v52  }
0x12b: {  	v50 =	vld [tilespmem:s0+$0xFFFFFFA0];
	v17 =	vadd.f32 v19, v18;
	v30 =	vmul.f32 v30, v2;
	v28 =	vmul.f32 v28, v1  }
0x12c: {  	v51 =	vld [tilespmem:s0+$0xFFFFFFB0];
	v14 =	vmul.f32 v14, v6;
	v12 =	vadd.f32 v12, v21;
	v19 =	vadd.f32 v27, v25  }
0x12d: {  	v53 =	vld [tilespmem:s0+$0xFFFFFFD0];
	v15 =	vmul.f32 v15, v4;
	v20 =	vadd.f32 v23, v20;
	v23 =	vadd.f32 v28, v30  }
0x12e: {  	v54 =	vld [tilespmem:s0+$0xFFFFFE90];
	v25 =	vmul.f32 v26, v2;
	v12 =	vadd.f32 v19, v12;
	v19 =	vmul.f32 v29, v1  }
0x12f: {  	v55 =	vld [tilespmem:s0+$0xFFFFFEA0];
	v13 =	vadd.f32 v14, v13;
	v21 =	vmul.f32 v48, v3;
	v14 =	vadd.f32 v17, v16  }
0x130: {  	v42 =	vld [tilespmem:s0+$0xFFFFFE70];
	v16 =	vadd.f32 v19, v25;
	v19 =	vadd.f32 v23, v20  }
0x131: {  	v43 =	vld [tilespmem:s0+$0xFFFFFE80];
	v15 =	vadd.f32 v21, v15;
	v30, _, _ =	vpop (xrf2);
	(xrf2) =	vadd.scan.msk.f32 $0xffff, v12  }
0x132: {  	v38 =	vld [tilespmem:s0+$0xFFFFFE00];
	v11 =	vadd.f32 v13, v11;
	v17, _, _ =	vpop (xrf2);
	v14 =	vadd.f32 v19, v14  }
0x133: {  	v56 =	vld [tilespmem:s0+$0xFFFFFE20];
	v13 =	vadd.f32 v16, v15;
	(v2sf) =	vpush v17, $0xF  }
0x134: {  	v57 =	vld [tilespmem:s0+$0xFFFFFE30];
	(xrf2) =	vadd.scan.msk.f32 $0xffff, v14  }
0x135: {  	v58 =	vld [tilespmem:s0+$0xFFFFFE40];
	v11 =	vadd.f32 v13, v11  }
0x136: {  	v59 =	vld [tilespmem:s0+$0xFFFFFE50]  }
0x137: {  	v60 =	vld [tilespmem:s0+$0xFFFFFE60];
	(xrf2) =	vadd.scan.msk.f32 $0xffff, v11  }
0x138: {  	v61 =	vld [tilespmem:s0+$0xFFFFFD90]  }
0x139: {  	v22 =	vld [tilespmem:s0+$0xFFFFFFC0];
	(v2sf) =	vpush v30, $0xF  }
0x13a: {  	v18 =	vld [tilespmem:s0+$0xFFFFFF20]  }
0x13b: {  	v24 =	vld [tilespmem:s0+$0xFFFFFF90];
	v30, _, _ =	vpop (xrf2)  }
0x13c: {  	v31 =	vld [tilespmem:s0+$0xFFFFFF10];
	(v2sf) =	vpush v30, $0xF  }
0x13d: {  	v39 =	vmul.f32 v43, v1;
	v28 =	vld [tilespmem:s0+$0xFFFFFF40]  }
0x13e: {  	v37 =	vmul.f32 v42, v2;
	v32 =	vmul.f32 v58, v6;
	v27 =	vld [tilespmem:s0+$0xFFFFFF30];
	v62, _, _ =	vpop (xrf2)  }
0x13f: {  	v36 =	vmul.f32 v60, v3;
	v33 =	vmul.f32 v61, v8;
	v26 =	vld [tilespmem:s0+$0xFFFFFDB0];
	(v2sf) =	vpush v62, $0xF  }
0x140: {  	v29 =	vld [tilespmem:s0+$0xFFFFFF50];
	v20 =	vmul.f32 v50, v7;
	v12 =	vmul.f32 v51, v5  }
0x141: {  	v23 =	vld [tilespmem:s0+$0xFFFFFE10];
	v19 =	vmul.f32 v24, v8;
	v15 =	vmul.f32 v31, v8;
	v63, _, _ =	vpop (xrf2)  }
0x142: {  	v25 =	vld [tilespmem:s0+$0xFFFFFDA0];
	v16 =	vmul.f32 v18, v7;
	v18 =	vmul.f32 v28, v6;
	s14 =	spop (v2sf);
	(v2sf) =	vpush v63, $0xF  }
0x143: {  	v31 =	vld [tilespmem:s0+$0xFFFFFDD0];
	v28 =	vmul.f32 v56, v7;
	v17 =	vmul.f32 v27, v5  }
0x144: {  	v27 =	vld [tilespmem:s0+$0xFFFFFDC0];
	v13 =	vmul.f32 v22, v6;
	v22 =	vmul.f32 v54, v8  }
0x145: {  	v34 =	vld [tilespmem:s0+$0xFFFFFDE0];
	v14 =	vmul.f32 v29, v4;
	v29 =	vmul.f32 v57, v5  }
0x146: {  	s13 =	simm.s32 $0xA;
	s11 =	simm.f32 $-Inf;
	v35 =	vld [tilespmem:s0+$0xFFFFFDF0];
	v24 =	vmul.f32 v23, v8;
	v23 =	vmul.f32 v55, v7  }
0x147: {  	s12 =	simm.s32 $0x0;
	s1 =	simm.s32 $0x5;
	v21 =	vld [tilespmem:s0+$0xFFFFFEB0];
	v11 =	vmul.f32 v53, v4;
	v30 =	vmul.f32 v59, v4;
	p1 =	sgt.f32 s14, s11  }
.LBB2_7:
0x148: {  	p0 =	slt.u32 s13, $0x2D;
	v25 =	vmul.f32 v25, v7;
	v26 =	vmul.f32 v26, v5;
	v40 =	vld [tilespmem:s0+$0xFFFFFEC0];
	s15 =	spop (v2sf)  }
0x149: {  	v27 =	vmul.f32 v27, v6;
	v31 =	vmul.f32 v31, v4;
	v41 =	vld [tilespmem:s0+$0xFFFFFED0];
	s11 =	smov.u32 @p1 s14;
	s3 =	smov.u32 @p1 s12  }
0x14a: {  	v24 =	vadd.f32 v28, v24;
	v28 =	vadd.f32 v32, v29;
	v34 =	vmul.f32 v34, v3;
	v29 =	vld [tilespmem:s0+$0xFFFFFEE0];
	p1 =	sgt.f32 s15, s11  }
0x14b: {  	v30 =	vadd.f32 v36, v30;
	s14 =	sadd.s32 $0x1, s12;
	v32 =	vmul.f32 v35, v2;
	v35 =	vadd.f32 v39, v37;
	v36 =	vld [tilespmem:s0+$0xFFFFFEF0];
	s16 =	spop (v2sf)  }
0x14c: {  	v25 =	vadd.f32 v25, v33;
	v26 =	vadd.f32 v27, v26;
	v37 =	vmul.f32 v38, v1;
	v27 =	vld [tilespmem:s0+$0xFFFFFF00];
	s11 =	smov.u32 @p1 s15;
	s3 =	smov.u32 @p1 s14  }
0x14d: {  	v21 =	vmul.f32 v21, v5;
	v24 =	vadd.f32 v28, v24;
	v28 =	vadd.f32 v35, v30;
	v30 =	vld [tilespmem:s0+$0xFFFFFF60];
	p1 =	sgt.f32 s16, s11  }
0x14e: {  	v31 =	vadd.f32 v34, v31;
	s14 =	sadd.s32 $0x2, s12;
	v33 =	vmul.f32 v40, v6;
	v32 =	vadd.f32 v37, v32;
	v34 =	vld [tilespmem:s0+$0xFFFFFF70];
	s15 =	spop (v2sf)  }
0x14f: {  	v24 =	vadd.f32 v28, v24;
	v28 =	vmul.f32 v41, v4;
	v29 =	vmul.f32 v29, v3;
	v35 =	vld [tilespmem:s0+$0xFFFFFF80];
	s11 =	smov.u32 @p1 s16;
	s3 =	smov.u32 @p1 s14  }
0x150: {  	v25 =	vadd.f32 v26, v25;
	v26 =	vadd.f32 v32, v31;
	v31 =	vmul.f32 v36, v2;
	v32 =	vld [tilespmem:s0+$0xFFFFFFE0];
	p1 =	sgt.f32 s15, s11  }
0x151: {  	v22 =	vadd.f32 v23, v22;
	v19 =	vadd.f32 v20, v19;
	s14 =	sadd.s32 $0x3, s12;
	v27 =	vmul.f32 v27, v1;
	v23 =	vld [tilespmem:s0+$0xFFFFFFF0];
	(xrf2) =	vadd.scan.msk.f32 $0xffff, v24;
	s16 =	spop (v2sf)  }
0x152: {  	v21 =	vadd.f32 v33, v21;
	v20 =	vadd.f32 v26, v25;
	v24 =	vmul.f32 v30, v3;
	v25 =	vld [tilespmem:s0+$0x0];
	s0 =	sadd.s32 $0x280, s0;
	s11 =	smov.u32 @p1 s15;
	s3 =	smov.u32 @p1 s14  }
0x153: {  	v28 =	vadd.f32 v29, v28;
	v26 =	vld [tilespmem:s0+$0xFFFFFF90];
	v27 =	vadd.f32 v27, v31;
	v29 =	vmul.f32 v34, v2;
	p1 =	sgt.f32 s16, s11  }
0x154: {  	v15 =	vadd.f32 v16, v15;
	v16 =	vadd.f32 v18, v17;
	s14 =	sadd.s32 $0x4, s12;
	s12 =	smov.u32 s1;
	s1 =	smov.u32 s13;
	v30 =	vld [tilespmem:s0+$0xFFFFFFA0];
	v31 =	vmul.f32 v35, v1;
	(xrf2) =	vadd.scan.msk.f32 $0xffff, v20  }
0x155: {  	v18 =	vadd.f32 v21, v22;
	v17 =	vld [tilespmem:s0+$0xFFFFFFB0];
	v20 =	vadd.f32 v27, v28;
	v21 =	vmul.f32 v32, v3;
	s11 =	smov.u32 @p1 s16;
	s3 =	smov.u32 @p1 s14  }
0x156: {  	v14 =	vadd.f32 v24, v14;
	v22 =	vld [tilespmem:s0+$0xFFFFFFC0];
	v24 =	vadd.f32 v31, v29;
	v23 =	vmul.f32 v23, v2  }
0x157: {  	v12 =	vadd.f32 v13, v12;
	v27 =	vld [tilespmem:s0+$0xFFFFFFD0];
	v18 =	vadd.f32 v20, v18;
	v20 =	vmul.f32 v25, v1  }
0x158: {  	v13 =	vadd.f32 v16, v15;
	v25 =	vld [tilespmem:s0+$0xFFFFFF10];
	v14 =	vadd.f32 v24, v14  }
0x159: {  	v11 =	vadd.f32 v21, v11;
	v16 =	vld [tilespmem:s0+$0xFFFFFF20];
	v20 =	vadd.f32 v20, v23;
	(xrf2) =	vadd.scan.msk.f32 $0xffff, v18  }
0x15a: {  	v18 =	vld [tilespmem:s0+$0xFFFFFF30];
	v13 =	vadd.f32 v14, v13  }
0x15b: {  	v19 =	vadd.f32 v12, v19;
	v14 =	vld [tilespmem:s0+$0xFFFFFF40];
	v11 =	vadd.f32 v20, v11;
	v15, _, _ =	vpop (xrf2)  }
0x15c: {  	v23 =	vld [tilespmem:s0+$0xFFFFFF50];
	(xrf2) =	vadd.scan.msk.f32 $0xffff, v13  }
0x15d: {  	v24 =	vld [tilespmem:s0+$0xFFFFFE90];
	v11 =	vadd.f32 v11, v19  }
0x15e: {  	v28 =	vld [tilespmem:s0+$0xFFFFFEA0];
	v12, _, _ =	vpop (xrf2)  }
0x15f: {  	v21 =	vld [tilespmem:s0+$0xFFFFFEB0];
	(v2sf) =	vpush v12, $0xF;
	(xrf2) =	vadd.scan.msk.f32 $0xffff, v11  }
0x160: {  	v29 =	vld [tilespmem:s0+$0xFFFFFE10]  }
0x161: {  	v32 =	vld [tilespmem:s0+$0xFFFFFE20];
	(v2sf) =	vpush v15, $0xF  }
0x162: {  	v33 =	vld [tilespmem:s0+$0xFFFFFE30]  }
0x163: {  	v35 =	vld [tilespmem:s0+$0xFFFFFE40];
	v11, _, _ =	vpop (xrf2)  }
0x164: {  	v36 =	vld [tilespmem:s0+$0xFFFFFE50];
	(v2sf) =	vpush v11, $0xF  }
0x165: {  	v19 =	vmul.f32 v26, v8;
	v37 =	vld [tilespmem:s0+$0xFFFFFE60]  }
0x166: {  	v20 =	vmul.f32 v30, v7;
	v12 =	vmul.f32 v17, v5;
	v38 =	vld [tilespmem:s0+$0xFFFFFE70];
	v15, _, _ =	vpop (xrf2)  }
0x167: {  	v13 =	vmul.f32 v22, v6;
	v11 =	vmul.f32 v27, v4;
	v39 =	vld [tilespmem:s0+$0xFFFFFE80];
	(v2sf) =	vpush v15, $0xF  }
0x168: {  	v16 =	vmul.f32 v16, v7;
	v15 =	vmul.f32 v25, v8;
	v40 =	vld [tilespmem:s0+$0xFFFFFD90]  }
0x169: {  	v17 =	vmul.f32 v18, v5;
	v18 =	vmul.f32 v14, v6;
	v25 =	vld [tilespmem:s0+$0xFFFFFDA0];
	v27, _, _ =	vpop (xrf2)  }
0x16a: {  	v14 =	vmul.f32 v23, v4;
	v22 =	vmul.f32 v24, v8;
	v26 =	vld [tilespmem:s0+$0xFFFFFDB0];
	(v2sf) =	vpush v27, $0xF  }
.Ltmp4:
0x16b: {  	v23 =	vmul.f32 v28, v7;
	v24 =	vmul.f32 v29, v8;
	v27 =	vld [tilespmem:s0+$0xFFFFFDC0];
	(pc) =	sbr.rel @p0 .LBB2_7-.Ltmp4, $4  }
0x16c: {  	v28 =	vmul.f32 v32, v7;
	v29 =	vmul.f32 v33, v5;
	v31 =	vld [tilespmem:s0+$0xFFFFFDD0]  }
0x16d: {  	v32 =	vmul.f32 v35, v6;
	v30 =	vmul.f32 v36, v4;
	v34 =	vld [tilespmem:s0+$0xFFFFFDE0]  }
0x16e: {  	v36 =	vmul.f32 v37, v3;
	v37 =	vmul.f32 v38, v2;
	v35 =	vld [tilespmem:s0+$0xFFFFFDF0];
	s14 =	spop (v2sf)  }
0x16f: {  	s13 =	sadd.s32 $0x5, s13;
	v39 =	vmul.f32 v39, v1;
	v33 =	vmul.f32 v40, v8;
	v38 =	vld [tilespmem:s0+$0xFFFFFE00];
	p1 =	sgt.f32 s14, s11  }
0x170: {  	v7 =	vmul.f32 v25, v7;
	v8 =	vmul.f32 v26, v5;
	v25 =	vld [tilespmem:s0+$0xFFFFFEC0];
	v24 =	vadd.f32 v28, v24  }
0x171: {  	v26 =	vmul.f32 v27, v6;
	v28 =	vadd.f32 v32, v29;
	v29 =	vld [tilespmem:s0+$0xFFFFFEE0];
	v30 =	vadd.f32 v36, v30  }
0x172: {  	v22 =	vadd.f32 v23, v22;
	v15 =	vadd.f32 v16, v15;
	v27 =	vmul.f32 v31, v4;
	v31 =	vld [tilespmem:s0+$0xFFFFFED0]  }
0x173: {  	v63 =	vadd.f32 v39, v37;
	v34 =	vmul.f32 v34, v3;
	v8 =	vadd.f32 v26, v8;
	v26 =	vld [tilespmem:s0+$0xFFFFFF00]  }
0x174: {  	v40 =	vld [tilespmem:s0+$0xFFFFFEF0];
	v7 =	vadd.f32 v7, v33;
	v62 =	vmul.f32 v35, v2;
	v41 =	vmul.f32 v38, v1  }
0x175: {  	v5 =	vmul.f32 v21, v5;
	v21 =	vld [tilespmem:s0+$0xFFFFFF70];
	v24 =	vadd.f32 v28, v24;
	v30 =	vadd.f32 v63, v30  }
0x176: {  	v28 =	vld [tilespmem:s0+$0xFFFFFF60];
	v27 =	vadd.f32 v34, v27;
	v32 =	vadd.f32 v41, v62  }
0x177: {  	v7 =	vadd.f32 v8, v7;
	v6 =	vmul.f32 v25, v6;
	v25 =	vld [tilespmem:s0+$0xFFFFFF80];
	v24 =	vadd.f32 v30, v24  }
0x178: {  	v4 =	vmul.f32 v31, v4;
	v26 =	vmul.f32 v26, v1;
	v8 =	vadd.f32 v32, v27  }
0x179: {  	v23 =	vld [tilespmem:s0+$0xFFFFFFF0];
	v5 =	vadd.f32 v6, v5;
	v27 =	vmul.f32 v29, v3;
	v29 =	vmul.f32 v40, v2  }
0x17a: {  	v30 =	vld [tilespmem:s0+$0xFFFFFFE0];
	v7 =	vadd.f32 v8, v7;
	v8 =	vadd.f32 v20, v19  }
0x17b: {  	v21 =	vmul.f32 v21, v2;
	(xrf2) =	vadd.scan.msk.f32 $0xffff, v24;
	v19 =	vld [tilespmem:s0+$0x0];
	v4 =	vadd.f32 v27, v4;
	v20 =	vadd.f32 v26, v29  }
0x17c: {  	v16 =	vadd.f32 v18, v17;
	v6 =	vmul.f32 v28, v3;
	(xrf2) =	vadd.scan.msk.f32 $0xffff, v7;
	v7 =	vmul.f32 v25, v1  }
0x17d: {  	v5 =	vadd.f32 v5, v22;
	v4 =	vadd.f32 v20, v4  }
0x17e: {  	v2 =	vmul.f32 v23, v2;
	v6 =	vadd.f32 v6, v14;
	v7 =	vadd.f32 v7, v21  }
0x17f: {  	v3 =	vmul.f32 v30, v3;
	v4 =	vadd.f32 v4, v5;
	v5 =	vadd.f32 v13, v12  }
0x180: {  	v12 =	vadd.f32 v16, v15;
	v1 =	vmul.f32 v19, v1;
	v6 =	vadd.f32 v7, v6  }
0x181: {  	v3 =	vadd.f32 v3, v11  }
0x182: {  	(xrf2) =	vadd.scan.msk.f32 $0xffff, v4;
	v1 =	vadd.f32 v1, v2;
	v2 =	vadd.f32 v6, v12;
	_ =	sdelay $0x1  }
0x183: {  	v4 =	vadd.f32 v5, v8;
	v1 =	vadd.f32 v1, v3  }
0x184: {  	v3, _, _ =	vpop (xrf2);
	(xrf2) =	vadd.scan.msk.f32 $0xffff, v2  }
0x185: {  	v1 =	vadd.f32 v1, v4;
	v2, _, _ =	vpop (xrf2)  }
0x186: {  	(v2sf) =	vpush v2, $0xF  }
0x187: {  	(xrf2) =	vadd.scan.msk.f32 $0xffff, v1;
	_ =	sdelay $0x1  }
0x188: {  	s11 =	smov.u32 @p1 s14;
	s0 =	spop (v2sf);
	(v2sf) =	vpush v3, $0xF  }
0x189: {  	p0 =	sgt.f32 s0, s11  }
0x18a: {  	v1, _, _ =	vpop (xrf2)  }
0x18b: {  	s13 =	spop (v2sf);
	s11 =	smov.u32 @p0 s0;
	(v2sf) =	vpush v1, $0xF  }
0x18c: {  	p2 =	sgt.f32 s13, s11  }
0x18d: {  	v1, _, _ =	vpop (xrf2)  }
0x18e: {  	s0 =	spop (v2sf);
	s11 =	smov.u32 @p2 s13;
	(v2sf) =	vpush v1, $0xF  }
0x18f: {  	p3 =	sgt.f32 s0, s11  }
0x190: {  	v1, _, _ =	vpop (xrf2)  }
0x191: {  	s13 =	spop (v2sf);
	s11 =	smov.u32 @p3 s0;
	(v2sf) =	vpush v1, $0xF  }
0x192: {  	p4 =	sgt.f32 s13, s11;
	_ =	sdelay $0x1  }
0x193: {  	s11 =	smov.u32 @p4 s13;
	s0 =	spop (v2sf)  }
0x194: {  	p5 =	sgt.f32 s0, s11  }
0x195: {  	s3 =	smov.u32 @p1 s12  }
0x196: {  	s13 =	sadd.s32 $0x1, s12;
	s14 =	spop (v2sf);
	s11 =	smov.u32 @p5 s0  }
0x197: {  	s3 =	smov.u32 @p0 s13;
	p0 =	sgt.f32 s14, s11;
	_ =	sdelay $0x1  }
0x198: {  	s0 =	sadd.s32 $0x2, s12;
	s13 =	spop (v2sf);
	s11 =	smov.u32 @p0 s14  }
0x199: {  	s3 =	smov.u32 @p2 s0;
	s0 =	sadd.s32 $0x3, s12;
	p1 =	sgt.f32 s13, s11  }
0x19a: {  	s3 =	smov.u32 @p3 s0;
	s0 =	sadd.s32 $0x4, s12  }
0x19b: {  	s3 =	smov.u32 @p4 s0;
	s0 =	spop (v2sf);
	s11 =	smov.u32 @p1 s13  }
0x19c: {  	s12 =	sadd.s32 $0x1, s1;
	s3 =	smov.u32 @p5 s1;
	p2 =	sgt.f32 s0, s11  }
0x19d: {  	s3 =	smov.u32 @p0 s12  }
0x19e: {  	s12 =	sadd.s32 $0x2, s1;
	s16 =	spop (v2sf);
	s11 =	smov.u32 @p2 s0  }
0x19f: {  	s3 =	smov.u32 @p1 s12;
	s0 =	sadd.s32 $0x3, s1;
	p0 =	sgt.f32 s16, s11  }
0x1a0: {  	s3 =	smov.u32 @p2 s0;
	s0 =	sadd.s32 $0x4, s1  }
0x1a1: {  	s3 =	smov.u32 @p0 s0  }
0x1a2: {  	v1 =	vmov s3  }
0x1a3: {  	v1 =	vadd.s32 $0x32, v1  }
0x1a4: {  	v1 =	vbroadcast v1, $0x0;
	_ =	sdelay $0x1  }
0x1a5: {  	v2 =	vand.u32 $0xFFFFFFF8, v1  }
0x1a6: {  	v1 =	vand.u32 $0x7, v1;
	v2 =	vadd.s32 v9, v2  }
0x1a7: {  	v1 =	vor.u32 v1, v2;
	_ =	sdelay $0x2  }
0x1a8: {  	v2 =	vadd.s32 $0x1, v10  }
0x1a9: {  	v2 =	vbroadcast v2, $0x0  }
0x1aa: {  	v1 =	vld.idx.msk [tilespmem:v1+s4+$0x0], $0xffff  }
0x1ab: {  	p0 =	seq.s32 s29, $0x1F  }
0x1ac: {  	s0 =	smul.u32 @!p0 $0x680, s29;
	_ =	sdelay $0x1  }
0x1ad: {  	s3 =	sshra.s32 @!p0 s0, $0x2  }
0x1ae: {  	s1 =	simm.s32 @!p0 $0x64;
	s11 =	simm.s32 @!p0 $0x4420;
	s0 =	sadd.s32 @!p0 $0x1A0, s3;
	[tilespmem:v2+s23+$0x0] =	vst.idx.msk $0x1, v1  }
0x1af: {  	[tilespmem:s11], [sflag:$0x2] =	stream.indirect.gather @!p0 [hbm4b:s2+s1], $0x80, s0, s1, $0xb8;
	[tilespmem:$0x10D20] =	vst v63  }
0x1b0: {  	_ =	swait.ge [sflag:s24], $0x3200  }
0x1b1: {  	[sflag:s24] =	ssyncset.done $0x0  }
0x1b2: {  	[sflag:s24] =	ssyncadd.s32 $0xFFFFCE00  }
0x1b3: {  	v9 =	vld [tilespmem:s30+$0x3420]  }
0x1b4: {  	v8 =	vld [tilespmem:s30+$0x3430]  }
0x1b5: {  	v6 =	vld [tilespmem:s30+$0x3440]  }
0x1b6: {  	v7 =	vld [tilespmem:s30+$0x3450]  }
0x1b7: {  	v5 =	vld [tilespmem:s30+$0x3460]  }
0x1b8: {  	v4 =	vld [tilespmem:s30+$0x3470]  }
0x1b9: {  	v3 =	vld [tilespmem:s30+$0x3480]  }
0x1ba: {  	s19 =	simm.s32 $0x7890;
	v2 =	vld [tilespmem:s30+$0x3490]  }
0x1bb: {  	v1 =	vld [tilespmem:s19+$0xFFFFFF90]  }
0x1bc: {  	v10 =	vld [tilespmem:s19+$0xFFFFFFA0]  }
0x1bd: {  	v11 =	vld [tilespmem:s19+$0xFFFFFFB0]  }
0x1be: {  	v12 =	vld [tilespmem:s19+$0xFFFFFFC0]  }
0x1bf: {  	v14 =	vld [tilespmem:s19+$0xFFFFFF10]  }
0x1c0: {  	v15 =	vld [tilespmem:s19+$0xFFFFFF20]  }
0x1c1: {  	v16 =	vld [tilespmem:s19+$0xFFFFFF30]  }
0x1c2: {  	v17 =	vld [tilespmem:s19+$0xFFFFFF40]  }
0x1c3: {  	v22 =	vld [tilespmem:s19+$0xFFFFFE10]  }
0x1c4: {  	v23 =	vld [tilespmem:s19+$0xFFFFFE20]  }
0x1c5: {  	v24 =	vld [tilespmem:s19+$0xFFFFFE30]  }
0x1c6: {  	v25 =	vld [tilespmem:s19+$0xFFFFFE40]  }
0x1c7: {  	v26 =	vld [tilespmem:s19+$0xFFFFFE50]  }
0x1c8: {  	v27 =	vld [tilespmem:s19+$0xFFFFFE60]  }
0x1c9: {  	v28 =	vld [tilespmem:s19+$0xFFFFFE70]  }
0x1ca: {  	v29 =	vld [tilespmem:s19+$0xFFFFFE80]  }
0x1cb: {  	v30 =	vld [tilespmem:s19+$0xFFFFFD90]  }
0x1cc: {  	v31 =	vld [tilespmem:s19+$0xFFFFFDA0]  }
0x1cd: {  	v42 =	vld [tilespmem:s19+$0xFFFFFDB0]  }
0x1ce: {  	v43 =	vld [tilespmem:s19+$0xFFFFFDC0];
	v1 =	vmul.f32 v1, v9  }
0x1cf: {  	v44 =	vld [tilespmem:s19+$0xFFFFFDD0];
	v22 =	vmul.f32 v22, v9;
	v23 =	vmul.f32 v23, v8  }
0x1d0: {  	v45 =	vld [tilespmem:s19+$0xFFFFFDE0];
	v24 =	vmul.f32 v24, v6;
	v25 =	vmul.f32 v25, v7  }
0x1d1: {  	v18 =	vld [tilespmem:s19+$0xFFFFFF50];
	v26 =	vmul.f32 v26, v5;
	v27 =	vmul.f32 v27, v4  }
0x1d2: {  	v46 =	vld [tilespmem:s19+$0xFFFFFDF0];
	v28 =	vmul.f32 v28, v3;
	v30 =	vmul.f32 v30, v9  }
0x1d3: {  	v47 =	vld [tilespmem:s19+$0xFFFFFE00];
	v29 =	vmul.f32 v29, v2;
	v31 =	vmul.f32 v31, v8  }
0x1d4: {  	v19 =	vld [tilespmem:s19+$0xFFFFFE90];
	v32 =	vmul.f32 v42, v6;
	v33 =	vmul.f32 v43, v7  }
0x1d5: {  	v20 =	vld [tilespmem:s19+$0xFFFFFEA0];
	v34 =	vmul.f32 v44, v5;
	v35 =	vmul.f32 v45, v4  }
0x1d6: {  	v21 =	vld [tilespmem:s19+$0xFFFFFEB0];
	v10 =	vmul.f32 v10, v8;
	v11 =	vmul.f32 v11, v6  }
0x1d7: {  	v48 =	vld [tilespmem:s19+$0xFFFFFEC0];
	v22 =	vadd.f32 v23, v22;
	v24 =	vadd.f32 v25, v24;
	v25 =	vmul.f32 v46, v3  }
0x1d8: {  	v49 =	vld [tilespmem:s19+$0xFFFFFED0];
	v26 =	vadd.f32 v27, v26;
	v27 =	vadd.f32 v29, v28;
	v28 =	vmul.f32 v47, v2  }
0x1d9: {  	v50 =	vld [tilespmem:s19+$0xFFFFFEF0];
	v14 =	vmul.f32 v14, v9;
	v30 =	vadd.f32 v31, v30;
	v31 =	vadd.f32 v33, v32  }
0x1da: {  	v15 =	vmul.f32 v15, v8;
	v23 =	vld [tilespmem:s19+$0xFFFFFEE0];
	v52 =	vadd.f32 v35, v34;
	v25 =	vadd.f32 v28, v25  }
0x1db: {  	v16 =	vmul.f32 v16, v6;
	v29 =	vld [tilespmem:s19+$0xFFFFFF00];
	v22 =	vadd.f32 v24, v22;
	v24 =	vadd.f32 v27, v26  }
0x1dc: {  	v51 =	vld [tilespmem:s19+$0xFFFFFF60];
	v17 =	vmul.f32 v17, v7;
	v27 =	vadd.f32 v31, v30;
	v25 =	vadd.f32 v25, v52  }
0x1dd: {  	v19 =	vmul.f32 v19, v9;
	v20 =	vmul.f32 v20, v8;
	v28 =	vld [tilespmem:s19+$0xFFFFFF70];
	v22 =	vadd.f32 v24, v22  }
0x1de: {  	v21 =	vmul.f32 v21, v6;
	v55 =	vmul.f32 v50, v3;
	v26 =	vld [tilespmem:s19+$0xFFFFFF80];
	v25 =	vadd.f32 v25, v27  }
0x1df: {  	v13 =	vld [tilespmem:s19+$0xFFFFFFD0];
	v19 =	vadd.f32 v20, v19;
	v31 =	vmul.f32 v48, v7;
	v23 =	vmul.f32 v23, v4;
	(xrf2) =	vadd.scan.msk.f32 $0xffff, v22  }
0x1e0: {  	v1 =	vadd.f32 v10, v1;
	v24 =	vld [tilespmem:s19+$0xFFFFFFF0];
	v29 =	vmul.f32 v29, v2;
	(xrf2) =	vadd.scan.msk.f32 $0xffff, v25;
	v25 =	vmul.f32 v49, v5  }
0x1e1: {  	v18 =	vmul.f32 v18, v5;
	v14 =	vadd.f32 v15, v14;
	v10 =	vadd.f32 v31, v21;
	v27 =	vld [tilespmem:s19+$0x0]  }
0x1e2: {  	s0 =	simm.s32 $0x7B10;
	v30 =	vld [tilespmem:s19+$0xFFFFFFE0];
	v21 =	vmul.f32 v51, v4;
	v23 =	vadd.f32 v23, v25;
	v25 =	vadd.f32 v29, v55  }
0x1e3: {  	v53 =	vld [tilespmem:s0+$0xFFFFFFA0];
	v15 =	vadd.f32 v17, v16;
	v28 =	vmul.f32 v28, v3;
	v26 =	vmul.f32 v26, v2  }
0x1e4: {  	v54 =	vld [tilespmem:s0+$0xFFFFFFB0];
	v12 =	vmul.f32 v12, v7;
	v10 =	vadd.f32 v10, v19;
	v17 =	vadd.f32 v25, v23  }
0x1e5: {  	v56 =	vld [tilespmem:s0+$0xFFFFFEA0];
	v13 =	vmul.f32 v13, v5;
	v18 =	vadd.f32 v21, v18;
	v21 =	vadd.f32 v26, v28  }
0x1e6: {  	v57 =	vld [tilespmem:s0+$0xFFFFFE20];
	v23 =	vmul.f32 v24, v3;
	v10 =	vadd.f32 v17, v10;
	v17 =	vmul.f32 v27, v2  }
0x1e7: {  	v58 =	vld [tilespmem:s0+$0xFFFFFE30];
	v11 =	vadd.f32 v12, v11;
	v12 =	vadd.f32 v15, v14;
	v19 =	vmul.f32 v30, v4  }
0x1e8: {  	v59 =	vld [tilespmem:s0+$0xFFFFFE40];
	v14 =	vadd.f32 v17, v23;
	v17 =	vadd.f32 v21, v18  }
0x1e9: {  	v60 =	vld [tilespmem:s0+$0xFFFFFE50];
	v13 =	vadd.f32 v19, v13;
	v28, _, _ =	vpop (xrf2);
	(xrf2) =	vadd.scan.msk.f32 $0xffff, v10  }
0x1ea: {  	v61 =	vld [tilespmem:s0+$0xFFFFFE60];
	v1 =	vadd.f32 v11, v1;
	v15, _, _ =	vpop (xrf2);
	v12 =	vadd.f32 v17, v12  }
0x1eb: {  	v40 =	vld [tilespmem:s0+$0xFFFFFE70];
	v11 =	vadd.f32 v14, v13;
	(v2sf) =	vpush v15, $0xF  }
0x1ec: {  	v41 =	vld [tilespmem:s0+$0xFFFFFE80];
	(xrf2) =	vadd.scan.msk.f32 $0xffff, v12  }
0x1ed: {  	v36 =	vld [tilespmem:s0+$0xFFFFFE00];
	v1 =	vadd.f32 v11, v1  }
0x1ee: {  	v20 =	vld [tilespmem:s0+$0xFFFFFFC0]  }
0x1ef: {  	v16 =	vld [tilespmem:s0+$0xFFFFFF20];
	(xrf2) =	vadd.scan.msk.f32 $0xffff, v1  }
0x1f0: {  	v31 =	vld [tilespmem:s0+$0xFFFFFFD0]  }
0x1f1: {  	v22 =	vld [tilespmem:s0+$0xFFFFFF90];
	(v2sf) =	vpush v28, $0xF  }
0x1f2: {  	v30 =	vld [tilespmem:s0+$0xFFFFFE90]  }
0x1f3: {  	v29 =	vld [tilespmem:s0+$0xFFFFFF10];
	v28, _, _ =	vpop (xrf2)  }
0x1f4: {  	v26 =	vld [tilespmem:s0+$0xFFFFFF40];
	(v2sf) =	vpush v28, $0xF  }
0x1f5: {  	v37 =	vmul.f32 v41, v2;
	v25 =	vld [tilespmem:s0+$0xFFFFFF30]  }
0x1f6: {  	v34 =	vmul.f32 v61, v4;
	v35 =	vmul.f32 v40, v3;
	v24 =	vld [tilespmem:s0+$0xFFFFFDB0];
	v62, _, _ =	vpop (xrf2)  }
0x1f7: {  	v27 =	vld [tilespmem:s0+$0xFFFFFF50];
	v18 =	vmul.f32 v53, v8;
	v10 =	vmul.f32 v54, v6;
	(v2sf) =	vpush v62, $0xF  }
0x1f8: {  	v21 =	vld [tilespmem:s0+$0xFFFFFE10];
	v17 =	vmul.f32 v22, v9;
	v13 =	vmul.f32 v29, v9  }
0x1f9: {  	v23 =	vld [tilespmem:s0+$0xFFFFFDA0];
	v14 =	vmul.f32 v16, v8;
	v16 =	vmul.f32 v26, v7;
	v63, _, _ =	vpop (xrf2)  }
0x1fa: {  	v26 =	vmul.f32 v57, v8;
	v1 =	vmul.f32 v31, v5;
	v31 =	vld [tilespmem:s0+$0xFFFFFD90];
	s15 =	spop (v2sf);
	(v2sf) =	vpush v63, $0xF  }
0x1fb: {  	v29 =	vld [tilespmem:s0+$0xFFFFFDD0];
	v15 =	vmul.f32 v25, v6;
	v11 =	vmul.f32 v20, v7  }
0x1fc: {  	v25 =	vld [tilespmem:s0+$0xFFFFFDC0];
	v20 =	vmul.f32 v30, v9;
	v12 =	vmul.f32 v27, v5  }
0x1fd: {  	v32 =	vld [tilespmem:s0+$0xFFFFFDE0];
	v27 =	vmul.f32 v58, v6;
	v30 =	vmul.f32 v59, v7  }
0x1fe: {  	s14 =	simm.s32 $0xA;
	s12 =	simm.s32 $0x5;
	s1 =	simm.f32 $-Inf;
	v33 =	vld [tilespmem:s0+$0xFFFFFDF0];
	v22 =	vmul.f32 v21, v9;
	v21 =	vmul.f32 v56, v8  }
0x1ff: {  	s13 =	simm.s32 $0x0;
	s11 =	simm.s32 $0x0;
	v19 =	vld [tilespmem:s0+$0xFFFFFEB0];
	v28 =	vmul.f32 v60, v5;
	v31 =	vmul.f32 v31, v9;
	p2 =	sgt.f32 s15, s1  }
.LBB2_9:
0x200: {  	p1 =	slt.u32 s14, $0x2D;
	v23 =	vmul.f32 v23, v8;
	v24 =	vmul.f32 v24, v6;
	v38 =	vld [tilespmem:s0+$0xFFFFFEC0];
	s16 =	spop (v2sf)  }
0x201: {  	v25 =	vmul.f32 v25, v7;
	v29 =	vmul.f32 v29, v5;
	v39 =	vld [tilespmem:s0+$0xFFFFFED0];
	s1 =	smov.u32 @p2 s15;
	s11 =	smov.u32 @p2 s13  }
0x202: {  	v22 =	vadd.f32 v26, v22;
	v26 =	vadd.f32 v30, v27;
	v32 =	vmul.f32 v32, v4;
	v27 =	vld [tilespmem:s0+$0xFFFFFEE0];
	p2 =	sgt.f32 s16, s1  }
0x203: {  	v28 =	vadd.f32 v34, v28;
	s15 =	sadd.s32 $0x1, s13;
	v30 =	vmul.f32 v33, v3;
	v33 =	vadd.f32 v37, v35;
	v34 =	vld [tilespmem:s0+$0xFFFFFEF0];
	s19 =	spop (v2sf)  }
0x204: {  	v23 =	vadd.f32 v23, v31;
	v24 =	vadd.f32 v25, v24;
	v35 =	vmul.f32 v36, v2;
	v25 =	vld [tilespmem:s0+$0xFFFFFF00];
	s1 =	smov.u32 @p2 s16;
	s11 =	smov.u32 @p2 s15  }
0x205: {  	v19 =	vmul.f32 v19, v6;
	v22 =	vadd.f32 v26, v22;
	v26 =	vadd.f32 v33, v28;
	v28 =	vld [tilespmem:s0+$0xFFFFFF60];
	p2 =	sgt.f32 s19, s1  }
0x206: {  	v29 =	vadd.f32 v32, v29;
	s15 =	sadd.s32 $0x2, s13;
	v31 =	vmul.f32 v38, v7;
	v30 =	vadd.f32 v35, v30;
	v32 =	vld [tilespmem:s0+$0xFFFFFF70];
	s16 =	spop (v2sf)  }
0x207: {  	v22 =	vadd.f32 v26, v22;
	v26 =	vmul.f32 v39, v5;
	v27 =	vmul.f32 v27, v4;
	v33 =	vld [tilespmem:s0+$0xFFFFFF80];
	s1 =	smov.u32 @p2 s19;
	s11 =	smov.u32 @p2 s15  }
0x208: {  	v23 =	vadd.f32 v24, v23;
	v24 =	vadd.f32 v30, v29;
	v29 =	vmul.f32 v34, v3;
	v30 =	vld [tilespmem:s0+$0xFFFFFFE0];
	p2 =	sgt.f32 s16, s1  }
0x209: {  	v20 =	vadd.f32 v21, v20;
	v17 =	vadd.f32 v18, v17;
	s15 =	sadd.s32 $0x3, s13;
	v25 =	vmul.f32 v25, v2;
	v21 =	vld [tilespmem:s0+$0xFFFFFFF0];
	(xrf2) =	vadd.scan.msk.f32 $0xffff, v22;
	s19 =	spop (v2sf)  }
0x20a: {  	v19 =	vadd.f32 v31, v19;
	v18 =	vadd.f32 v24, v23;
	v22 =	vmul.f32 v28, v4;
	v23 =	vld [tilespmem:s0+$0x0];
	s0 =	sadd.s32 $0x280, s0;
	s1 =	smov.u32 @p2 s16;
	s11 =	smov.u32 @p2 s15  }
0x20b: {  	v26 =	vadd.f32 v27, v26;
	v24 =	vld [tilespmem:s0+$0xFFFFFF90];
	v25 =	vadd.f32 v25, v29;
	v27 =	vmul.f32 v32, v3;
	p2 =	sgt.f32 s19, s1  }
0x20c: {  	v13 =	vadd.f32 v14, v13;
	v14 =	vadd.f32 v16, v15;
	s15 =	sadd.s32 $0x4, s13;
	s13 =	smov.u32 s12;
	s12 =	smov.u32 s14;
	v28 =	vld [tilespmem:s0+$0xFFFFFFA0];
	v29 =	vmul.f32 v33, v2;
	(xrf2) =	vadd.scan.msk.f32 $0xffff, v18  }
0x20d: {  	v16 =	vadd.f32 v19, v20;
	v15 =	vld [tilespmem:s0+$0xFFFFFFB0];
	v18 =	vadd.f32 v25, v26;
	v19 =	vmul.f32 v30, v4;
	s1 =	smov.u32 @p2 s19;
	s11 =	smov.u32 @p2 s15  }
0x20e: {  	v12 =	vadd.f32 v22, v12;
	v20 =	vld [tilespmem:s0+$0xFFFFFFC0];
	v22 =	vadd.f32 v29, v27;
	v21 =	vmul.f32 v21, v3  }
0x20f: {  	v10 =	vadd.f32 v11, v10;
	v25 =	vld [tilespmem:s0+$0xFFFFFFD0];
	v16 =	vadd.f32 v18, v16;
	v18 =	vmul.f32 v23, v2  }
0x210: {  	v11 =	vadd.f32 v14, v13;
	v23 =	vld [tilespmem:s0+$0xFFFFFF10];
	v12 =	vadd.f32 v22, v12  }
0x211: {  	v1 =	vadd.f32 v19, v1;
	v14 =	vld [tilespmem:s0+$0xFFFFFF20];
	v18 =	vadd.f32 v18, v21;
	(xrf2) =	vadd.scan.msk.f32 $0xffff, v16  }
0x212: {  	v16 =	vld [tilespmem:s0+$0xFFFFFF30];
	v11 =	vadd.f32 v12, v11  }
0x213: {  	v17 =	vadd.f32 v10, v17;
	v12 =	vld [tilespmem:s0+$0xFFFFFF40];
	v1 =	vadd.f32 v18, v1;
	v13, _, _ =	vpop (xrf2)  }
0x214: {  	v21 =	vld [tilespmem:s0+$0xFFFFFF50];
	(xrf2) =	vadd.scan.msk.f32 $0xffff, v11  }
0x215: {  	v22 =	vld [tilespmem:s0+$0xFFFFFE90];
	v1 =	vadd.f32 v1, v17  }
0x216: {  	v26 =	vld [tilespmem:s0+$0xFFFFFEA0];
	v10, _, _ =	vpop (xrf2)  }
0x217: {  	v19 =	vld [tilespmem:s0+$0xFFFFFEB0];
	(v2sf) =	vpush v10, $0xF;
	(xrf2) =	vadd.scan.msk.f32 $0xffff, v1  }
0x218: {  	v27 =	vld [tilespmem:s0+$0xFFFFFE10]  }
0x219: {  	v30 =	vld [tilespmem:s0+$0xFFFFFE20];
	(v2sf) =	vpush v13, $0xF  }
0x21a: {  	v31 =	vld [tilespmem:s0+$0xFFFFFE30]  }
0x21b: {  	v33 =	vld [tilespmem:s0+$0xFFFFFE40];
	v1, _, _ =	vpop (xrf2)  }
0x21c: {  	v34 =	vld [tilespmem:s0+$0xFFFFFE50];
	(v2sf) =	vpush v1, $0xF  }
0x21d: {  	v17 =	vmul.f32 v24, v9;
	v35 =	vld [tilespmem:s0+$0xFFFFFE60]  }
0x21e: {  	v18 =	vmul.f32 v28, v8;
	v10 =	vmul.f32 v15, v6;
	v36 =	vld [tilespmem:s0+$0xFFFFFE70];
	v13, _, _ =	vpop (xrf2)  }
0x21f: {  	v11 =	vmul.f32 v20, v7;
	v1 =	vmul.f32 v25, v5;
	v37 =	vld [tilespmem:s0+$0xFFFFFE80];
	(v2sf) =	vpush v13, $0xF  }
0x220: {  	v14 =	vmul.f32 v14, v8;
	v13 =	vmul.f32 v23, v9;
	v38 =	vld [tilespmem:s0+$0xFFFFFD90]  }
0x221: {  	v15 =	vmul.f32 v16, v6;
	v16 =	vmul.f32 v12, v7;
	v23 =	vld [tilespmem:s0+$0xFFFFFDA0];
	v25, _, _ =	vpop (xrf2)  }
0x222: {  	v12 =	vmul.f32 v21, v5;
	v20 =	vmul.f32 v22, v9;
	v24 =	vld [tilespmem:s0+$0xFFFFFDB0];
	(v2sf) =	vpush v25, $0xF  }
.Ltmp5:
0x223: {  	v21 =	vmul.f32 v26, v8;
	v22 =	vmul.f32 v27, v9;
	v25 =	vld [tilespmem:s0+$0xFFFFFDC0];
	(pc) =	sbr.rel @p1 .LBB2_9-.Ltmp5, $4  }
0x224: {  	v26 =	vmul.f32 v30, v8;
	v27 =	vmul.f32 v31, v6;
	v29 =	vld [tilespmem:s0+$0xFFFFFDD0]  }
0x225: {  	v30 =	vmul.f32 v33, v7;
	v28 =	vmul.f32 v34, v5;
	v32 =	vld [tilespmem:s0+$0xFFFFFDE0]  }
0x226: {  	v34 =	vmul.f32 v35, v4;
	v35 =	vmul.f32 v36, v3;
	v33 =	vld [tilespmem:s0+$0xFFFFFDF0];
	s15 =	spop (v2sf)  }
0x227: {  	s14 =	sadd.s32 $0x5, s14;
	v37 =	vmul.f32 v37, v2;
	v31 =	vmul.f32 v38, v9;
	v36 =	vld [tilespmem:s0+$0xFFFFFE00];
	p2 =	sgt.f32 s15, s1  }
0x228: {  	v23 =	vmul.f32 v23, v8;
	v24 =	vmul.f32 v24, v6;
	v22 =	vadd.f32 v26, v22  }
0x229: {  	v38 =	vld [tilespmem:s0+$0xFFFFFEC0];
	v25 =	vmul.f32 v25, v7;
	v26 =	vadd.f32 v30, v27;
	v28 =	vadd.f32 v34, v28  }
0x22a: {  	v39 =	vld [tilespmem:s0+$0xFFFFFED0];
	v20 =	vadd.f32 v21, v20;
	v17 =	vadd.f32 v18, v17;
	v29 =	vmul.f32 v29, v5  }
0x22b: {  	v27 =	vld [tilespmem:s0+$0xFFFFFEE0];
	v50 =	vadd.f32 v37, v35;
	v32 =	vmul.f32 v32, v4;
	v23 =	vadd.f32 v23, v31  }
0x22c: {  	v51 =	vld [tilespmem:s0+$0xFFFFFEF0];
	v24 =	vadd.f32 v25, v24;
	v30 =	vmul.f32 v33, v3;
	v52 =	vmul.f32 v36, v2  }
0x22d: {  	v25 =	vld [tilespmem:s0+$0xFFFFFF00];
	v22 =	vadd.f32 v26, v22;
	v28 =	vadd.f32 v50, v28  }
0x22e: {  	v53 =	vld [tilespmem:s0+$0xFFFFFF70];
	v29 =	vadd.f32 v32, v29;
	v30 =	vadd.f32 v52, v30  }
0x22f: {  	v19 =	vmul.f32 v19, v6;
	v13 =	vadd.f32 v14, v13;
	v26 =	vld [tilespmem:s0+$0xFFFFFF60];
	v23 =	vadd.f32 v24, v23  }
0x230: {  	v55 =	vld [tilespmem:s0+$0xFFFFFF80];
	v31 =	vmul.f32 v38, v7;
	v22 =	vadd.f32 v28, v22;
	v24 =	vadd.f32 v30, v29  }
0x231: {  	v21 =	vld [tilespmem:s0+$0xFFFFFFF0];
	v14 =	vadd.f32 v16, v15;
	v54 =	vmul.f32 v39, v5;
	v27 =	vmul.f32 v27, v4  }
0x232: {  	v28 =	vmul.f32 v51, v3;
	v25 =	vmul.f32 v25, v2;
	(xrf2) =	vadd.scan.msk.f32 $0xffff, v22;
	v22 =	vld [tilespmem:s0+$0x0];
	v23 =	vadd.f32 v24, v23  }
0x233: {  	v10 =	vadd.f32 v11, v10;
	v18 =	vadd.f32 v31, v19;
	v29 =	vld [tilespmem:s0+$0xFFFFFFE0]  }
0x234: {  	v19 =	vmul.f32 v26, v4;
	v25 =	vadd.f32 v25, v28;
	v24 =	vadd.f32 v27, v54;
	(xrf2) =	vadd.scan.msk.f32 $0xffff, v23  }
0x235: {  	v11 =	vadd.f32 v14, v13;
	v26 =	vmul.f32 v53, v3;
	v23 =	vmul.f32 v55, v2  }
0x236: {  	v15 =	vadd.f32 v18, v20;
	v16 =	vadd.f32 v25, v24  }
0x237: {  	v12 =	vadd.f32 v19, v12;
	v20 =	vmul.f32 v21, v3;
	v19 =	vadd.f32 v23, v26  }
0x238: {  	v18 =	vmul.f32 v29, v4;
	v15 =	vadd.f32 v16, v15;
	v16 =	vmul.f32 v22, v2  }
0x239: {  	v10 =	vadd.f32 v10, v17;
	v12 =	vadd.f32 v19, v12  }
0x23a: {  	v1 =	vadd.f32 v18, v1;
	v13 =	vadd.f32 v16, v20;
	(xrf2) =	vadd.scan.msk.f32 $0xffff, v15  }
0x23b: {  	v11 =	vadd.f32 v12, v11  }
0x23c: {  	v1 =	vadd.f32 v13, v1  }
0x23d: {  	v12, _, _ =	vpop (xrf2);
	(xrf2) =	vadd.scan.msk.f32 $0xffff, v11  }
0x23e: {  	v1 =	vadd.f32 v1, v10;
	v10, _, _ =	vpop (xrf2)  }
0x23f: {  	(v2sf) =	vpush v10, $0xF  }
0x240: {  	(xrf2) =	vadd.scan.msk.f32 $0xffff, v1;
	_ =	sdelay $0x1  }
0x241: {  	s1 =	smov.u32 @p2 s15;
	s0 =	spop (v2sf);
	(v2sf) =	vpush v12, $0xF  }
0x242: {  	p1 =	sgt.f32 s0, s1  }
0x243: {  	v1, _, _ =	vpop (xrf2)  }
0x244: {  	s14 =	spop (v2sf);
	s1 =	smov.u32 @p1 s0;
	(v2sf) =	vpush v1, $0xF  }
0x245: {  	p3 =	sgt.f32 s14, s1  }
0x246: {  	v1, _, _ =	vpop (xrf2)  }
0x247: {  	s0 =	spop (v2sf);
	s1 =	smov.u32 @p3 s14;
	(v2sf) =	vpush v1, $0xF  }
0x248: {  	p4 =	sgt.f32 s0, s1  }
0x249: {  	v1, _, _ =	vpop (xrf2)  }
0x24a: {  	s14 =	spop (v2sf);
	s1 =	smov.u32 @p4 s0;
	(v2sf) =	vpush v1, $0xF  }
0x24b: {  	p5 =	sgt.f32 s14, s1;
	_ =	sdelay $0x1  }
0x24c: {  	s1 =	smov.u32 @p5 s14;
	s0 =	spop (v2sf)  }
0x24d: {  	p6 =	sgt.f32 s0, s1  }
0x24e: {  	s11 =	smov.u32 @p2 s13  }
0x24f: {  	s14 =	sadd.s32 $0x1, s13;
	s15 =	spop (v2sf);
	s1 =	smov.u32 @p6 s0  }
0x250: {  	s11 =	smov.u32 @p1 s14;
	p1 =	sgt.f32 s15, s1;
	_ =	sdelay $0x1  }
0x251: {  	s0 =	sadd.s32 $0x2, s13;
	s14 =	spop (v2sf);
	s1 =	smov.u32 @p1 s15  }
0x252: {  	s11 =	smov.u32 @p3 s0;
	s0 =	sadd.s32 $0x3, s13;
	p2 =	sgt.f32 s14, s1  }
0x253: {  	s11 =	smov.u32 @p4 s0;
	s0 =	sadd.s32 $0x4, s13  }
0x254: {  	s11 =	smov.u32 @p5 s0;
	s0 =	spop (v2sf);
	s1 =	smov.u32 @p2 s14  }
0x255: {  	s13 =	sadd.s32 $0x1, s12;
	s11 =	smov.u32 @p6 s12;
	p3 =	sgt.f32 s0, s1  }
0x256: {  	s15 =	sor.u32 $0x1, s31;
	s11 =	smov.u32 @p1 s13  }
0x257: {  	s13 =	sadd.s32 $0x2, s12;
	s19 =	spop (v2sf);
	s1 =	smov.u32 @p3 s0  }
0x258: {  	v1 =	vmov s15;
	s11 =	smov.u32 @p2 s13;
	s13 =	sadd.s32 $0x3, s12;
	p1 =	sgt.f32 s19, s1  }
0x259: {  	v1 =	vmul.u32 $0x68, v1;
	s11 =	smov.u32 @p3 s13;
	s0 =	sadd.s32 $0x4, s12  }
0x25a: {  	s11 =	smov.u32 @p1 s0  }
0x25b: {  	v10 =	vbroadcast v1, $0x0;
	v11 =	vmov s11  }
0x25c: {  	v1 =	vand.u32 $0xFFFFFFF8, v11  }
0x25d: {  	s16 =	sshll.u32 s31, $0x1;
	v11 =	vand.u32 $0x7, v11;
	v1 =	vadd.s32 v10, v1  }
0x25e: {  	v11 =	vor.u32 v11, v1;
	v1 =	vmov s16  }
0x25f: {  	v1 =	vshrl.u32 v1, $0x3  }
0x260: {  	v1 =	vshll.u32 v1, v0  }
0x261: {  	v12 =	vadd.s32 $0x2, v1  }
0x262: {  	s0 =	simm.s32 $0x0;
	v12 =	vbroadcast v12, $0x0  }
0x263: {  	v11 =	vld.idx.msk [tilespmem:v11+s0+$0x0], $0xffff;
	_ =	sdelay $0x4  }
0x264: {  	s19 =	simm.s32 $0x8F20;
	[tilespmem:v12+s23+$0x0] =	vst.idx.msk $0x1, v11  }
0x265: {  	v11 =	vld [tilespmem:s19+$0x200]  }
0x266: {  	v12 =	vld [tilespmem:s19+$0x210]  }
0x267: {  	v13 =	vld [tilespmem:s19+$0x220]  }
0x268: {  	v14 =	vld [tilespmem:s19+$0x230]  }
0x269: {  	v16 =	vld [tilespmem:s19+$0x180]  }
0x26a: {  	v17 =	vld [tilespmem:s19+$0x190]  }
0x26b: {  	v18 =	vld [tilespmem:s19+$0x1A0]  }
0x26c: {  	v19 =	vld [tilespmem:s19+$0x1B0]  }
0x26d: {  	v24 =	vld [tilespmem:s19+$0x80]  }
0x26e: {  	v25 =	vld [tilespmem:s19+$0x90]  }
0x26f: {  	v26 =	vld [tilespmem:s19+$0xA0]  }
0x270: {  	v27 =	vld [tilespmem:s19+$0xB0]  }
0x271: {  	v28 =	vld [tilespmem:s19+$0xC0]  }
0x272: {  	v29 =	vld [tilespmem:s19+$0xD0]  }
0x273: {  	v30 =	vld [tilespmem:s19+$0xE0]  }
0x274: {  	v31 =	vld [tilespmem:s19+$0xF0]  }
0x275: {  	v56 =	vld [tilespmem:s19+$0x0]  }
0x276: {  	v57 =	vld [tilespmem:s19+$0x10]  }
0x277: {  	v58 =	vld [tilespmem:s19+$0x20]  }
0x278: {  	v59 =	vld [tilespmem:s19+$0x30];
	v11 =	vmul.f32 v11, v9  }
0x279: {  	v60 =	vld [tilespmem:s19+$0x40];
	v24 =	vmul.f32 v24, v9;
	v25 =	vmul.f32 v25, v8  }
0x27a: {  	v61 =	vld [tilespmem:s19+$0x50];
	v26 =	vmul.f32 v26, v6;
	v27 =	vmul.f32 v27, v7  }
0x27b: {  	v20 =	vld [tilespmem:s19+$0x1C0];
	v28 =	vmul.f32 v28, v5;
	v29 =	vmul.f32 v29, v4  }
0x27c: {  	v62 =	vld [tilespmem:s19+$0x60];
	v30 =	vmul.f32 v30, v3;
	v32 =	vmul.f32 v56, v9  }
0x27d: {  	v63 =	vld [tilespmem:s19+$0x70];
	v31 =	vmul.f32 v31, v2;
	v33 =	vmul.f32 v57, v8  }
0x27e: {  	v21 =	vld [tilespmem:s19+$0x100];
	v34 =	vmul.f32 v58, v6;
	v35 =	vmul.f32 v59, v7  }
0x27f: {  	v22 =	vld [tilespmem:s19+$0x110];
	v36 =	vmul.f32 v60, v5;
	v37 =	vmul.f32 v61, v4  }
0x280: {  	v23 =	vld [tilespmem:s19+$0x120];
	v12 =	vmul.f32 v12, v8;
	v13 =	vmul.f32 v13, v6  }
0x281: {  	v40 =	vld [tilespmem:s19+$0x130];
	v24 =	vadd.f32 v25, v24;
	v26 =	vadd.f32 v27, v26;
	v27 =	vmul.f32 v62, v3  }
0x282: {  	v41 =	vld [tilespmem:s19+$0x140];
	v28 =	vadd.f32 v29, v28;
	v29 =	vadd.f32 v31, v30;
	v30 =	vmul.f32 v63, v2  }
0x283: {  	v44 =	vld [tilespmem:s19+$0x160];
	v16 =	vmul.f32 v16, v9;
	v32 =	vadd.f32 v33, v32;
	v45 =	vadd.f32 v35, v34  }
0x284: {  	v17 =	vmul.f32 v17, v8;
	v25 =	vld [tilespmem:s19+$0x150];
	v47 =	vadd.f32 v37, v36;
	v27 =	vadd.f32 v30, v27  }
0x285: {  	v18 =	vmul.f32 v18, v6;
	v31 =	vld [tilespmem:s19+$0x170];
	v24 =	vadd.f32 v26, v24;
	v26 =	vadd.f32 v29, v28  }
0x286: {  	v46 =	vld [tilespmem:s19+$0x1D0];
	v19 =	vmul.f32 v19, v7;
	v29 =	vadd.f32 v45, v32;
	v27 =	vadd.f32 v27, v47  }
0x287: {  	v21 =	vmul.f32 v21, v9;
	v22 =	vmul.f32 v22, v8;
	v30 =	vld [tilespmem:s19+$0x1E0];
	v24 =	vadd.f32 v26, v24  }
0x288: {  	v23 =	vmul.f32 v23, v6;
	v49 =	vmul.f32 v40, v7;
	v28 =	vld [tilespmem:s19+$0x1F0];
	v27 =	vadd.f32 v27, v29  }
0x289: {  	v15 =	vld [tilespmem:s19+$0x240];
	v52 =	vmul.f32 v44, v3;
	v21 =	vadd.f32 v22, v21;
	v25 =	vmul.f32 v25, v4;
	(xrf2) =	vadd.scan.msk.f32 $0xffff, v24  }
0x28a: {  	v11 =	vadd.f32 v12, v11;
	v26 =	vld [tilespmem:s19+$0x260];
	v31 =	vmul.f32 v31, v2;
	(xrf2) =	vadd.scan.msk.f32 $0xffff, v27;
	v27 =	vmul.f32 v41, v5  }
0x28b: {  	v20 =	vmul.f32 v20, v5;
	v12 =	vadd.f32 v49, v23;
	v16 =	vadd.f32 v17, v16;
	v29 =	vld [tilespmem:s19+$0x270]  }
0x28c: {  	s1 =	simm.s32 $0x91A0;
	v48 =	vld [tilespmem:s19+$0x250];
	v23 =	vmul.f32 v46, v4;
	v25 =	vadd.f32 v25, v27;
	v27 =	vadd.f32 v31, v52  }
0x28d: {  	v50 =	vld [tilespmem:s1+$0x210];
	v17 =	vadd.f32 v19, v18;
	v30 =	vmul.f32 v30, v3;
	v28 =	vmul.f32 v28, v2  }
0x28e: {  	v51 =	vld [tilespmem:s1+$0x220];
	v14 =	vmul.f32 v14, v7;
	v12 =	vadd.f32 v12, v21;
	v19 =	vadd.f32 v27, v25  }
0x28f: {  	v53 =	vld [tilespmem:s1+$0x240];
	v15 =	vmul.f32 v15, v5;
	v20 =	vadd.f32 v23, v20;
	v23 =	vadd.f32 v28, v30  }
0x290: {  	v54 =	vld [tilespmem:s1+$0x100];
	v25 =	vmul.f32 v26, v3;
	v12 =	vadd.f32 v19, v12;
	v19 =	vmul.f32 v29, v2  }
0x291: {  	v55 =	vld [tilespmem:s1+$0x110];
	v13 =	vadd.f32 v14, v13;
	v21 =	vmul.f32 v48, v4;
	v14 =	vadd.f32 v17, v16  }
0x292: {  	v42 =	vld [tilespmem:s1+$0xE0];
	v16 =	vadd.f32 v19, v25;
	v19 =	vadd.f32 v23, v20  }
0x293: {  	v43 =	vld [tilespmem:s1+$0xF0];
	v15 =	vadd.f32 v21, v15;
	v30, _, _ =	vpop (xrf2);
	(xrf2) =	vadd.scan.msk.f32 $0xffff, v12  }
0x294: {  	v38 =	vld [tilespmem:s1+$0x70];
	v11 =	vadd.f32 v13, v11;
	v17, _, _ =	vpop (xrf2);
	v14 =	vadd.f32 v19, v14  }
0x295: {  	v56 =	vld [tilespmem:s1+$0x90];
	v13 =	vadd.f32 v16, v15;
	(v2sf) =	vpush v17, $0xF  }
0x296: {  	v57 =	vld [tilespmem:s1+$0xA0];
	(xrf2) =	vadd.scan.msk.f32 $0xffff, v14  }
0x297: {  	v58 =	vld [tilespmem:s1+$0xB0];
	v11 =	vadd.f32 v13, v11  }
0x298: {  	v59 =	vld [tilespmem:s1+$0xC0]  }
0x299: {  	v60 =	vld [tilespmem:s1+$0xD0];
	(xrf2) =	vadd.scan.msk.f32 $0xffff, v11  }
0x29a: {  	v61 =	vld [tilespmem:s1+$0x0]  }
0x29b: {  	v22 =	vld [tilespmem:s1+$0x230];
	(v2sf) =	vpush v30, $0xF  }
0x29c: {  	v18 =	vld [tilespmem:s1+$0x190]  }
0x29d: {  	v24 =	vld [tilespmem:s1+$0x200];
	v30, _, _ =	vpop (xrf2)  }
0x29e: {  	v31 =	vld [tilespmem:s1+$0x180];
	(v2sf) =	vpush v30, $0xF  }
0x29f: {  	v39 =	vmul.f32 v43, v2;
	v28 =	vld [tilespmem:s1+$0x1B0]  }
0x2a0: {  	v37 =	vmul.f32 v42, v3;
	v32 =	vmul.f32 v58, v7;
	v27 =	vld [tilespmem:s1+$0x1A0];
	v62, _, _ =	vpop (xrf2)  }
0x2a1: {  	v36 =	vmul.f32 v60, v4;
	v33 =	vmul.f32 v61, v9;
	v26 =	vld [tilespmem:s1+$0x20];
	(v2sf) =	vpush v62, $0xF  }
0x2a2: {  	v29 =	vld [tilespmem:s1+$0x1C0];
	v20 =	vmul.f32 v50, v8;
	v12 =	vmul.f32 v51, v6  }
0x2a3: {  	v23 =	vld [tilespmem:s1+$0x80];
	v19 =	vmul.f32 v24, v9;
	v15 =	vmul.f32 v31, v9;
	v63, _, _ =	vpop (xrf2)  }
0x2a4: {  	v25 =	vld [tilespmem:s1+$0x10];
	v16 =	vmul.f32 v18, v8;
	v18 =	vmul.f32 v28, v7;
	s15 =	spop (v2sf);
	(v2sf) =	vpush v63, $0xF  }
0x2a5: {  	v31 =	vld [tilespmem:s1+$0x40];
	v28 =	vmul.f32 v56, v8;
	v17 =	vmul.f32 v27, v6  }
0x2a6: {  	v27 =	vld [tilespmem:s1+$0x30];
	v13 =	vmul.f32 v22, v7;
	v22 =	vmul.f32 v54, v9  }
0x2a7: {  	v34 =	vld [tilespmem:s1+$0x50];
	v14 =	vmul.f32 v29, v5;
	v29 =	vmul.f32 v57, v6  }
0x2a8: {  	s14 =	simm.s32 $0xA;
	s12 =	simm.f32 $-Inf;
	v35 =	vld [tilespmem:s1+$0x60];
	v24 =	vmul.f32 v23, v9;
	v23 =	vmul.f32 v55, v8  }
0x2a9: {  	s13 =	simm.s32 $0x0;
	s11 =	simm.s32 $0x5;
	v21 =	vld [tilespmem:s1+$0x120];
	v11 =	vmul.f32 v53, v5;
	v30 =	vmul.f32 v59, v5;
	p2 =	sgt.f32 s15, s12  }
.LBB2_11:
0x2aa: {  	p1 =	slt.u32 s14, $0x2D;
	v25 =	vmul.f32 v25, v8;
	v26 =	vmul.f32 v26, v6;
	v40 =	vld [tilespmem:s1+$0x130];
	s16 =	spop (v2sf)  }
0x2ab: {  	v27 =	vmul.f32 v27, v7;
	v31 =	vmul.f32 v31, v5;
	v41 =	vld [tilespmem:s1+$0x140];
	s12 =	smov.u32 @p2 s15;
	s0 =	smov.u32 @p2 s13  }
0x2ac: {  	v24 =	vadd.f32 v28, v24;
	v28 =	vadd.f32 v32, v29;
	v34 =	vmul.f32 v34, v4;
	v29 =	vld [tilespmem:s1+$0x150];
	p2 =	sgt.f32 s16, s12  }
0x2ad: {  	v30 =	vadd.f32 v36, v30;
	s15 =	sadd.s32 $0x1, s13;
	v32 =	vmul.f32 v35, v3;
	v35 =	vadd.f32 v39, v37;
	v36 =	vld [tilespmem:s1+$0x160];
	s19 =	spop (v2sf)  }
0x2ae: {  	v25 =	vadd.f32 v25, v33;
	v26 =	vadd.f32 v27, v26;
	v37 =	vmul.f32 v38, v2;
	v27 =	vld [tilespmem:s1+$0x170];
	s12 =	smov.u32 @p2 s16;
	s0 =	smov.u32 @p2 s15  }
0x2af: {  	v21 =	vmul.f32 v21, v6;
	v24 =	vadd.f32 v28, v24;
	v28 =	vadd.f32 v35, v30;
	v30 =	vld [tilespmem:s1+$0x1D0];
	p2 =	sgt.f32 s19, s12  }
0x2b0: {  	v31 =	vadd.f32 v34, v31;
	s15 =	sadd.s32 $0x2, s13;
	v33 =	vmul.f32 v40, v7;
	v32 =	vadd.f32 v37, v32;
	v34 =	vld [tilespmem:s1+$0x1E0];
	s16 =	spop (v2sf)  }
0x2b1: {  	v24 =	vadd.f32 v28, v24;
	v28 =	vmul.f32 v41, v5;
	v29 =	vmul.f32 v29, v4;
	v35 =	vld [tilespmem:s1+$0x1F0];
	s12 =	smov.u32 @p2 s19;
	s0 =	smov.u32 @p2 s15  }
0x2b2: {  	v25 =	vadd.f32 v26, v25;
	v26 =	vadd.f32 v32, v31;
	v31 =	vmul.f32 v36, v3;
	v32 =	vld [tilespmem:s1+$0x250];
	p2 =	sgt.f32 s16, s12  }
0x2b3: {  	v22 =	vadd.f32 v23, v22;
	v19 =	vadd.f32 v20, v19;
	s15 =	sadd.s32 $0x3, s13;
	v27 =	vmul.f32 v27, v2;
	v23 =	vld [tilespmem:s1+$0x260];
	(xrf2) =	vadd.scan.msk.f32 $0xffff, v24;
	s19 =	spop (v2sf)  }
0x2b4: {  	v21 =	vadd.f32 v33, v21;
	v20 =	vadd.f32 v26, v25;
	v24 =	vmul.f32 v30, v4;
	v25 =	vld [tilespmem:s1+$0x270];
	s1 =	sadd.s32 $0x280, s1;
	s12 =	smov.u32 @p2 s16;
	s0 =	smov.u32 @p2 s15  }
0x2b5: {  	v28 =	vadd.f32 v29, v28;
	v26 =	vld [tilespmem:s1+$0x200];
	v27 =	vadd.f32 v27, v31;
	v29 =	vmul.f32 v34, v3;
	p2 =	sgt.f32 s19, s12  }
0x2b6: {  	v15 =	vadd.f32 v16, v15;
	v16 =	vadd.f32 v18, v17;
	s15 =	sadd.s32 $0x4, s13;
	s13 =	smov.u32 s11;
	s11 =	smov.u32 s14;
	v30 =	vld [tilespmem:s1+$0x210];
	v31 =	vmul.f32 v35, v2;
	(xrf2) =	vadd.scan.msk.f32 $0xffff, v20  }
0x2b7: {  	v18 =	vadd.f32 v21, v22;
	v17 =	vld [tilespmem:s1+$0x220];
	v20 =	vadd.f32 v27, v28;
	v21 =	vmul.f32 v32, v4;
	s12 =	smov.u32 @p2 s19;
	s0 =	smov.u32 @p2 s15  }
0x2b8: {  	v14 =	vadd.f32 v24, v14;
	v22 =	vld [tilespmem:s1+$0x230];
	v24 =	vadd.f32 v31, v29;
	v23 =	vmul.f32 v23, v3  }
0x2b9: {  	v12 =	vadd.f32 v13, v12;
	v27 =	vld [tilespmem:s1+$0x240];
	v18 =	vadd.f32 v20, v18;
	v20 =	vmul.f32 v25, v2  }
0x2ba: {  	v13 =	vadd.f32 v16, v15;
	v25 =	vld [tilespmem:s1+$0x180];
	v14 =	vadd.f32 v24, v14  }
0x2bb: {  	v11 =	vadd.f32 v21, v11;
	v16 =	vld [tilespmem:s1+$0x190];
	v20 =	vadd.f32 v20, v23;
	(xrf2) =	vadd.scan.msk.f32 $0xffff, v18  }
0x2bc: {  	v18 =	vld [tilespmem:s1+$0x1A0];
	v13 =	vadd.f32 v14, v13  }
0x2bd: {  	v19 =	vadd.f32 v12, v19;
	v14 =	vld [tilespmem:s1+$0x1B0];
	v11 =	vadd.f32 v20, v11;
	v15, _, _ =	vpop (xrf2)  }
0x2be: {  	v23 =	vld [tilespmem:s1+$0x1C0];
	(xrf2) =	vadd.scan.msk.f32 $0xffff, v13  }
0x2bf: {  	v24 =	vld [tilespmem:s1+$0x100];
	v11 =	vadd.f32 v11, v19  }
0x2c0: {  	v28 =	vld [tilespmem:s1+$0x110];
	v12, _, _ =	vpop (xrf2)  }
0x2c1: {  	v21 =	vld [tilespmem:s1+$0x120];
	(v2sf) =	vpush v12, $0xF;
	(xrf2) =	vadd.scan.msk.f32 $0xffff, v11  }
0x2c2: {  	v29 =	vld [tilespmem:s1+$0x80]  }
0x2c3: {  	v32 =	vld [tilespmem:s1+$0x90];
	(v2sf) =	vpush v15, $0xF  }
0x2c4: {  	v33 =	vld [tilespmem:s1+$0xA0]  }
0x2c5: {  	v35 =	vld [tilespmem:s1+$0xB0];
	v11, _, _ =	vpop (xrf2)  }
0x2c6: {  	v36 =	vld [tilespmem:s1+$0xC0];
	(v2sf) =	vpush v11, $0xF  }
0x2c7: {  	v19 =	vmul.f32 v26, v9;
	v37 =	vld [tilespmem:s1+$0xD0]  }
0x2c8: {  	v20 =	vmul.f32 v30, v8;
	v12 =	vmul.f32 v17, v6;
	v38 =	vld [tilespmem:s1+$0xE0];
	v15, _, _ =	vpop (xrf2)  }
0x2c9: {  	v13 =	vmul.f32 v22, v7;
	v11 =	vmul.f32 v27, v5;
	v39 =	vld [tilespmem:s1+$0xF0];
	(v2sf) =	vpush v15, $0xF  }
0x2ca: {  	v16 =	vmul.f32 v16, v8;
	v15 =	vmul.f32 v25, v9;
	v40 =	vld [tilespmem:s1+$0x0]  }
0x2cb: {  	v17 =	vmul.f32 v18, v6;
	v18 =	vmul.f32 v14, v7;
	v25 =	vld [tilespmem:s1+$0x10];
	v27, _, _ =	vpop (xrf2)  }
0x2cc: {  	v14 =	vmul.f32 v23, v5;
	v22 =	vmul.f32 v24, v9;
	v26 =	vld [tilespmem:s1+$0x20];
	(v2sf) =	vpush v27, $0xF  }
.Ltmp6:
0x2cd: {  	v23 =	vmul.f32 v28, v8;
	v24 =	vmul.f32 v29, v9;
	v27 =	vld [tilespmem:s1+$0x30];
	(pc) =	sbr.rel @p1 .LBB2_11-.Ltmp6, $4  }
0x2ce: {  	v28 =	vmul.f32 v32, v8;
	v29 =	vmul.f32 v33, v6;
	v31 =	vld [tilespmem:s1+$0x40]  }
0x2cf: {  	v32 =	vmul.f32 v35, v7;
	v30 =	vmul.f32 v36, v5;
	v34 =	vld [tilespmem:s1+$0x50]  }
0x2d0: {  	v36 =	vmul.f32 v37, v4;
	v37 =	vmul.f32 v38, v3;
	v35 =	vld [tilespmem:s1+$0x60];
	s15 =	spop (v2sf)  }
0x2d1: {  	s14 =	sadd.s32 $0x5, s14;
	v39 =	vmul.f32 v39, v2;
	v33 =	vmul.f32 v40, v9;
	v38 =	vld [tilespmem:s1+$0x70];
	p2 =	sgt.f32 s15, s12  }
0x2d2: {  	v8 =	vmul.f32 v25, v8;
	v9 =	vmul.f32 v26, v6;
	v25 =	vld [tilespmem:s1+$0x130];
	v24 =	vadd.f32 v28, v24  }
0x2d3: {  	v26 =	vmul.f32 v27, v7;
	v28 =	vadd.f32 v32, v29;
	v29 =	vld [tilespmem:s1+$0x150];
	v30 =	vadd.f32 v36, v30  }
0x2d4: {  	v22 =	vadd.f32 v23, v22;
	v15 =	vadd.f32 v16, v15;
	v27 =	vmul.f32 v31, v5;
	v31 =	vld [tilespmem:s1+$0x140]  }
0x2d5: {  	v55 =	vadd.f32 v39, v37;
	v34 =	vmul.f32 v34, v4;
	v9 =	vadd.f32 v26, v9;
	v26 =	vld [tilespmem:s1+$0x170]  }
0x2d6: {  	v56 =	vld [tilespmem:s1+$0x160];
	v8 =	vadd.f32 v8, v33;
	v54 =	vmul.f32 v35, v3;
	v57 =	vmul.f32 v38, v2  }
0x2d7: {  	v6 =	vmul.f32 v21, v6;
	v21 =	vld [tilespmem:s1+$0x1E0];
	v24 =	vadd.f32 v28, v24;
	v30 =	vadd.f32 v55, v30  }
0x2d8: {  	v28 =	vld [tilespmem:s1+$0x1D0];
	v27 =	vadd.f32 v34, v27;
	v32 =	vadd.f32 v57, v54  }
0x2d9: {  	v8 =	vadd.f32 v9, v8;
	v7 =	vmul.f32 v25, v7;
	v25 =	vld [tilespmem:s1+$0x1F0];
	v24 =	vadd.f32 v30, v24  }
0x2da: {  	v5 =	vmul.f32 v31, v5;
	v26 =	vmul.f32 v26, v2;
	v9 =	vadd.f32 v32, v27  }
0x2db: {  	v23 =	vld [tilespmem:s1+$0x260];
	v6 =	vadd.f32 v7, v6;
	v27 =	vmul.f32 v29, v4;
	v29 =	vmul.f32 v56, v3  }
0x2dc: {  	v30 =	vld [tilespmem:s1+$0x250];
	v8 =	vadd.f32 v9, v8;
	v9 =	vadd.f32 v20, v19  }
0x2dd: {  	v21 =	vmul.f32 v21, v3;
	(xrf2) =	vadd.scan.msk.f32 $0xffff, v24;
	v19 =	vld [tilespmem:s1+$0x270];
	v5 =	vadd.f32 v27, v5;
	v20 =	vadd.f32 v26, v29  }
0x2de: {  	v16 =	vadd.f32 v18, v17;
	v7 =	vmul.f32 v28, v4;
	(xrf2) =	vadd.scan.msk.f32 $0xffff, v8;
	v8 =	vmul.f32 v25, v2  }
0x2df: {  	v6 =	vadd.f32 v6, v22;
	v5 =	vadd.f32 v20, v5  }
0x2e0: {  	v3 =	vmul.f32 v23, v3;
	v7 =	vadd.f32 v7, v14;
	v8 =	vadd.f32 v8, v21  }
0x2e1: {  	v4 =	vmul.f32 v30, v4;
	v5 =	vadd.f32 v5, v6;
	v6 =	vadd.f32 v13, v12  }
0x2e2: {  	v12 =	vadd.f32 v16, v15;
	v2 =	vmul.f32 v19, v2;
	v7 =	vadd.f32 v8, v7  }
0x2e3: {  	v4 =	vadd.f32 v4, v11  }
0x2e4: {  	(xrf2) =	vadd.scan.msk.f32 $0xffff, v5;
	v2 =	vadd.f32 v2, v3;
	v3 =	vadd.f32 v7, v12;
	_ =	sdelay $0x1  }
0x2e5: {  	v5 =	vadd.f32 v6, v9;
	v2 =	vadd.f32 v2, v4  }
0x2e6: {  	v4, _, _ =	vpop (xrf2);
	(xrf2) =	vadd.scan.msk.f32 $0xffff, v3  }
0x2e7: {  	v2 =	vadd.f32 v2, v5;
	v3, _, _ =	vpop (xrf2)  }
0x2e8: {  	(v2sf) =	vpush v3, $0xF  }
0x2e9: {  	(xrf2) =	vadd.scan.msk.f32 $0xffff, v2;
	_ =	sdelay $0x1  }
0x2ea: {  	s12 =	smov.u32 @p2 s15;
	s1 =	spop (v2sf);
	(v2sf) =	vpush v4, $0xF  }
0x2eb: {  	p1 =	sgt.f32 s1, s12  }
0x2ec: {  	v2, _, _ =	vpop (xrf2)  }
0x2ed: {  	s14 =	spop (v2sf);
	s12 =	smov.u32 @p1 s1;
	(v2sf) =	vpush v2, $0xF  }
0x2ee: {  	p3 =	sgt.f32 s14, s12  }
0x2ef: {  	v2, _, _ =	vpop (xrf2)  }
0x2f0: {  	s1 =	spop (v2sf);
	s12 =	smov.u32 @p3 s14;
	(v2sf) =	vpush v2, $0xF  }
0x2f1: {  	p4 =	sgt.f32 s1, s12  }
0x2f2: {  	v2, _, _ =	vpop (xrf2)  }
0x2f3: {  	s14 =	spop (v2sf);
	s12 =	smov.u32 @p4 s1;
	(v2sf) =	vpush v2, $0xF  }
0x2f4: {  	p5 =	sgt.f32 s14, s12;
	_ =	sdelay $0x1  }
0x2f5: {  	s12 =	smov.u32 @p5 s14;
	s1 =	spop (v2sf)  }
0x2f6: {  	p6 =	sgt.f32 s1, s12  }
0x2f7: {  	s0 =	smov.u32 @p2 s13  }
0x2f8: {  	s14 =	sadd.s32 $0x1, s13;
	s15 =	spop (v2sf);
	s12 =	smov.u32 @p6 s1  }
0x2f9: {  	s0 =	smov.u32 @p1 s14;
	p1 =	sgt.f32 s15, s12;
	_ =	sdelay $0x1  }
0x2fa: {  	s1 =	sadd.s32 $0x2, s13;
	s14 =	spop (v2sf);
	s12 =	smov.u32 @p1 s15  }
0x2fb: {  	s0 =	smov.u32 @p3 s1;
	s1 =	sadd.s32 $0x3, s13;
	p2 =	sgt.f32 s14, s12  }
0x2fc: {  	s0 =	smov.u32 @p4 s1;
	s1 =	sadd.s32 $0x4, s13  }
0x2fd: {  	s0 =	smov.u32 @p5 s1;
	s1 =	spop (v2sf);
	s12 =	smov.u32 @p2 s14  }
0x2fe: {  	s13 =	sadd.s32 $0x1, s11;
	s0 =	smov.u32 @p6 s11;
	p3 =	sgt.f32 s1, s12  }
0x2ff: {  	s0 =	smov.u32 @p1 s13  }
0x300: {  	s13 =	sadd.s32 $0x2, s11;
	s16 =	spop (v2sf);
	s12 =	smov.u32 @p3 s1  }
0x301: {  	s0 =	smov.u32 @p2 s13;
	s1 =	sadd.s32 $0x3, s11;
	p1 =	sgt.f32 s16, s12  }
0x302: {  	s0 =	smov.u32 @p3 s1;
	s1 =	sadd.s32 $0x4, s11  }
0x303: {  	s0 =	smov.u32 @p1 s1  }
0x304: {  	v2 =	vmov s0  }
0x305: {  	v2 =	vadd.s32 $0x32, v2  }
0x306: {  	v2 =	vbroadcast v2, $0x0;
	_ =	sdelay $0x1  }
0x307: {  	v3 =	vand.u32 $0xFFFFFFF8, v2  }
0x308: {  	v2 =	vand.u32 $0x7, v2;
	v3 =	vadd.s32 v10, v3  }
0x309: {  	v2 =	vor.u32 v2, v3;
	_ =	sdelay $0x2  }
0x30a: {  	v3 =	vadd.s32 $0x3, v1  }
0x30b: {  	v3 =	vbroadcast v3, $0x0  }
0x30c: {  	v2 =	vld.idx.msk [tilespmem:v2+s4+$0x0], $0xffff;
	_ =	sdelay $0x4  }
0x30d: {  	s11 =	simm.s32 @!p0 $0x7620;
	s1 =	simm.s32 @!p0 $0x64;
	s0 =	sadd.s32 @!p0 $0x208, s3;
	[tilespmem:v3+s23+$0x0] =	vst.idx.msk $0x1, v2  }
0x30e: {  	[tilespmem:s11], [sflag:$0x3] =	stream.indirect.gather @!p0 [hbm4b:s2+s1], $0x80, s0, s1, $0xb8;
	[tilespmem:$0x10D20] =	vst v63  }
0x30f: {  	_ =	swait.ge [sflag:s25], $0x3200  }
0x310: {  	[sflag:s25] =	ssyncset.done $0x0  }
0x311: {  	[sflag:s25] =	ssyncadd.s32 $0xFFFFCE00  }
0x312: {  	v9 =	vld [tilespmem:s30+$0x3420]  }
0x313: {  	v8 =	vld [tilespmem:s30+$0x3430]  }
0x314: {  	v6 =	vld [tilespmem:s30+$0x3440]  }
0x315: {  	v7 =	vld [tilespmem:s30+$0x3450]  }
0x316: {  	v5 =	vld [tilespmem:s30+$0x3460]  }
0x317: {  	v4 =	vld [tilespmem:s30+$0x3470]  }
0x318: {  	v3 =	vld [tilespmem:s30+$0x3480]  }
0x319: {  	s19 =	simm.s32 $0xAA90;
	v2 =	vld [tilespmem:s30+$0x3490]  }
0x31a: {  	v10 =	vld [tilespmem:s19+$0xFFFFFF90]  }
0x31b: {  	v11 =	vld [tilespmem:s19+$0xFFFFFFA0]  }
0x31c: {  	v12 =	vld [tilespmem:s19+$0xFFFFFFB0]  }
0x31d: {  	v13 =	vld [tilespmem:s19+$0xFFFFFFC0]  }
0x31e: {  	v15 =	vld [tilespmem:s19+$0xFFFFFF10]  }
0x31f: {  	v16 =	vld [tilespmem:s19+$0xFFFFFF20]  }
0x320: {  	v17 =	vld [tilespmem:s19+$0xFFFFFF30]  }
0x321: {  	v18 =	vld [tilespmem:s19+$0xFFFFFF40]  }
0x322: {  	v23 =	vld [tilespmem:s19+$0xFFFFFE10]  }
0x323: {  	v24 =	vld [tilespmem:s19+$0xFFFFFE20]  }
0x324: {  	v25 =	vld [tilespmem:s19+$0xFFFFFE30]  }
0x325: {  	v26 =	vld [tilespmem:s19+$0xFFFFFE40]  }
0x326: {  	v27 =	vld [tilespmem:s19+$0xFFFFFE50]  }
0x327: {  	v28 =	vld [tilespmem:s19+$0xFFFFFE60]  }
0x328: {  	v29 =	vld [tilespmem:s19+$0xFFFFFE70]  }
0x329: {  	v30 =	vld [tilespmem:s19+$0xFFFFFE80]  }
0x32a: {  	v31 =	vld [tilespmem:s19+$0xFFFFFD90]  }
0x32b: {  	v58 =	vld [tilespmem:s19+$0xFFFFFDA0]  }
0x32c: {  	v59 =	vld [tilespmem:s19+$0xFFFFFDB0]  }
0x32d: {  	v60 =	vld [tilespmem:s19+$0xFFFFFDC0];
	v10 =	vmul.f32 v10, v9  }
0x32e: {  	v61 =	vld [tilespmem:s19+$0xFFFFFDD0];
	v23 =	vmul.f32 v23, v9;
	v24 =	vmul.f32 v24, v8  }
0x32f: {  	v62 =	vld [tilespmem:s19+$0xFFFFFDE0];
	v25 =	vmul.f32 v25, v6;
	v26 =	vmul.f32 v26, v7  }
0x330: {  	v19 =	vld [tilespmem:s19+$0xFFFFFF50];
	v27 =	vmul.f32 v27, v5;
	v28 =	vmul.f32 v28, v4  }
0x331: {  	v63 =	vld [tilespmem:s19+$0xFFFFFDF0];
	v29 =	vmul.f32 v29, v3;
	v31 =	vmul.f32 v31, v9  }
0x332: {  	v44 =	vld [tilespmem:s19+$0xFFFFFE00];
	v30 =	vmul.f32 v30, v2;
	v32 =	vmul.f32 v58, v8  }
0x333: {  	v20 =	vld [tilespmem:s19+$0xFFFFFE90];
	v33 =	vmul.f32 v59, v6;
	v34 =	vmul.f32 v60, v7  }
0x334: {  	v21 =	vld [tilespmem:s19+$0xFFFFFEA0];
	v35 =	vmul.f32 v61, v5;
	v36 =	vmul.f32 v62, v4  }
0x335: {  	v22 =	vld [tilespmem:s19+$0xFFFFFEB0];
	v11 =	vmul.f32 v11, v8;
	v12 =	vmul.f32 v12, v6  }
0x336: {  	v45 =	vld [tilespmem:s19+$0xFFFFFEC0];
	v23 =	vadd.f32 v24, v23;
	v25 =	vadd.f32 v26, v25;
	v26 =	vmul.f32 v63, v3  }
0x337: {  	v40 =	vld [tilespmem:s19+$0xFFFFFED0];
	v27 =	vadd.f32 v28, v27;
	v28 =	vadd.f32 v30, v29;
	v29 =	vmul.f32 v44, v2  }
0x338: {  	v46 =	vld [tilespmem:s19+$0xFFFFFEF0];
	v15 =	vmul.f32 v15, v9;
	v31 =	vadd.f32 v32, v31;
	v47 =	vadd.f32 v34, v33  }
0x339: {  	v16 =	vmul.f32 v16, v8;
	v24 =	vld [tilespmem:s19+$0xFFFFFEE0];
	v49 =	vadd.f32 v36, v35;
	v26 =	vadd.f32 v29, v26  }
0x33a: {  	v17 =	vmul.f32 v17, v6;
	v30 =	vld [tilespmem:s19+$0xFFFFFF00];
	v23 =	vadd.f32 v25, v23;
	v25 =	vadd.f32 v28, v27  }
0x33b: {  	v48 =	vld [tilespmem:s19+$0xFFFFFF60];
	v18 =	vmul.f32 v18, v7;
	v28 =	vadd.f32 v47, v31;
	v26 =	vadd.f32 v26, v49  }
0x33c: {  	v20 =	vmul.f32 v20, v9;
	v21 =	vmul.f32 v21, v8;
	v29 =	vld [tilespmem:s19+$0xFFFFFF70];
	v23 =	vadd.f32 v25, v23  }
0x33d: {  	v22 =	vmul.f32 v22, v6;
	v50 =	vmul.f32 v45, v7;
	v27 =	vld [tilespmem:s19+$0xFFFFFF80];
	v26 =	vadd.f32 v26, v28  }
0x33e: {  	v14 =	vld [tilespmem:s19+$0xFFFFFFD0];
	v53 =	vmul.f32 v46, v3;
	v20 =	vadd.f32 v21, v20;
	v24 =	vmul.f32 v24, v4;
	(xrf2) =	vadd.scan.msk.f32 $0xffff, v23  }
0x33f: {  	v10 =	vadd.f32 v11, v10;
	v25 =	vld [tilespmem:s19+$0xFFFFFFF0];
	v30 =	vmul.f32 v30, v2;
	(xrf2) =	vadd.scan.msk.f32 $0xffff, v26;
	v26 =	vmul.f32 v40, v5  }
0x340: {  	v19 =	vmul.f32 v19, v5;
	v11 =	vadd.f32 v50, v22;
	v15 =	vadd.f32 v16, v15;
	v28 =	vld [tilespmem:s19+$0x0]  }
0x341: {  	s0 =	simm.s32 $0xAD10;
	v22 =	vmul.f32 v48, v4;
	v31 =	vld [tilespmem:s19+$0xFFFFFFE0];
	v24 =	vadd.f32 v24, v26;
	v26 =	vadd.f32 v30, v53  }
0x342: {  	v51 =	vld [tilespmem:s0+$0xFFFFFFA0];
	v16 =	vadd.f32 v18, v17;
	v29 =	vmul.f32 v29, v3;
	v27 =	vmul.f32 v27, v2  }
0x343: {  	v52 =	vld [tilespmem:s0+$0xFFFFFFB0];
	v13 =	vmul.f32 v13, v7;
	v11 =	vadd.f32 v11, v20;
	v18 =	vadd.f32 v26, v24  }
0x344: {  	v54 =	vld [tilespmem:s0+$0xFFFFFFD0];
	v14 =	vmul.f32 v14, v5;
	v19 =	vadd.f32 v22, v19;
	v22 =	vadd.f32 v27, v29  }
0x345: {  	v55 =	vld [tilespmem:s0+$0xFFFFFEA0];
	v24 =	vmul.f32 v25, v3;
	v11 =	vadd.f32 v18, v11;
	v18 =	vmul.f32 v28, v2  }
0x346: {  	v56 =	vld [tilespmem:s0+$0xFFFFFE20];
	v12 =	vadd.f32 v13, v12;
	v13 =	vadd.f32 v16, v15;
	v20 =	vmul.f32 v31, v4  }
0x347: {  	v57 =	vld [tilespmem:s0+$0xFFFFFE30];
	v15 =	vadd.f32 v18, v24;
	v18 =	vadd.f32 v22, v19  }
0x348: {  	v41 =	vld [tilespmem:s0+$0xFFFFFE70];
	v14 =	vadd.f32 v20, v14;
	v29, _, _ =	vpop (xrf2);
	(xrf2) =	vadd.scan.msk.f32 $0xffff, v11  }
0x349: {  	v42 =	vld [tilespmem:s0+$0xFFFFFE80];
	v10 =	vadd.f32 v12, v10;
	v16, _, _ =	vpop (xrf2);
	v13 =	vadd.f32 v18, v13  }
0x34a: {  	v37 =	vld [tilespmem:s0+$0xFFFFFE00];
	v12 =	vadd.f32 v15, v14;
	(v2sf) =	vpush v16, $0xF  }
0x34b: {  	v58 =	vld [tilespmem:s0+$0xFFFFFE40];
	(xrf2) =	vadd.scan.msk.f32 $0xffff, v13  }
0x34c: {  	v59 =	vld [tilespmem:s0+$0xFFFFFE50];
	v10 =	vadd.f32 v12, v10  }
0x34d: {  	v60 =	vld [tilespmem:s0+$0xFFFFFE60]  }
0x34e: {  	v61 =	vld [tilespmem:s0+$0xFFFFFD90];
	(xrf2) =	vadd.scan.msk.f32 $0xffff, v10  }
0x34f: {  	v21 =	vld [tilespmem:s0+$0xFFFFFFC0]  }
0x350: {  	v17 =	vld [tilespmem:s0+$0xFFFFFF20];
	(v2sf) =	vpush v29, $0xF  }
0x351: {  	v23 =	vld [tilespmem:s0+$0xFFFFFF90]  }
0x352: {  	v31 =	vld [tilespmem:s0+$0xFFFFFE90];
	v29, _, _ =	vpop (xrf2)  }
0x353: {  	v30 =	vld [tilespmem:s0+$0xFFFFFF10];
	(v2sf) =	vpush v29, $0xF  }
0x354: {  	v38 =	vmul.f32 v42, v2;
	v27 =	vld [tilespmem:s0+$0xFFFFFF40]  }
0x355: {  	v36 =	vmul.f32 v41, v3;
	v35 =	vmul.f32 v60, v4;
	v26 =	vld [tilespmem:s0+$0xFFFFFF30];
	v62, _, _ =	vpop (xrf2)  }
0x356: {  	v32 =	vmul.f32 v61, v9;
	v28 =	vld [tilespmem:s0+$0xFFFFFF50];
	v19 =	vmul.f32 v51, v8;
	(v2sf) =	vpush v62, $0xF  }
0x357: {  	v25 =	vld [tilespmem:s0+$0xFFFFFDB0];
	v11 =	vmul.f32 v52, v6;
	v18 =	vmul.f32 v23, v9  }
0x358: {  	v22 =	vld [tilespmem:s0+$0xFFFFFE10];
	v14 =	vmul.f32 v30, v9;
	v15 =	vmul.f32 v17, v8;
	v63, _, _ =	vpop (xrf2)  }
0x359: {  	v24 =	vld [tilespmem:s0+$0xFFFFFDA0];
	v17 =	vmul.f32 v27, v7;
	v27 =	vmul.f32 v56, v8;
	s15 =	spop (v2sf);
	(v2sf) =	vpush v63, $0xF  }
0x35a: {  	v30 =	vld [tilespmem:s0+$0xFFFFFDD0];
	v16 =	vmul.f32 v26, v6;
	v12 =	vmul.f32 v21, v7  }
0x35b: {  	v26 =	vld [tilespmem:s0+$0xFFFFFDC0];
	v21 =	vmul.f32 v31, v9;
	v13 =	vmul.f32 v28, v5  }
0x35c: {  	v33 =	vld [tilespmem:s0+$0xFFFFFDE0];
	v28 =	vmul.f32 v57, v6;
	v31 =	vmul.f32 v58, v7  }
0x35d: {  	s14 =	simm.s32 $0xA;
	s13 =	simm.s32 $0x0;
	s1 =	simm.f32 $-Inf;
	v34 =	vld [tilespmem:s0+$0xFFFFFDF0];
	v23 =	vmul.f32 v22, v9;
	v22 =	vmul.f32 v55, v8  }
0x35e: {  	s12 =	simm.s32 $0x5;
	s11 =	simm.s32 $0x0;
	v20 =	vld [tilespmem:s0+$0xFFFFFEB0];
	v10 =	vmul.f32 v54, v5;
	v29 =	vmul.f32 v59, v5;
	p2 =	sgt.f32 s15, s1  }
.LBB2_13:
0x35f: {  	p1 =	slt.u32 s14, $0x2D;
	v24 =	vmul.f32 v24, v8;
	v25 =	vmul.f32 v25, v6;
	v39 =	vld [tilespmem:s0+$0xFFFFFEC0];
	s16 =	spop (v2sf)  }
0x360: {  	v26 =	vmul.f32 v26, v7;
	v30 =	vmul.f32 v30, v5;
	v40 =	vld [tilespmem:s0+$0xFFFFFED0];
	s1 =	smov.u32 @p2 s15;
	s11 =	smov.u32 @p2 s13  }
0x361: {  	v23 =	vadd.f32 v27, v23;
	v27 =	vadd.f32 v31, v28;
	v33 =	vmul.f32 v33, v4;
	v28 =	vld [tilespmem:s0+$0xFFFFFEE0];
	p2 =	sgt.f32 s16, s1  }
0x362: {  	v29 =	vadd.f32 v35, v29;
	s15 =	sadd.s32 $0x1, s13;
	v31 =	vmul.f32 v34, v3;
	v34 =	vadd.f32 v38, v36;
	v35 =	vld [tilespmem:s0+$0xFFFFFEF0];
	s19 =	spop (v2sf)  }
0x363: {  	v24 =	vadd.f32 v24, v32;
	v25 =	vadd.f32 v26, v25;
	v36 =	vmul.f32 v37, v2;
	v26 =	vld [tilespmem:s0+$0xFFFFFF00];
	s1 =	smov.u32 @p2 s16;
	s11 =	smov.u32 @p2 s15  }
0x364: {  	v20 =	vmul.f32 v20, v6;
	v23 =	vadd.f32 v27, v23;
	v27 =	vadd.f32 v34, v29;
	v29 =	vld [tilespmem:s0+$0xFFFFFF60];
	p2 =	sgt.f32 s19, s1  }
0x365: {  	v30 =	vadd.f32 v33, v30;
	s15 =	sadd.s32 $0x2, s13;
	v32 =	vmul.f32 v39, v7;
	v31 =	vadd.f32 v36, v31;
	v33 =	vld [tilespmem:s0+$0xFFFFFF70];
	s16 =	spop (v2sf)  }
0x366: {  	v23 =	vadd.f32 v27, v23;
	v27 =	vmul.f32 v40, v5;
	v28 =	vmul.f32 v28, v4;
	v34 =	vld [tilespmem:s0+$0xFFFFFF80];
	s1 =	smov.u32 @p2 s19;
	s11 =	smov.u32 @p2 s15  }
0x367: {  	v24 =	vadd.f32 v25, v24;
	v25 =	vadd.f32 v31, v30;
	v30 =	vmul.f32 v35, v3;
	v31 =	vld [tilespmem:s0+$0xFFFFFFE0];
	p2 =	sgt.f32 s16, s1  }
0x368: {  	v21 =	vadd.f32 v22, v21;
	v18 =	vadd.f32 v19, v18;
	s15 =	sadd.s32 $0x3, s13;
	v26 =	vmul.f32 v26, v2;
	v22 =	vld [tilespmem:s0+$0xFFFFFFF0];
	(xrf2) =	vadd.scan.msk.f32 $0xffff, v23;
	s19 =	spop (v2sf)  }
0x369: {  	v20 =	vadd.f32 v32, v20;
	v19 =	vadd.f32 v25, v24;
	v23 =	vmul.f32 v29, v4;
	v24 =	vld [tilespmem:s0+$0x0];
	s0 =	sadd.s32 $0x280, s0;
	s1 =	smov.u32 @p2 s16;
	s11 =	smov.u32 @p2 s15  }
0x36a: {  	v27 =	vadd.f32 v28, v27;
	v25 =	vld [tilespmem:s0+$0xFFFFFF90];
	v26 =	vadd.f32 v26, v30;
	v28 =	vmul.f32 v33, v3;
	p2 =	sgt.f32 s19, s1  }
0x36b: {  	v14 =	vadd.f32 v15, v14;
	v15 =	vadd.f32 v17, v16;
	s15 =	sadd.s32 $0x4, s13;
	s13 =	smov.u32 s12;
	s12 =	smov.u32 s14;
	v29 =	vld [tilespmem:s0+$0xFFFFFFA0];
	v30 =	vmul.f32 v34, v2;
	(xrf2) =	vadd.scan.msk.f32 $0xffff, v19  }
0x36c: {  	v17 =	vadd.f32 v20, v21;
	v16 =	vld [tilespmem:s0+$0xFFFFFFB0];
	v19 =	vadd.f32 v26, v27;
	v20 =	vmul.f32 v31, v4;
	s1 =	smov.u32 @p2 s19;
	s11 =	smov.u32 @p2 s15  }
0x36d: {  	v13 =	vadd.f32 v23, v13;
	v21 =	vld [tilespmem:s0+$0xFFFFFFC0];
	v23 =	vadd.f32 v30, v28;
	v22 =	vmul.f32 v22, v3  }
0x36e: {  	v11 =	vadd.f32 v12, v11;
	v26 =	vld [tilespmem:s0+$0xFFFFFFD0];
	v17 =	vadd.f32 v19, v17;
	v19 =	vmul.f32 v24, v2  }
0x36f: {  	v12 =	vadd.f32 v15, v14;
	v24 =	vld [tilespmem:s0+$0xFFFFFF10];
	v13 =	vadd.f32 v23, v13  }
0x370: {  	v10 =	vadd.f32 v20, v10;
	v15 =	vld [tilespmem:s0+$0xFFFFFF20];
	v19 =	vadd.f32 v19, v22;
	(xrf2) =	vadd.scan.msk.f32 $0xffff, v17  }
0x371: {  	v17 =	vld [tilespmem:s0+$0xFFFFFF30];
	v12 =	vadd.f32 v13, v12  }
0x372: {  	v18 =	vadd.f32 v11, v18;
	v13 =	vld [tilespmem:s0+$0xFFFFFF40];
	v10 =	vadd.f32 v19, v10;
	v14, _, _ =	vpop (xrf2)  }
0x373: {  	v22 =	vld [tilespmem:s0+$0xFFFFFF50];
	(xrf2) =	vadd.scan.msk.f32 $0xffff, v12  }
0x374: {  	v23 =	vld [tilespmem:s0+$0xFFFFFE90];
	v10 =	vadd.f32 v10, v18  }
0x375: {  	v27 =	vld [tilespmem:s0+$0xFFFFFEA0];
	v11, _, _ =	vpop (xrf2)  }
0x376: {  	v20 =	vld [tilespmem:s0+$0xFFFFFEB0];
	(v2sf) =	vpush v11, $0xF;
	(xrf2) =	vadd.scan.msk.f32 $0xffff, v10  }
0x377: {  	v28 =	vld [tilespmem:s0+$0xFFFFFE10]  }
0x378: {  	v31 =	vld [tilespmem:s0+$0xFFFFFE20];
	(v2sf) =	vpush v14, $0xF  }
0x379: {  	v32 =	vld [tilespmem:s0+$0xFFFFFE30]  }
0x37a: {  	v34 =	vld [tilespmem:s0+$0xFFFFFE40];
	v10, _, _ =	vpop (xrf2)  }
0x37b: {  	v35 =	vld [tilespmem:s0+$0xFFFFFE50];
	(v2sf) =	vpush v10, $0xF  }
0x37c: {  	v18 =	vmul.f32 v25, v9;
	v36 =	vld [tilespmem:s0+$0xFFFFFE60]  }
0x37d: {  	v19 =	vmul.f32 v29, v8;
	v11 =	vmul.f32 v16, v6;
	v37 =	vld [tilespmem:s0+$0xFFFFFE70];
	v14, _, _ =	vpop (xrf2)  }
0x37e: {  	v12 =	vmul.f32 v21, v7;
	v10 =	vmul.f32 v26, v5;
	v38 =	vld [tilespmem:s0+$0xFFFFFE80];
	(v2sf) =	vpush v14, $0xF  }
0x37f: {  	v15 =	vmul.f32 v15, v8;
	v14 =	vmul.f32 v24, v9;
	v39 =	vld [tilespmem:s0+$0xFFFFFD90]  }
0x380: {  	v16 =	vmul.f32 v17, v6;
	v17 =	vmul.f32 v13, v7;
	v24 =	vld [tilespmem:s0+$0xFFFFFDA0];
	v26, _, _ =	vpop (xrf2)  }
0x381: {  	v13 =	vmul.f32 v22, v5;
	v21 =	vmul.f32 v23, v9;
	v25 =	vld [tilespmem:s0+$0xFFFFFDB0];
	(v2sf) =	vpush v26, $0xF  }
.Ltmp7:
0x382: {  	v22 =	vmul.f32 v27, v8;
	v23 =	vmul.f32 v28, v9;
	v26 =	vld [tilespmem:s0+$0xFFFFFDC0];
	(pc) =	sbr.rel @p1 .LBB2_13-.Ltmp7, $4  }
0x383: {  	v27 =	vmul.f32 v31, v8;
	v28 =	vmul.f32 v32, v6;
	v30 =	vld [tilespmem:s0+$0xFFFFFDD0]  }
0x384: {  	v31 =	vmul.f32 v34, v7;
	v29 =	vmul.f32 v35, v5;
	v33 =	vld [tilespmem:s0+$0xFFFFFDE0]  }
0x385: {  	v35 =	vmul.f32 v36, v4;
	v36 =	vmul.f32 v37, v3;
	v34 =	vld [tilespmem:s0+$0xFFFFFDF0];
	s15 =	spop (v2sf)  }
0x386: {  	s14 =	sadd.s32 $0x5, s14;
	v38 =	vmul.f32 v38, v2;
	v32 =	vmul.f32 v39, v9;
	v37 =	vld [tilespmem:s0+$0xFFFFFE00];
	p2 =	sgt.f32 s15, s1  }
0x387: {  	v24 =	vmul.f32 v24, v8;
	v25 =	vmul.f32 v25, v6;
	v23 =	vadd.f32 v27, v23  }
0x388: {  	v39 =	vld [tilespmem:s0+$0xFFFFFEC0];
	v26 =	vmul.f32 v26, v7;
	v27 =	vadd.f32 v31, v28;
	v29 =	vadd.f32 v35, v29  }
0x389: {  	v40 =	vld [tilespmem:s0+$0xFFFFFED0];
	v21 =	vadd.f32 v22, v21;
	v18 =	vadd.f32 v19, v18;
	v30 =	vmul.f32 v30, v5  }
0x38a: {  	v28 =	vld [tilespmem:s0+$0xFFFFFEE0];
	v48 =	vadd.f32 v38, v36;
	v33 =	vmul.f32 v33, v4;
	v24 =	vadd.f32 v24, v32  }
0x38b: {  	v49 =	vld [tilespmem:s0+$0xFFFFFEF0];
	v25 =	vadd.f32 v26, v25;
	v31 =	vmul.f32 v34, v3;
	v50 =	vmul.f32 v37, v2  }
0x38c: {  	v26 =	vld [tilespmem:s0+$0xFFFFFF00];
	v23 =	vadd.f32 v27, v23;
	v29 =	vadd.f32 v48, v29  }
0x38d: {  	v52 =	vld [tilespmem:s0+$0xFFFFFF70];
	v30 =	vadd.f32 v33, v30;
	v31 =	vadd.f32 v50, v31  }
0x38e: {  	v20 =	vmul.f32 v20, v6;
	v14 =	vadd.f32 v15, v14;
	v27 =	vld [tilespmem:s0+$0xFFFFFF60];
	v24 =	vadd.f32 v25, v24  }
0x38f: {  	v54 =	vld [tilespmem:s0+$0xFFFFFF80];
	v51 =	vmul.f32 v39, v7;
	v23 =	vadd.f32 v29, v23;
	v25 =	vadd.f32 v31, v30  }
0x390: {  	v22 =	vld [tilespmem:s0+$0xFFFFFFF0];
	v15 =	vadd.f32 v17, v16;
	v53 =	vmul.f32 v40, v5;
	v28 =	vmul.f32 v28, v4  }
0x391: {  	v29 =	vmul.f32 v49, v3;
	v26 =	vmul.f32 v26, v2;
	(xrf2) =	vadd.scan.msk.f32 $0xffff, v23;
	v23 =	vld [tilespmem:s0+$0x0];
	v24 =	vadd.f32 v25, v24  }
0x392: {  	v11 =	vadd.f32 v12, v11;
	v19 =	vadd.f32 v51, v20;
	v30 =	vld [tilespmem:s0+$0xFFFFFFE0]  }
0x393: {  	v20 =	vmul.f32 v27, v4;
	v26 =	vadd.f32 v26, v29;
	v25 =	vadd.f32 v28, v53;
	(xrf2) =	vadd.scan.msk.f32 $0xffff, v24  }
0x394: {  	v12 =	vadd.f32 v15, v14;
	v27 =	vmul.f32 v52, v3;
	v24 =	vmul.f32 v54, v2  }
0x395: {  	v16 =	vadd.f32 v19, v21;
	v17 =	vadd.f32 v26, v25  }
0x396: {  	v13 =	vadd.f32 v20, v13;
	v21 =	vmul.f32 v22, v3;
	v20 =	vadd.f32 v24, v27  }
0x397: {  	v19 =	vmul.f32 v30, v4;
	v16 =	vadd.f32 v17, v16;
	v17 =	vmul.f32 v23, v2  }
0x398: {  	v11 =	vadd.f32 v11, v18;
	v13 =	vadd.f32 v20, v13  }
0x399: {  	v10 =	vadd.f32 v19, v10;
	v14 =	vadd.f32 v17, v21;
	(xrf2) =	vadd.scan.msk.f32 $0xffff, v16  }
0x39a: {  	v12 =	vadd.f32 v13, v12  }
0x39b: {  	v10 =	vadd.f32 v14, v10  }
0x39c: {  	v13, _, _ =	vpop (xrf2);
	(xrf2) =	vadd.scan.msk.f32 $0xffff, v12  }
0x39d: {  	v10 =	vadd.f32 v10, v11;
	v11, _, _ =	vpop (xrf2)  }
0x39e: {  	(v2sf) =	vpush v11, $0xF  }
0x39f: {  	(xrf2) =	vadd.scan.msk.f32 $0xffff, v10;
	_ =	sdelay $0x1  }
0x3a0: {  	s1 =	smov.u32 @p2 s15;
	s0 =	spop (v2sf);
	(v2sf) =	vpush v13, $0xF  }
0x3a1: {  	p1 =	sgt.f32 s0, s1  }
0x3a2: {  	v10, _, _ =	vpop (xrf2)  }
0x3a3: {  	s14 =	spop (v2sf);
	s1 =	smov.u32 @p1 s0;
	(v2sf) =	vpush v10, $0xF  }
0x3a4: {  	p3 =	sgt.f32 s14, s1  }
0x3a5: {  	v10, _, _ =	vpop (xrf2)  }
0x3a6: {  	s0 =	spop (v2sf);
	s1 =	smov.u32 @p3 s14;
	(v2sf) =	vpush v10, $0xF  }
0x3a7: {  	p4 =	sgt.f32 s0, s1  }
0x3a8: {  	v10, _, _ =	vpop (xrf2)  }
0x3a9: {  	s14 =	spop (v2sf);
	s1 =	smov.u32 @p4 s0;
	(v2sf) =	vpush v10, $0xF  }
0x3aa: {  	p5 =	sgt.f32 s14, s1;
	_ =	sdelay $0x1  }
0x3ab: {  	s1 =	smov.u32 @p5 s14;
	s0 =	spop (v2sf)  }
0x3ac: {  	p6 =	sgt.f32 s0, s1  }
0x3ad: {  	s11 =	smov.u32 @p2 s13  }
0x3ae: {  	s14 =	sadd.s32 $0x1, s13;
	s15 =	spop (v2sf);
	s1 =	smov.u32 @p6 s0  }
0x3af: {  	s11 =	smov.u32 @p1 s14;
	p1 =	sgt.f32 s15, s1;
	_ =	sdelay $0x1  }
0x3b0: {  	s0 =	sadd.s32 $0x2, s13;
	s14 =	spop (v2sf);
	s1 =	smov.u32 @p1 s15  }
0x3b1: {  	s11 =	smov.u32 @p3 s0;
	s0 =	sadd.s32 $0x3, s13;
	p2 =	sgt.f32 s14, s1  }
0x3b2: {  	s11 =	smov.u32 @p4 s0;
	s0 =	sadd.s32 $0x4, s13  }
0x3b3: {  	s11 =	smov.u32 @p5 s0;
	s0 =	spop (v2sf);
	s1 =	smov.u32 @p2 s14  }
0x3b4: {  	s13 =	sadd.s32 $0x1, s12;
	s11 =	smov.u32 @p6 s12;
	p3 =	sgt.f32 s0, s1  }
0x3b5: {  	s16 =	sor.u32 $0x2, s31;
	s11 =	smov.u32 @p1 s13  }
0x3b6: {  	s13 =	sadd.s32 $0x2, s12;
	s15 =	spop (v2sf);
	s1 =	smov.u32 @p3 s0  }
0x3b7: {  	v10 =	vmov s16;
	s11 =	smov.u32 @p2 s13;
	s13 =	sadd.s32 $0x3, s12;
	p1 =	sgt.f32 s15, s1  }
0x3b8: {  	v10 =	vmul.u32 $0x68, v10;
	s11 =	smov.u32 @p3 s13;
	s0 =	sadd.s32 $0x4, s12  }
0x3b9: {  	s11 =	smov.u32 @p1 s0  }
0x3ba: {  	v10 =	vbroadcast v10, $0x0;
	v11 =	vmov s11  }
0x3bb: {  	v12 =	vand.u32 $0xFFFFFFF8, v11  }
0x3bc: {  	v11 =	vand.u32 $0x7, v11;
	v12 =	vadd.s32 v10, v12  }
0x3bd: {  	v11 =	vor.u32 v11, v12;
	_ =	sdelay $0x2  }
0x3be: {  	v12 =	vadd.s32 $0x4, v1  }
0x3bf: {  	s0 =	simm.s32 $0x0;
	v12 =	vbroadcast v12, $0x0  }
0x3c0: {  	v11 =	vld.idx.msk [tilespmem:v11+s0+$0x0], $0xffff;
	_ =	sdelay $0x4  }
0x3c1: {  	s19 =	simm.s32 $0xC120;
	[tilespmem:v12+s23+$0x0] =	vst.idx.msk $0x1, v11  }
0x3c2: {  	v11 =	vld [tilespmem:s19+$0x200]  }
0x3c3: {  	v12 =	vld [tilespmem:s19+$0x210]  }
0x3c4: {  	v13 =	vld [tilespmem:s19+$0x220]  }
0x3c5: {  	v14 =	vld [tilespmem:s19+$0x230]  }
0x3c6: {  	v16 =	vld [tilespmem:s19+$0x180]  }
0x3c7: {  	v17 =	vld [tilespmem:s19+$0x190]  }
0x3c8: {  	v18 =	vld [tilespmem:s19+$0x1A0]  }
0x3c9: {  	v19 =	vld [tilespmem:s19+$0x1B0]  }
0x3ca: {  	v24 =	vld [tilespmem:s19+$0x80]  }
0x3cb: {  	v25 =	vld [tilespmem:s19+$0x90]  }
0x3cc: {  	v26 =	vld [tilespmem:s19+$0xA0]  }
0x3cd: {  	v27 =	vld [tilespmem:s19+$0xB0]  }
0x3ce: {  	v28 =	vld [tilespmem:s19+$0xC0]  }
0x3cf: {  	v29 =	vld [tilespmem:s19+$0xD0]  }
0x3d0: {  	v30 =	vld [tilespmem:s19+$0xE0]  }
0x3d1: {  	v31 =	vld [tilespmem:s19+$0xF0]  }
0x3d2: {  	v55 =	vld [tilespmem:s19+$0x0]  }
0x3d3: {  	v56 =	vld [tilespmem:s19+$0x10]  }
0x3d4: {  	v57 =	vld [tilespmem:s19+$0x20]  }
0x3d5: {  	v58 =	vld [tilespmem:s19+$0x30];
	v11 =	vmul.f32 v11, v9  }
0x3d6: {  	v59 =	vld [tilespmem:s19+$0x40];
	v24 =	vmul.f32 v24, v9;
	v25 =	vmul.f32 v25, v8  }
0x3d7: {  	v60 =	vld [tilespmem:s19+$0x50];
	v26 =	vmul.f32 v26, v6;
	v27 =	vmul.f32 v27, v7  }
0x3d8: {  	v20 =	vld [tilespmem:s19+$0x1C0];
	v28 =	vmul.f32 v28, v5;
	v29 =	vmul.f32 v29, v4  }
0x3d9: {  	v61 =	vld [tilespmem:s19+$0x60];
	v30 =	vmul.f32 v30, v3;
	v32 =	vmul.f32 v55, v9  }
0x3da: {  	v62 =	vld [tilespmem:s19+$0x70];
	v31 =	vmul.f32 v31, v2;
	v33 =	vmul.f32 v56, v8  }
0x3db: {  	v21 =	vld [tilespmem:s19+$0x100];
	v34 =	vmul.f32 v57, v6;
	v35 =	vmul.f32 v58, v7  }
0x3dc: {  	v22 =	vld [tilespmem:s19+$0x110];
	v36 =	vmul.f32 v59, v5;
	v37 =	vmul.f32 v60, v4  }
0x3dd: {  	v23 =	vld [tilespmem:s19+$0x120];
	v12 =	vmul.f32 v12, v8;
	v13 =	vmul.f32 v13, v6  }
0x3de: {  	v63 =	vld [tilespmem:s19+$0x130];
	v24 =	vadd.f32 v25, v24;
	v26 =	vadd.f32 v27, v26;
	v27 =	vmul.f32 v61, v3  }
0x3df: {  	v41 =	vld [tilespmem:s19+$0x140];
	v28 =	vadd.f32 v29, v28;
	v29 =	vadd.f32 v31, v30;
	v30 =	vmul.f32 v62, v2  }
0x3e0: {  	v44 =	vld [tilespmem:s19+$0x160];
	v16 =	vmul.f32 v16, v9;
	v32 =	vadd.f32 v33, v32;
	v45 =	vadd.f32 v35, v34  }
0x3e1: {  	v17 =	vmul.f32 v17, v8;
	v25 =	vld [tilespmem:s19+$0x150];
	v47 =	vadd.f32 v37, v36;
	v27 =	vadd.f32 v30, v27  }
0x3e2: {  	v18 =	vmul.f32 v18, v6;
	v31 =	vld [tilespmem:s19+$0x170];
	v24 =	vadd.f32 v26, v24;
	v26 =	vadd.f32 v29, v28  }
0x3e3: {  	v46 =	vld [tilespmem:s19+$0x1D0];
	v19 =	vmul.f32 v19, v7;
	v29 =	vadd.f32 v45, v32;
	v27 =	vadd.f32 v27, v47  }
0x3e4: {  	v21 =	vmul.f32 v21, v9;
	v22 =	vmul.f32 v22, v8;
	v30 =	vld [tilespmem:s19+$0x1E0];
	v24 =	vadd.f32 v26, v24  }
0x3e5: {  	v23 =	vmul.f32 v23, v6;
	v49 =	vmul.f32 v63, v7;
	v28 =	vld [tilespmem:s19+$0x1F0];
	v27 =	vadd.f32 v27, v29  }
0x3e6: {  	v15 =	vld [tilespmem:s19+$0x240];
	v52 =	vmul.f32 v44, v3;
	v21 =	vadd.f32 v22, v21;
	v25 =	vmul.f32 v25, v4;
	(xrf2) =	vadd.scan.msk.f32 $0xffff, v24  }
0x3e7: {  	v11 =	vadd.f32 v12, v11;
	v26 =	vld [tilespmem:s19+$0x260];
	v31 =	vmul.f32 v31, v2;
	(xrf2) =	vadd.scan.msk.f32 $0xffff, v27;
	v27 =	vmul.f32 v41, v5  }
0x3e8: {  	v20 =	vmul.f32 v20, v5;
	v12 =	vadd.f32 v49, v23;
	v16 =	vadd.f32 v17, v16;
	v29 =	vld [tilespmem:s19+$0x270]  }
0x3e9: {  	s1 =	simm.s32 $0xC3A0;
	v48 =	vld [tilespmem:s19+$0x250];
	v23 =	vmul.f32 v46, v4;
	v25 =	vadd.f32 v25, v27;
	v27 =	vadd.f32 v31, v52  }
0x3ea: {  	v50 =	vld [tilespmem:s1+$0x210];
	v17 =	vadd.f32 v19, v18;
	v30 =	vmul.f32 v30, v3;
	v28 =	vmul.f32 v28, v2  }
0x3eb: {  	v51 =	vld [tilespmem:s1+$0x220];
	v14 =	vmul.f32 v14, v7;
	v12 =	vadd.f32 v12, v21;
	v19 =	vadd.f32 v27, v25  }
0x3ec: {  	v53 =	vld [tilespmem:s1+$0x240];
	v15 =	vmul.f32 v15, v5;
	v20 =	vadd.f32 v23, v20;
	v23 =	vadd.f32 v28, v30  }
0x3ed: {  	v54 =	vld [tilespmem:s1+$0x100];
	v25 =	vmul.f32 v26, v3;
	v12 =	vadd.f32 v19, v12;
	v19 =	vmul.f32 v29, v2  }
0x3ee: {  	v42 =	vld [tilespmem:s1+$0xE0];
	v13 =	vadd.f32 v14, v13;
	v21 =	vmul.f32 v48, v4;
	v14 =	vadd.f32 v17, v16  }
0x3ef: {  	v43 =	vld [tilespmem:s1+$0xF0];
	v16 =	vadd.f32 v19, v25;
	v19 =	vadd.f32 v23, v20  }
0x3f0: {  	v38 =	vld [tilespmem:s1+$0x70];
	v15 =	vadd.f32 v21, v15;
	v30, _, _ =	vpop (xrf2);
	(xrf2) =	vadd.scan.msk.f32 $0xffff, v12  }
0x3f1: {  	v55 =	vld [tilespmem:s1+$0x110];
	v11 =	vadd.f32 v13, v11;
	v17, _, _ =	vpop (xrf2);
	v14 =	vadd.f32 v19, v14  }
0x3f2: {  	v56 =	vld [tilespmem:s1+$0x90];
	v13 =	vadd.f32 v16, v15;
	(v2sf) =	vpush v17, $0xF  }
0x3f3: {  	v57 =	vld [tilespmem:s1+$0xA0];
	(xrf2) =	vadd.scan.msk.f32 $0xffff, v14  }
0x3f4: {  	v58 =	vld [tilespmem:s1+$0xB0];
	v11 =	vadd.f32 v13, v11  }
0x3f5: {  	v59 =	vld [tilespmem:s1+$0xC0]  }
0x3f6: {  	v60 =	vld [tilespmem:s1+$0xD0];
	(xrf2) =	vadd.scan.msk.f32 $0xffff, v11  }
0x3f7: {  	v22 =	vld [tilespmem:s1+$0x230]  }
0x3f8: {  	v18 =	vld [tilespmem:s1+$0x190];
	(v2sf) =	vpush v30, $0xF  }
0x3f9: {  	v61 =	vld [tilespmem:s1+$0x0]  }
0x3fa: {  	v24 =	vld [tilespmem:s1+$0x200];
	v30, _, _ =	vpop (xrf2)  }
0x3fb: {  	v31 =	vld [tilespmem:s1+$0x180];
	(v2sf) =	vpush v30, $0xF  }
0x3fc: {  	v39 =	vmul.f32 v43, v2;
	v28 =	vld [tilespmem:s1+$0x1B0]  }
0x3fd: {  	v37 =	vmul.f32 v42, v3;
	v32 =	vmul.f32 v58, v7;
	v27 =	vld [tilespmem:s1+$0x1A0];
	v62, _, _ =	vpop (xrf2)  }
0x3fe: {  	v36 =	vmul.f32 v60, v4;
	v33 =	vmul.f32 v61, v9;
	v26 =	vld [tilespmem:s1+$0x20];
	(v2sf) =	vpush v62, $0xF  }
0x3ff: {  	v29 =	vld [tilespmem:s1+$0x1C0];
	v20 =	vmul.f32 v50, v8;
	v12 =	vmul.f32 v51, v6  }
0x400: {  	v23 =	vld [tilespmem:s1+$0x80];
	v19 =	vmul.f32 v24, v9;
	v15 =	vmul.f32 v31, v9;
	v63, _, _ =	vpop (xrf2)  }
0x401: {  	v25 =	vld [tilespmem:s1+$0x10];
	v16 =	vmul.f32 v18, v8;
	v18 =	vmul.f32 v28, v7;
	s15 =	spop (v2sf);
	(v2sf) =	vpush v63, $0xF  }
0x402: {  	v31 =	vld [tilespmem:s1+$0x40];
	v28 =	vmul.f32 v56, v8;
	v17 =	vmul.f32 v27, v6  }
0x403: {  	v27 =	vld [tilespmem:s1+$0x30];
	v13 =	vmul.f32 v22, v7;
	v22 =	vmul.f32 v54, v9  }
0x404: {  	v34 =	vld [tilespmem:s1+$0x50];
	v14 =	vmul.f32 v29, v5;
	v29 =	vmul.f32 v57, v6  }
0x405: {  	s14 =	simm.s32 $0xA;
	s12 =	simm.f32 $-Inf;
	v35 =	vld [tilespmem:s1+$0x60];
	v24 =	vmul.f32 v23, v9;
	v23 =	vmul.f32 v55, v8  }
0x406: {  	s13 =	simm.s32 $0x0;
	s11 =	simm.s32 $0x5;
	v21 =	vld [tilespmem:s1+$0x120];
	v11 =	vmul.f32 v53, v5;
	v30 =	vmul.f32 v59, v5;
	p2 =	sgt.f32 s15, s12  }
.LBB2_15:
0x407: {  	p1 =	slt.u32 s14, $0x2D;
	v25 =	vmul.f32 v25, v8;
	v26 =	vmul.f32 v26, v6;
	v40 =	vld [tilespmem:s1+$0x130];
	s16 =	spop (v2sf)  }
0x408: {  	v27 =	vmul.f32 v27, v7;
	v31 =	vmul.f32 v31, v5;
	v41 =	vld [tilespmem:s1+$0x140];
	s12 =	smov.u32 @p2 s15;
	s0 =	smov.u32 @p2 s13  }
0x409: {  	v24 =	vadd.f32 v28, v24;
	v28 =	vadd.f32 v32, v29;
	v34 =	vmul.f32 v34, v4;
	v29 =	vld [tilespmem:s1+$0x150];
	p2 =	sgt.f32 s16, s12  }
0x40a: {  	v30 =	vadd.f32 v36, v30;
	s15 =	sadd.s32 $0x1, s13;
	v32 =	vmul.f32 v35, v3;
	v35 =	vadd.f32 v39, v37;
	v36 =	vld [tilespmem:s1+$0x160];
	s19 =	spop (v2sf)  }
0x40b: {  	v25 =	vadd.f32 v25, v33;
	v26 =	vadd.f32 v27, v26;
	v37 =	vmul.f32 v38, v2;
	v27 =	vld [tilespmem:s1+$0x170];
	s12 =	smov.u32 @p2 s16;
	s0 =	smov.u32 @p2 s15  }
0x40c: {  	v21 =	vmul.f32 v21, v6;
	v24 =	vadd.f32 v28, v24;
	v28 =	vadd.f32 v35, v30;
	v30 =	vld [tilespmem:s1+$0x1D0];
	p2 =	sgt.f32 s19, s12  }
0x40d: {  	v31 =	vadd.f32 v34, v31;
	s15 =	sadd.s32 $0x2, s13;
	v33 =	vmul.f32 v40, v7;
	v32 =	vadd.f32 v37, v32;
	v34 =	vld [tilespmem:s1+$0x1E0];
	s16 =	spop (v2sf)  }
0x40e: {  	v24 =	vadd.f32 v28, v24;
	v28 =	vmul.f32 v41, v5;
	v29 =	vmul.f32 v29, v4;
	v35 =	vld [tilespmem:s1+$0x1F0];
	s12 =	smov.u32 @p2 s19;
	s0 =	smov.u32 @p2 s15  }
0x40f: {  	v25 =	vadd.f32 v26, v25;
	v26 =	vadd.f32 v32, v31;
	v31 =	vmul.f32 v36, v3;
	v32 =	vld [tilespmem:s1+$0x250];
	p2 =	sgt.f32 s16, s12  }
0x410: {  	v22 =	vadd.f32 v23, v22;
	v19 =	vadd.f32 v20, v19;
	s15 =	sadd.s32 $0x3, s13;
	v27 =	vmul.f32 v27, v2;
	v23 =	vld [tilespmem:s1+$0x260];
	(xrf2) =	vadd.scan.msk.f32 $0xffff, v24;
	s19 =	spop (v2sf)  }
0x411: {  	v21 =	vadd.f32 v33, v21;
	v20 =	vadd.f32 v26, v25;
	v24 =	vmul.f32 v30, v4;
	v25 =	vld [tilespmem:s1+$0x270];
	s1 =	sadd.s32 $0x280, s1;
	s12 =	smov.u32 @p2 s16;
	s0 =	smov.u32 @p2 s15  }
0x412: {  	v28 =	vadd.f32 v29, v28;
	v26 =	vld [tilespmem:s1+$0x200];
	v27 =	vadd.f32 v27, v31;
	v29 =	vmul.f32 v34, v3;
	p2 =	sgt.f32 s19, s12  }
0x413: {  	v15 =	vadd.f32 v16, v15;
	v16 =	vadd.f32 v18, v17;
	s15 =	sadd.s32 $0x4, s13;
	s13 =	smov.u32 s11;
	s11 =	smov.u32 s14;
	v30 =	vld [tilespmem:s1+$0x210];
	v31 =	vmul.f32 v35, v2;
	(xrf2) =	vadd.scan.msk.f32 $0xffff, v20  }
0x414: {  	v18 =	vadd.f32 v21, v22;
	v17 =	vld [tilespmem:s1+$0x220];
	v20 =	vadd.f32 v27, v28;
	v21 =	vmul.f32 v32, v4;
	s12 =	smov.u32 @p2 s19;
	s0 =	smov.u32 @p2 s15  }
0x415: {  	v14 =	vadd.f32 v24, v14;
	v22 =	vld [tilespmem:s1+$0x230];
	v24 =	vadd.f32 v31, v29;
	v23 =	vmul.f32 v23, v3  }
0x416: {  	v12 =	vadd.f32 v13, v12;
	v27 =	vld [tilespmem:s1+$0x240];
	v18 =	vadd.f32 v20, v18;
	v20 =	vmul.f32 v25, v2  }
0x417: {  	v13 =	vadd.f32 v16, v15;
	v25 =	vld [tilespmem:s1+$0x180];
	v14 =	vadd.f32 v24, v14  }
0x418: {  	v11 =	vadd.f32 v21, v11;
	v16 =	vld [tilespmem:s1+$0x190];
	v20 =	vadd.f32 v20, v23;
	(xrf2) =	vadd.scan.msk.f32 $0xffff, v18  }
0x419: {  	v18 =	vld [tilespmem:s1+$0x1A0];
	v13 =	vadd.f32 v14, v13  }
0x41a: {  	v19 =	vadd.f32 v12, v19;
	v14 =	vld [tilespmem:s1+$0x1B0];
	v11 =	vadd.f32 v20, v11;
	v15, _, _ =	vpop (xrf2)  }
0x41b: {  	v23 =	vld [tilespmem:s1+$0x1C0];
	(xrf2) =	vadd.scan.msk.f32 $0xffff, v13  }
0x41c: {  	v24 =	vld [tilespmem:s1+$0x100];
	v11 =	vadd.f32 v11, v19  }
0x41d: {  	v28 =	vld [tilespmem:s1+$0x110];
	v12, _, _ =	vpop (xrf2)  }
0x41e: {  	v21 =	vld [tilespmem:s1+$0x120];
	(v2sf) =	vpush v12, $0xF;
	(xrf2) =	vadd.scan.msk.f32 $0xffff, v11  }
0x41f: {  	v29 =	vld [tilespmem:s1+$0x80]  }
0x420: {  	v32 =	vld [tilespmem:s1+$0x90];
	(v2sf) =	vpush v15, $0xF  }
0x421: {  	v33 =	vld [tilespmem:s1+$0xA0]  }
0x422: {  	v35 =	vld [tilespmem:s1+$0xB0];
	v11, _, _ =	vpop (xrf2)  }
0x423: {  	v36 =	vld [tilespmem:s1+$0xC0];
	(v2sf) =	vpush v11, $0xF  }
0x424: {  	v19 =	vmul.f32 v26, v9;
	v37 =	vld [tilespmem:s1+$0xD0]  }
0x425: {  	v20 =	vmul.f32 v30, v8;
	v12 =	vmul.f32 v17, v6;
	v38 =	vld [tilespmem:s1+$0xE0];
	v15, _, _ =	vpop (xrf2)  }
0x426: {  	v13 =	vmul.f32 v22, v7;
	v11 =	vmul.f32 v27, v5;
	v39 =	vld [tilespmem:s1+$0xF0];
	(v2sf) =	vpush v15, $0xF  }
0x427: {  	v16 =	vmul.f32 v16, v8;
	v15 =	vmul.f32 v25, v9;
	v40 =	vld [tilespmem:s1+$0x0]  }
0x428: {  	v17 =	vmul.f32 v18, v6;
	v18 =	vmul.f32 v14, v7;
	v25 =	vld [tilespmem:s1+$0x10];
	v27, _, _ =	vpop (xrf2)  }
0x429: {  	v14 =	vmul.f32 v23, v5;
	v22 =	vmul.f32 v24, v9;
	v26 =	vld [tilespmem:s1+$0x20];
	(v2sf) =	vpush v27, $0xF  }
.Ltmp8:
0x42a: {  	v23 =	vmul.f32 v28, v8;
	v24 =	vmul.f32 v29, v9;
	v27 =	vld [tilespmem:s1+$0x30];
	(pc) =	sbr.rel @p1 .LBB2_15-.Ltmp8, $4  }
0x42b: {  	v28 =	vmul.f32 v32, v8;
	v29 =	vmul.f32 v33, v6;
	v31 =	vld [tilespmem:s1+$0x40]  }
0x42c: {  	v32 =	vmul.f32 v35, v7;
	v30 =	vmul.f32 v36, v5;
	v34 =	vld [tilespmem:s1+$0x50]  }
0x42d: {  	v36 =	vmul.f32 v37, v4;
	v37 =	vmul.f32 v38, v3;
	v35 =	vld [tilespmem:s1+$0x60];
	s15 =	spop (v2sf)  }
0x42e: {  	s14 =	sadd.s32 $0x5, s14;
	v39 =	vmul.f32 v39, v2;
	v33 =	vmul.f32 v40, v9;
	v38 =	vld [tilespmem:s1+$0x70];
	p2 =	sgt.f32 s15, s12  }
0x42f: {  	v8 =	vmul.f32 v25, v8;
	v9 =	vmul.f32 v26, v6;
	v25 =	vld [tilespmem:s1+$0x130];
	v24 =	vadd.f32 v28, v24  }
0x430: {  	v26 =	vmul.f32 v27, v7;
	v28 =	vadd.f32 v32, v29;
	v29 =	vld [tilespmem:s1+$0x150];
	v30 =	vadd.f32 v36, v30  }
0x431: {  	v22 =	vadd.f32 v23, v22;
	v15 =	vadd.f32 v16, v15;
	v27 =	vmul.f32 v31, v5;
	v31 =	vld [tilespmem:s1+$0x140]  }
0x432: {  	v55 =	vadd.f32 v39, v37;
	v34 =	vmul.f32 v34, v4;
	v9 =	vadd.f32 v26, v9;
	v26 =	vld [tilespmem:s1+$0x170]  }
0x433: {  	v56 =	vld [tilespmem:s1+$0x160];
	v8 =	vadd.f32 v8, v33;
	v54 =	vmul.f32 v35, v3;
	v57 =	vmul.f32 v38, v2  }
0x434: {  	v6 =	vmul.f32 v21, v6;
	v21 =	vld [tilespmem:s1+$0x1E0];
	v24 =	vadd.f32 v28, v24;
	v30 =	vadd.f32 v55, v30  }
0x435: {  	v28 =	vld [tilespmem:s1+$0x1D0];
	v27 =	vadd.f32 v34, v27;
	v32 =	vadd.f32 v57, v54  }
0x436: {  	v8 =	vadd.f32 v9, v8;
	v7 =	vmul.f32 v25, v7;
	v25 =	vld [tilespmem:s1+$0x1F0];
	v24 =	vadd.f32 v30, v24  }
0x437: {  	v5 =	vmul.f32 v31, v5;
	v26 =	vmul.f32 v26, v2;
	v9 =	vadd.f32 v32, v27  }
0x438: {  	v23 =	vld [tilespmem:s1+$0x260];
	v6 =	vadd.f32 v7, v6;
	v27 =	vmul.f32 v29, v4;
	v29 =	vmul.f32 v56, v3  }
0x439: {  	v30 =	vld [tilespmem:s1+$0x250];
	v8 =	vadd.f32 v9, v8;
	v9 =	vadd.f32 v20, v19  }
0x43a: {  	v21 =	vmul.f32 v21, v3;
	(xrf2) =	vadd.scan.msk.f32 $0xffff, v24;
	v19 =	vld [tilespmem:s1+$0x270];
	v5 =	vadd.f32 v27, v5;
	v20 =	vadd.f32 v26, v29  }
0x43b: {  	v16 =	vadd.f32 v18, v17;
	v7 =	vmul.f32 v28, v4;
	(xrf2) =	vadd.scan.msk.f32 $0xffff, v8;
	v8 =	vmul.f32 v25, v2  }
0x43c: {  	v6 =	vadd.f32 v6, v22;
	v5 =	vadd.f32 v20, v5  }
0x43d: {  	v3 =	vmul.f32 v23, v3;
	v7 =	vadd.f32 v7, v14;
	v8 =	vadd.f32 v8, v21  }
0x43e: {  	v4 =	vmul.f32 v30, v4;
	v5 =	vadd.f32 v5, v6;
	v6 =	vadd.f32 v13, v12  }
0x43f: {  	v12 =	vadd.f32 v16, v15;
	v2 =	vmul.f32 v19, v2;
	v7 =	vadd.f32 v8, v7  }
0x440: {  	v4 =	vadd.f32 v4, v11  }
0x441: {  	(xrf2) =	vadd.scan.msk.f32 $0xffff, v5;
	v2 =	vadd.f32 v2, v3;
	v3 =	vadd.f32 v7, v12;
	_ =	sdelay $0x1  }
0x442: {  	v5 =	vadd.f32 v6, v9;
	v2 =	vadd.f32 v2, v4  }
0x443: {  	v4, _, _ =	vpop (xrf2);
	(xrf2) =	vadd.scan.msk.f32 $0xffff, v3  }
0x444: {  	v2 =	vadd.f32 v2, v5;
	v3, _, _ =	vpop (xrf2)  }
0x445: {  	(v2sf) =	vpush v3, $0xF  }
0x446: {  	(xrf2) =	vadd.scan.msk.f32 $0xffff, v2;
	_ =	sdelay $0x1  }
0x447: {  	s12 =	smov.u32 @p2 s15;
	s1 =	spop (v2sf);
	(v2sf) =	vpush v4, $0xF  }
0x448: {  	p1 =	sgt.f32 s1, s12  }
0x449: {  	v2, _, _ =	vpop (xrf2)  }
0x44a: {  	s14 =	spop (v2sf);
	s12 =	smov.u32 @p1 s1;
	(v2sf) =	vpush v2, $0xF  }
0x44b: {  	p3 =	sgt.f32 s14, s12  }
0x44c: {  	v2, _, _ =	vpop (xrf2)  }
0x44d: {  	s1 =	spop (v2sf);
	s12 =	smov.u32 @p3 s14;
	(v2sf) =	vpush v2, $0xF  }
0x44e: {  	p4 =	sgt.f32 s1, s12  }
0x44f: {  	v2, _, _ =	vpop (xrf2)  }
0x450: {  	s14 =	spop (v2sf);
	s12 =	smov.u32 @p4 s1;
	(v2sf) =	vpush v2, $0xF  }
0x451: {  	p5 =	sgt.f32 s14, s12;
	_ =	sdelay $0x1  }
0x452: {  	s12 =	smov.u32 @p5 s14;
	s1 =	spop (v2sf)  }
0x453: {  	p6 =	sgt.f32 s1, s12  }
0x454: {  	s0 =	smov.u32 @p2 s13  }
0x455: {  	s14 =	sadd.s32 $0x1, s13;
	s15 =	spop (v2sf);
	s12 =	smov.u32 @p6 s1  }
0x456: {  	s0 =	smov.u32 @p1 s14;
	p1 =	sgt.f32 s15, s12;
	_ =	sdelay $0x1  }
0x457: {  	s1 =	sadd.s32 $0x2, s13;
	s14 =	spop (v2sf);
	s12 =	smov.u32 @p1 s15  }
0x458: {  	s0 =	smov.u32 @p3 s1;
	s1 =	sadd.s32 $0x3, s13;
	p2 =	sgt.f32 s14, s12  }
0x459: {  	s0 =	smov.u32 @p4 s1;
	s1 =	sadd.s32 $0x4, s13  }
0x45a: {  	s0 =	smov.u32 @p5 s1;
	s1 =	spop (v2sf);
	s12 =	smov.u32 @p2 s14  }
0x45b: {  	s13 =	sadd.s32 $0x1, s11;
	s0 =	smov.u32 @p6 s11;
	p3 =	sgt.f32 s1, s12  }
0x45c: {  	s0 =	smov.u32 @p1 s13  }
0x45d: {  	s13 =	sadd.s32 $0x2, s11;
	s19 =	spop (v2sf);
	s12 =	smov.u32 @p3 s1  }
0x45e: {  	s0 =	smov.u32 @p2 s13;
	s1 =	sadd.s32 $0x3, s11;
	p1 =	sgt.f32 s19, s12  }
0x45f: {  	s0 =	smov.u32 @p3 s1;
	s1 =	sadd.s32 $0x4, s11  }
0x460: {  	s0 =	smov.u32 @p1 s1  }
0x461: {  	v2 =	vmov s0  }
0x462: {  	v2 =	vadd.s32 $0x32, v2  }
0x463: {  	v2 =	vbroadcast v2, $0x0;
	_ =	sdelay $0x1  }
0x464: {  	v3 =	vand.u32 $0xFFFFFFF8, v2  }
0x465: {  	v2 =	vand.u32 $0x7, v2;
	v3 =	vadd.s32 v10, v3  }
0x466: {  	v2 =	vor.u32 v2, v3;
	_ =	sdelay $0x2  }
0x467: {  	v3 =	vadd.s32 $0x5, v1  }
0x468: {  	v3 =	vbroadcast v3, $0x0  }
0x469: {  	v2 =	vld.idx.msk [tilespmem:v2+s4+$0x0], $0xffff;
	_ =	sdelay $0x4  }
0x46a: {  	s1 =	simm.s32 @!p0 $0x64;
	s0 =	sadd.s32 @!p0 $0x270, s3;
	s3 =	simm.s32 @!p0 $0xA820;
	[tilespmem:v3+s23+$0x0] =	vst.idx.msk $0x1, v2  }
0x46b: {  	[tilespmem:s3], [sflag:$0x4] =	stream.indirect.gather @!p0 [hbm4b:s2+s1], $0x80, s0, s1, $0xb8;
	[tilespmem:$0x10D20] =	vst v63  }
0x46c: {  	_ =	swait.ge [sflag:s26], $0x3200  }
0x46d: {  	[sflag:s26] =	ssyncset.done $0x0  }
0x46e: {  	[sflag:s26] =	ssyncadd.s32 $0xFFFFCE00  }
0x46f: {  	v9 =	vld [tilespmem:s30+$0x3420]  }
0x470: {  	v8 =	vld [tilespmem:s30+$0x3430]  }
0x471: {  	v6 =	vld [tilespmem:s30+$0x3440]  }
0x472: {  	v7 =	vld [tilespmem:s30+$0x3450]  }
0x473: {  	v5 =	vld [tilespmem:s30+$0x3460]  }
0x474: {  	v4 =	vld [tilespmem:s30+$0x3470]  }
0x475: {  	v3 =	vld [tilespmem:s30+$0x3480]  }
0x476: {  	v2 =	vld [tilespmem:s30+$0x3490];
	s30 =	simm.s32 $0xDC90  }
0x477: {  	v10 =	vld [tilespmem:s30+$0xFFFFFF90]  }
0x478: {  	v11 =	vld [tilespmem:s30+$0xFFFFFFA0]  }
0x479: {  	v12 =	vld [tilespmem:s30+$0xFFFFFFB0]  }
0x47a: {  	v13 =	vld [tilespmem:s30+$0xFFFFFFC0]  }
0x47b: {  	v15 =	vld [tilespmem:s30+$0xFFFFFF10]  }
0x47c: {  	v16 =	vld [tilespmem:s30+$0xFFFFFF20]  }
0x47d: {  	v17 =	vld [tilespmem:s30+$0xFFFFFF30]  }
0x47e: {  	v18 =	vld [tilespmem:s30+$0xFFFFFF40]  }
0x47f: {  	v23 =	vld [tilespmem:s30+$0xFFFFFE10]  }
0x480: {  	v24 =	vld [tilespmem:s30+$0xFFFFFE20]  }
0x481: {  	v25 =	vld [tilespmem:s30+$0xFFFFFE30]  }
0x482: {  	v26 =	vld [tilespmem:s30+$0xFFFFFE40]  }
0x483: {  	v27 =	vld [tilespmem:s30+$0xFFFFFE50]  }
0x484: {  	v28 =	vld [tilespmem:s30+$0xFFFFFE60]  }
0x485: {  	v29 =	vld [tilespmem:s30+$0xFFFFFE70]  }
0x486: {  	v30 =	vld [tilespmem:s30+$0xFFFFFE80]  }
0x487: {  	v31 =	vld [tilespmem:s30+$0xFFFFFD90]  }
0x488: {  	v58 =	vld [tilespmem:s30+$0xFFFFFDA0]  }
0x489: {  	v59 =	vld [tilespmem:s30+$0xFFFFFDB0]  }
0x48a: {  	v60 =	vld [tilespmem:s30+$0xFFFFFDC0];
	v10 =	vmul.f32 v10, v9  }
0x48b: {  	v61 =	vld [tilespmem:s30+$0xFFFFFDD0];
	v23 =	vmul.f32 v23, v9;
	v24 =	vmul.f32 v24, v8  }
0x48c: {  	v62 =	vld [tilespmem:s30+$0xFFFFFDE0];
	v25 =	vmul.f32 v25, v6;
	v26 =	vmul.f32 v26, v7  }
0x48d: {  	v19 =	vld [tilespmem:s30+$0xFFFFFF50];
	v27 =	vmul.f32 v27, v5;
	v28 =	vmul.f32 v28, v4  }
0x48e: {  	v63 =	vld [tilespmem:s30+$0xFFFFFDF0];
	v29 =	vmul.f32 v29, v3;
	v31 =	vmul.f32 v31, v9  }
0x48f: {  	v44 =	vld [tilespmem:s30+$0xFFFFFE00];
	v30 =	vmul.f32 v30, v2;
	v32 =	vmul.f32 v58, v8  }
0x490: {  	v20 =	vld [tilespmem:s30+$0xFFFFFE90];
	v33 =	vmul.f32 v59, v6;
	v34 =	vmul.f32 v60, v7  }
0x491: {  	v21 =	vld [tilespmem:s30+$0xFFFFFEA0];
	v35 =	vmul.f32 v61, v5;
	v36 =	vmul.f32 v62, v4  }
0x492: {  	v22 =	vld [tilespmem:s30+$0xFFFFFEB0];
	v11 =	vmul.f32 v11, v8;
	v12 =	vmul.f32 v12, v6  }
0x493: {  	v45 =	vld [tilespmem:s30+$0xFFFFFEC0];
	v23 =	vadd.f32 v24, v23;
	v25 =	vadd.f32 v26, v25;
	v26 =	vmul.f32 v63, v3  }
0x494: {  	v40 =	vld [tilespmem:s30+$0xFFFFFED0];
	v27 =	vadd.f32 v28, v27;
	v28 =	vadd.f32 v30, v29;
	v29 =	vmul.f32 v44, v2  }
0x495: {  	v46 =	vld [tilespmem:s30+$0xFFFFFEF0];
	v15 =	vmul.f32 v15, v9;
	v31 =	vadd.f32 v32, v31;
	v47 =	vadd.f32 v34, v33  }
0x496: {  	v16 =	vmul.f32 v16, v8;
	v24 =	vld [tilespmem:s30+$0xFFFFFEE0];
	v49 =	vadd.f32 v36, v35;
	v26 =	vadd.f32 v29, v26  }
0x497: {  	v17 =	vmul.f32 v17, v6;
	v30 =	vld [tilespmem:s30+$0xFFFFFF00];
	v23 =	vadd.f32 v25, v23;
	v25 =	vadd.f32 v28, v27  }
0x498: {  	v48 =	vld [tilespmem:s30+$0xFFFFFF60];
	v18 =	vmul.f32 v18, v7;
	v28 =	vadd.f32 v47, v31;
	v26 =	vadd.f32 v26, v49  }
0x499: {  	v20 =	vmul.f32 v20, v9;
	v21 =	vmul.f32 v21, v8;
	v29 =	vld [tilespmem:s30+$0xFFFFFF70];
	v23 =	vadd.f32 v25, v23  }
0x49a: {  	v22 =	vmul.f32 v22, v6;
	v50 =	vmul.f32 v45, v7;
	v27 =	vld [tilespmem:s30+$0xFFFFFF80];
	v26 =	vadd.f32 v26, v28  }
0x49b: {  	v14 =	vld [tilespmem:s30+$0xFFFFFFD0];
	v53 =	vmul.f32 v46, v3;
	v20 =	vadd.f32 v21, v20;
	v24 =	vmul.f32 v24, v4;
	(xrf2) =	vadd.scan.msk.f32 $0xffff, v23  }
0x49c: {  	v10 =	vadd.f32 v11, v10;
	v25 =	vld [tilespmem:s30+$0xFFFFFFF0];
	v30 =	vmul.f32 v30, v2;
	(xrf2) =	vadd.scan.msk.f32 $0xffff, v26;
	v26 =	vmul.f32 v40, v5  }
0x49d: {  	v19 =	vmul.f32 v19, v5;
	v11 =	vadd.f32 v50, v22;
	v15 =	vadd.f32 v16, v15;
	v28 =	vld [tilespmem:s30+$0x0]  }
0x49e: {  	s0 =	simm.s32 $0xDF10;
	v22 =	vmul.f32 v48, v4;
	v31 =	vld [tilespmem:s30+$0xFFFFFFE0];
	v24 =	vadd.f32 v24, v26;
	v26 =	vadd.f32 v30, v53  }
0x49f: {  	v51 =	vld [tilespmem:s0+$0xFFFFFFA0];
	v16 =	vadd.f32 v18, v17;
	v29 =	vmul.f32 v29, v3;
	v27 =	vmul.f32 v27, v2  }
0x4a0: {  	v52 =	vld [tilespmem:s0+$0xFFFFFFB0];
	v13 =	vmul.f32 v13, v7;
	v11 =	vadd.f32 v11, v20;
	v18 =	vadd.f32 v26, v24  }
0x4a1: {  	v54 =	vld [tilespmem:s0+$0xFFFFFFD0];
	v14 =	vmul.f32 v14, v5;
	v19 =	vadd.f32 v22, v19;
	v22 =	vadd.f32 v27, v29  }
0x4a2: {  	v55 =	vld [tilespmem:s0+$0xFFFFFEA0];
	v24 =	vmul.f32 v25, v3;
	v11 =	vadd.f32 v18, v11;
	v18 =	vmul.f32 v28, v2  }
0x4a3: {  	v56 =	vld [tilespmem:s0+$0xFFFFFE20];
	v12 =	vadd.f32 v13, v12;
	v13 =	vadd.f32 v16, v15;
	v20 =	vmul.f32 v31, v4  }
0x4a4: {  	v57 =	vld [tilespmem:s0+$0xFFFFFE30];
	v15 =	vadd.f32 v18, v24;
	v18 =	vadd.f32 v22, v19  }
0x4a5: {  	v41 =	vld [tilespmem:s0+$0xFFFFFE70];
	v14 =	vadd.f32 v20, v14;
	v29, _, _ =	vpop (xrf2);
	(xrf2) =	vadd.scan.msk.f32 $0xffff, v11  }
0x4a6: {  	v42 =	vld [tilespmem:s0+$0xFFFFFE80];
	v10 =	vadd.f32 v12, v10;
	v16, _, _ =	vpop (xrf2);
	v13 =	vadd.f32 v18, v13  }
0x4a7: {  	v37 =	vld [tilespmem:s0+$0xFFFFFE00];
	v12 =	vadd.f32 v15, v14;
	(v2sf) =	vpush v16, $0xF  }
0x4a8: {  	v58 =	vld [tilespmem:s0+$0xFFFFFE40];
	(xrf2) =	vadd.scan.msk.f32 $0xffff, v13  }
0x4a9: {  	v59 =	vld [tilespmem:s0+$0xFFFFFE50];
	v10 =	vadd.f32 v12, v10  }
0x4aa: {  	v60 =	vld [tilespmem:s0+$0xFFFFFE60]  }
0x4ab: {  	v61 =	vld [tilespmem:s0+$0xFFFFFD90];
	(xrf2) =	vadd.scan.msk.f32 $0xffff, v10  }
0x4ac: {  	v21 =	vld [tilespmem:s0+$0xFFFFFFC0]  }
0x4ad: {  	v17 =	vld [tilespmem:s0+$0xFFFFFF20];
	(v2sf) =	vpush v29, $0xF  }
0x4ae: {  	v23 =	vld [tilespmem:s0+$0xFFFFFF90]  }
0x4af: {  	v31 =	vld [tilespmem:s0+$0xFFFFFE90];
	v29, _, _ =	vpop (xrf2)  }
0x4b0: {  	v30 =	vld [tilespmem:s0+$0xFFFFFF10];
	(v2sf) =	vpush v29, $0xF  }
0x4b1: {  	v38 =	vmul.f32 v42, v2;
	v27 =	vld [tilespmem:s0+$0xFFFFFF40]  }
0x4b2: {  	v36 =	vmul.f32 v41, v3;
	v35 =	vmul.f32 v60, v4;
	v26 =	vld [tilespmem:s0+$0xFFFFFF30];
	v62, _, _ =	vpop (xrf2)  }
0x4b3: {  	v32 =	vmul.f32 v61, v9;
	v28 =	vld [tilespmem:s0+$0xFFFFFF50];
	v19 =	vmul.f32 v51, v8;
	(v2sf) =	vpush v62, $0xF  }
0x4b4: {  	v25 =	vld [tilespmem:s0+$0xFFFFFDB0];
	v11 =	vmul.f32 v52, v6;
	v18 =	vmul.f32 v23, v9  }
0x4b5: {  	v22 =	vld [tilespmem:s0+$0xFFFFFE10];
	v14 =	vmul.f32 v30, v9;
	v15 =	vmul.f32 v17, v8;
	v63, _, _ =	vpop (xrf2)  }
0x4b6: {  	v24 =	vld [tilespmem:s0+$0xFFFFFDA0];
	v17 =	vmul.f32 v27, v7;
	v27 =	vmul.f32 v56, v8;
	s14 =	spop (v2sf);
	(v2sf) =	vpush v63, $0xF  }
0x4b7: {  	v30 =	vld [tilespmem:s0+$0xFFFFFDD0];
	v16 =	vmul.f32 v26, v6;
	v12 =	vmul.f32 v21, v7  }
0x4b8: {  	v26 =	vld [tilespmem:s0+$0xFFFFFDC0];
	v21 =	vmul.f32 v31, v9;
	v13 =	vmul.f32 v28, v5  }
0x4b9: {  	v33 =	vld [tilespmem:s0+$0xFFFFFDE0];
	v28 =	vmul.f32 v57, v6;
	v31 =	vmul.f32 v58, v7  }
0x4ba: {  	s13 =	simm.s32 $0xA;
	s11 =	simm.s32 $0x5;
	s1 =	simm.f32 $-Inf;
	v34 =	vld [tilespmem:s0+$0xFFFFFDF0];
	v23 =	vmul.f32 v22, v9;
	v22 =	vmul.f32 v55, v8  }
0x4bb: {  	s12 =	simm.s32 $0x0;
	s3 =	simm.s32 $0x0;
	v20 =	vld [tilespmem:s0+$0xFFFFFEB0];
	v10 =	vmul.f32 v54, v5;
	v29 =	vmul.f32 v59, v5;
	p2 =	sgt.f32 s14, s1  }
.LBB2_17:
0x4bc: {  	p1 =	slt.u32 s13, $0x2D;
	v24 =	vmul.f32 v24, v8;
	v25 =	vmul.f32 v25, v6;
	v39 =	vld [tilespmem:s0+$0xFFFFFEC0];
	s15 =	spop (v2sf)  }
0x4bd: {  	v26 =	vmul.f32 v26, v7;
	v30 =	vmul.f32 v30, v5;
	v40 =	vld [tilespmem:s0+$0xFFFFFED0];
	s1 =	smov.u32 @p2 s14;
	s3 =	smov.u32 @p2 s12  }
0x4be: {  	v23 =	vadd.f32 v27, v23;
	v27 =	vadd.f32 v31, v28;
	v33 =	vmul.f32 v33, v4;
	v28 =	vld [tilespmem:s0+$0xFFFFFEE0];
	p2 =	sgt.f32 s15, s1  }
0x4bf: {  	v29 =	vadd.f32 v35, v29;
	s14 =	sadd.s32 $0x1, s12;
	v31 =	vmul.f32 v34, v3;
	v34 =	vadd.f32 v38, v36;
	v35 =	vld [tilespmem:s0+$0xFFFFFEF0];
	s16 =	spop (v2sf)  }
0x4c0: {  	v24 =	vadd.f32 v24, v32;
	v25 =	vadd.f32 v26, v25;
	v36 =	vmul.f32 v37, v2;
	v26 =	vld [tilespmem:s0+$0xFFFFFF00];
	s1 =	smov.u32 @p2 s15;
	s3 =	smov.u32 @p2 s14  }
0x4c1: {  	v20 =	vmul.f32 v20, v6;
	v23 =	vadd.f32 v27, v23;
	v27 =	vadd.f32 v34, v29;
	v29 =	vld [tilespmem:s0+$0xFFFFFF60];
	p2 =	sgt.f32 s16, s1  }
0x4c2: {  	v30 =	vadd.f32 v33, v30;
	s14 =	sadd.s32 $0x2, s12;
	v32 =	vmul.f32 v39, v7;
	v31 =	vadd.f32 v36, v31;
	v33 =	vld [tilespmem:s0+$0xFFFFFF70];
	s15 =	spop (v2sf)  }
0x4c3: {  	v23 =	vadd.f32 v27, v23;
	v27 =	vmul.f32 v40, v5;
	v28 =	vmul.f32 v28, v4;
	v34 =	vld [tilespmem:s0+$0xFFFFFF80];
	s1 =	smov.u32 @p2 s16;
	s3 =	smov.u32 @p2 s14  }
0x4c4: {  	v24 =	vadd.f32 v25, v24;
	v25 =	vadd.f32 v31, v30;
	v30 =	vmul.f32 v35, v3;
	v31 =	vld [tilespmem:s0+$0xFFFFFFE0];
	p2 =	sgt.f32 s15, s1  }
0x4c5: {  	v21 =	vadd.f32 v22, v21;
	v18 =	vadd.f32 v19, v18;
	s14 =	sadd.s32 $0x3, s12;
	v26 =	vmul.f32 v26, v2;
	v22 =	vld [tilespmem:s0+$0xFFFFFFF0];
	(xrf2) =	vadd.scan.msk.f32 $0xffff, v23;
	s16 =	spop (v2sf)  }
0x4c6: {  	v20 =	vadd.f32 v32, v20;
	v19 =	vadd.f32 v25, v24;
	v23 =	vmul.f32 v29, v4;
	v24 =	vld [tilespmem:s0+$0x0];
	s0 =	sadd.s32 $0x280, s0;
	s1 =	smov.u32 @p2 s15;
	s3 =	smov.u32 @p2 s14  }
0x4c7: {  	v27 =	vadd.f32 v28, v27;
	v25 =	vld [tilespmem:s0+$0xFFFFFF90];
	v26 =	vadd.f32 v26, v30;
	v28 =	vmul.f32 v33, v3;
	p2 =	sgt.f32 s16, s1  }
0x4c8: {  	v14 =	vadd.f32 v15, v14;
	v15 =	vadd.f32 v17, v16;
	s14 =	sadd.s32 $0x4, s12;
	s12 =	smov.u32 s11;
	s11 =	smov.u32 s13;
	v29 =	vld [tilespmem:s0+$0xFFFFFFA0];
	v30 =	vmul.f32 v34, v2;
	(xrf2) =	vadd.scan.msk.f32 $0xffff, v19  }
0x4c9: {  	v17 =	vadd.f32 v20, v21;
	v16 =	vld [tilespmem:s0+$0xFFFFFFB0];
	v19 =	vadd.f32 v26, v27;
	v20 =	vmul.f32 v31, v4;
	s1 =	smov.u32 @p2 s16;
	s3 =	smov.u32 @p2 s14  }
0x4ca: {  	v13 =	vadd.f32 v23, v13;
	v21 =	vld [tilespmem:s0+$0xFFFFFFC0];
	v23 =	vadd.f32 v30, v28;
	v22 =	vmul.f32 v22, v3  }
0x4cb: {  	v11 =	vadd.f32 v12, v11;
	v26 =	vld [tilespmem:s0+$0xFFFFFFD0];
	v17 =	vadd.f32 v19, v17;
	v19 =	vmul.f32 v24, v2  }
0x4cc: {  	v12 =	vadd.f32 v15, v14;
	v24 =	vld [tilespmem:s0+$0xFFFFFF10];
	v13 =	vadd.f32 v23, v13  }
0x4cd: {  	v10 =	vadd.f32 v20, v10;
	v15 =	vld [tilespmem:s0+$0xFFFFFF20];
	v19 =	vadd.f32 v19, v22;
	(xrf2) =	vadd.scan.msk.f32 $0xffff, v17  }
0x4ce: {  	v17 =	vld [tilespmem:s0+$0xFFFFFF30];
	v12 =	vadd.f32 v13, v12  }
0x4cf: {  	v18 =	vadd.f32 v11, v18;
	v13 =	vld [tilespmem:s0+$0xFFFFFF40];
	v10 =	vadd.f32 v19, v10;
	v14, _, _ =	vpop (xrf2)  }
0x4d0: {  	v22 =	vld [tilespmem:s0+$0xFFFFFF50];
	(xrf2) =	vadd.scan.msk.f32 $0xffff, v12  }
0x4d1: {  	v23 =	vld [tilespmem:s0+$0xFFFFFE90];
	v10 =	vadd.f32 v10, v18  }
0x4d2: {  	v27 =	vld [tilespmem:s0+$0xFFFFFEA0];
	v11, _, _ =	vpop (xrf2)  }
0x4d3: {  	v20 =	vld [tilespmem:s0+$0xFFFFFEB0];
	(v2sf) =	vpush v11, $0xF;
	(xrf2) =	vadd.scan.msk.f32 $0xffff, v10  }
0x4d4: {  	v28 =	vld [tilespmem:s0+$0xFFFFFE10]  }
0x4d5: {  	v31 =	vld [tilespmem:s0+$0xFFFFFE20];
	(v2sf) =	vpush v14, $0xF  }
0x4d6: {  	v32 =	vld [tilespmem:s0+$0xFFFFFE30]  }
0x4d7: {  	v34 =	vld [tilespmem:s0+$0xFFFFFE40];
	v10, _, _ =	vpop (xrf2)  }
0x4d8: {  	v35 =	vld [tilespmem:s0+$0xFFFFFE50];
	(v2sf) =	vpush v10, $0xF  }
0x4d9: {  	v18 =	vmul.f32 v25, v9;
	v36 =	vld [tilespmem:s0+$0xFFFFFE60]  }
0x4da: {  	v19 =	vmul.f32 v29, v8;
	v11 =	vmul.f32 v16, v6;
	v37 =	vld [tilespmem:s0+$0xFFFFFE70];
	v14, _, _ =	vpop (xrf2)  }
0x4db: {  	v12 =	vmul.f32 v21, v7;
	v10 =	vmul.f32 v26, v5;
	v38 =	vld [tilespmem:s0+$0xFFFFFE80];
	(v2sf) =	vpush v14, $0xF  }
0x4dc: {  	v15 =	vmul.f32 v15, v8;
	v14 =	vmul.f32 v24, v9;
	v39 =	vld [tilespmem:s0+$0xFFFFFD90]  }
0x4dd: {  	v16 =	vmul.f32 v17, v6;
	v17 =	vmul.f32 v13, v7;
	v24 =	vld [tilespmem:s0+$0xFFFFFDA0];
	v26, _, _ =	vpop (xrf2)  }
0x4de: {  	v13 =	vmul.f32 v22, v5;
	v21 =	vmul.f32 v23, v9;
	v25 =	vld [tilespmem:s0+$0xFFFFFDB0];
	(v2sf) =	vpush v26, $0xF  }
.Ltmp9:
0x4df: {  	v22 =	vmul.f32 v27, v8;
	v23 =	vmul.f32 v28, v9;
	v26 =	vld [tilespmem:s0+$0xFFFFFDC0];
	(pc) =	sbr.rel @p1 .LBB2_17-.Ltmp9, $4  }
0x4e0: {  	v27 =	vmul.f32 v31, v8;
	v28 =	vmul.f32 v32, v6;
	v30 =	vld [tilespmem:s0+$0xFFFFFDD0]  }
0x4e1: {  	v31 =	vmul.f32 v34, v7;
	v29 =	vmul.f32 v35, v5;
	v33 =	vld [tilespmem:s0+$0xFFFFFDE0]  }
0x4e2: {  	v35 =	vmul.f32 v36, v4;
	v36 =	vmul.f32 v37, v3;
	v34 =	vld [tilespmem:s0+$0xFFFFFDF0];
	s14 =	spop (v2sf)  }
0x4e3: {  	s13 =	sadd.s32 $0x5, s13;
	v38 =	vmul.f32 v38, v2;
	v32 =	vmul.f32 v39, v9;
	v37 =	vld [tilespmem:s0+$0xFFFFFE00];
	p2 =	sgt.f32 s14, s1  }
0x4e4: {  	v24 =	vmul.f32 v24, v8;
	v25 =	vmul.f32 v25, v6;
	v23 =	vadd.f32 v27, v23  }
0x4e5: {  	v39 =	vld [tilespmem:s0+$0xFFFFFEC0];
	v26 =	vmul.f32 v26, v7;
	v27 =	vadd.f32 v31, v28;
	v29 =	vadd.f32 v35, v29  }
0x4e6: {  	v40 =	vld [tilespmem:s0+$0xFFFFFED0];
	v21 =	vadd.f32 v22, v21;
	v18 =	vadd.f32 v19, v18;
	v30 =	vmul.f32 v30, v5  }
0x4e7: {  	v28 =	vld [tilespmem:s0+$0xFFFFFEE0];
	v48 =	vadd.f32 v38, v36;
	v33 =	vmul.f32 v33, v4;
	v24 =	vadd.f32 v24, v32  }
0x4e8: {  	v49 =	vld [tilespmem:s0+$0xFFFFFEF0];
	v25 =	vadd.f32 v26, v25;
	v31 =	vmul.f32 v34, v3;
	v50 =	vmul.f32 v37, v2  }
0x4e9: {  	v26 =	vld [tilespmem:s0+$0xFFFFFF00];
	v23 =	vadd.f32 v27, v23;
	v29 =	vadd.f32 v48, v29  }
0x4ea: {  	v52 =	vld [tilespmem:s0+$0xFFFFFF70];
	v30 =	vadd.f32 v33, v30;
	v31 =	vadd.f32 v50, v31  }
0x4eb: {  	v20 =	vmul.f32 v20, v6;
	v14 =	vadd.f32 v15, v14;
	v27 =	vld [tilespmem:s0+$0xFFFFFF60];
	v24 =	vadd.f32 v25, v24  }
0x4ec: {  	v54 =	vld [tilespmem:s0+$0xFFFFFF80];
	v51 =	vmul.f32 v39, v7;
	v23 =	vadd.f32 v29, v23;
	v25 =	vadd.f32 v31, v30  }
0x4ed: {  	v22 =	vld [tilespmem:s0+$0xFFFFFFF0];
	v15 =	vadd.f32 v17, v16;
	v53 =	vmul.f32 v40, v5;
	v28 =	vmul.f32 v28, v4  }
0x4ee: {  	v29 =	vmul.f32 v49, v3;
	v26 =	vmul.f32 v26, v2;
	(xrf2) =	vadd.scan.msk.f32 $0xffff, v23;
	v23 =	vld [tilespmem:s0+$0x0];
	v24 =	vadd.f32 v25, v24  }
0x4ef: {  	v11 =	vadd.f32 v12, v11;
	v19 =	vadd.f32 v51, v20;
	v30 =	vld [tilespmem:s0+$0xFFFFFFE0]  }
0x4f0: {  	v20 =	vmul.f32 v27, v4;
	v26 =	vadd.f32 v26, v29;
	v25 =	vadd.f32 v28, v53;
	(xrf2) =	vadd.scan.msk.f32 $0xffff, v24  }
0x4f1: {  	v12 =	vadd.f32 v15, v14;
	v27 =	vmul.f32 v52, v3;
	v24 =	vmul.f32 v54, v2  }
0x4f2: {  	v16 =	vadd.f32 v19, v21;
	v17 =	vadd.f32 v26, v25  }
0x4f3: {  	v13 =	vadd.f32 v20, v13;
	v21 =	vmul.f32 v22, v3;
	v20 =	vadd.f32 v24, v27  }
0x4f4: {  	v19 =	vmul.f32 v30, v4;
	v16 =	vadd.f32 v17, v16;
	v17 =	vmul.f32 v23, v2  }
0x4f5: {  	v11 =	vadd.f32 v11, v18;
	v13 =	vadd.f32 v20, v13  }
0x4f6: {  	v10 =	vadd.f32 v19, v10;
	v14 =	vadd.f32 v17, v21;
	(xrf2) =	vadd.scan.msk.f32 $0xffff, v16  }
0x4f7: {  	v12 =	vadd.f32 v13, v12  }
0x4f8: {  	v10 =	vadd.f32 v14, v10  }
0x4f9: {  	v13, _, _ =	vpop (xrf2);
	(xrf2) =	vadd.scan.msk.f32 $0xffff, v12  }
0x4fa: {  	v10 =	vadd.f32 v10, v11;
	v11, _, _ =	vpop (xrf2)  }
0x4fb: {  	(v2sf) =	vpush v11, $0xF  }
0x4fc: {  	(xrf2) =	vadd.scan.msk.f32 $0xffff, v10;
	_ =	sdelay $0x1  }
0x4fd: {  	s1 =	smov.u32 @p2 s14;
	s0 =	spop (v2sf);
	(v2sf) =	vpush v13, $0xF  }
0x4fe: {  	p1 =	sgt.f32 s0, s1  }
0x4ff: {  	v10, _, _ =	vpop (xrf2)  }
0x500: {  	s13 =	spop (v2sf);
	s1 =	smov.u32 @p1 s0;
	(v2sf) =	vpush v10, $0xF  }
0x501: {  	p3 =	sgt.f32 s13, s1  }
0x502: {  	v10, _, _ =	vpop (xrf2)  }
0x503: {  	s0 =	spop (v2sf);
	s1 =	smov.u32 @p3 s13;
	(v2sf) =	vpush v10, $0xF  }
0x504: {  	p4 =	sgt.f32 s0, s1  }
0x505: {  	v10, _, _ =	vpop (xrf2)  }
0x506: {  	s13 =	spop (v2sf);
	s1 =	smov.u32 @p4 s0;
	(v2sf) =	vpush v10, $0xF  }
0x507: {  	p5 =	sgt.f32 s13, s1;
	_ =	sdelay $0x1  }
0x508: {  	s1 =	smov.u32 @p5 s13;
	s0 =	spop (v2sf)  }
0x509: {  	p6 =	sgt.f32 s0, s1  }
0x50a: {  	s3 =	smov.u32 @p2 s12  }
0x50b: {  	s13 =	sadd.s32 $0x1, s12;
	s14 =	spop (v2sf);
	s1 =	smov.u32 @p6 s0  }
0x50c: {  	s3 =	smov.u32 @p1 s13;
	p1 =	sgt.f32 s14, s1;
	_ =	sdelay $0x1  }
0x50d: {  	s0 =	sadd.s32 $0x2, s12;
	s13 =	spop (v2sf);
	s1 =	smov.u32 @p1 s14  }
0x50e: {  	s3 =	smov.u32 @p3 s0;
	s0 =	sadd.s32 $0x3, s12;
	p2 =	sgt.f32 s13, s1  }
0x50f: {  	s3 =	smov.u32 @p4 s0;
	s0 =	sadd.s32 $0x4, s12  }
0x510: {  	s3 =	smov.u32 @p5 s0;
	s0 =	spop (v2sf);
	s1 =	smov.u32 @p2 s13  }
0x511: {  	s12 =	sadd.s32 $0x1, s11;
	s3 =	smov.u32 @p6 s11;
	p3 =	sgt.f32 s0, s1  }
0x512: {  	s30 =	sor.u32 $0x3, s31;
	s3 =	smov.u32 @p1 s12  }
0x513: {  	s12 =	sadd.s32 $0x2, s11;
	s19 =	spop (v2sf);
	s1 =	smov.u32 @p3 s0  }
0x514: {  	v10 =	vmov s30;
	s3 =	smov.u32 @p2 s12;
	s12 =	sadd.s32 $0x3, s11;
	p1 =	sgt.f32 s19, s1  }
0x515: {  	v10 =	vmul.u32 $0x68, v10;
	s3 =	smov.u32 @p3 s12;
	s0 =	sadd.s32 $0x4, s11  }
0x516: {  	s3 =	smov.u32 @p1 s0  }
0x517: {  	v10 =	vbroadcast v10, $0x0;
	v11 =	vmov s3  }
0x518: {  	v12 =	vand.u32 $0xFFFFFFF8, v11  }
0x519: {  	v11 =	vand.u32 $0x7, v11;
	v12 =	vadd.s32 v10, v12  }
0x51a: {  	v11 =	vor.u32 v11, v12;
	_ =	sdelay $0x2  }
0x51b: {  	v12 =	vadd.s32 $0x6, v1  }
0x51c: {  	s0 =	simm.s32 $0x0;
	v12 =	vbroadcast v12, $0x0  }
0x51d: {  	v11 =	vld.idx.msk [tilespmem:v11+s0+$0x0], $0xffff;
	_ =	sdelay $0x4  }
0x51e: {  	s31 =	simm.s32 $0xF320;
	[tilespmem:v12+s23+$0x0] =	vst.idx.msk $0x1, v11  }
0x51f: {  	v11 =	vld [tilespmem:s31+$0x200]  }
0x520: {  	v12 =	vld [tilespmem:s31+$0x210]  }
0x521: {  	v13 =	vld [tilespmem:s31+$0x220]  }
0x522: {  	v14 =	vld [tilespmem:s31+$0x230]  }
0x523: {  	v16 =	vld [tilespmem:s31+$0x180]  }
0x524: {  	v17 =	vld [tilespmem:s31+$0x190]  }
0x525: {  	v18 =	vld [tilespmem:s31+$0x1A0]  }
0x526: {  	v19 =	vld [tilespmem:s31+$0x1B0]  }
0x527: {  	v24 =	vld [tilespmem:s31+$0x80]  }
0x528: {  	v25 =	vld [tilespmem:s31+$0x90]  }
0x529: {  	v26 =	vld [tilespmem:s31+$0xA0]  }
0x52a: {  	v27 =	vld [tilespmem:s31+$0xB0]  }
0x52b: {  	v28 =	vld [tilespmem:s31+$0xC0]  }
0x52c: {  	v29 =	vld [tilespmem:s31+$0xD0]  }
0x52d: {  	v30 =	vld [tilespmem:s31+$0xE0]  }
0x52e: {  	v31 =	vld [tilespmem:s31+$0xF0]  }
0x52f: {  	v55 =	vld [tilespmem:s31+$0x0]  }
0x530: {  	v56 =	vld [tilespmem:s31+$0x10]  }
0x531: {  	v57 =	vld [tilespmem:s31+$0x20]  }
0x532: {  	v58 =	vld [tilespmem:s31+$0x30];
	v11 =	vmul.f32 v11, v9  }
0x533: {  	v59 =	vld [tilespmem:s31+$0x40];
	v24 =	vmul.f32 v24, v9;
	v25 =	vmul.f32 v25, v8  }
0x534: {  	v60 =	vld [tilespmem:s31+$0x50];
	v26 =	vmul.f32 v26, v6;
	v27 =	vmul.f32 v27, v7  }
0x535: {  	v20 =	vld [tilespmem:s31+$0x1C0];
	v28 =	vmul.f32 v28, v5;
	v29 =	vmul.f32 v29, v4  }
0x536: {  	v61 =	vld [tilespmem:s31+$0x60];
	v30 =	vmul.f32 v30, v3;
	v32 =	vmul.f32 v55, v9  }
0x537: {  	v62 =	vld [tilespmem:s31+$0x70];
	v31 =	vmul.f32 v31, v2;
	v33 =	vmul.f32 v56, v8  }
0x538: {  	v21 =	vld [tilespmem:s31+$0x100];
	v34 =	vmul.f32 v57, v6;
	v35 =	vmul.f32 v58, v7  }
0x539: {  	v22 =	vld [tilespmem:s31+$0x110];
	v36 =	vmul.f32 v59, v5;
	v37 =	vmul.f32 v60, v4  }
0x53a: {  	v23 =	vld [tilespmem:s31+$0x120];
	v12 =	vmul.f32 v12, v8;
	v13 =	vmul.f32 v13, v6  }
0x53b: {  	v63 =	vld [tilespmem:s31+$0x130];
	v24 =	vadd.f32 v25, v24;
	v26 =	vadd.f32 v27, v26;
	v27 =	vmul.f32 v61, v3  }
0x53c: {  	v41 =	vld [tilespmem:s31+$0x140];
	v28 =	vadd.f32 v29, v28;
	v29 =	vadd.f32 v31, v30;
	v30 =	vmul.f32 v62, v2  }
0x53d: {  	v44 =	vld [tilespmem:s31+$0x160];
	v16 =	vmul.f32 v16, v9;
	v32 =	vadd.f32 v33, v32;
	v45 =	vadd.f32 v35, v34  }
0x53e: {  	v17 =	vmul.f32 v17, v8;
	v25 =	vld [tilespmem:s31+$0x150];
	v47 =	vadd.f32 v37, v36;
	v27 =	vadd.f32 v30, v27  }
0x53f: {  	v18 =	vmul.f32 v18, v6;
	v31 =	vld [tilespmem:s31+$0x170];
	v24 =	vadd.f32 v26, v24;
	v26 =	vadd.f32 v29, v28  }
0x540: {  	v46 =	vld [tilespmem:s31+$0x1D0];
	v19 =	vmul.f32 v19, v7;
	v29 =	vadd.f32 v45, v32;
	v27 =	vadd.f32 v27, v47  }
0x541: {  	v21 =	vmul.f32 v21, v9;
	v22 =	vmul.f32 v22, v8;
	v30 =	vld [tilespmem:s31+$0x1E0];
	v24 =	vadd.f32 v26, v24  }
0x542: {  	v23 =	vmul.f32 v23, v6;
	v49 =	vmul.f32 v63, v7;
	v28 =	vld [tilespmem:s31+$0x1F0];
	v27 =	vadd.f32 v27, v29  }
0x543: {  	v15 =	vld [tilespmem:s31+$0x240];
	v52 =	vmul.f32 v44, v3;
	v21 =	vadd.f32 v22, v21;
	v25 =	vmul.f32 v25, v4;
	(xrf2) =	vadd.scan.msk.f32 $0xffff, v24  }
0x544: {  	v11 =	vadd.f32 v12, v11;
	v26 =	vld [tilespmem:s31+$0x260];
	v31 =	vmul.f32 v31, v2;
	(xrf2) =	vadd.scan.msk.f32 $0xffff, v27;
	v27 =	vmul.f32 v41, v5  }
0x545: {  	v20 =	vmul.f32 v20, v5;
	v12 =	vadd.f32 v49, v23;
	v16 =	vadd.f32 v17, v16;
	v29 =	vld [tilespmem:s31+$0x270]  }
0x546: {  	s1 =	simm.s32 $0xF5A0;
	v48 =	vld [tilespmem:s31+$0x250];
	v23 =	vmul.f32 v46, v4;
	v25 =	vadd.f32 v25, v27;
	v27 =	vadd.f32 v31, v52  }
0x547: {  	v50 =	vld [tilespmem:s1+$0x210];
	v17 =	vadd.f32 v19, v18;
	v30 =	vmul.f32 v30, v3;
	v28 =	vmul.f32 v28, v2  }
0x548: {  	v51 =	vld [tilespmem:s1+$0x220];
	v14 =	vmul.f32 v14, v7;
	v12 =	vadd.f32 v12, v21;
	v19 =	vadd.f32 v27, v25  }
0x549: {  	v53 =	vld [tilespmem:s1+$0x240];
	v15 =	vmul.f32 v15, v5;
	v20 =	vadd.f32 v23, v20;
	v23 =	vadd.f32 v28, v30  }
0x54a: {  	v54 =	vld [tilespmem:s1+$0x100];
	v25 =	vmul.f32 v26, v3;
	v12 =	vadd.f32 v19, v12;
	v19 =	vmul.f32 v29, v2  }
0x54b: {  	v42 =	vld [tilespmem:s1+$0xE0];
	v13 =	vadd.f32 v14, v13;
	v21 =	vmul.f32 v48, v4;
	v14 =	vadd.f32 v17, v16  }
0x54c: {  	v43 =	vld [tilespmem:s1+$0xF0];
	v16 =	vadd.f32 v19, v25;
	v19 =	vadd.f32 v23, v20  }
0x54d: {  	v38 =	vld [tilespmem:s1+$0x70];
	v15 =	vadd.f32 v21, v15;
	v30, _, _ =	vpop (xrf2);
	(xrf2) =	vadd.scan.msk.f32 $0xffff, v12  }
0x54e: {  	v55 =	vld [tilespmem:s1+$0x110];
	v11 =	vadd.f32 v13, v11;
	v17, _, _ =	vpop (xrf2);
	v14 =	vadd.f32 v19, v14  }
0x54f: {  	v56 =	vld [tilespmem:s1+$0x90];
	v13 =	vadd.f32 v16, v15;
	(v2sf) =	vpush v17, $0xF  }
0x550: {  	v57 =	vld [tilespmem:s1+$0xA0];
	(xrf2) =	vadd.scan.msk.f32 $0xffff, v14  }
0x551: {  	v58 =	vld [tilespmem:s1+$0xB0];
	v11 =	vadd.f32 v13, v11  }
0x552: {  	v59 =	vld [tilespmem:s1+$0xC0]  }
0x553: {  	v60 =	vld [tilespmem:s1+$0xD0];
	(xrf2) =	vadd.scan.msk.f32 $0xffff, v11  }
0x554: {  	v22 =	vld [tilespmem:s1+$0x230]  }
0x555: {  	v18 =	vld [tilespmem:s1+$0x190];
	(v2sf) =	vpush v30, $0xF  }
0x556: {  	v61 =	vld [tilespmem:s1+$0x0]  }
0x557: {  	v24 =	vld [tilespmem:s1+$0x200];
	v30, _, _ =	vpop (xrf2)  }
0x558: {  	v31 =	vld [tilespmem:s1+$0x180];
	(v2sf) =	vpush v30, $0xF  }
0x559: {  	v39 =	vmul.f32 v43, v2;
	v28 =	vld [tilespmem:s1+$0x1B0]  }
0x55a: {  	v37 =	vmul.f32 v42, v3;
	v32 =	vmul.f32 v58, v7;
	v27 =	vld [tilespmem:s1+$0x1A0];
	v62, _, _ =	vpop (xrf2)  }
0x55b: {  	v36 =	vmul.f32 v60, v4;
	v33 =	vmul.f32 v61, v9;
	v26 =	vld [tilespmem:s1+$0x20];
	(v2sf) =	vpush v62, $0xF  }
0x55c: {  	v29 =	vld [tilespmem:s1+$0x1C0];
	v20 =	vmul.f32 v50, v8;
	v12 =	vmul.f32 v51, v6  }
0x55d: {  	v23 =	vld [tilespmem:s1+$0x80];
	v19 =	vmul.f32 v24, v9;
	v15 =	vmul.f32 v31, v9;
	v63, _, _ =	vpop (xrf2)  }
0x55e: {  	v25 =	vld [tilespmem:s1+$0x10];
	v16 =	vmul.f32 v18, v8;
	v18 =	vmul.f32 v28, v7;
	s14 =	spop (v2sf);
	(v2sf) =	vpush v63, $0xF  }
0x55f: {  	v31 =	vld [tilespmem:s1+$0x40];
	v28 =	vmul.f32 v56, v8;
	v17 =	vmul.f32 v27, v6  }
0x560: {  	v27 =	vld [tilespmem:s1+$0x30];
	v13 =	vmul.f32 v22, v7;
	v22 =	vmul.f32 v54, v9  }
0x561: {  	v34 =	vld [tilespmem:s1+$0x50];
	v14 =	vmul.f32 v29, v5;
	v29 =	vmul.f32 v57, v6  }
0x562: {  	s13 =	simm.s32 $0xA;
	s11 =	simm.f32 $-Inf;
	v35 =	vld [tilespmem:s1+$0x60];
	v24 =	vmul.f32 v23, v9;
	v23 =	vmul.f32 v55, v8  }
0x563: {  	s12 =	simm.s32 $0x0;
	s3 =	simm.s32 $0x5;
	v21 =	vld [tilespmem:s1+$0x120];
	v11 =	vmul.f32 v53, v5;
	v30 =	vmul.f32 v59, v5;
	p2 =	sgt.f32 s14, s11  }
.LBB2_19:
0x564: {  	p1 =	slt.u32 s13, $0x2D;
	v25 =	vmul.f32 v25, v8;
	v26 =	vmul.f32 v26, v6;
	v40 =	vld [tilespmem:s1+$0x130];
	s15 =	spop (v2sf)  }
0x565: {  	v27 =	vmul.f32 v27, v7;
	v31 =	vmul.f32 v31, v5;
	v41 =	vld [tilespmem:s1+$0x140];
	s11 =	smov.u32 @p2 s14;
	s0 =	smov.u32 @p2 s12  }
0x566: {  	v24 =	vadd.f32 v28, v24;
	v28 =	vadd.f32 v32, v29;
	v34 =	vmul.f32 v34, v4;
	v29 =	vld [tilespmem:s1+$0x150];
	p2 =	sgt.f32 s15, s11  }
0x567: {  	v30 =	vadd.f32 v36, v30;
	s14 =	sadd.s32 $0x1, s12;
	v32 =	vmul.f32 v35, v3;
	v35 =	vadd.f32 v39, v37;
	v36 =	vld [tilespmem:s1+$0x160];
	s16 =	spop (v2sf)  }
0x568: {  	v25 =	vadd.f32 v25, v33;
	v26 =	vadd.f32 v27, v26;
	v37 =	vmul.f32 v38, v2;
	v27 =	vld [tilespmem:s1+$0x170];
	s11 =	smov.u32 @p2 s15;
	s0 =	smov.u32 @p2 s14  }
0x569: {  	v21 =	vmul.f32 v21, v6;
	v24 =	vadd.f32 v28, v24;
	v28 =	vadd.f32 v35, v30;
	v30 =	vld [tilespmem:s1+$0x1D0];
	p2 =	sgt.f32 s16, s11  }
0x56a: {  	v31 =	vadd.f32 v34, v31;
	s14 =	sadd.s32 $0x2, s12;
	v33 =	vmul.f32 v40, v7;
	v32 =	vadd.f32 v37, v32;
	v34 =	vld [tilespmem:s1+$0x1E0];
	s15 =	spop (v2sf)  }
0x56b: {  	v24 =	vadd.f32 v28, v24;
	v28 =	vmul.f32 v41, v5;
	v29 =	vmul.f32 v29, v4;
	v35 =	vld [tilespmem:s1+$0x1F0];
	s11 =	smov.u32 @p2 s16;
	s0 =	smov.u32 @p2 s14  }
0x56c: {  	v25 =	vadd.f32 v26, v25;
	v26 =	vadd.f32 v32, v31;
	v31 =	vmul.f32 v36, v3;
	v32 =	vld [tilespmem:s1+$0x250];
	p2 =	sgt.f32 s15, s11  }
0x56d: {  	v22 =	vadd.f32 v23, v22;
	v19 =	vadd.f32 v20, v19;
	s14 =	sadd.s32 $0x3, s12;
	v27 =	vmul.f32 v27, v2;
	v23 =	vld [tilespmem:s1+$0x260];
	(xrf2) =	vadd.scan.msk.f32 $0xffff, v24;
	s16 =	spop (v2sf)  }
0x56e: {  	v21 =	vadd.f32 v33, v21;
	v20 =	vadd.f32 v26, v25;
	v24 =	vmul.f32 v30, v4;
	v25 =	vld [tilespmem:s1+$0x270];
	s1 =	sadd.s32 $0x280, s1;
	s11 =	smov.u32 @p2 s15;
	s0 =	smov.u32 @p2 s14  }
0x56f: {  	v28 =	vadd.f32 v29, v28;
	v26 =	vld [tilespmem:s1+$0x200];
	v27 =	vadd.f32 v27, v31;
	v29 =	vmul.f32 v34, v3;
	p2 =	sgt.f32 s16, s11  }
0x570: {  	v15 =	vadd.f32 v16, v15;
	v16 =	vadd.f32 v18, v17;
	s14 =	sadd.s32 $0x4, s12;
	s12 =	smov.u32 s3;
	s3 =	smov.u32 s13;
	v30 =	vld [tilespmem:s1+$0x210];
	v31 =	vmul.f32 v35, v2;
	(xrf2) =	vadd.scan.msk.f32 $0xffff, v20  }
0x571: {  	v18 =	vadd.f32 v21, v22;
	v17 =	vld [tilespmem:s1+$0x220];
	v20 =	vadd.f32 v27, v28;
	v21 =	vmul.f32 v32, v4;
	s11 =	smov.u32 @p2 s16;
	s0 =	smov.u32 @p2 s14  }
0x572: {  	v14 =	vadd.f32 v24, v14;
	v22 =	vld [tilespmem:s1+$0x230];
	v24 =	vadd.f32 v31, v29;
	v23 =	vmul.f32 v23, v3  }
0x573: {  	v12 =	vadd.f32 v13, v12;
	v27 =	vld [tilespmem:s1+$0x240];
	v18 =	vadd.f32 v20, v18;
	v20 =	vmul.f32 v25, v2  }
0x574: {  	v13 =	vadd.f32 v16, v15;
	v25 =	vld [tilespmem:s1+$0x180];
	v14 =	vadd.f32 v24, v14  }
0x575: {  	v11 =	vadd.f32 v21, v11;
	v16 =	vld [tilespmem:s1+$0x190];
	v20 =	vadd.f32 v20, v23;
	(xrf2) =	vadd.scan.msk.f32 $0xffff, v18  }
0x576: {  	v18 =	vld [tilespmem:s1+$0x1A0];
	v13 =	vadd.f32 v14, v13  }
0x577: {  	v19 =	vadd.f32 v12, v19;
	v14 =	vld [tilespmem:s1+$0x1B0];
	v11 =	vadd.f32 v20, v11;
	v15, _, _ =	vpop (xrf2)  }
0x578: {  	v23 =	vld [tilespmem:s1+$0x1C0];
	(xrf2) =	vadd.scan.msk.f32 $0xffff, v13  }
0x579: {  	v24 =	vld [tilespmem:s1+$0x100];
	v11 =	vadd.f32 v11, v19  }
0x57a: {  	v28 =	vld [tilespmem:s1+$0x110];
	v12, _, _ =	vpop (xrf2)  }
0x57b: {  	v21 =	vld [tilespmem:s1+$0x120];
	(v2sf) =	vpush v12, $0xF;
	(xrf2) =	vadd.scan.msk.f32 $0xffff, v11  }
0x57c: {  	v29 =	vld [tilespmem:s1+$0x80]  }
0x57d: {  	v32 =	vld [tilespmem:s1+$0x90];
	(v2sf) =	vpush v15, $0xF  }
0x57e: {  	v33 =	vld [tilespmem:s1+$0xA0]  }
0x57f: {  	v35 =	vld [tilespmem:s1+$0xB0];
	v11, _, _ =	vpop (xrf2)  }
0x580: {  	v36 =	vld [tilespmem:s1+$0xC0];
	(v2sf) =	vpush v11, $0xF  }
0x581: {  	v19 =	vmul.f32 v26, v9;
	v37 =	vld [tilespmem:s1+$0xD0]  }
0x582: {  	v20 =	vmul.f32 v30, v8;
	v12 =	vmul.f32 v17, v6;
	v38 =	vld [tilespmem:s1+$0xE0];
	v15, _, _ =	vpop (xrf2)  }
0x583: {  	v13 =	vmul.f32 v22, v7;
	v11 =	vmul.f32 v27, v5;
	v39 =	vld [tilespmem:s1+$0xF0];
	(v2sf) =	vpush v15, $0xF  }
0x584: {  	v16 =	vmul.f32 v16, v8;
	v15 =	vmul.f32 v25, v9;
	v40 =	vld [tilespmem:s1+$0x0]  }
0x585: {  	v17 =	vmul.f32 v18, v6;
	v18 =	vmul.f32 v14, v7;
	v25 =	vld [tilespmem:s1+$0x10];
	v27, _, _ =	vpop (xrf2)  }
0x586: {  	v14 =	vmul.f32 v23, v5;
	v22 =	vmul.f32 v24, v9;
	v26 =	vld [tilespmem:s1+$0x20];
	(v2sf) =	vpush v27, $0xF  }
.Ltmp10:
0x587: {  	v23 =	vmul.f32 v28, v8;
	v24 =	vmul.f32 v29, v9;
	v27 =	vld [tilespmem:s1+$0x30];
	(pc) =	sbr.rel @p1 .LBB2_19-.Ltmp10, $4  }
0x588: {  	v28 =	vmul.f32 v32, v8;
	v29 =	vmul.f32 v33, v6;
	v31 =	vld [tilespmem:s1+$0x40]  }
0x589: {  	v32 =	vmul.f32 v35, v7;
	v30 =	vmul.f32 v36, v5;
	v34 =	vld [tilespmem:s1+$0x50]  }
0x58a: {  	v36 =	vmul.f32 v37, v4;
	v37 =	vmul.f32 v38, v3;
	v35 =	vld [tilespmem:s1+$0x60];
	s14 =	spop (v2sf)  }
0x58b: {  	s13 =	sadd.s32 $0x5, s13;
	v39 =	vmul.f32 v39, v2;
	v33 =	vmul.f32 v40, v9;
	v38 =	vld [tilespmem:s1+$0x70];
	p2 =	sgt.f32 s14, s11  }
0x58c: {  	v8 =	vmul.f32 v25, v8;
	v55 =	vld [tilespmem:s1+$0x130];
	v24 =	vadd.f32 v28, v24;
	v59 =	vadd.f32 v32, v29  }
0x58d: {  	v9 =	vmul.f32 v26, v6;
	v58 =	vld [tilespmem:s1+$0x140];
	v30 =	vadd.f32 v36, v30;
	v22 =	vadd.f32 v23, v22  }
0x58e: {  	v56 =	vmul.f32 v27, v7;
	v60 =	vld [tilespmem:s1+$0x150];
	v53 =	vadd.f32 v20, v19;
	v15 =	vadd.f32 v16, v15  }
0x58f: {  	v63 =	vld [tilespmem:s1+$0x160];
	v57 =	vmul.f32 v31, v5;
	v62 =	vadd.f32 v39, v37;
	v34 =	vmul.f32 v34, v4  }
0x590: {  	v41 =	vld [tilespmem:s1+$0x170];
	v8 =	vadd.f32 v8, v33;
	v61 =	vmul.f32 v35, v3;
	v40 =	vmul.f32 v38, v2  }
0x591: {  	v42 =	vld [tilespmem:s1+$0x1D0];
	v9 =	vadd.f32 v56, v9;
	v24 =	vadd.f32 v59, v24  }
0x592: {  	v45 =	vld [tilespmem:s1+$0x1E0];
	v27 =	vadd.f32 v34, v57;
	v32 =	vadd.f32 v40, v61  }
0x593: {  	v43 =	vmul.f32 v21, v6;
	v47 =	vld [tilespmem:s1+$0x1F0];
	v30 =	vadd.f32 v62, v30;
	v8 =	vadd.f32 v9, v8  }
0x594: {  	v44 =	vmul.f32 v55, v7;
	v46 =	vmul.f32 v58, v5;
	v48 =	vadd.f32 v32, v27  }
0x595: {  	v51 =	vld [tilespmem:s1+$0x250];
	v24 =	vadd.f32 v30, v24;
	v49 =	vmul.f32 v60, v4;
	v50 =	vmul.f32 v63, v3  }
0x596: {  	v52 =	vld [tilespmem:s1+$0x260];
	v26 =	vmul.f32 v41, v2;
	v54 =	vmul.f32 v42, v4;
	v8 =	vadd.f32 v48, v8  }
0x597: {  	v55 =	vld [tilespmem:s1+$0x270];
	v21 =	vmul.f32 v45, v3;
	v58 =	vadd.f32 v18, v17;
	(xrf2) =	vadd.scan.msk.f32 $0xffff, v24;
	v6 =	vadd.f32 v44, v43  }
0x598: {  	v57 =	vmul.f32 v47, v2;
	v5 =	vadd.f32 v49, v46;
	v56 =	vadd.f32 v26, v50;
	(xrf2) =	vadd.scan.msk.f32 $0xffff, v8  }
0x599: {  	v7 =	vadd.f32 v54, v14;
	v6 =	vadd.f32 v6, v22  }
0x59a: {  	v5 =	vadd.f32 v56, v5;
	v8 =	vadd.f32 v57, v21  }
0x59b: {  	v59 =	vmul.f32 v51, v4;
	v3 =	vmul.f32 v52, v3;
	v61 =	vadd.f32 v58, v15  }
0x59c: {  	v2 =	vmul.f32 v55, v2;
	v5 =	vadd.f32 v5, v6;
	v7 =	vadd.f32 v8, v7  }
0x59d: {  	v60 =	vadd.f32 v13, v12;
	v4 =	vadd.f32 v59, v11  }
0x59e: {  	v2 =	vadd.f32 v2, v3;
	(xrf2) =	vadd.scan.msk.f32 $0xffff, v5;
	v3 =	vadd.f32 v7, v61;
	_ =	sdelay $0x1  }
0x59f: {  	v62 =	vadd.f32 v60, v53;
	v2 =	vadd.f32 v2, v4  }
0x5a0: {  	v63, _, _ =	vpop (xrf2);
	(xrf2) =	vadd.scan.msk.f32 $0xffff, v3  }
0x5a1: {  	v2 =	vadd.f32 v2, v62;
	v3, _, _ =	vpop (xrf2)  }
0x5a2: {  	(v2sf) =	vpush v3, $0xF  }
0x5a3: {  	(xrf2) =	vadd.scan.msk.f32 $0xffff, v2;
	_ =	sdelay $0x1  }
0x5a4: {  	s11 =	smov.u32 @p2 s14;
	s1 =	spop (v2sf);
	(v2sf) =	vpush v63, $0xF  }
0x5a5: {  	p1 =	sgt.f32 s1, s11  }
0x5a6: {  	v2, _, _ =	vpop (xrf2)  }
0x5a7: {  	s13 =	spop (v2sf);
	s11 =	smov.u32 @p1 s1;
	(v2sf) =	vpush v2, $0xF  }
0x5a8: {  	p3 =	sgt.f32 s13, s11  }
0x5a9: {  	v2, _, _ =	vpop (xrf2)  }
0x5aa: {  	s1 =	spop (v2sf);
	s11 =	smov.u32 @p3 s13;
	(v2sf) =	vpush v2, $0xF  }
0x5ab: {  	p4 =	sgt.f32 s1, s11  }
0x5ac: {  	v2, _, _ =	vpop (xrf2)  }
0x5ad: {  	s13 =	spop (v2sf);
	s11 =	smov.u32 @p4 s1;
	(v2sf) =	vpush v2, $0xF  }
0x5ae: {  	p5 =	sgt.f32 s13, s11;
	_ =	sdelay $0x1  }
0x5af: {  	s11 =	smov.u32 @p5 s13;
	s1 =	spop (v2sf)  }
0x5b0: {  	p6 =	sgt.f32 s1, s11  }
0x5b1: {  	s0 =	smov.u32 @p2 s12  }
0x5b2: {  	s13 =	sadd.s32 $0x1, s12;
	s14 =	spop (v2sf);
	s11 =	smov.u32 @p6 s1  }
0x5b3: {  	s0 =	smov.u32 @p1 s13;
	p1 =	sgt.f32 s14, s11;
	_ =	sdelay $0x1  }
0x5b4: {  	s13 =	spop (v2sf);
	s1 =	sadd.s32 $0x2, s12;
	s11 =	smov.u32 @p1 s14  }
0x5b5: {  	s0 =	smov.u32 @p3 s1;
	s1 =	sadd.s32 $0x3, s12;
	p2 =	sgt.f32 s13, s11  }
0x5b6: {  	s0 =	smov.u32 @p4 s1;
	s1 =	sadd.s32 $0x4, s12  }
0x5b7: {  	s0 =	smov.u32 @p5 s1;
	s1 =	spop (v2sf);
	s11 =	smov.u32 @p2 s13  }
0x5b8: {  	s12 =	sadd.s32 $0x1, s3;
	s0 =	smov.u32 @p6 s3;
	p3 =	sgt.f32 s1, s11  }
0x5b9: {  	s0 =	smov.u32 @p1 s12  }
0x5ba: {  	s12 =	sadd.s32 $0x2, s3;
	s31 =	spop (v2sf);
	s11 =	smov.u32 @p3 s1  }
0x5bb: {  	s0 =	smov.u32 @p2 s12;
	s1 =	sadd.s32 $0x3, s3;
	p1 =	sgt.f32 s31, s11  }
0x5bc: {  	s0 =	smov.u32 @p3 s1;
	s1 =	sadd.s32 $0x4, s3  }
0x5bd: {  	s0 =	smov.u32 @p1 s1  }
0x5be: {  	v2 =	vmov s0  }
0x5bf: {  	v2 =	vadd.s32 $0x32, v2  }
0x5c0: {  	v2 =	vbroadcast v2, $0x0;
	_ =	sdelay $0x1  }
0x5c1: {  	v3 =	vand.u32 $0xFFFFFFF8, v2  }
0x5c2: {  	v2 =	vand.u32 $0x7, v2;
	v3 =	vadd.s32 v10, v3  }
0x5c3: {  	v2 =	vor.u32 v2, v3;
	_ =	sdelay $0x2  }
0x5c4: {  	v1 =	vadd.s32 $0x7, v1  }
0x5c5: {  	v1 =	vbroadcast v1, $0x0  }
0x5c6: {  	v2 =	vld.idx.msk [tilespmem:v2+s4+$0x0], $0xffff  }
.Ltmp11:
0x5c7: {  	_ = 	snop;
	(pc) =	sbr.rel @p0 .LBB2_22-.Ltmp11, $2  }
0x5c8: {  	_ =	sdelay $0x2  }
0x5c9: {  	[tilespmem:v1+s23+$0x0] =	vst.idx.msk $0x1, v2  }
0x5ca: {  	s0 =	smul.u32 $0x680, s29  }
.Ltmp12:
0x5cb: {  	_ = 	snop;
	(pc) =	sbr.rel .LBB2_4-.Ltmp12, $4  }
0x5cc: {  	_ = 	snop  }
0x5cd: {  	s0 =	sshra.s32 s0, $0x2  }
0x5ce: {  	s29 =	sadd.s32 $0x1, s29;
	s0 =	sadd.s32 $0x2D8, s0  }
0x5cf: {  	[tilespmem:s17], [sflag:$0x5] =	stream.indirect.gather [hbm4b:s2+s10], $0x80, s0, s10, $0xb8;
	[tilespmem:$0x10D20] =	vst v63  }
.LBB2_23:
0x5d0: {  	_ =	sfence.sel $0x180000  }
0x5d1: {  	[bflag:$0x0] =	sbarrier.arrive $0xFFFF  }
0x5d2: {  	_ =	strace $0x90000047  }
0x5d3: {  	s0 =	stileid.u32;
	[bflag:$0x2] =	sbarrier.arrive $0xFFFF  }
0x5d4: {  	p0 =	sne.s32 s0, $0x0;
	s0 =	rddreg [dreg:$0x5]  }
0x5d5: {  	s0 =	sadd.s32 @!p0 $0x100000, s0  }
0x5d6: {  	[sflag:s0] =	ssyncadd.tile.s32 @!p0 $0x1;
	_ =	shalt  }
.Lfunc_end2:
_tile_overlayer_lowered:
.L_overlay_start_2:
0x5d7: {  	(tag) =	ssettag $0x2  }
0x5d8: {  	s0 =	rddreg [dreg:$0x0];
	s2 =	stileid.u32  }
0x5d9: {  	s1 =	rddreg [dreg:$0x1];
	p0 =	sne.s32 s2, $0x0  }
0x5da: {  	s3 =	rddreg [dreg:$0x2];
	[bflag:$0x3] =	sbarrier.arrive $0xFFFF;
	s2 =	simm.s32 @!p0 $0x1C06  }
0x5db: {  	[timem:s3], [sflag:s2] =	dma.local @!p0 [hbm:s0], s1  }
0x5dc: {  	s0 =	simm.s32 @!p0 $0x6  }
0x5dd: {  	_ =	swait.ge @!p0 [sflag:s0], s1  }
0x5de: {  	s1 =	ssub.s32 @!p0 $0x0, s1;
	[sflag:s0] =	ssyncset.done @!p0 $0x0  }
0x5df: {  	[sflag:s0] =	ssyncadd.s32 @!p0 s1  }
0x5e0: {  	[bflag:$0x3] =	sbarrier.arrive $0xFFFF  }
0x5e1: {  	_ =	shalt  }

</sc_bundles>
